<compile_context>
chip_gen: v7x
topology: tpu7x:2x2x1
jax: 0.10.2.dev20260603
libtpu: 0.0.44.dev20260713+nightly
codegen_flags: <defaults>
</compile_context>

<pallas_src>
import functools

import jax
import jax.numpy as jnp
from jax import lax
from jax.experimental import pallas as pl
from jax.experimental.pallas import tpu as pltpu
from jax.experimental.pallas import tpu_sc as plsc

_BT = 128
_BT_SHIFT = 7
_NW = 32
_L = 16
_WW = 128


def _router_body(x_ref, gw_ref, gb_ref, pos_ref, tokw_ref, meta_ref, *, S, E, NB):
    x = x_ref[...]
    logits = lax.dot_general(x, gw_ref[...], (((1,), (1,)), ((), ())),
                             preferred_element_type=jnp.float32)
    logits = logits + gb_ref[...]

    m = jnp.max(logits, axis=1, keepdims=True)
    ex = jnp.exp(logits - m)
    probs = ex / jnp.sum(ex, axis=1, keepdims=True)

    col = lax.broadcasted_iota(jnp.int32, (S, E), 1)
    w1v = jnp.max(probs, axis=1, keepdims=True)
    i1 = jnp.min(jnp.where(probs >= w1v, col, E), axis=1, keepdims=True)
    probs2 = jnp.where(col == i1, -1.0, probs)
    w2v = jnp.max(probs2, axis=1, keepdims=True)
    i2 = jnp.min(jnp.where(probs2 >= w2v, col, E), axis=1, keepdims=True)
    tot = w1v + w2v
    onesw = jnp.ones((1, _WW), jnp.float32)
    tokw_ref[...] = jnp.concatenate(
        [(w1v / tot) * onesw, (w2v / tot) * onesw], axis=1)

    oh0 = (col == i1).astype(jnp.float32)
    oh1 = (col == i2).astype(jnp.float32)
    ohs = oh0 + oh1
    rowi = lax.broadcasted_iota(jnp.int32, (S, S), 0)
    coli = lax.broadcasted_iota(jnp.int32, (S, S), 1)
    stril = (coli < rowi).astype(jnp.float32)
    cx = lax.dot_general(stril, ohs, (((1,), (0,)), ((), ())),
                         preferred_element_type=jnp.float32)
    counts = jnp.sum(ohs, axis=0, keepdims=True)

    ci = counts.astype(jnp.int32)
    nb = lax.shift_right_logical(ci + (_BT - 1), _BT_SHIFT)
    bs = nb
    sh = 1
    while sh < E:
        bs = bs + jnp.concatenate(
            [jnp.zeros((1, sh), jnp.int32), bs[:, : E - sh]], axis=1)
        sh *= 2
    blkstart = bs - nb
    poff = (blkstart * _BT).astype(jnp.float32)

    pos_all = poff + cx
    pos0 = jnp.sum(oh0 * pos_all, axis=1, keepdims=True)
    pos1 = jnp.sum(oh1 * pos_all, axis=1, keepdims=True)
    pos_ref[...] = jnp.concatenate([pos0, pos1], axis=1).astype(jnp.int32)

    used = bs[0:1, E - 1:E]
    g = lax.broadcasted_iota(jnp.int32, (NB, E), 0)
    covered = jnp.logical_and(g >= blkstart, g < blkstart + nb)
    eio = lax.broadcasted_iota(jnp.int32, (NB, E), 1)
    be_raw = jnp.max(jnp.where(covered, eio, 0), axis=1, keepdims=True)
    active = jnp.max(jnp.where(covered, 1, 0), axis=1, keepdims=True)
    e_last = jnp.max(
        jnp.where(ci > 0, lax.broadcasted_iota(jnp.int32, (1, E), 1), 0),
        axis=1, keepdims=True)
    be = jnp.where(active > 0, be_raw, e_last)
    gi = lax.broadcasted_iota(jnp.int32, (NB, 1), 0)
    datab = jnp.minimum(gi, used - 1)
    meta_ref[...] = jnp.concatenate([be, active, datab], axis=1)


def _route(x, gate_w, gate_b, NB, interpret=False):
    S, _ = x.shape
    E = gate_w.shape[0]
    body = functools.partial(_router_body, S=S, E=E, NB=NB)
    return pl.pallas_call(
        body,
        out_shape=[
            jax.ShapeDtypeStruct((S, 2), jnp.int32),
            jax.ShapeDtypeStruct((S, 2 * _WW), jnp.float32),
            jax.ShapeDtypeStruct((NB, 3), jnp.int32),
        ],
        interpret=interpret,
    )(x, gate_w, gate_b.reshape(1, E))


def _make_dispatch(S, H, M):
    P = 2 * S
    PPW = P // _NW
    mesh = plsc.VectorSubcoreMesh(core_axis_name="c", subcore_axis_name="s")

    @functools.partial(
        pl.kernel,
        out_type=jax.ShapeDtypeStruct((M, H), jnp.float32),
        mesh=mesh,
        scratch_types=[
            pltpu.VMEM((PPW,), jnp.int32),
            pltpu.VMEM((PPW,), jnp.int32),
            pltpu.VMEM((PPW, H), jnp.float32),
            pltpu.SemaphoreType.DMA,
        ],
    )
    def dispatch(x_hbm, posf_hbm, xs_hbm, pos_v, tok_v, rows_v, sem):
        wid = lax.axis_index("s") * 2 + lax.axis_index("c")
        base = wid * PPW
        pltpu.sync_copy(posf_hbm.at[pl.ds(base, PPW)], pos_v)
        for j in range(PPW // _L):
            ids = lax.iota(jnp.int32, _L) + (base + j * _L)
            tok_v[pl.ds(j * _L, _L)] = lax.shift_right_logical(ids, 1)
        pltpu.async_copy(x_hbm.at[tok_v], rows_v, sem).wait()
        pltpu.async_copy(rows_v, xs_hbm.at[pos_v], sem).wait()

    return dispatch


def _mlp_body(meta_ref, xs_ref, w1_ref, w3_ref, w2_ref, ys_ref):
    i = pl.program_id(0)

    @pl.when(meta_ref[i, 1] > 0)
    def _():
        xs = xs_ref[...]
        a = lax.dot_general(xs, w1_ref[0], (((1,), (1,)), ((), ())),
                            preferred_element_type=jnp.float32)
        b = lax.dot_general(xs, w3_ref[0], (((1,), (1,)), ((), ())),
                            preferred_element_type=jnp.float32)
        h = a * (1.0 / (1.0 + jnp.exp(-a))) * b
        ys_ref[...] = lax.dot_general(h, w2_ref[0], (((1,), (1,)), ((), ())),
                                      preferred_element_type=jnp.float32)


def _mlp(meta, xs, w1, w3, w2, NB, interpret=False):
    M, H = xs.shape
    _, FFN, _ = w1.shape
    grid_spec = pltpu.PrefetchScalarGridSpec(
        num_scalar_prefetch=1,
        grid=(NB,),
        in_specs=[
            pl.BlockSpec((_BT, H), lambda i, m: (m[i, 2], 0)),
            pl.BlockSpec((1, FFN, H), lambda i, m: (m[i, 0], 0, 0)),
            pl.BlockSpec((1, FFN, H), lambda i, m: (m[i, 0], 0, 0)),
            pl.BlockSpec((1, H, FFN), lambda i, m: (m[i, 0], 0, 0)),
        ],
        out_specs=pl.BlockSpec((_BT, H), lambda i, m: (m[i, 2], 0)),
    )
    return pl.pallas_call(
        _mlp_body,
        grid_spec=grid_spec,
        out_shape=jax.ShapeDtypeStruct((M, H), jnp.float32),
        interpret=interpret,
    )(meta, xs, w1, w3, w2)


def _make_combine(S, H, M):
    TPW = S // _NW
    NQ = 4
    QT = TPW // NQ
    mesh = plsc.VectorSubcoreMesh(core_axis_name="c", subcore_axis_name="s")

    @functools.partial(
        pl.kernel,
        out_type=jax.ShapeDtypeStruct((S, H), jnp.float32),
        mesh=mesh,
        scratch_types=[
            pltpu.VMEM((NQ, 2 * QT), jnp.int32),
            pltpu.VMEM((2 * TPW, _WW), jnp.float32),
            pltpu.VMEM((2, 2 * QT, H), jnp.float32),
            pltpu.VMEM((2, QT, H), jnp.float32),
            [pltpu.SemaphoreType.DMA] * 2,
            [pltpu.SemaphoreType.DMA] * 2,
        ],
    )
    def combine(ys_hbm, posf_hbm, twide_hbm, out_hbm,
                pos_v, w_v, r_v, out_v, gsems, wsems):
        wid = lax.axis_index("s") * 2 + lax.axis_index("c")
        tbase = wid * TPW
        for q in range(NQ):
            pltpu.sync_copy(
                posf_hbm.at[pl.ds(2 * tbase + q * 2 * QT, 2 * QT)],
                pos_v.at[q])
        pltpu.sync_copy(twide_hbm.at[pl.ds(2 * tbase, 2 * TPW)], w_v)
        gats = [None] * NQ
        wrts = [None] * NQ
        for q in range(2):
            gats[q] = pltpu.async_copy(
                ys_hbm.at[pos_v.at[q]], r_v.at[q], gsems[q])
        for q in range(NQ):
            b = q % 2
            if q >= 2:
                wrts[q - 2].wait()
            gats[q].wait()
            for i in range(QT):
                w0 = w_v[q * 2 * QT + 2 * i, pl.ds(0, _L)]
                w1s = w_v[q * 2 * QT + 2 * i + 1, pl.ds(0, _L)]
                def colf(cidx, _, b=b, i=i, w0=w0, w1s=w1s):
                    sl = pl.ds(cidx * _L, _L)
                    out_v[b, i, sl] = (
                        r_v[b, 2 * i, sl] * w0 + r_v[b, 2 * i + 1, sl] * w1s)
                    return 0
                lax.fori_loop(0, H // _L, colf, 0)
            if q + 2 < NQ:
                gats[q + 2] = pltpu.async_copy(
                    ys_hbm.at[pos_v.at[q + 2]], r_v.at[b], gsems[b])
            wrts[q] = pltpu.async_copy(
                out_v.at[b], out_hbm.at[pl.ds(tbase + q * QT, QT)], wsems[b])
        wrts[NQ - 2].wait()
        wrts[NQ - 1].wait()

    return combine


def kernel(hidden_states, gate_w, gate_b, w1, w2, w3):
    b, s, h = hidden_states.shape
    e, ffn, _ = w1.shape
    S = b * s
    M = 2 * S + e * _BT
    NB = M // _BT

    x = hidden_states.reshape(S, h)
    pos, tokw32, meta = _route(x, gate_w, gate_b, NB)
    posf = pos.reshape(2 * S)
    twide = tokw32.reshape(2 * S, _WW)

    xs = _make_dispatch(S, h, M)(x, posf)
    ys = _mlp(meta, xs, w1, w3, w2, NB)
    out = _make_combine(S, h, M)(ys, posf, twide)
    return out.reshape(b, s, h)

# --- scband reference (transcript-rebuilt; emitter-appended) ---
"""Pipeline reference for scband-block-sparse-mo-e-59777354826060 (READ-ONLY COPY).

The authoritative reference and input builder live on the scoring server;
editing this copy changes nothing except your own understanding.
"""

import jax, jax.numpy as jnp
import numpy as np

B, S, H = 1, 2048, 768
E, FFN, TOPK = 64, 1536, 2


def setup_inputs(seed: int = 0) -> dict:
    key = jax.random.key(seed)
    ks = jax.random.split(key, 6)
    hidden_states = jax.random.normal(ks[0], (B, S, H), dtype=jnp.float32)
    gate_w = jax.random.normal(ks[1], (E, H), dtype=jnp.float32) * 0.02
    gate_b = jnp.zeros((E,), dtype=jnp.float32)
    w1 = jax.random.normal(ks[2], (E, FFN, H), dtype=jnp.float32) * 0.02
    w2 = jax.random.normal(ks[3], (E, H, FFN), dtype=jnp.float32) * 0.02
    w3 = jax.random.normal(ks[4], (E, FFN, H), dtype=jnp.float32) * 0.02
    return {"hidden_states": hidden_states, "gate_w": gate_w, "gate_b": gate_b,
            "w1": w1, "w2": w2, "w3": w3}


def reference(hidden_states, gate_w, gate_b, w1, w2, w3):
    b, s, h = hidden_states.shape
    num_experts = w1.shape[0]
    x = hidden_states.reshape(-1, h)
    router_logits = x @ gate_w.T + gate_b
    routing_weights_full = jax.nn.softmax(router_logits.astype(jnp.float32), axis=1)
    routing_weights, selected_experts = jax.lax.top_k(routing_weights_full, TOPK)
    routing_weights = routing_weights / jnp.sum(routing_weights, axis=-1, keepdims=True)
    routing_weights = routing_weights.astype(x.dtype)
    final = jnp.zeros((b * s, h), dtype=x.dtype)
    for e in range(num_experts):
        sel_mask = (selected_experts == e).astype(routing_weights.dtype)
        token_weight = jnp.sum(routing_weights * sel_mask, axis=-1)
        hdn = jax.nn.silu(x @ w1[e].T) * (x @ w3[e].T)
        y = (hdn @ w2[e].T) * token_weight[:, None]
        final = final + y
    return final.reshape(b, s, h)

if __name__ == "__main__":
    import jax
    _d = setup_inputs()
    print(jax.jit(kernel)(*tuple(_d.values())))

</pallas_src>

<mosaic_0001>
#map = affine_map<(d0, d1) -> (0, 0)>
#map1 = affine_map<(d0, d1) -> (0)>
module attributes {stable_mosaic.version = 14 : i64} {
  func.func @dispatch(%arg0: i32, %arg1: i32, %arg2: memref<2048x768xf32, #tpu.memory_space<hbm>>, %arg3: memref<4096xi32, #tpu.memory_space<hbm>>, %arg4: memref<12288x768xf32, #tpu.memory_space<hbm>>, %arg5: memref<128xi32, #tpu.memory_space<vmem>>, %arg6: memref<128xi32, #tpu.memory_space<vmem>>, %arg7: memref<128x768xf32, #tpu.memory_space<vmem>>, %arg8: memref<!tpu.dma_semaphore, #tpu.memory_space<semaphore_mem>>) attributes {dimension_semantics = [#tpu.dimension_semantics<core_parallel>, #tpu.dimension_semantics<subcore_parallel>], iteration_bounds = array<i64: 2, 16>, scalar_prefetch = 0 : i64, scratch_operands = 4 : i64, tpu.core_type = #tpu.core_type<sc_vector_subcore>, window_params = [{transform_indices = #map}, {transform_indices = #map1}, {transform_indices = #map}]} {
    %mul3A = arith.constant 2 : i32
    %mul3A_0 = arith.muli %arg1, %mul3A : i32
    %add3A = arith.addi %mul3A_0, %arg0 : i32
    %mul3A_1 = arith.constant 128 : i32
    %mul3A_2 = arith.muli %add3A, %mul3A_1 : i32
    "tpu.region"() ({
      %run_scoped3A = tpu.sem_alloc : memref<!tpu.dma_semaphore, #tpu.memory_space<semaphore_mem>>
      %dma_start3A_106 = tpu.memref_slice %arg3[%mul3A_2] : memref<4096xi32, #tpu.memory_space<hbm>> -> memref<128xi32, #tpu.memory_space<hbm>>
      %dma_start3A_107 = tpu.memref_slice %arg3[%mul3A_2] : memref<4096xi32, #tpu.memory_space<hbm>> -> memref<128xi32, #tpu.memory_space<hbm>>
      tpu.enqueue_dma source(%dma_start3A_107 : memref<128xi32, #tpu.memory_space<hbm>>) target(%arg5 : memref<128xi32, #tpu.memory_space<vmem>>) target_semaphore(%run_scoped3A : memref<!tpu.dma_semaphore, #tpu.memory_space<semaphore_mem>>)
      %dma_wait3A_108 = tpu.memref_slice %arg3[%mul3A_2] : memref<4096xi32, #tpu.memory_space<hbm>> -> memref<128xi32, #tpu.memory_space<hbm>>
      %dma_wait3A_109 = tpu.memref_slice %arg3[%mul3A_2] : memref<4096xi32, #tpu.memory_space<hbm>> -> memref<128xi32, #tpu.memory_space<hbm>>
      tpu.wait_dma2 semaphore(%run_scoped3A : memref<!tpu.dma_semaphore, #tpu.memory_space<semaphore_mem>>) src(%dma_wait3A_109 : memref<128xi32, #tpu.memory_space<hbm>>) dst(%arg5 : memref<128xi32, #tpu.memory_space<vmem>>)
      tpu.yield
    }) : () -> ()
    %iota3A = tpu.iota {dimensions = array<i32: 0>} : vector<16xi32>
    %add3A_3 = arith.constant 0 : i32
    %add3A_4 = arith.addi %mul3A_2, %add3A_3 : i32
    %add3A_5 = vector.broadcast %add3A_4 : i32 to vector<16xi32>
    %add3A_6 = arith.addi %iota3A, %add3A_5 : vector<16xi32>
    %shift_right_logical3A = arith.constant 1 : i32
    %shift_right_logical3A_7 = vector.broadcast %shift_right_logical3A : i32 to vector<16xi32>
    %shift_right_logical3A_8 = arith.shrui %add3A_6, %shift_right_logical3A_7 : vector<16xi32>
    %swap3A = arith.constant 0 : index
    %swap3A_9 = tpu.vector_load %arg6[%swap3A] {strides = array<i32>} : memref<128xi32, #tpu.memory_space<vmem>>, vector<16xi32>,
    %swap3A_10 = vector.shape_cast %swap3A_9 : vector<16xi32> to vector<16xi32>
    %swap3A_11 = vector.shape_cast %shift_right_logical3A_8 : vector<16xi32> to vector<16xi32>
    tpu.vector_store %arg6[%swap3A], %swap3A_11 {strides = array<i32>} : memref<128xi32, #tpu.memory_space<vmem>>, vector<16xi32>,
    %iota3A_12 = tpu.iota {dimensions = array<i32: 0>} : vector<16xi32>
    %add3A_13 = arith.constant 16 : i32
    %add3A_14 = arith.addi %mul3A_2, %add3A_13 : i32
    %add3A_15 = vector.broadcast %add3A_14 : i32 to vector<16xi32>
    %add3A_16 = arith.addi %iota3A_12, %add3A_15 : vector<16xi32>
    %shift_right_logical3A_17 = arith.constant 1 : i32
    %shift_right_logical3A_18 = vector.broadcast %shift_right_logical3A_17 : i32 to vector<16xi32>
    %shift_right_logical3A_19 = arith.shrui %add3A_16, %shift_right_logical3A_18 : vector<16xi32>
    %swap3A_20 = arith.constant 16 : index
    %swap3A_21 = tpu.vector_load %arg6[%swap3A_20] {strides = array<i32>} : memref<128xi32, #tpu.memory_space<vmem>>, vector<16xi32>,
    %swap3A_22 = vector.shape_cast %swap3A_21 : vector<16xi32> to vector<16xi32>
    %swap3A_23 = vector.shape_cast %shift_right_logical3A_19 : vector<16xi32> to vector<16xi32>
    tpu.vector_store %arg6[%swap3A_20], %swap3A_23 {strides = array<i32>} : memref<128xi32, #tpu.memory_space<vmem>>, vector<16xi32>,
    %iota3A_24 = tpu.iota {dimensions = array<i32: 0>} : vector<16xi32>
    %add3A_25 = arith.constant 32 : i32
    %add3A_26 = arith.addi %mul3A_2, %add3A_25 : i32
    %add3A_27 = vector.broadcast %add3A_26 : i32 to vector<16xi32>
    %add3A_28 = arith.addi %iota3A_24, %add3A_27 : vector<16xi32>
    %shift_right_logical3A_29 = arith.constant 1 : i32
    %shift_right_logical3A_30 = vector.broadcast %shift_right_logical3A_29 : i32 to vector<16xi32>
    %shift_right_logical3A_31 = arith.shrui %add3A_28, %shift_right_logical3A_30 : vector<16xi32>
    %swap3A_32 = arith.constant 32 : index
    %swap3A_33 = tpu.vector_load %arg6[%swap3A_32] {strides = array<i32>} : memref<128xi32, #tpu.memory_space<vmem>>, vector<16xi32>,
    %swap3A_34 = vector.shape_cast %swap3A_33 : vector<16xi32> to vector<16xi32>
    %swap3A_35 = vector.shape_cast %shift_right_logical3A_31 : vector<16xi32> to vector<16xi32>
    tpu.vector_store %arg6[%swap3A_32], %swap3A_35 {strides = array<i32>} : memref<128xi32, #tpu.memory_space<vmem>>, vector<16xi32>,
    %iota3A_36 = tpu.iota {dimensions = array<i32: 0>} : vector<16xi32>
    %add3A_37 = arith.constant 48 : i32
    %add3A_38 = arith.addi %mul3A_2, %add3A_37 : i32
    %add3A_39 = vector.broadcast %add3A_38 : i32 to vector<16xi32>
    %add3A_40 = arith.addi %iota3A_36, %add3A_39 : vector<16xi32>
    %shift_right_logical3A_41 = arith.constant 1 : i32
    %shift_right_logical3A_42 = vector.broadcast %shift_right_logical3A_41 : i32 to vector<16xi32>
    %shift_right_logical3A_43 = arith.shrui %add3A_40, %shift_right_logical3A_42 : vector<16xi32>
    %swap3A_44 = arith.constant 48 : index
    %swap3A_45 = tpu.vector_load %arg6[%swap3A_44] {strides = array<i32>} : memref<128xi32, #tpu.memory_space<vmem>>, vector<16xi32>,
    %swap3A_46 = vector.shape_cast %swap3A_45 : vector<16xi32> to vector<16xi32>
    %swap3A_47 = vector.shape_cast %shift_right_logical3A_43 : vector<16xi32> to vector<16xi32>
    tpu.vector_store %arg6[%swap3A_44], %swap3A_47 {strides = array<i32>} : memref<128xi32, #tpu.memory_space<vmem>>, vector<16xi32>,
    %iota3A_48 = tpu.iota {dimensions = array<i32: 0>} : vector<16xi32>
    %add3A_49 = arith.constant 64 : i32
    %add3A_50 = arith.addi %mul3A_2, %add3A_49 : i32
    %add3A_51 = vector.broadcast %add3A_50 : i32 to vector<16xi32>
    %add3A_52 = arith.addi %iota3A_48, %add3A_51 : vector<16xi32>
    %shift_right_logical3A_53 = arith.constant 1 : i32
    %shift_right_logical3A_54 = vector.broadcast %shift_right_logical3A_53 : i32 to vector<16xi32>
    %shift_right_logical3A_55 = arith.shrui %add3A_52, %shift_right_logical3A_54 : vector<16xi32>
    %swap3A_56 = arith.constant 64 : index
    %swap3A_57 = tpu.vector_load %arg6[%swap3A_56] {strides = array<i32>} : memref<128xi32, #tpu.memory_space<vmem>>, vector<16xi32>,
    %swap3A_58 = vector.shape_cast %swap3A_57 : vector<16xi32> to vector<16xi32>
    %swap3A_59 = vector.shape_cast %shift_right_logical3A_55 : vector<16xi32> to vector<16xi32>
    tpu.vector_store %arg6[%swap3A_56], %swap3A_59 {strides = array<i32>} : memref<128xi32, #tpu.memory_space<vmem>>, vector<16xi32>,
    %iota3A_60 = tpu.iota {dimensions = array<i32: 0>} : vector<16xi32>
    %add3A_61 = arith.constant 80 : i32
    %add3A_62 = arith.addi %mul3A_2, %add3A_61 : i32
    %add3A_63 = vector.broadcast %add3A_62 : i32 to vector<16xi32>
    %add3A_64 = arith.addi %iota3A_60, %add3A_63 : vector<16xi32>
    %shift_right_logical3A_65 = arith.constant 1 : i32
    %shift_right_logical3A_66 = vector.broadcast %shift_right_logical3A_65 : i32 to vector<16xi32>
    %shift_right_logical3A_67 = arith.shrui %add3A_64, %shift_right_logical3A_66 : vector<16xi32>
    %swap3A_68 = arith.constant 80 : index
    %swap3A_69 = tpu.vector_load %arg6[%swap3A_68] {strides = array<i32>} : memref<128xi32, #tpu.memory_space<vmem>>, vector<16xi32>,
    %swap3A_70 = vector.shape_cast %swap3A_69 : vector<16xi32> to vector<16xi32>
    %swap3A_71 = vector.shape_cast %shift_right_logical3A_67 : vector<16xi32> to vector<16xi32>
    tpu.vector_store %arg6[%swap3A_68], %swap3A_71 {strides = array<i32>} : memref<128xi32, #tpu.memory_space<vmem>>, vector<16xi32>,
    %iota3A_72 = tpu.iota {dimensions = array<i32: 0>} : vector<16xi32>
    %add3A_73 = arith.constant 96 : i32
    %add3A_74 = arith.addi %mul3A_2, %add3A_73 : i32
    %add3A_75 = vector.broadcast %add3A_74 : i32 to vector<16xi32>
    %add3A_76 = arith.addi %iota3A_72, %add3A_75 : vector<16xi32>
    %shift_right_logical3A_77 = arith.constant 1 : i32
    %shift_right_logical3A_78 = vector.broadcast %shift_right_logical3A_77 : i32 to vector<16xi32>
    %shift_right_logical3A_79 = arith.shrui %add3A_76, %shift_right_logical3A_78 : vector<16xi32>
    %swap3A_80 = arith.constant 96 : index
    %swap3A_81 = tpu.vector_load %arg6[%swap3A_80] {strides = array<i32>} : memref<128xi32, #tpu.memory_space<vmem>>, vector<16xi32>,
    %swap3A_82 = vector.shape_cast %swap3A_81 : vector<16xi32> to vector<16xi32>
    %swap3A_83 = vector.shape_cast %shift_right_logical3A_79 : vector<16xi32> to vector<16xi32>
    tpu.vector_store %arg6[%swap3A_80], %swap3A_83 {strides = array<i32>} : memref<128xi32, #tpu.memory_space<vmem>>, vector<16xi32>,
    %iota3A_84 = tpu.iota {dimensions = array<i32: 0>} : vector<16xi32>
    %add3A_85 = arith.constant 112 : i32
    %add3A_86 = arith.addi %mul3A_2, %add3A_85 : i32
    %add3A_87 = vector.broadcast %add3A_86 : i32 to vector<16xi32>
    %add3A_88 = arith.addi %iota3A_84, %add3A_87 : vector<16xi32>
    %shift_right_logical3A_89 = arith.constant 1 : i32
    %shift_right_logical3A_90 = vector.broadcast %shift_right_logical3A_89 : i32 to vector<16xi32>
    %shift_right_logical3A_91 = arith.shrui %add3A_88, %shift_right_logical3A_90 : vector<16xi32>
    %swap3A_92 = arith.constant 112 : index
    %swap3A_93 = tpu.vector_load %arg6[%swap3A_92] {strides = array<i32>} : memref<128xi32, #tpu.memory_space<vmem>>, vector<16xi32>,
    %swap3A_94 = vector.shape_cast %swap3A_93 : vector<16xi32> to vector<16xi32>
    %swap3A_95 = vector.shape_cast %shift_right_logical3A_91 : vector<16xi32> to vector<16xi32>
    tpu.vector_store %arg6[%swap3A_92], %swap3A_95 {strides = array<i32>} : memref<128xi32, #tpu.memory_space<vmem>>, vector<16xi32>,
    %dma_start3A = arith.constant 0 : i32
    %dma_start3A_96 = arith.constant 0 : i32
    %dma_start3A_97 = tpu.memref_slice %arg2[%dma_start3A, %dma_start3A_96] : memref<2048x768xf32, #tpu.memory_space<hbm>> -> memref<2048x768xf32, #tpu.memory_space<hbm>>
    tpu.enqueue_indirect_dma source(%dma_start3A_97 : memref<2048x768xf32, #tpu.memory_space<hbm>>) target(%arg7 : memref<128x768xf32, #tpu.memory_space<vmem>>) offsets(%arg6 : memref<128xi32, #tpu.memory_space<vmem>>) semaphore(%arg8 : memref<!tpu.dma_semaphore, #tpu.memory_space<semaphore_mem>>)
    %dma_wait3A = arith.constant 0 : i32
    %dma_wait3A_98 = arith.constant 0 : i32
    %dma_wait3A_99 = tpu.memref_slice %arg2[%dma_wait3A, %dma_wait3A_98] : memref<2048x768xf32, #tpu.memory_space<hbm>> -> memref<2048x768xf32, #tpu.memory_space<hbm>>
    tpu.wait_indirect_dma semaphore(%arg8 : memref<!tpu.dma_semaphore, #tpu.memory_space<semaphore_mem>>) src(%dma_wait3A_99 : memref<2048x768xf32, #tpu.memory_space<hbm>>) dst(%arg7 : memref<128x768xf32, #tpu.memory_space<vmem>>)
    %dma_start3A_100 = arith.constant 0 : i32
    %dma_start3A_101 = arith.constant 0 : i32
    %dma_start3A_102 = tpu.memref_slice %arg4[%dma_start3A_100, %dma_start3A_101] : memref<12288x768xf32, #tpu.memory_space<hbm>> -> memref<12288x768xf32, #tpu.memory_space<hbm>>
    tpu.enqueue_indirect_dma source(%arg7 : memref<128x768xf32, #tpu.memory_space<vmem>>) target(%dma_start3A_102 : memref<12288x768xf32, #tpu.memory_space<hbm>>) offsets(%arg5 : memref<128xi32, #tpu.memory_space<vmem>>) semaphore(%arg8 : memref<!tpu.dma_semaphore, #tpu.memory_space<semaphore_mem>>)
    %dma_wait3A_103 = arith.constant 0 : i32
    %dma_wait3A_104 = arith.constant 0 : i32
    %dma_wait3A_105 = tpu.memref_slice %arg4[%dma_wait3A_103, %dma_wait3A_104] : memref<12288x768xf32, #tpu.memory_space<hbm>> -> memref<12288x768xf32, #tpu.memory_space<hbm>>
    tpu.wait_indirect_dma semaphore(%arg8 : memref<!tpu.dma_semaphore, #tpu.memory_space<semaphore_mem>>) src(%arg7 : memref<128x768xf32, #tpu.memory_space<vmem>>) dst(%dma_wait3A_105 : memref<12288x768xf32, #tpu.memory_space<hbm>>)
    return
  }
}

#map = affine_map<(d0, d1) -> (0, 0)>
#map1 = affine_map<(d0, d1) -> (0)>
module attributes {stable_mosaic.version = 14 : i64} {
  func.func @combine(%arg0: i32, %arg1: i32, %arg2: memref<12288x768xf32, #tpu.memory_space<hbm>>, %arg3: memref<4096xi32, #tpu.memory_space<hbm>>, %arg4: memref<4096x128xf32, #tpu.memory_space<hbm>>, %arg5: memref<2048x768xf32, #tpu.memory_space<hbm>>, %arg6: memref<4x32xi32, #tpu.memory_space<vmem>>, %arg7: memref<128x128xf32, #tpu.memory_space<vmem>>, %arg8: memref<2x32x768xf32, #tpu.memory_space<vmem>>, %arg9: memref<2x16x768xf32, #tpu.memory_space<vmem>>, %arg10: memref<!tpu.dma_semaphore, #tpu.memory_space<semaphore_mem>>, %arg11: memref<!tpu.dma_semaphore, #tpu.memory_space<semaphore_mem>>, %arg12: memref<!tpu.dma_semaphore, #tpu.memory_space<semaphore_mem>>, %arg13: memref<!tpu.dma_semaphore, #tpu.memory_space<semaphore_mem>>) attributes {dimension_semantics = [#tpu.dimension_semantics<core_parallel>, #tpu.dimension_semantics<subcore_parallel>], iteration_bounds = array<i64: 2, 16>, scalar_prefetch = 0 : i64, scratch_operands = 8 : i64, tpu.core_type = #tpu.core_type<sc_vector_subcore>, window_params = [{transform_indices = #map}, {transform_indices = #map1}, {transform_indices = #map}, {transform_indices = #map}]} {
    %mul3A = arith.constant 2 : i32
    %mul3A_0 = arith.muli %arg1, %mul3A : i32
    %add3A = arith.addi %mul3A_0, %arg0 : i32
    %mul3A_1 = arith.constant 64 : i32
    %mul3A_2 = arith.muli %add3A, %mul3A_1 : i32
    %mul3A_3 = arith.constant 2 : i32
    %mul3A_4 = arith.muli %mul3A_3, %mul3A_2 : i32
    %add3A_5 = arith.constant 0 : i32
    %add3A_6 = arith.addi %mul3A_4, %add3A_5 : i32
    %run_scoped3A = arith.constant 0 : i32
    "tpu.region"() ({
      %run_scoped3A_1316 = tpu.sem_alloc : memref<!tpu.dma_semaphore, #tpu.memory_space<semaphore_mem>>
      %dma_start3A_1317 = arith.constant 0 : i32
      %dma_start3A_1318 = tpu.memref_slice %arg6[%run_scoped3A, %dma_start3A_1317] : memref<4x32xi32, #tpu.memory_space<vmem>> -> memref<1x32xi32, #tpu.memory_space<vmem>>
      %dma_start3A_1319 = tpu.memref_squeeze %dma_start3A_1318 : memref<1x32xi32, #tpu.memory_space<vmem>> -> memref<32xi32, #tpu.memory_space<vmem>>
      %dma_start3A_1320 = tpu.memref_slice %arg3[%add3A_6] : memref<4096xi32, #tpu.memory_space<hbm>> -> memref<32xi32, #tpu.memory_space<hbm>>
      %dma_start3A_1321 = arith.constant 0 : i32
      %dma_start3A_1322 = tpu.memref_slice %arg6[%run_scoped3A, %dma_start3A_1321] : memref<4x32xi32, #tpu.memory_space<vmem>> -> memref<1x32xi32, #tpu.memory_space<vmem>>
      %dma_start3A_1323 = tpu.memref_squeeze %dma_start3A_1322 : memref<1x32xi32, #tpu.memory_space<vmem>> -> memref<32xi32, #tpu.memory_space<vmem>>
      %dma_start3A_1324 = tpu.memref_slice %arg3[%add3A_6] : memref<4096xi32, #tpu.memory_space<hbm>> -> memref<32xi32, #tpu.memory_space<hbm>>
      tpu.enqueue_dma source(%dma_start3A_1324 : memref<32xi32, #tpu.memory_space<hbm>>) target(%dma_start3A_1323 : memref<32xi32, #tpu.memory_space<vmem>>) target_semaphore(%run_scoped3A_1316 : memref<!tpu.dma_semaphore, #tpu.memory_space<semaphore_mem>>)
      %dma_wait3A_1325 = arith.constant 0 : i32
      %dma_wait3A_1326 = tpu.memref_slice %arg6[%run_scoped3A, %dma_wait3A_1325] : memref<4x32xi32, #tpu.memory_space<vmem>> -> memref<1x32xi32, #tpu.memory_space<vmem>>
      %dma_wait3A_1327 = tpu.memref_squeeze %dma_wait3A_1326 : memref<1x32xi32, #tpu.memory_space<vmem>> -> memref<32xi32, #tpu.memory_space<vmem>>
      %dma_wait3A_1328 = tpu.memref_slice %arg3[%add3A_6] : memref<4096xi32, #tpu.memory_space<hbm>> -> memref<32xi32, #tpu.memory_space<hbm>>
      %dma_wait3A_1329 = arith.constant 0 : i32
      %dma_wait3A_1330 = tpu.memref_slice %arg6[%run_scoped3A, %dma_wait3A_1329] : memref<4x32xi32, #tpu.memory_space<vmem>> -> memref<1x32xi32, #tpu.memory_space<vmem>>
      %dma_wait3A_1331 = tpu.memref_squeeze %dma_wait3A_1330 : memref<1x32xi32, #tpu.memory_space<vmem>> -> memref<32xi32, #tpu.memory_space<vmem>>
      %dma_wait3A_1332 = tpu.memref_slice %arg3[%add3A_6] : memref<4096xi32, #tpu.memory_space<hbm>> -> memref<32xi32, #tpu.memory_space<hbm>>
      tpu.wait_dma2 semaphore(%run_scoped3A_1316 : memref<!tpu.dma_semaphore, #tpu.memory_space<semaphore_mem>>) src(%dma_wait3A_1332 : memref<32xi32, #tpu.memory_space<hbm>>) dst(%dma_wait3A_1331 : memref<32xi32, #tpu.memory_space<vmem>>)
      tpu.yield
    }) : () -> ()
    %mul3A_7 = arith.constant 2 : i32
    %mul3A_8 = arith.muli %mul3A_7, %mul3A_2 : i32
    %add3A_9 = arith.constant 32 : i32
    %add3A_10 = arith.addi %mul3A_8, %add3A_9 : i32
    %run_scoped3A_11 = arith.constant 1 : i32
    "tpu.region"() ({
      %run_scoped3A_1316 = tpu.sem_alloc : memref<!tpu.dma_semaphore, #tpu.memory_space<semaphore_mem>>
      %dma_start3A_1317 = arith.constant 0 : i32
      %dma_start3A_1318 = tpu.memref_slice %arg6[%run_scoped3A_11, %dma_start3A_1317] : memref<4x32xi32, #tpu.memory_space<vmem>> -> memref<1x32xi32, #tpu.memory_space<vmem>>
      %dma_start3A_1319 = tpu.memref_squeeze %dma_start3A_1318 : memref<1x32xi32, #tpu.memory_space<vmem>> -> memref<32xi32, #tpu.memory_space<vmem>>
      %dma_start3A_1320 = tpu.memref_slice %arg3[%add3A_10] : memref<4096xi32, #tpu.memory_space<hbm>> -> memref<32xi32, #tpu.memory_space<hbm>>
      %dma_start3A_1321 = arith.constant 0 : i32
      %dma_start3A_1322 = tpu.memref_slice %arg6[%run_scoped3A_11, %dma_start3A_1321] : memref<4x32xi32, #tpu.memory_space<vmem>> -> memref<1x32xi32, #tpu.memory_space<vmem>>
      %dma_start3A_1323 = tpu.memref_squeeze %dma_start3A_1322 : memref<1x32xi32, #tpu.memory_space<vmem>> -> memref<32xi32, #tpu.memory_space<vmem>>
      %dma_start3A_1324 = tpu.memref_slice %arg3[%add3A_10] : memref<4096xi32, #tpu.memory_space<hbm>> -> memref<32xi32, #tpu.memory_space<hbm>>
      tpu.enqueue_dma source(%dma_start3A_1324 : memref<32xi32, #tpu.memory_space<hbm>>) target(%dma_start3A_1323 : memref<32xi32, #tpu.memory_space<vmem>>) target_semaphore(%run_scoped3A_1316 : memref<!tpu.dma_semaphore, #tpu.memory_space<semaphore_mem>>)
      %dma_wait3A_1325 = arith.constant 0 : i32
      %dma_wait3A_1326 = tpu.memref_slice %arg6[%run_scoped3A_11, %dma_wait3A_1325] : memref<4x32xi32, #tpu.memory_space<vmem>> -> memref<1x32xi32, #tpu.memory_space<vmem>>
      %dma_wait3A_1327 = tpu.memref_squeeze %dma_wait3A_1326 : memref<1x32xi32, #tpu.memory_space<vmem>> -> memref<32xi32, #tpu.memory_space<vmem>>
      %dma_wait3A_1328 = tpu.memref_slice %arg3[%add3A_10] : memref<4096xi32, #tpu.memory_space<hbm>> -> memref<32xi32, #tpu.memory_space<hbm>>
      %dma_wait3A_1329 = arith.constant 0 : i32
      %dma_wait3A_1330 = tpu.memref_slice %arg6[%run_scoped3A_11, %dma_wait3A_1329] : memref<4x32xi32, #tpu.memory_space<vmem>> -> memref<1x32xi32, #tpu.memory_space<vmem>>
      %dma_wait3A_1331 = tpu.memref_squeeze %dma_wait3A_1330 : memref<1x32xi32, #tpu.memory_space<vmem>> -> memref<32xi32, #tpu.memory_space<vmem>>
      %dma_wait3A_1332 = tpu.memref_slice %arg3[%add3A_10] : memref<4096xi32, #tpu.memory_space<hbm>> -> memref<32xi32, #tpu.memory_space<hbm>>
      tpu.wait_dma2 semaphore(%run_scoped3A_1316 : memref<!tpu.dma_semaphore, #tpu.memory_space<semaphore_mem>>) src(%dma_wait3A_1332 : memref<32xi32, #tpu.memory_space<hbm>>) dst(%dma_wait3A_1331 : memref<32xi32, #tpu.memory_space<vmem>>)
      tpu.yield
    }) : () -> ()
    %mul3A_12 = arith.constant 2 : i32
    %mul3A_13 = arith.muli %mul3A_12, %mul3A_2 : i32
    %add3A_14 = arith.constant 64 : i32
    %add3A_15 = arith.addi %mul3A_13, %add3A_14 : i32
    %run_scoped3A_16 = arith.constant 2 : i32
    "tpu.region"() ({
      %run_scoped3A_1316 = tpu.sem_alloc : memref<!tpu.dma_semaphore, #tpu.memory_space<semaphore_mem>>
      %dma_start3A_1317 = arith.constant 0 : i32
      %dma_start3A_1318 = tpu.memref_slice %arg6[%run_scoped3A_16, %dma_start3A_1317] : memref<4x32xi32, #tpu.memory_space<vmem>> -> memref<1x32xi32, #tpu.memory_space<vmem>>
      %dma_start3A_1319 = tpu.memref_squeeze %dma_start3A_1318 : memref<1x32xi32, #tpu.memory_space<vmem>> -> memref<32xi32, #tpu.memory_space<vmem>>
      %dma_start3A_1320 = tpu.memref_slice %arg3[%add3A_15] : memref<4096xi32, #tpu.memory_space<hbm>> -> memref<32xi32, #tpu.memory_space<hbm>>
      %dma_start3A_1321 = arith.constant 0 : i32
      %dma_start3A_1322 = tpu.memref_slice %arg6[%run_scoped3A_16, %dma_start3A_1321] : memref<4x32xi32, #tpu.memory_space<vmem>> -> memref<1x32xi32, #tpu.memory_space<vmem>>
      %dma_start3A_1323 = tpu.memref_squeeze %dma_start3A_1322 : memref<1x32xi32, #tpu.memory_space<vmem>> -> memref<32xi32, #tpu.memory_space<vmem>>
      %dma_start3A_1324 = tpu.memref_slice %arg3[%add3A_15] : memref<4096xi32, #tpu.memory_space<hbm>> -> memref<32xi32, #tpu.memory_space<hbm>>
      tpu.enqueue_dma source(%dma_start3A_1324 : memref<32xi32, #tpu.memory_space<hbm>>) target(%dma_start3A_1323 : memref<32xi32, #tpu.memory_space<vmem>>) target_semaphore(%run_scoped3A_1316 : memref<!tpu.dma_semaphore, #tpu.memory_space<semaphore_mem>>)
      %dma_wait3A_1325 = arith.constant 0 : i32
      %dma_wait3A_1326 = tpu.memref_slice %arg6[%run_scoped3A_16, %dma_wait3A_1325] : memref<4x32xi32, #tpu.memory_space<vmem>> -> memref<1x32xi32, #tpu.memory_space<vmem>>
      %dma_wait3A_1327 = tpu.memref_squeeze %dma_wait3A_1326 : memref<1x32xi32, #tpu.memory_space<vmem>> -> memref<32xi32, #tpu.memory_space<vmem>>
      %dma_wait3A_1328 = tpu.memref_slice %arg3[%add3A_15] : memref<4096xi32, #tpu.memory_space<hbm>> -> memref<32xi32, #tpu.memory_space<hbm>>
      %dma_wait3A_1329 = arith.constant 0 : i32
      %dma_wait3A_1330 = tpu.memref_slice %arg6[%run_scoped3A_16, %dma_wait3A_1329] : memref<4x32xi32, #tpu.memory_space<vmem>> -> memref<1x32xi32, #tpu.memory_space<vmem>>
      %dma_wait3A_1331 = tpu.memref_squeeze %dma_wait3A_1330 : memref<1x32xi32, #tpu.memory_space<vmem>> -> memref<32xi32, #tpu.memory_space<vmem>>
      %dma_wait3A_1332 = tpu.memref_slice %arg3[%add3A_15] : memref<4096xi32, #tpu.memory_space<hbm>> -> memref<32xi32, #tpu.memory_space<hbm>>
      tpu.wait_dma2 semaphore(%run_scoped3A_1316 : memref<!tpu.dma_semaphore, #tpu.memory_space<semaphore_mem>>) src(%dma_wait3A_1332 : memref<32xi32, #tpu.memory_space<hbm>>) dst(%dma_wait3A_1331 : memref<32xi32, #tpu.memory_space<vmem>>)
      tpu.yield
    }) : () -> ()
    %mul3A_17 = arith.constant 2 : i32
    %mul3A_18 = arith.muli %mul3A_17, %mul3A_2 : i32
    %add3A_19 = arith.constant 96 : i32
    %add3A_20 = arith.addi %mul3A_18, %add3A_19 : i32
    %run_scoped3A_21 = arith.constant 3 : i32
    "tpu.region"() ({
      %run_scoped3A_1316 = tpu.sem_alloc : memref<!tpu.dma_semaphore, #tpu.memory_space<semaphore_mem>>
      %dma_start3A_1317 = arith.constant 0 : i32
      %dma_start3A_1318 = tpu.memref_slice %arg6[%run_scoped3A_21, %dma_start3A_1317] : memref<4x32xi32, #tpu.memory_space<vmem>> -> memref<1x32xi32, #tpu.memory_space<vmem>>
      %dma_start3A_1319 = tpu.memref_squeeze %dma_start3A_1318 : memref<1x32xi32, #tpu.memory_space<vmem>> -> memref<32xi32, #tpu.memory_space<vmem>>
      %dma_start3A_1320 = tpu.memref_slice %arg3[%add3A_20] : memref<4096xi32, #tpu.memory_space<hbm>> -> memref<32xi32, #tpu.memory_space<hbm>>
      %dma_start3A_1321 = arith.constant 0 : i32
      %dma_start3A_1322 = tpu.memref_slice %arg6[%run_scoped3A_21, %dma_start3A_1321] : memref<4x32xi32, #tpu.memory_space<vmem>> -> memref<1x32xi32, #tpu.memory_space<vmem>>
      %dma_start3A_1323 = tpu.memref_squeeze %dma_start3A_1322 : memref<1x32xi32, #tpu.memory_space<vmem>> -> memref<32xi32, #tpu.memory_space<vmem>>
      %dma_start3A_1324 = tpu.memref_slice %arg3[%add3A_20] : memref<4096xi32, #tpu.memory_space<hbm>> -> memref<32xi32, #tpu.memory_space<hbm>>
      tpu.enqueue_dma source(%dma_start3A_1324 : memref<32xi32, #tpu.memory_space<hbm>>) target(%dma_start3A_1323 : memref<32xi32, #tpu.memory_space<vmem>>) target_semaphore(%run_scoped3A_1316 : memref<!tpu.dma_semaphore, #tpu.memory_space<semaphore_mem>>)
      %dma_wait3A_1325 = arith.constant 0 : i32
      %dma_wait3A_1326 = tpu.memref_slice %arg6[%run_scoped3A_21, %dma_wait3A_1325] : memref<4x32xi32, #tpu.memory_space<vmem>> -> memref<1x32xi32, #tpu.memory_space<vmem>>
      %dma_wait3A_1327 = tpu.memref_squeeze %dma_wait3A_1326 : memref<1x32xi32, #tpu.memory_space<vmem>> -> memref<32xi32, #tpu.memory_space<vmem>>
      %dma_wait3A_1328 = tpu.memref_slice %arg3[%add3A_20] : memref<4096xi32, #tpu.memory_space<hbm>> -> memref<32xi32, #tpu.memory_space<hbm>>
      %dma_wait3A_1329 = arith.constant 0 : i32
      %dma_wait3A_1330 = tpu.memref_slice %arg6[%run_scoped3A_21, %dma_wait3A_1329] : memref<4x32xi32, #tpu.memory_space<vmem>> -> memref<1x32xi32, #tpu.memory_space<vmem>>
      %dma_wait3A_1331 = tpu.memref_squeeze %dma_wait3A_1330 : memref<1x32xi32, #tpu.memory_space<vmem>> -> memref<32xi32, #tpu.memory_space<vmem>>
      %dma_wait3A_1332 = tpu.memref_slice %arg3[%add3A_20] : memref<4096xi32, #tpu.memory_space<hbm>> -> memref<32xi32, #tpu.memory_space<hbm>>
      tpu.wait_dma2 semaphore(%run_scoped3A_1316 : memref<!tpu.dma_semaphore, #tpu.memory_space<semaphore_mem>>) src(%dma_wait3A_1332 : memref<32xi32, #tpu.memory_space<hbm>>) dst(%dma_wait3A_1331 : memref<32xi32, #tpu.memory_space<vmem>>)
      tpu.yield
    }) : () -> ()
    %mul3A_22 = arith.constant 2 : i32
    %mul3A_23 = arith.muli %mul3A_22, %mul3A_2 : i32
    "tpu.region"() ({
      %run_scoped3A_1316 = tpu.sem_alloc : memref<!tpu.dma_semaphore, #tpu.memory_space<semaphore_mem>>
      %dma_start3A_1317 = arith.constant 0 : i32
      %dma_start3A_1318 = tpu.memref_slice %arg4[%mul3A_23, %dma_start3A_1317] : memref<4096x128xf32, #tpu.memory_space<hbm>> -> memref<128x128xf32, #tpu.memory_space<hbm>>
      %dma_start3A_1319 = arith.constant 0 : i32
      %dma_start3A_1320 = tpu.memref_slice %arg4[%mul3A_23, %dma_start3A_1319] : memref<4096x128xf32, #tpu.memory_space<hbm>> -> memref<128x128xf32, #tpu.memory_space<hbm>>
      tpu.enqueue_dma source(%dma_start3A_1320 : memref<128x128xf32, #tpu.memory_space<hbm>>) target(%arg7 : memref<128x128xf32, #tpu.memory_space<vmem>>) target_semaphore(%run_scoped3A_1316 : memref<!tpu.dma_semaphore, #tpu.memory_space<semaphore_mem>>)
      %dma_wait3A_1321 = arith.constant 0 : i32
      %dma_wait3A_1322 = tpu.memref_slice %arg4[%mul3A_23, %dma_wait3A_1321] : memref<4096x128xf32, #tpu.memory_space<hbm>> -> memref<128x128xf32, #tpu.memory_space<hbm>>
      %dma_wait3A_1323 = arith.constant 0 : i32
      %dma_wait3A_1324 = tpu.memref_slice %arg4[%mul3A_23, %dma_wait3A_1323] : memref<4096x128xf32, #tpu.memory_space<hbm>> -> memref<128x128xf32, #tpu.memory_space<hbm>>
      tpu.wait_dma2 semaphore(%run_scoped3A_1316 : memref<!tpu.dma_semaphore, #tpu.memory_space<semaphore_mem>>) src(%dma_wait3A_1324 : memref<128x128xf32, #tpu.memory_space<hbm>>) dst(%arg7 : memref<128x128xf32, #tpu.memory_space<vmem>>)
      tpu.yield
    }) : () -> ()
    %dma_start3A = arith.constant 0 : i32
    %dma_start3A_24 = arith.constant 0 : i32
    %dma_start3A_25 = arith.constant 0 : i32
    %dma_start3A_26 = arith.constant 0 : i32
    %dma_start3A_27 = tpu.memref_slice %arg8[%dma_start3A_24, %dma_start3A_25, %dma_start3A_26] : memref<2x32x768xf32, #tpu.memory_space<vmem>> -> memref<1x32x768xf32, #tpu.memory_space<vmem>>
    %dma_start3A_28 = tpu.memref_squeeze %dma_start3A_27 : memref<1x32x768xf32, #tpu.memory_space<vmem>> -> memref<32x768xf32, #tpu.memory_space<vmem>>
    %dma_start3A_29 = arith.constant 0 : i32
    %dma_start3A_30 = tpu.memref_slice %arg6[%dma_start3A, %dma_start3A_29] : memref<4x32xi32, #tpu.memory_space<vmem>> -> memref<1x32xi32, #tpu.memory_space<vmem>>
    %dma_start3A_31 = tpu.memref_squeeze %dma_start3A_30 : memref<1x32xi32, #tpu.memory_space<vmem>> -> memref<32xi32, #tpu.memory_space<vmem>>
    %dma_start3A_32 = arith.constant 0 : i32
    %dma_start3A_33 = arith.constant 0 : i32
    %dma_start3A_34 = tpu.memref_slice %arg2[%dma_start3A_32, %dma_start3A_33] : memref<12288x768xf32, #tpu.memory_space<hbm>> -> memref<12288x768xf32, #tpu.memory_space<hbm>>
    tpu.enqueue_indirect_dma source(%dma_start3A_34 : memref<12288x768xf32, #tpu.memory_space<hbm>>) target(%dma_start3A_28 : memref<32x768xf32, #tpu.memory_space<vmem>>) offsets(%dma_start3A_31 : memref<32xi32, #tpu.memory_space<vmem>>) semaphore(%arg10 : memref<!tpu.dma_semaphore, #tpu.memory_space<semaphore_mem>>)
    %dma_start3A_35 = arith.constant 1 : i32
    %dma_start3A_36 = arith.constant 1 : i32
    %dma_start3A_37 = arith.constant 0 : i32
    %dma_start3A_38 = arith.constant 0 : i32
    %dma_start3A_39 = tpu.memref_slice %arg8[%dma_start3A_36, %dma_start3A_37, %dma_start3A_38] : memref<2x32x768xf32, #tpu.memory_space<vmem>> -> memref<1x32x768xf32, #tpu.memory_space<vmem>>
    %dma_start3A_40 = tpu.memref_squeeze %dma_start3A_39 : memref<1x32x768xf32, #tpu.memory_space<vmem>> -> memref<32x768xf32, #tpu.memory_space<vmem>>
    %dma_start3A_41 = arith.constant 0 : i32
    %dma_start3A_42 = tpu.memref_slice %arg6[%dma_start3A_35, %dma_start3A_41] : memref<4x32xi32, #tpu.memory_space<vmem>> -> memref<1x32xi32, #tpu.memory_space<vmem>>
    %dma_start3A_43 = tpu.memref_squeeze %dma_start3A_42 : memref<1x32xi32, #tpu.memory_space<vmem>> -> memref<32xi32, #tpu.memory_space<vmem>>
    %dma_start3A_44 = arith.constant 0 : i32
    %dma_start3A_45 = arith.constant 0 : i32
    %dma_start3A_46 = tpu.memref_slice %arg2[%dma_start3A_44, %dma_start3A_45] : memref<12288x768xf32, #tpu.memory_space<hbm>> -> memref<12288x768xf32, #tpu.memory_space<hbm>>
    tpu.enqueue_indirect_dma source(%dma_start3A_46 : memref<12288x768xf32, #tpu.memory_space<hbm>>) target(%dma_start3A_40 : memref<32x768xf32, #tpu.memory_space<vmem>>) offsets(%dma_start3A_43 : memref<32xi32, #tpu.memory_space<vmem>>) semaphore(%arg11 : memref<!tpu.dma_semaphore, #tpu.memory_space<semaphore_mem>>)
    %dma_wait3A = arith.constant 0 : i32
    %dma_wait3A_47 = arith.constant 0 : i32
    %dma_wait3A_48 = arith.constant 0 : i32
    %dma_wait3A_49 = arith.constant 0 : i32
    %dma_wait3A_50 = tpu.memref_slice %arg8[%dma_wait3A_47, %dma_wait3A_48, %dma_wait3A_49] : memref<2x32x768xf32, #tpu.memory_space<vmem>> -> memref<1x32x768xf32, #tpu.memory_space<vmem>>
    %dma_wait3A_51 = tpu.memref_squeeze %dma_wait3A_50 : memref<1x32x768xf32, #tpu.memory_space<vmem>> -> memref<32x768xf32, #tpu.memory_space<vmem>>
    %dma_wait3A_52 = arith.constant 0 : i32
    %dma_wait3A_53 = tpu.memref_slice %arg6[%dma_wait3A, %dma_wait3A_52] : memref<4x32xi32, #tpu.memory_space<vmem>> -> memref<1x32xi32, #tpu.memory_space<vmem>>
    %dma_wait3A_54 = tpu.memref_squeeze %dma_wait3A_53 : memref<1x32xi32, #tpu.memory_space<vmem>> -> memref<32xi32, #tpu.memory_space<vmem>>
    %dma_wait3A_55 = arith.constant 0 : i32
    %dma_wait3A_56 = arith.constant 0 : i32
    %dma_wait3A_57 = tpu.memref_slice %arg2[%dma_wait3A_55, %dma_wait3A_56] : memref<12288x768xf32, #tpu.memory_space<hbm>> -> memref<12288x768xf32, #tpu.memory_space<hbm>>
    tpu.wait_indirect_dma semaphore(%arg10 : memref<!tpu.dma_semaphore, #tpu.memory_space<semaphore_mem>>) src(%dma_wait3A_57 : memref<12288x768xf32, #tpu.memory_space<hbm>>) dst(%dma_wait3A_51 : memref<32x768xf32, #tpu.memory_space<vmem>>)
    %get3A = arith.constant 0 : i32
    %get3A_58 = arith.index_cast %get3A : i32 to index
    %get3A_59 = arith.constant 0 : index
    %get3A_60 = tpu.vector_load %arg7[%get3A_58, %get3A_59] {strides = array<i32>} : memref<128x128xf32, #tpu.memory_space<vmem>>, vector<1x16xf32>,
    %get3A_61 = vector.shape_cast %get3A_60 : vector<1x16xf32> to vector<16xf32>
    %get3A_62 = arith.constant 1 : i32
    %get3A_63 = arith.index_cast %get3A_62 : i32 to index
    %get3A_64 = arith.constant 0 : index
    %get3A_65 = tpu.vector_load %arg7[%get3A_63, %get3A_64] {strides = array<i32>} : memref<128x128xf32, #tpu.memory_space<vmem>>, vector<1x16xf32>,
    %get3A_66 = vector.shape_cast %get3A_65 : vector<1x16xf32> to vector<16xf32>
    %scan3A = arith.constant 0 : i32
    %scan3A_67 = arith.constant 0 : i32
    %scan3A_68 = arith.constant 48 : i32
    %scan3A_69 = arith.addi %scan3A_67, %scan3A_68 : i32
    %scan3A_70 = arith.constant 1 : i32
    %scan3A_71 = scf.for %scan3A_1316 = %scan3A_67 to %scan3A_69 step %scan3A_70 iter_args(%scan3A_1317 = %scan3A) -> (i32)  : i32 {
      %mul3A_1318 = arith.constant 16 : i32
      %mul3A_1319 = arith.muli %scan3A_1316, %mul3A_1318 : i32
      %get3A_1320 = arith.constant 0 : i32
      %get3A_1321 = arith.constant 0 : i32
      %get3A_1322 = arith.index_cast %get3A_1320 : i32 to index
      %get3A_1323 = arith.index_cast %get3A_1321 : i32 to index
      %get3A_1324 = arith.index_cast %mul3A_1319 : i32 to index
      %get3A_1325 = tpu.vector_load %arg8[%get3A_1322, %get3A_1323, %get3A_1324] {strides = array<i32>} : memref<2x32x768xf32, #tpu.memory_space<vmem>>, vector<1x1x16xf32>,
      %get3A_1326 = vector.shape_cast %get3A_1325 : vector<1x1x16xf32> to vector<16xf32>
      %mul3A_1327 = arith.mulf %get3A_1326, %get3A_61 : vector<16xf32>
      %get3A_1328 = arith.constant 0 : i32
      %get3A_1329 = arith.constant 1 : i32
      %get3A_1330 = arith.index_cast %get3A_1328 : i32 to index
      %get3A_1331 = arith.index_cast %get3A_1329 : i32 to index
      %get3A_1332 = arith.index_cast %mul3A_1319 : i32 to index
      %get3A_1333 = tpu.vector_load %arg8[%get3A_1330, %get3A_1331, %get3A_1332] {strides = array<i32>} : memref<2x32x768xf32, #tpu.memory_space<vmem>>, vector<1x1x16xf32>,
      %get3A_1334 = vector.shape_cast %get3A_1333 : vector<1x1x16xf32> to vector<16xf32>
      %mul3A_1335 = arith.mulf %get3A_1334, %get3A_66 : vector<16xf32>
      %add3A_1336 = arith.addf %mul3A_1327, %mul3A_1335 : vector<16xf32>
      %swap3A = arith.constant 0 : i32
      %swap3A_1337 = arith.constant 0 : i32
      %swap3A_1338 = arith.index_cast %swap3A : i32 to index
      %swap3A_1339 = arith.index_cast %swap3A_1337 : i32 to index
      %swap3A_1340 = arith.index_cast %mul3A_1319 : i32 to index
      %swap3A_1341 = tpu.vector_load %arg9[%swap3A_1338, %swap3A_1339, %swap3A_1340] {strides = array<i32>} : memref<2x16x768xf32, #tpu.memory_space<vmem>>, vector<1x1x16xf32>,
      %swap3A_1342 = vector.shape_cast %swap3A_1341 : vector<1x1x16xf32> to vector<16xf32>
      %swap3A_1343 = vector.shape_cast %add3A_1336 : vector<16xf32> to vector<1x1x16xf32>
      tpu.vector_store %arg9[%swap3A_1338, %swap3A_1339, %swap3A_1340], %swap3A_1343 {strides = array<i32>} : memref<2x16x768xf32, #tpu.memory_space<vmem>>, vector<1x1x16xf32>,
      %scan3A_1344 = arith.constant 0 : i32
      scf.yield %scan3A_1344 : i32
    }
    %scan3A_72 = arith.constant 48 : i32
    %get3A_73 = arith.constant 2 : i32
    %get3A_74 = arith.index_cast %get3A_73 : i32 to index
    %get3A_75 = arith.constant 0 : index
    %get3A_76 = tpu.vector_load %arg7[%get3A_74, %get3A_75] {strides = array<i32>} : memref<128x128xf32, #tpu.memory_space<vmem>>, vector<1x16xf32>,
    %get3A_77 = vector.shape_cast %get3A_76 : vector<1x16xf32> to vector<16xf32>
    %get3A_78 = arith.constant 3 : i32
    %get3A_79 = arith.index_cast %get3A_78 : i32 to index
    %get3A_80 = arith.constant 0 : index
    %get3A_81 = tpu.vector_load %arg7[%get3A_79, %get3A_80] {strides = array<i32>} : memref<128x128xf32, #tpu.memory_space<vmem>>, vector<1x16xf32>,
    %get3A_82 = vector.shape_cast %get3A_81 : vector<1x16xf32> to vector<16xf32>
    %scan3A_83 = arith.constant 0 : i32
    %scan3A_84 = arith.constant 0 : i32
    %scan3A_85 = arith.constant 48 : i32
    %scan3A_86 = arith.addi %scan3A_84, %scan3A_85 : i32
    %scan3A_87 = arith.constant 1 : i32
    %scan3A_88 = scf.for %scan3A_1316 = %scan3A_84 to %scan3A_86 step %scan3A_87 iter_args(%scan3A_1317 = %scan3A_83) -> (i32)  : i32 {
      %mul3A_1318 = arith.constant 16 : i32
      %mul3A_1319 = arith.muli %scan3A_1316, %mul3A_1318 : i32
      %get3A_1320 = arith.constant 0 : i32
      %get3A_1321 = arith.constant 2 : i32
      %get3A_1322 = arith.index_cast %get3A_1320 : i32 to index
      %get3A_1323 = arith.index_cast %get3A_1321 : i32 to index
      %get3A_1324 = arith.index_cast %mul3A_1319 : i32 to index
      %get3A_1325 = tpu.vector_load %arg8[%get3A_1322, %get3A_1323, %get3A_1324] {strides = array<i32>} : memref<2x32x768xf32, #tpu.memory_space<vmem>>, vector<1x1x16xf32>,
      %get3A_1326 = vector.shape_cast %get3A_1325 : vector<1x1x16xf32> to vector<16xf32>
      %mul3A_1327 = arith.mulf %get3A_1326, %get3A_77 : vector<16xf32>
      %get3A_1328 = arith.constant 0 : i32
      %get3A_1329 = arith.constant 3 : i32
      %get3A_1330 = arith.index_cast %get3A_1328 : i32 to index
      %get3A_1331 = arith.index_cast %get3A_1329 : i32 to index
      %get3A_1332 = arith.index_cast %mul3A_1319 : i32 to index
      %get3A_1333 = tpu.vector_load %arg8[%get3A_1330, %get3A_1331, %get3A_1332] {strides = array<i32>} : memref<2x32x768xf32, #tpu.memory_space<vmem>>, vector<1x1x16xf32>,
      %get3A_1334 = vector.shape_cast %get3A_1333 : vector<1x1x16xf32> to vector<16xf32>
      %mul3A_1335 = arith.mulf %get3A_1334, %get3A_82 : vector<16xf32>
      %add3A_1336 = arith.addf %mul3A_1327, %mul3A_1335 : vector<16xf32>
      %swap3A = arith.constant 0 : i32
      %swap3A_1337 = arith.constant 1 : i32
      %swap3A_1338 = arith.index_cast %swap3A : i32 to index
      %swap3A_1339 = arith.index_cast %swap3A_1337 : i32 to index
      %swap3A_1340 = arith.index_cast %mul3A_1319 : i32 to index
      %swap3A_1341 = tpu.vector_load %arg9[%swap3A_1338, %swap3A_1339, %swap3A_1340] {strides = array<i32>} : memref<2x16x768xf32, #tpu.memory_space<vmem>>, vector<1x1x16xf32>,
      %swap3A_1342 = vector.shape_cast %swap3A_1341 : vector<1x1x16xf32> to vector<16xf32>
      %swap3A_1343 = vector.shape_cast %add3A_1336 : vector<16xf32> to vector<1x1x16xf32>
      tpu.vector_store %arg9[%swap3A_1338, %swap3A_1339, %swap3A_1340], %swap3A_1343 {strides = array<i32>} : memref<2x16x768xf32, #tpu.memory_space<vmem>>, vector<1x1x16xf32>,
      %scan3A_1344 = arith.constant 0 : i32
      scf.yield %scan3A_1344 : i32
    }
    %scan3A_89 = arith.constant 48 : i32
    %get3A_90 = arith.constant 4 : i32
    %get3A_91 = arith.index_cast %get3A_90 : i32 to index
    %get3A_92 = arith.constant 0 : index
    %get3A_93 = tpu.vector_load %arg7[%get3A_91, %get3A_92] {strides = array<i32>} : memref<128x128xf32, #tpu.memory_space<vmem>>, vector<1x16xf32>,
    %get3A_94 = vector.shape_cast %get3A_93 : vector<1x16xf32> to vector<16xf32>
    %get3A_95 = arith.constant 5 : i32
    %get3A_96 = arith.index_cast %get3A_95 : i32 to index
    %get3A_97 = arith.constant 0 : index
    %get3A_98 = tpu.vector_load %arg7[%get3A_96, %get3A_97] {strides = array<i32>} : memref<128x128xf32, #tpu.memory_space<vmem>>, vector<1x16xf32>,
    %get3A_99 = vector.shape_cast %get3A_98 : vector<1x16xf32> to vector<16xf32>
    %scan3A_100 = arith.constant 0 : i32
    %scan3A_101 = arith.constant 0 : i32
    %scan3A_102 = arith.constant 48 : i32
    %scan3A_103 = arith.addi %scan3A_101, %scan3A_102 : i32
    %scan3A_104 = arith.constant 1 : i32
    %scan3A_105 = scf.for %scan3A_1316 = %scan3A_101 to %scan3A_103 step %scan3A_104 iter_args(%scan3A_1317 = %scan3A_100) -> (i32)  : i32 {
      %mul3A_1318 = arith.constant 16 : i32
      %mul3A_1319 = arith.muli %scan3A_1316, %mul3A_1318 : i32
      %get3A_1320 = arith.constant 0 : i32
      %get3A_1321 = arith.constant 4 : i32
      %get3A_1322 = arith.index_cast %get3A_1320 : i32 to index
      %get3A_1323 = arith.index_cast %get3A_1321 : i32 to index
      %get3A_1324 = arith.index_cast %mul3A_1319 : i32 to index
      %get3A_1325 = tpu.vector_load %arg8[%get3A_1322, %get3A_1323, %get3A_1324] {strides = array<i32>} : memref<2x32x768xf32, #tpu.memory_space<vmem>>, vector<1x1x16xf32>,
      %get3A_1326 = vector.shape_cast %get3A_1325 : vector<1x1x16xf32> to vector<16xf32>
      %mul3A_1327 = arith.mulf %get3A_1326, %get3A_94 : vector<16xf32>
      %get3A_1328 = arith.constant 0 : i32
      %get3A_1329 = arith.constant 5 : i32
      %get3A_1330 = arith.index_cast %get3A_1328 : i32 to index
      %get3A_1331 = arith.index_cast %get3A_1329 : i32 to index
      %get3A_1332 = arith.index_cast %mul3A_1319 : i32 to index
      %get3A_1333 = tpu.vector_load %arg8[%get3A_1330, %get3A_1331, %get3A_1332] {strides = array<i32>} : memref<2x32x768xf32, #tpu.memory_space<vmem>>, vector<1x1x16xf32>,
      %get3A_1334 = vector.shape_cast %get3A_1333 : vector<1x1x16xf32> to vector<16xf32>
      %mul3A_1335 = arith.mulf %get3A_1334, %get3A_99 : vector<16xf32>
      %add3A_1336 = arith.addf %mul3A_1327, %mul3A_1335 : vector<16xf32>
      %swap3A = arith.constant 0 : i32
      %swap3A_1337 = arith.constant 2 : i32
      %swap3A_1338 = arith.index_cast %swap3A : i32 to index
      %swap3A_1339 = arith.index_cast %swap3A_1337 : i32 to index
      %swap3A_1340 = arith.index_cast %mul3A_1319 : i32 to index
      %swap3A_1341 = tpu.vector_load %arg9[%swap3A_1338, %swap3A_1339, %swap3A_1340] {strides = array<i32>} : memref<2x16x768xf32, #tpu.memory_space<vmem>>, vector<1x1x16xf32>,
      %swap3A_1342 = vector.shape_cast %swap3A_1341 : vector<1x1x16xf32> to vector<16xf32>
      %swap3A_1343 = vector.shape_cast %add3A_1336 : vector<16xf32> to vector<1x1x16xf32>
      tpu.vector_store %arg9[%swap3A_1338, %swap3A_1339, %swap3A_1340], %swap3A_1343 {strides = array<i32>} : memref<2x16x768xf32, #tpu.memory_space<vmem>>, vector<1x1x16xf32>,
      %scan3A_1344 = arith.constant 0 : i32
      scf.yield %scan3A_1344 : i32
    }
    %scan3A_106 = arith.constant 48 : i32
    %get3A_107 = arith.constant 6 : i32
    %get3A_108 = arith.index_cast %get3A_107 : i32 to index
    %get3A_109 = arith.constant 0 : index
    %get3A_110 = tpu.vector_load %arg7[%get3A_108, %get3A_109] {strides = array<i32>} : memref<128x128xf32, #tpu.memory_space<vmem>>, vector<1x16xf32>,
    %get3A_111 = vector.shape_cast %get3A_110 : vector<1x16xf32> to vector<16xf32>
    %get3A_112 = arith.constant 7 : i32
    %get3A_113 = arith.index_cast %get3A_112 : i32 to index
    %get3A_114 = arith.constant 0 : index
    %get3A_115 = tpu.vector_load %arg7[%get3A_113, %get3A_114] {strides = array<i32>} : memref<128x128xf32, #tpu.memory_space<vmem>>, vector<1x16xf32>,
    %get3A_116 = vector.shape_cast %get3A_115 : vector<1x16xf32> to vector<16xf32>
    %scan3A_117 = arith.constant 0 : i32
    %scan3A_118 = arith.constant 0 : i32
    %scan3A_119 = arith.constant 48 : i32
    %scan3A_120 = arith.addi %scan3A_118, %scan3A_119 : i32
    %scan3A_121 = arith.constant 1 : i32
    %scan3A_122 = scf.for %scan3A_1316 = %scan3A_118 to %scan3A_120 step %scan3A_121 iter_args(%scan3A_1317 = %scan3A_117) -> (i32)  : i32 {
      %mul3A_1318 = arith.constant 16 : i32
      %mul3A_1319 = arith.muli %scan3A_1316, %mul3A_1318 : i32
      %get3A_1320 = arith.constant 0 : i32
      %get3A_1321 = arith.constant 6 : i32
      %get3A_1322 = arith.index_cast %get3A_1320 : i32 to index
      %get3A_1323 = arith.index_cast %get3A_1321 : i32 to index
      %get3A_1324 = arith.index_cast %mul3A_1319 : i32 to index
      %get3A_1325 = tpu.vector_load %arg8[%get3A_1322, %get3A_1323, %get3A_1324] {strides = array<i32>} : memref<2x32x768xf32, #tpu.memory_space<vmem>>, vector<1x1x16xf32>,
      %get3A_1326 = vector.shape_cast %get3A_1325 : vector<1x1x16xf32> to vector<16xf32>
      %mul3A_1327 = arith.mulf %get3A_1326, %get3A_111 : vector<16xf32>
      %get3A_1328 = arith.constant 0 : i32
      %get3A_1329 = arith.constant 7 : i32
      %get3A_1330 = arith.index_cast %get3A_1328 : i32 to index
      %get3A_1331 = arith.index_cast %get3A_1329 : i32 to index
      %get3A_1332 = arith.index_cast %mul3A_1319 : i32 to index
      %get3A_1333 = tpu.vector_load %arg8[%get3A_1330, %get3A_1331, %get3A_1332] {strides = array<i32>} : memref<2x32x768xf32, #tpu.memory_space<vmem>>, vector<1x1x16xf32>,
      %get3A_1334 = vector.shape_cast %get3A_1333 : vector<1x1x16xf32> to vector<16xf32>
      %mul3A_1335 = arith.mulf %get3A_1334, %get3A_116 : vector<16xf32>
      %add3A_1336 = arith.addf %mul3A_1327, %mul3A_1335 : vector<16xf32>
      %swap3A = arith.constant 0 : i32
      %swap3A_1337 = arith.constant 3 : i32
      %swap3A_1338 = arith.index_cast %swap3A : i32 to index
      %swap3A_1339 = arith.index_cast %swap3A_1337 : i32 to index
      %swap3A_1340 = arith.index_cast %mul3A_1319 : i32 to index
      %swap3A_1341 = tpu.vector_load %arg9[%swap3A_1338, %swap3A_1339, %swap3A_1340] {strides = array<i32>} : memref<2x16x768xf32, #tpu.memory_space<vmem>>, vector<1x1x16xf32>,
      %swap3A_1342 = vector.shape_cast %swap3A_1341 : vector<1x1x16xf32> to vector<16xf32>
      %swap3A_1343 = vector.shape_cast %add3A_1336 : vector<16xf32> to vector<1x1x16xf32>
      tpu.vector_store %arg9[%swap3A_1338, %swap3A_1339, %swap3A_1340], %swap3A_1343 {strides = array<i32>} : memref<2x16x768xf32, #tpu.memory_space<vmem>>, vector<1x1x16xf32>,
      %scan3A_1344 = arith.constant 0 : i32
      scf.yield %scan3A_1344 : i32
    }
    %scan3A_123 = arith.constant 48 : i32
    %get3A_124 = arith.constant 8 : i32
    %get3A_125 = arith.index_cast %get3A_124 : i32 to index
    %get3A_126 = arith.constant 0 : index
    %get3A_127 = tpu.vector_load %arg7[%get3A_125, %get3A_126] {strides = array<i32>} : memref<128x128xf32, #tpu.memory_space<vmem>>, vector<1x16xf32>,
    %get3A_128 = vector.shape_cast %get3A_127 : vector<1x16xf32> to vector<16xf32>
    %get3A_129 = arith.constant 9 : i32
    %get3A_130 = arith.index_cast %get3A_129 : i32 to index
    %get3A_131 = arith.constant 0 : index
    %get3A_132 = tpu.vector_load %arg7[%get3A_130, %get3A_131] {strides = array<i32>} : memref<128x128xf32, #tpu.memory_space<vmem>>, vector<1x16xf32>,
    %get3A_133 = vector.shape_cast %get3A_132 : vector<1x16xf32> to vector<16xf32>
    %scan3A_134 = arith.constant 0 : i32
    %scan3A_135 = arith.constant 0 : i32
    %scan3A_136 = arith.constant 48 : i32
    %scan3A_137 = arith.addi %scan3A_135, %scan3A_136 : i32
    %scan3A_138 = arith.constant 1 : i32
    %scan3A_139 = scf.for %scan3A_1316 = %scan3A_135 to %scan3A_137 step %scan3A_138 iter_args(%scan3A_1317 = %scan3A_134) -> (i32)  : i32 {
      %mul3A_1318 = arith.constant 16 : i32
      %mul3A_1319 = arith.muli %scan3A_1316, %mul3A_1318 : i32
      %get3A_1320 = arith.constant 0 : i32
      %get3A_1321 = arith.constant 8 : i32
      %get3A_1322 = arith.index_cast %get3A_1320 : i32 to index
      %get3A_1323 = arith.index_cast %get3A_1321 : i32 to index
      %get3A_1324 = arith.index_cast %mul3A_1319 : i32 to index
      %get3A_1325 = tpu.vector_load %arg8[%get3A_1322, %get3A_1323, %get3A_1324] {strides = array<i32>} : memref<2x32x768xf32, #tpu.memory_space<vmem>>, vector<1x1x16xf32>,
      %get3A_1326 = vector.shape_cast %get3A_1325 : vector<1x1x16xf32> to vector<16xf32>
      %mul3A_1327 = arith.mulf %get3A_1326, %get3A_128 : vector<16xf32>
      %get3A_1328 = arith.constant 0 : i32
      %get3A_1329 = arith.constant 9 : i32
      %get3A_1330 = arith.index_cast %get3A_1328 : i32 to index
      %get3A_1331 = arith.index_cast %get3A_1329 : i32 to index
      %get3A_1332 = arith.index_cast %mul3A_1319 : i32 to index
      %get3A_1333 = tpu.vector_load %arg8[%get3A_1330, %get3A_1331, %get3A_1332] {strides = array<i32>} : memref<2x32x768xf32, #tpu.memory_space<vmem>>, vector<1x1x16xf32>,
      %get3A_1334 = vector.shape_cast %get3A_1333 : vector<1x1x16xf32> to vector<16xf32>
      %mul3A_1335 = arith.mulf %get3A_1334, %get3A_133 : vector<16xf32>
      %add3A_1336 = arith.addf %mul3A_1327, %mul3A_1335 : vector<16xf32>
      %swap3A = arith.constant 0 : i32
      %swap3A_1337 = arith.constant 4 : i32
      %swap3A_1338 = arith.index_cast %swap3A : i32 to index
      %swap3A_1339 = arith.index_cast %swap3A_1337 : i32 to index
      %swap3A_1340 = arith.index_cast %mul3A_1319 : i32 to index
      %swap3A_1341 = tpu.vector_load %arg9[%swap3A_1338, %swap3A_1339, %swap3A_1340] {strides = array<i32>} : memref<2x16x768xf32, #tpu.memory_space<vmem>>, vector<1x1x16xf32>,
      %swap3A_1342 = vector.shape_cast %swap3A_1341 : vector<1x1x16xf32> to vector<16xf32>
      %swap3A_1343 = vector.shape_cast %add3A_1336 : vector<16xf32> to vector<1x1x16xf32>
      tpu.vector_store %arg9[%swap3A_1338, %swap3A_1339, %swap3A_1340], %swap3A_1343 {strides = array<i32>} : memref<2x16x768xf32, #tpu.memory_space<vmem>>, vector<1x1x16xf32>,
      %scan3A_1344 = arith.constant 0 : i32
      scf.yield %scan3A_1344 : i32
    }
    %scan3A_140 = arith.constant 48 : i32
    %get3A_141 = arith.constant 10 : i32
    %get3A_142 = arith.index_cast %get3A_141 : i32 to index
    %get3A_143 = arith.constant 0 : index
    %get3A_144 = tpu.vector_load %arg7[%get3A_142, %get3A_143] {strides = array<i32>} : memref<128x128xf32, #tpu.memory_space<vmem>>, vector<1x16xf32>,
    %get3A_145 = vector.shape_cast %get3A_144 : vector<1x16xf32> to vector<16xf32>
    %get3A_146 = arith.constant 11 : i32
    %get3A_147 = arith.index_cast %get3A_146 : i32 to index
    %get3A_148 = arith.constant 0 : index
    %get3A_149 = tpu.vector_load %arg7[%get3A_147, %get3A_148] {strides = array<i32>} : memref<128x128xf32, #tpu.memory_space<vmem>>, vector<1x16xf32>,
    %get3A_150 = vector.shape_cast %get3A_149 : vector<1x16xf32> to vector<16xf32>
    %scan3A_151 = arith.constant 0 : i32
    %scan3A_152 = arith.constant 0 : i32
    %scan3A_153 = arith.constant 48 : i32
    %scan3A_154 = arith.addi %scan3A_152, %scan3A_153 : i32
    %scan3A_155 = arith.constant 1 : i32
    %scan3A_156 = scf.for %scan3A_1316 = %scan3A_152 to %scan3A_154 step %scan3A_155 iter_args(%scan3A_1317 = %scan3A_151) -> (i32)  : i32 {
      %mul3A_1318 = arith.constant 16 : i32
      %mul3A_1319 = arith.muli %scan3A_1316, %mul3A_1318 : i32
      %get3A_1320 = arith.constant 0 : i32
      %get3A_1321 = arith.constant 10 : i32
      %get3A_1322 = arith.index_cast %get3A_1320 : i32 to index
      %get3A_1323 = arith.index_cast %get3A_1321 : i32 to index
      %get3A_1324 = arith.index_cast %mul3A_1319 : i32 to index
      %get3A_1325 = tpu.vector_load %arg8[%get3A_1322, %get3A_1323, %get3A_1324] {strides = array<i32>} : memref<2x32x768xf32, #tpu.memory_space<vmem>>, vector<1x1x16xf32>,
      %get3A_1326 = vector.shape_cast %get3A_1325 : vector<1x1x16xf32> to vector<16xf32>
      %mul3A_1327 = arith.mulf %get3A_1326, %get3A_145 : vector<16xf32>
      %get3A_1328 = arith.constant 0 : i32
      %get3A_1329 = arith.constant 11 : i32
      %get3A_1330 = arith.index_cast %get3A_1328 : i32 to index
      %get3A_1331 = arith.index_cast %get3A_1329 : i32 to index
      %get3A_1332 = arith.index_cast %mul3A_1319 : i32 to index
      %get3A_1333 = tpu.vector_load %arg8[%get3A_1330, %get3A_1331, %get3A_1332] {strides = array<i32>} : memref<2x32x768xf32, #tpu.memory_space<vmem>>, vector<1x1x16xf32>,
      %get3A_1334 = vector.shape_cast %get3A_1333 : vector<1x1x16xf32> to vector<16xf32>
      %mul3A_1335 = arith.mulf %get3A_1334, %get3A_150 : vector<16xf32>
      %add3A_1336 = arith.addf %mul3A_1327, %mul3A_1335 : vector<16xf32>
      %swap3A = arith.constant 0 : i32
      %swap3A_1337 = arith.constant 5 : i32
      %swap3A_1338 = arith.index_cast %swap3A : i32 to index
      %swap3A_1339 = arith.index_cast %swap3A_1337 : i32 to index
      %swap3A_1340 = arith.index_cast %mul3A_1319 : i32 to index
      %swap3A_1341 = tpu.vector_load %arg9[%swap3A_1338, %swap3A_1339, %swap3A_1340] {strides = array<i32>} : memref<2x16x768xf32, #tpu.memory_space<vmem>>, vector<1x1x16xf32>,
      %swap3A_1342 = vector.shape_cast %swap3A_1341 : vector<1x1x16xf32> to vector<16xf32>
      %swap3A_1343 = vector.shape_cast %add3A_1336 : vector<16xf32> to vector<1x1x16xf32>
      tpu.vector_store %arg9[%swap3A_1338, %swap3A_1339, %swap3A_1340], %swap3A_1343 {strides = array<i32>} : memref<2x16x768xf32, #tpu.memory_space<vmem>>, vector<1x1x16xf32>,
      %scan3A_1344 = arith.constant 0 : i32
      scf.yield %scan3A_1344 : i32
    }
    %scan3A_157 = arith.constant 48 : i32
    %get3A_158 = arith.constant 12 : i32
    %get3A_159 = arith.index_cast %get3A_158 : i32 to index
    %get3A_160 = arith.constant 0 : index
    %get3A_161 = tpu.vector_load %arg7[%get3A_159, %get3A_160] {strides = array<i32>} : memref<128x128xf32, #tpu.memory_space<vmem>>, vector<1x16xf32>,
    %get3A_162 = vector.shape_cast %get3A_161 : vector<1x16xf32> to vector<16xf32>
    %get3A_163 = arith.constant 13 : i32
    %get3A_164 = arith.index_cast %get3A_163 : i32 to index
    %get3A_165 = arith.constant 0 : index
    %get3A_166 = tpu.vector_load %arg7[%get3A_164, %get3A_165] {strides = array<i32>} : memref<128x128xf32, #tpu.memory_space<vmem>>, vector<1x16xf32>,
    %get3A_167 = vector.shape_cast %get3A_166 : vector<1x16xf32> to vector<16xf32>
    %scan3A_168 = arith.constant 0 : i32
    %scan3A_169 = arith.constant 0 : i32
    %scan3A_170 = arith.constant 48 : i32
    %scan3A_171 = arith.addi %scan3A_169, %scan3A_170 : i32
    %scan3A_172 = arith.constant 1 : i32
    %scan3A_173 = scf.for %scan3A_1316 = %scan3A_169 to %scan3A_171 step %scan3A_172 iter_args(%scan3A_1317 = %scan3A_168) -> (i32)  : i32 {
      %mul3A_1318 = arith.constant 16 : i32
      %mul3A_1319 = arith.muli %scan3A_1316, %mul3A_1318 : i32
      %get3A_1320 = arith.constant 0 : i32
      %get3A_1321 = arith.constant 12 : i32
      %get3A_1322 = arith.index_cast %get3A_1320 : i32 to index
      %get3A_1323 = arith.index_cast %get3A_1321 : i32 to index
      %get3A_1324 = arith.index_cast %mul3A_1319 : i32 to index
      %get3A_1325 = tpu.vector_load %arg8[%get3A_1322, %get3A_1323, %get3A_1324] {strides = array<i32>} : memref<2x32x768xf32, #tpu.memory_space<vmem>>, vector<1x1x16xf32>,
      %get3A_1326 = vector.shape_cast %get3A_1325 : vector<1x1x16xf32> to vector<16xf32>
      %mul3A_1327 = arith.mulf %get3A_1326, %get3A_162 : vector<16xf32>
      %get3A_1328 = arith.constant 0 : i32
      %get3A_1329 = arith.constant 13 : i32
      %get3A_1330 = arith.index_cast %get3A_1328 : i32 to index
      %get3A_1331 = arith.index_cast %get3A_1329 : i32 to index
      %get3A_1332 = arith.index_cast %mul3A_1319 : i32 to index
      %get3A_1333 = tpu.vector_load %arg8[%get3A_1330, %get3A_1331, %get3A_1332] {strides = array<i32>} : memref<2x32x768xf32, #tpu.memory_space<vmem>>, vector<1x1x16xf32>,
      %get3A_1334 = vector.shape_cast %get3A_1333 : vector<1x1x16xf32> to vector<16xf32>
      %mul3A_1335 = arith.mulf %get3A_1334, %get3A_167 : vector<16xf32>
      %add3A_1336 = arith.addf %mul3A_1327, %mul3A_1335 : vector<16xf32>
      %swap3A = arith.constant 0 : i32
      %swap3A_1337 = arith.constant 6 : i32
      %swap3A_1338 = arith.index_cast %swap3A : i32 to index
      %swap3A_1339 = arith.index_cast %swap3A_1337 : i32 to index
      %swap3A_1340 = arith.index_cast %mul3A_1319 : i32 to index
      %swap3A_1341 = tpu.vector_load %arg9[%swap3A_1338, %swap3A_1339, %swap3A_1340] {strides = array<i32>} : memref<2x16x768xf32, #tpu.memory_space<vmem>>, vector<1x1x16xf32>,
      %swap3A_1342 = vector.shape_cast %swap3A_1341 : vector<1x1x16xf32> to vector<16xf32>
      %swap3A_1343 = vector.shape_cast %add3A_1336 : vector<16xf32> to vector<1x1x16xf32>
      tpu.vector_store %arg9[%swap3A_1338, %swap3A_1339, %swap3A_1340], %swap3A_1343 {strides = array<i32>} : memref<2x16x768xf32, #tpu.memory_space<vmem>>, vector<1x1x16xf32>,
      %scan3A_1344 = arith.constant 0 : i32
      scf.yield %scan3A_1344 : i32
    }
    %scan3A_174 = arith.constant 48 : i32
    %get3A_175 = arith.constant 14 : i32
    %get3A_176 = arith.index_cast %get3A_175 : i32 to index
    %get3A_177 = arith.constant 0 : index
    %get3A_178 = tpu.vector_load %arg7[%get3A_176, %get3A_177] {strides = array<i32>} : memref<128x128xf32, #tpu.memory_space<vmem>>, vector<1x16xf32>,
    %get3A_179 = vector.shape_cast %get3A_178 : vector<1x16xf32> to vector<16xf32>
    %get3A_180 = arith.constant 15 : i32
    %get3A_181 = arith.index_cast %get3A_180 : i32 to index
    %get3A_182 = arith.constant 0 : index
    %get3A_183 = tpu.vector_load %arg7[%get3A_181, %get3A_182] {strides = array<i32>} : memref<128x128xf32, #tpu.memory_space<vmem>>, vector<1x16xf32>,
    %get3A_184 = vector.shape_cast %get3A_183 : vector<1x16xf32> to vector<16xf32>
    %scan3A_185 = arith.constant 0 : i32
    %scan3A_186 = arith.constant 0 : i32
    %scan3A_187 = arith.constant 48 : i32
    %scan3A_188 = arith.addi %scan3A_186, %scan3A_187 : i32
    %scan3A_189 = arith.constant 1 : i32
    %scan3A_190 = scf.for %scan3A_1316 = %scan3A_186 to %scan3A_188 step %scan3A_189 iter_args(%scan3A_1317 = %scan3A_185) -> (i32)  : i32 {
      %mul3A_1318 = arith.constant 16 : i32
      %mul3A_1319 = arith.muli %scan3A_1316, %mul3A_1318 : i32
      %get3A_1320 = arith.constant 0 : i32
      %get3A_1321 = arith.constant 14 : i32
      %get3A_1322 = arith.index_cast %get3A_1320 : i32 to index
      %get3A_1323 = arith.index_cast %get3A_1321 : i32 to index
      %get3A_1324 = arith.index_cast %mul3A_1319 : i32 to index
      %get3A_1325 = tpu.vector_load %arg8[%get3A_1322, %get3A_1323, %get3A_1324] {strides = array<i32>} : memref<2x32x768xf32, #tpu.memory_space<vmem>>, vector<1x1x16xf32>,
      %get3A_1326 = vector.shape_cast %get3A_1325 : vector<1x1x16xf32> to vector<16xf32>
      %mul3A_1327 = arith.mulf %get3A_1326, %get3A_179 : vector<16xf32>
      %get3A_1328 = arith.constant 0 : i32
      %get3A_1329 = arith.constant 15 : i32
      %get3A_1330 = arith.index_cast %get3A_1328 : i32 to index
      %get3A_1331 = arith.index_cast %get3A_1329 : i32 to index
      %get3A_1332 = arith.index_cast %mul3A_1319 : i32 to index
      %get3A_1333 = tpu.vector_load %arg8[%get3A_1330, %get3A_1331, %get3A_1332] {strides = array<i32>} : memref<2x32x768xf32, #tpu.memory_space<vmem>>, vector<1x1x16xf32>,
      %get3A_1334 = vector.shape_cast %get3A_1333 : vector<1x1x16xf32> to vector<16xf32>
      %mul3A_1335 = arith.mulf %get3A_1334, %get3A_184 : vector<16xf32>
      %add3A_1336 = arith.addf %mul3A_1327, %mul3A_1335 : vector<16xf32>
      %swap3A = arith.constant 0 : i32
      %swap3A_1337 = arith.constant 7 : i32
      %swap3A_1338 = arith.index_cast %swap3A : i32 to index
      %swap3A_1339 = arith.index_cast %swap3A_1337 : i32 to index
      %swap3A_1340 = arith.index_cast %mul3A_1319 : i32 to index
      %swap3A_1341 = tpu.vector_load %arg9[%swap3A_1338, %swap3A_1339, %swap3A_1340] {strides = array<i32>} : memref<2x16x768xf32, #tpu.memory_space<vmem>>, vector<1x1x16xf32>,
      %swap3A_1342 = vector.shape_cast %swap3A_1341 : vector<1x1x16xf32> to vector<16xf32>
      %swap3A_1343 = vector.shape_cast %add3A_1336 : vector<16xf32> to vector<1x1x16xf32>
      tpu.vector_store %arg9[%swap3A_1338, %swap3A_1339, %swap3A_1340], %swap3A_1343 {strides = array<i32>} : memref<2x16x768xf32, #tpu.memory_space<vmem>>, vector<1x1x16xf32>,
      %scan3A_1344 = arith.constant 0 : i32
      scf.yield %scan3A_1344 : i32
    }
    %scan3A_191 = arith.constant 48 : i32
    %get3A_192 = arith.constant 16 : i32
    %get3A_193 = arith.index_cast %get3A_192 : i32 to index
    %get3A_194 = arith.constant 0 : index
    %get3A_195 = tpu.vector_load %arg7[%get3A_193, %get3A_194] {strides = array<i32>} : memref<128x128xf32, #tpu.memory_space<vmem>>, vector<1x16xf32>,
    %get3A_196 = vector.shape_cast %get3A_195 : vector<1x16xf32> to vector<16xf32>
    %get3A_197 = arith.constant 17 : i32
    %get3A_198 = arith.index_cast %get3A_197 : i32 to index
    %get3A_199 = arith.constant 0 : index
    %get3A_200 = tpu.vector_load %arg7[%get3A_198, %get3A_199] {strides = array<i32>} : memref<128x128xf32, #tpu.memory_space<vmem>>, vector<1x16xf32>,
    %get3A_201 = vector.shape_cast %get3A_200 : vector<1x16xf32> to vector<16xf32>
    %scan3A_202 = arith.constant 0 : i32
    %scan3A_203 = arith.constant 0 : i32
    %scan3A_204 = arith.constant 48 : i32
    %scan3A_205 = arith.addi %scan3A_203, %scan3A_204 : i32
    %scan3A_206 = arith.constant 1 : i32
    %scan3A_207 = scf.for %scan3A_1316 = %scan3A_203 to %scan3A_205 step %scan3A_206 iter_args(%scan3A_1317 = %scan3A_202) -> (i32)  : i32 {
      %mul3A_1318 = arith.constant 16 : i32
      %mul3A_1319 = arith.muli %scan3A_1316, %mul3A_1318 : i32
      %get3A_1320 = arith.constant 0 : i32
      %get3A_1321 = arith.constant 16 : i32
      %get3A_1322 = arith.index_cast %get3A_1320 : i32 to index
      %get3A_1323 = arith.index_cast %get3A_1321 : i32 to index
      %get3A_1324 = arith.index_cast %mul3A_1319 : i32 to index
      %get3A_1325 = tpu.vector_load %arg8[%get3A_1322, %get3A_1323, %get3A_1324] {strides = array<i32>} : memref<2x32x768xf32, #tpu.memory_space<vmem>>, vector<1x1x16xf32>,
      %get3A_1326 = vector.shape_cast %get3A_1325 : vector<1x1x16xf32> to vector<16xf32>
      %mul3A_1327 = arith.mulf %get3A_1326, %get3A_196 : vector<16xf32>
      %get3A_1328 = arith.constant 0 : i32
      %get3A_1329 = arith.constant 17 : i32
      %get3A_1330 = arith.index_cast %get3A_1328 : i32 to index
      %get3A_1331 = arith.index_cast %get3A_1329 : i32 to index
      %get3A_1332 = arith.index_cast %mul3A_1319 : i32 to index
      %get3A_1333 = tpu.vector_load %arg8[%get3A_1330, %get3A_1331, %get3A_1332] {strides = array<i32>} : memref<2x32x768xf32, #tpu.memory_space<vmem>>, vector<1x1x16xf32>,
      %get3A_1334 = vector.shape_cast %get3A_1333 : vector<1x1x16xf32> to vector<16xf32>
      %mul3A_1335 = arith.mulf %get3A_1334, %get3A_201 : vector<16xf32>
      %add3A_1336 = arith.addf %mul3A_1327, %mul3A_1335 : vector<16xf32>
      %swap3A = arith.constant 0 : i32
      %swap3A_1337 = arith.constant 8 : i32
      %swap3A_1338 = arith.index_cast %swap3A : i32 to index
      %swap3A_1339 = arith.index_cast %swap3A_1337 : i32 to index
      %swap3A_1340 = arith.index_cast %mul3A_1319 : i32 to index
      %swap3A_1341 = tpu.vector_load %arg9[%swap3A_1338, %swap3A_1339, %swap3A_1340] {strides = array<i32>} : memref<2x16x768xf32, #tpu.memory_space<vmem>>, vector<1x1x16xf32>,
      %swap3A_1342 = vector.shape_cast %swap3A_1341 : vector<1x1x16xf32> to vector<16xf32>
      %swap3A_1343 = vector.shape_cast %add3A_1336 : vector<16xf32> to vector<1x1x16xf32>
      tpu.vector_store %arg9[%swap3A_1338, %swap3A_1339, %swap3A_1340], %swap3A_1343 {strides = array<i32>} : memref<2x16x768xf32, #tpu.memory_space<vmem>>, vector<1x1x16xf32>,
      %scan3A_1344 = arith.constant 0 : i32
      scf.yield %scan3A_1344 : i32
    }
    %scan3A_208 = arith.constant 48 : i32
    %get3A_209 = arith.constant 18 : i32
    %get3A_210 = arith.index_cast %get3A_209 : i32 to index
    %get3A_211 = arith.constant 0 : index
    %get3A_212 = tpu.vector_load %arg7[%get3A_210, %get3A_211] {strides = array<i32>} : memref<128x128xf32, #tpu.memory_space<vmem>>, vector<1x16xf32>,
    %get3A_213 = vector.shape_cast %get3A_212 : vector<1x16xf32> to vector<16xf32>
    %get3A_214 = arith.constant 19 : i32
    %get3A_215 = arith.index_cast %get3A_214 : i32 to index
    %get3A_216 = arith.constant 0 : index
    %get3A_217 = tpu.vector_load %arg7[%get3A_215, %get3A_216] {strides = array<i32>} : memref<128x128xf32, #tpu.memory_space<vmem>>, vector<1x16xf32>,
    %get3A_218 = vector.shape_cast %get3A_217 : vector<1x16xf32> to vector<16xf32>
    %scan3A_219 = arith.constant 0 : i32
    %scan3A_220 = arith.constant 0 : i32
    %scan3A_221 = arith.constant 48 : i32
    %scan3A_222 = arith.addi %scan3A_220, %scan3A_221 : i32
    %scan3A_223 = arith.constant 1 : i32
    %scan3A_224 = scf.for %scan3A_1316 = %scan3A_220 to %scan3A_222 step %scan3A_223 iter_args(%scan3A_1317 = %scan3A_219) -> (i32)  : i32 {
      %mul3A_1318 = arith.constant 16 : i32
      %mul3A_1319 = arith.muli %scan3A_1316, %mul3A_1318 : i32
      %get3A_1320 = arith.constant 0 : i32
      %get3A_1321 = arith.constant 18 : i32
      %get3A_1322 = arith.index_cast %get3A_1320 : i32 to index
      %get3A_1323 = arith.index_cast %get3A_1321 : i32 to index
      %get3A_1324 = arith.index_cast %mul3A_1319 : i32 to index
      %get3A_1325 = tpu.vector_load %arg8[%get3A_1322, %get3A_1323, %get3A_1324] {strides = array<i32>} : memref<2x32x768xf32, #tpu.memory_space<vmem>>, vector<1x1x16xf32>,
      %get3A_1326 = vector.shape_cast %get3A_1325 : vector<1x1x16xf32> to vector<16xf32>
      %mul3A_1327 = arith.mulf %get3A_1326, %get3A_213 : vector<16xf32>
      %get3A_1328 = arith.constant 0 : i32
      %get3A_1329 = arith.constant 19 : i32
      %get3A_1330 = arith.index_cast %get3A_1328 : i32 to index
      %get3A_1331 = arith.index_cast %get3A_1329 : i32 to index
      %get3A_1332 = arith.index_cast %mul3A_1319 : i32 to index
      %get3A_1333 = tpu.vector_load %arg8[%get3A_1330, %get3A_1331, %get3A_1332] {strides = array<i32>} : memref<2x32x768xf32, #tpu.memory_space<vmem>>, vector<1x1x16xf32>,
      %get3A_1334 = vector.shape_cast %get3A_1333 : vector<1x1x16xf32> to vector<16xf32>
      %mul3A_1335 = arith.mulf %get3A_1334, %get3A_218 : vector<16xf32>
      %add3A_1336 = arith.addf %mul3A_1327, %mul3A_1335 : vector<16xf32>
      %swap3A = arith.constant 0 : i32
      %swap3A_1337 = arith.constant 9 : i32
      %swap3A_1338 = arith.index_cast %swap3A : i32 to index
      %swap3A_1339 = arith.index_cast %swap3A_1337 : i32 to index
      %swap3A_1340 = arith.index_cast %mul3A_1319 : i32 to index
      %swap3A_1341 = tpu.vector_load %arg9[%swap3A_1338, %swap3A_1339, %swap3A_1340] {strides = array<i32>} : memref<2x16x768xf32, #tpu.memory_space<vmem>>, vector<1x1x16xf32>,
      %swap3A_1342 = vector.shape_cast %swap3A_1341 : vector<1x1x16xf32> to vector<16xf32>
      %swap3A_1343 = vector.shape_cast %add3A_1336 : vector<16xf32> to vector<1x1x16xf32>
      tpu.vector_store %arg9[%swap3A_1338, %swap3A_1339, %swap3A_1340], %swap3A_1343 {strides = array<i32>} : memref<2x16x768xf32, #tpu.memory_space<vmem>>, vector<1x1x16xf32>,
      %scan3A_1344 = arith.constant 0 : i32
      scf.yield %scan3A_1344 : i32
    }
    %scan3A_225 = arith.constant 48 : i32
    %get3A_226 = arith.constant 20 : i32
    %get3A_227 = arith.index_cast %get3A_226 : i32 to index
    %get3A_228 = arith.constant 0 : index
    %get3A_229 = tpu.vector_load %arg7[%get3A_227, %get3A_228] {strides = array<i32>} : memref<128x128xf32, #tpu.memory_space<vmem>>, vector<1x16xf32>,
    %get3A_230 = vector.shape_cast %get3A_229 : vector<1x16xf32> to vector<16xf32>
    %get3A_231 = arith.constant 21 : i32
    %get3A_232 = arith.index_cast %get3A_231 : i32 to index
    %get3A_233 = arith.constant 0 : index
    %get3A_234 = tpu.vector_load %arg7[%get3A_232, %get3A_233] {strides = array<i32>} : memref<128x128xf32, #tpu.memory_space<vmem>>, vector<1x16xf32>,
    %get3A_235 = vector.shape_cast %get3A_234 : vector<1x16xf32> to vector<16xf32>
    %scan3A_236 = arith.constant 0 : i32
    %scan3A_237 = arith.constant 0 : i32
    %scan3A_238 = arith.constant 48 : i32
    %scan3A_239 = arith.addi %scan3A_237, %scan3A_238 : i32
    %scan3A_240 = arith.constant 1 : i32
    %scan3A_241 = scf.for %scan3A_1316 = %scan3A_237 to %scan3A_239 step %scan3A_240 iter_args(%scan3A_1317 = %scan3A_236) -> (i32)  : i32 {
      %mul3A_1318 = arith.constant 16 : i32
      %mul3A_1319 = arith.muli %scan3A_1316, %mul3A_1318 : i32
      %get3A_1320 = arith.constant 0 : i32
      %get3A_1321 = arith.constant 20 : i32
      %get3A_1322 = arith.index_cast %get3A_1320 : i32 to index
      %get3A_1323 = arith.index_cast %get3A_1321 : i32 to index
      %get3A_1324 = arith.index_cast %mul3A_1319 : i32 to index
      %get3A_1325 = tpu.vector_load %arg8[%get3A_1322, %get3A_1323, %get3A_1324] {strides = array<i32>} : memref<2x32x768xf32, #tpu.memory_space<vmem>>, vector<1x1x16xf32>,
      %get3A_1326 = vector.shape_cast %get3A_1325 : vector<1x1x16xf32> to vector<16xf32>
      %mul3A_1327 = arith.mulf %get3A_1326, %get3A_230 : vector<16xf32>
      %get3A_1328 = arith.constant 0 : i32
      %get3A_1329 = arith.constant 21 : i32
      %get3A_1330 = arith.index_cast %get3A_1328 : i32 to index
      %get3A_1331 = arith.index_cast %get3A_1329 : i32 to index
      %get3A_1332 = arith.index_cast %mul3A_1319 : i32 to index
      %get3A_1333 = tpu.vector_load %arg8[%get3A_1330, %get3A_1331, %get3A_1332] {strides = array<i32>} : memref<2x32x768xf32, #tpu.memory_space<vmem>>, vector<1x1x16xf32>,
      %get3A_1334 = vector.shape_cast %get3A_1333 : vector<1x1x16xf32> to vector<16xf32>
      %mul3A_1335 = arith.mulf %get3A_1334, %get3A_235 : vector<16xf32>
      %add3A_1336 = arith.addf %mul3A_1327, %mul3A_1335 : vector<16xf32>
      %swap3A = arith.constant 0 : i32
      %swap3A_1337 = arith.constant 10 : i32
      %swap3A_1338 = arith.index_cast %swap3A : i32 to index
      %swap3A_1339 = arith.index_cast %swap3A_1337 : i32 to index
      %swap3A_1340 = arith.index_cast %mul3A_1319 : i32 to index
      %swap3A_1341 = tpu.vector_load %arg9[%swap3A_1338, %swap3A_1339, %swap3A_1340] {strides = array<i32>} : memref<2x16x768xf32, #tpu.memory_space<vmem>>, vector<1x1x16xf32>,
      %swap3A_1342 = vector.shape_cast %swap3A_1341 : vector<1x1x16xf32> to vector<16xf32>
      %swap3A_1343 = vector.shape_cast %add3A_1336 : vector<16xf32> to vector<1x1x16xf32>
      tpu.vector_store %arg9[%swap3A_1338, %swap3A_1339, %swap3A_1340], %swap3A_1343 {strides = array<i32>} : memref<2x16x768xf32, #tpu.memory_space<vmem>>, vector<1x1x16xf32>,
      %scan3A_1344 = arith.constant 0 : i32
      scf.yield %scan3A_1344 : i32
    }
    %scan3A_242 = arith.constant 48 : i32
    %get3A_243 = arith.constant 22 : i32
    %get3A_244 = arith.index_cast %get3A_243 : i32 to index
    %get3A_245 = arith.constant 0 : index
    %get3A_246 = tpu.vector_load %arg7[%get3A_244, %get3A_245] {strides = array<i32>} : memref<128x128xf32, #tpu.memory_space<vmem>>, vector<1x16xf32>,
    %get3A_247 = vector.shape_cast %get3A_246 : vector<1x16xf32> to vector<16xf32>
    %get3A_248 = arith.constant 23 : i32
    %get3A_249 = arith.index_cast %get3A_248 : i32 to index
    %get3A_250 = arith.constant 0 : index
    %get3A_251 = tpu.vector_load %arg7[%get3A_249, %get3A_250] {strides = array<i32>} : memref<128x128xf32, #tpu.memory_space<vmem>>, vector<1x16xf32>,
    %get3A_252 = vector.shape_cast %get3A_251 : vector<1x16xf32> to vector<16xf32>
    %scan3A_253 = arith.constant 0 : i32
    %scan3A_254 = arith.constant 0 : i32
    %scan3A_255 = arith.constant 48 : i32
    %scan3A_256 = arith.addi %scan3A_254, %scan3A_255 : i32
    %scan3A_257 = arith.constant 1 : i32
    %scan3A_258 = scf.for %scan3A_1316 = %scan3A_254 to %scan3A_256 step %scan3A_257 iter_args(%scan3A_1317 = %scan3A_253) -> (i32)  : i32 {
      %mul3A_1318 = arith.constant 16 : i32
      %mul3A_1319 = arith.muli %scan3A_1316, %mul3A_1318 : i32
      %get3A_1320 = arith.constant 0 : i32
      %get3A_1321 = arith.constant 22 : i32
      %get3A_1322 = arith.index_cast %get3A_1320 : i32 to index
      %get3A_1323 = arith.index_cast %get3A_1321 : i32 to index
      %get3A_1324 = arith.index_cast %mul3A_1319 : i32 to index
      %get3A_1325 = tpu.vector_load %arg8[%get3A_1322, %get3A_1323, %get3A_1324] {strides = array<i32>} : memref<2x32x768xf32, #tpu.memory_space<vmem>>, vector<1x1x16xf32>,
      %get3A_1326 = vector.shape_cast %get3A_1325 : vector<1x1x16xf32> to vector<16xf32>
      %mul3A_1327 = arith.mulf %get3A_1326, %get3A_247 : vector<16xf32>
      %get3A_1328 = arith.constant 0 : i32
      %get3A_1329 = arith.constant 23 : i32
      %get3A_1330 = arith.index_cast %get3A_1328 : i32 to index
      %get3A_1331 = arith.index_cast %get3A_1329 : i32 to index
      %get3A_1332 = arith.index_cast %mul3A_1319 : i32 to index
      %get3A_1333 = tpu.vector_load %arg8[%get3A_1330, %get3A_1331, %get3A_1332] {strides = array<i32>} : memref<2x32x768xf32, #tpu.memory_space<vmem>>, vector<1x1x16xf32>,
      %get3A_1334 = vector.shape_cast %get3A_1333 : vector<1x1x16xf32> to vector<16xf32>
      %mul3A_1335 = arith.mulf %get3A_1334, %get3A_252 : vector<16xf32>
      %add3A_1336 = arith.addf %mul3A_1327, %mul3A_1335 : vector<16xf32>
      %swap3A = arith.constant 0 : i32
      %swap3A_1337 = arith.constant 11 : i32
      %swap3A_1338 = arith.index_cast %swap3A : i32 to index
      %swap3A_1339 = arith.index_cast %swap3A_1337 : i32 to index
      %swap3A_1340 = arith.index_cast %mul3A_1319 : i32 to index
      %swap3A_1341 = tpu.vector_load %arg9[%swap3A_1338, %swap3A_1339, %swap3A_1340] {strides = array<i32>} : memref<2x16x768xf32, #tpu.memory_space<vmem>>, vector<1x1x16xf32>,
      %swap3A_1342 = vector.shape_cast %swap3A_1341 : vector<1x1x16xf32> to vector<16xf32>
      %swap3A_1343 = vector.shape_cast %add3A_1336 : vector<16xf32> to vector<1x1x16xf32>
      tpu.vector_store %arg9[%swap3A_1338, %swap3A_1339, %swap3A_1340], %swap3A_1343 {strides = array<i32>} : memref<2x16x768xf32, #tpu.memory_space<vmem>>, vector<1x1x16xf32>,
      %scan3A_1344 = arith.constant 0 : i32
      scf.yield %scan3A_1344 : i32
    }
    %scan3A_259 = arith.constant 48 : i32
    %get3A_260 = arith.constant 24 : i32
    %get3A_261 = arith.index_cast %get3A_260 : i32 to index
    %get3A_262 = arith.constant 0 : index
    %get3A_263 = tpu.vector_load %arg7[%get3A_261, %get3A_262] {strides = array<i32>} : memref<128x128xf32, #tpu.memory_space<vmem>>, vector<1x16xf32>,
    %get3A_264 = vector.shape_cast %get3A_263 : vector<1x16xf32> to vector<16xf32>
    %get3A_265 = arith.constant 25 : i32
    %get3A_266 = arith.index_cast %get3A_265 : i32 to index
    %get3A_267 = arith.constant 0 : index
    %get3A_268 = tpu.vector_load %arg7[%get3A_266, %get3A_267] {strides = array<i32>} : memref<128x128xf32, #tpu.memory_space<vmem>>, vector<1x16xf32>,
    %get3A_269 = vector.shape_cast %get3A_268 : vector<1x16xf32> to vector<16xf32>
    %scan3A_270 = arith.constant 0 : i32
    %scan3A_271 = arith.constant 0 : i32
    %scan3A_272 = arith.constant 48 : i32
    %scan3A_273 = arith.addi %scan3A_271, %scan3A_272 : i32
    %scan3A_274 = arith.constant 1 : i32
    %scan3A_275 = scf.for %scan3A_1316 = %scan3A_271 to %scan3A_273 step %scan3A_274 iter_args(%scan3A_1317 = %scan3A_270) -> (i32)  : i32 {
      %mul3A_1318 = arith.constant 16 : i32
      %mul3A_1319 = arith.muli %scan3A_1316, %mul3A_1318 : i32
      %get3A_1320 = arith.constant 0 : i32
      %get3A_1321 = arith.constant 24 : i32
      %get3A_1322 = arith.index_cast %get3A_1320 : i32 to index
      %get3A_1323 = arith.index_cast %get3A_1321 : i32 to index
      %get3A_1324 = arith.index_cast %mul3A_1319 : i32 to index
      %get3A_1325 = tpu.vector_load %arg8[%get3A_1322, %get3A_1323, %get3A_1324] {strides = array<i32>} : memref<2x32x768xf32, #tpu.memory_space<vmem>>, vector<1x1x16xf32>,
      %get3A_1326 = vector.shape_cast %get3A_1325 : vector<1x1x16xf32> to vector<16xf32>
      %mul3A_1327 = arith.mulf %get3A_1326, %get3A_264 : vector<16xf32>
      %get3A_1328 = arith.constant 0 : i32
      %get3A_1329 = arith.constant 25 : i32
      %get3A_1330 = arith.index_cast %get3A_1328 : i32 to index
      %get3A_1331 = arith.index_cast %get3A_1329 : i32 to index
      %get3A_1332 = arith.index_cast %mul3A_1319 : i32 to index
      %get3A_1333 = tpu.vector_load %arg8[%get3A_1330, %get3A_1331, %get3A_1332] {strides = array<i32>} : memref<2x32x768xf32, #tpu.memory_space<vmem>>, vector<1x1x16xf32>,
      %get3A_1334 = vector.shape_cast %get3A_1333 : vector<1x1x16xf32> to vector<16xf32>
      %mul3A_1335 = arith.mulf %get3A_1334, %get3A_269 : vector<16xf32>
      %add3A_1336 = arith.addf %mul3A_1327, %mul3A_1335 : vector<16xf32>
      %swap3A = arith.constant 0 : i32
      %swap3A_1337 = arith.constant 12 : i32
      %swap3A_1338 = arith.index_cast %swap3A : i32 to index
      %swap3A_1339 = arith.index_cast %swap3A_1337 : i32 to index
      %swap3A_1340 = arith.index_cast %mul3A_1319 : i32 to index
      %swap3A_1341 = tpu.vector_load %arg9[%swap3A_1338, %swap3A_1339, %swap3A_1340] {strides = array<i32>} : memref<2x16x768xf32, #tpu.memory_space<vmem>>, vector<1x1x16xf32>,
      %swap3A_1342 = vector.shape_cast %swap3A_1341 : vector<1x1x16xf32> to vector<16xf32>
      %swap3A_1343 = vector.shape_cast %add3A_1336 : vector<16xf32> to vector<1x1x16xf32>
      tpu.vector_store %arg9[%swap3A_1338, %swap3A_1339, %swap3A_1340], %swap3A_1343 {strides = array<i32>} : memref<2x16x768xf32, #tpu.memory_space<vmem>>, vector<1x1x16xf32>,
      %scan3A_1344 = arith.constant 0 : i32
      scf.yield %scan3A_1344 : i32
    }
    %scan3A_276 = arith.constant 48 : i32
    %get3A_277 = arith.constant 26 : i32
    %get3A_278 = arith.index_cast %get3A_277 : i32 to index
    %get3A_279 = arith.constant 0 : index
    %get3A_280 = tpu.vector_load %arg7[%get3A_278, %get3A_279] {strides = array<i32>} : memref<128x128xf32, #tpu.memory_space<vmem>>, vector<1x16xf32>,
    %get3A_281 = vector.shape_cast %get3A_280 : vector<1x16xf32> to vector<16xf32>
    %get3A_282 = arith.constant 27 : i32
    %get3A_283 = arith.index_cast %get3A_282 : i32 to index
    %get3A_284 = arith.constant 0 : index
    %get3A_285 = tpu.vector_load %arg7[%get3A_283, %get3A_284] {strides = array<i32>} : memref<128x128xf32, #tpu.memory_space<vmem>>, vector<1x16xf32>,
    %get3A_286 = vector.shape_cast %get3A_285 : vector<1x16xf32> to vector<16xf32>
    %scan3A_287 = arith.constant 0 : i32
    %scan3A_288 = arith.constant 0 : i32
    %scan3A_289 = arith.constant 48 : i32
    %scan3A_290 = arith.addi %scan3A_288, %scan3A_289 : i32
    %scan3A_291 = arith.constant 1 : i32
    %scan3A_292 = scf.for %scan3A_1316 = %scan3A_288 to %scan3A_290 step %scan3A_291 iter_args(%scan3A_1317 = %scan3A_287) -> (i32)  : i32 {
      %mul3A_1318 = arith.constant 16 : i32
      %mul3A_1319 = arith.muli %scan3A_1316, %mul3A_1318 : i32
      %get3A_1320 = arith.constant 0 : i32
      %get3A_1321 = arith.constant 26 : i32
      %get3A_1322 = arith.index_cast %get3A_1320 : i32 to index
      %get3A_1323 = arith.index_cast %get3A_1321 : i32 to index
      %get3A_1324 = arith.index_cast %mul3A_1319 : i32 to index
      %get3A_1325 = tpu.vector_load %arg8[%get3A_1322, %get3A_1323, %get3A_1324] {strides = array<i32>} : memref<2x32x768xf32, #tpu.memory_space<vmem>>, vector<1x1x16xf32>,
      %get3A_1326 = vector.shape_cast %get3A_1325 : vector<1x1x16xf32> to vector<16xf32>
      %mul3A_1327 = arith.mulf %get3A_1326, %get3A_281 : vector<16xf32>
      %get3A_1328 = arith.constant 0 : i32
      %get3A_1329 = arith.constant 27 : i32
      %get3A_1330 = arith.index_cast %get3A_1328 : i32 to index
      %get3A_1331 = arith.index_cast %get3A_1329 : i32 to index
      %get3A_1332 = arith.index_cast %mul3A_1319 : i32 to index
      %get3A_1333 = tpu.vector_load %arg8[%get3A_1330, %get3A_1331, %get3A_1332] {strides = array<i32>} : memref<2x32x768xf32, #tpu.memory_space<vmem>>, vector<1x1x16xf32>,
      %get3A_1334 = vector.shape_cast %get3A_1333 : vector<1x1x16xf32> to vector<16xf32>
      %mul3A_1335 = arith.mulf %get3A_1334, %get3A_286 : vector<16xf32>
      %add3A_1336 = arith.addf %mul3A_1327, %mul3A_1335 : vector<16xf32>
      %swap3A = arith.constant 0 : i32
      %swap3A_1337 = arith.constant 13 : i32
      %swap3A_1338 = arith.index_cast %swap3A : i32 to index
      %swap3A_1339 = arith.index_cast %swap3A_1337 : i32 to index
      %swap3A_1340 = arith.index_cast %mul3A_1319 : i32 to index
      %swap3A_1341 = tpu.vector_load %arg9[%swap3A_1338, %swap3A_1339, %swap3A_1340] {strides = array<i32>} : memref<2x16x768xf32, #tpu.memory_space<vmem>>, vector<1x1x16xf32>,
      %swap3A_1342 = vector.shape_cast %swap3A_1341 : vector<1x1x16xf32> to vector<16xf32>
      %swap3A_1343 = vector.shape_cast %add3A_1336 : vector<16xf32> to vector<1x1x16xf32>
      tpu.vector_store %arg9[%swap3A_1338, %swap3A_1339, %swap3A_1340], %swap3A_1343 {strides = array<i32>} : memref<2x16x768xf32, #tpu.memory_space<vmem>>, vector<1x1x16xf32>,
      %scan3A_1344 = arith.constant 0 : i32
      scf.yield %scan3A_1344 : i32
    }
    %scan3A_293 = arith.constant 48 : i32
    %get3A_294 = arith.constant 28 : i32
    %get3A_295 = arith.index_cast %get3A_294 : i32 to index
    %get3A_296 = arith.constant 0 : index
    %get3A_297 = tpu.vector_load %arg7[%get3A_295, %get3A_296] {strides = array<i32>} : memref<128x128xf32, #tpu.memory_space<vmem>>, vector<1x16xf32>,
    %get3A_298 = vector.shape_cast %get3A_297 : vector<1x16xf32> to vector<16xf32>
    %get3A_299 = arith.constant 29 : i32
    %get3A_300 = arith.index_cast %get3A_299 : i32 to index
    %get3A_301 = arith.constant 0 : index
    %get3A_302 = tpu.vector_load %arg7[%get3A_300, %get3A_301] {strides = array<i32>} : memref<128x128xf32, #tpu.memory_space<vmem>>, vector<1x16xf32>,
    %get3A_303 = vector.shape_cast %get3A_302 : vector<1x16xf32> to vector<16xf32>
    %scan3A_304 = arith.constant 0 : i32
    %scan3A_305 = arith.constant 0 : i32
    %scan3A_306 = arith.constant 48 : i32
    %scan3A_307 = arith.addi %scan3A_305, %scan3A_306 : i32
    %scan3A_308 = arith.constant 1 : i32
    %scan3A_309 = scf.for %scan3A_1316 = %scan3A_305 to %scan3A_307 step %scan3A_308 iter_args(%scan3A_1317 = %scan3A_304) -> (i32)  : i32 {
      %mul3A_1318 = arith.constant 16 : i32
      %mul3A_1319 = arith.muli %scan3A_1316, %mul3A_1318 : i32
      %get3A_1320 = arith.constant 0 : i32
      %get3A_1321 = arith.constant 28 : i32
      %get3A_1322 = arith.index_cast %get3A_1320 : i32 to index
      %get3A_1323 = arith.index_cast %get3A_1321 : i32 to index
      %get3A_1324 = arith.index_cast %mul3A_1319 : i32 to index
      %get3A_1325 = tpu.vector_load %arg8[%get3A_1322, %get3A_1323, %get3A_1324] {strides = array<i32>} : memref<2x32x768xf32, #tpu.memory_space<vmem>>, vector<1x1x16xf32>,
      %get3A_1326 = vector.shape_cast %get3A_1325 : vector<1x1x16xf32> to vector<16xf32>
      %mul3A_1327 = arith.mulf %get3A_1326, %get3A_298 : vector<16xf32>
      %get3A_1328 = arith.constant 0 : i32
      %get3A_1329 = arith.constant 29 : i32
      %get3A_1330 = arith.index_cast %get3A_1328 : i32 to index
      %get3A_1331 = arith.index_cast %get3A_1329 : i32 to index
      %get3A_1332 = arith.index_cast %mul3A_1319 : i32 to index
      %get3A_1333 = tpu.vector_load %arg8[%get3A_1330, %get3A_1331, %get3A_1332] {strides = array<i32>} : memref<2x32x768xf32, #tpu.memory_space<vmem>>, vector<1x1x16xf32>,
      %get3A_1334 = vector.shape_cast %get3A_1333 : vector<1x1x16xf32> to vector<16xf32>
      %mul3A_1335 = arith.mulf %get3A_1334, %get3A_303 : vector<16xf32>
      %add3A_1336 = arith.addf %mul3A_1327, %mul3A_1335 : vector<16xf32>
      %swap3A = arith.constant 0 : i32
      %swap3A_1337 = arith.constant 14 : i32
      %swap3A_1338 = arith.index_cast %swap3A : i32 to index
      %swap3A_1339 = arith.index_cast %swap3A_1337 : i32 to index
      %swap3A_1340 = arith.index_cast %mul3A_1319 : i32 to index
      %swap3A_1341 = tpu.vector_load %arg9[%swap3A_1338, %swap3A_1339, %swap3A_1340] {strides = array<i32>} : memref<2x16x768xf32, #tpu.memory_space<vmem>>, vector<1x1x16xf32>,
      %swap3A_1342 = vector.shape_cast %swap3A_1341 : vector<1x1x16xf32> to vector<16xf32>
      %swap3A_1343 = vector.shape_cast %add3A_1336 : vector<16xf32> to vector<1x1x16xf32>
      tpu.vector_store %arg9[%swap3A_1338, %swap3A_1339, %swap3A_1340], %swap3A_1343 {strides = array<i32>} : memref<2x16x768xf32, #tpu.memory_space<vmem>>, vector<1x1x16xf32>,
      %scan3A_1344 = arith.constant 0 : i32
      scf.yield %scan3A_1344 : i32
    }
    %scan3A_310 = arith.constant 48 : i32
    %get3A_311 = arith.constant 30 : i32
    %get3A_312 = arith.index_cast %get3A_311 : i32 to index
    %get3A_313 = arith.constant 0 : index
    %get3A_314 = tpu.vector_load %arg7[%get3A_312, %get3A_313] {strides = array<i32>} : memref<128x128xf32, #tpu.memory_space<vmem>>, vector<1x16xf32>,
    %get3A_315 = vector.shape_cast %get3A_314 : vector<1x16xf32> to vector<16xf32>
    %get3A_316 = arith.constant 31 : i32
    %get3A_317 = arith.index_cast %get3A_316 : i32 to index
    %get3A_318 = arith.constant 0 : index
    %get3A_319 = tpu.vector_load %arg7[%get3A_317, %get3A_318] {strides = array<i32>} : memref<128x128xf32, #tpu.memory_space<vmem>>, vector<1x16xf32>,
    %get3A_320 = vector.shape_cast %get3A_319 : vector<1x16xf32> to vector<16xf32>
    %scan3A_321 = arith.constant 0 : i32
    %scan3A_322 = arith.constant 0 : i32
    %scan3A_323 = arith.constant 48 : i32
    %scan3A_324 = arith.addi %scan3A_322, %scan3A_323 : i32
    %scan3A_325 = arith.constant 1 : i32
    %scan3A_326 = scf.for %scan3A_1316 = %scan3A_322 to %scan3A_324 step %scan3A_325 iter_args(%scan3A_1317 = %scan3A_321) -> (i32)  : i32 {
      %mul3A_1318 = arith.constant 16 : i32
      %mul3A_1319 = arith.muli %scan3A_1316, %mul3A_1318 : i32
      %get3A_1320 = arith.constant 0 : i32
      %get3A_1321 = arith.constant 30 : i32
      %get3A_1322 = arith.index_cast %get3A_1320 : i32 to index
      %get3A_1323 = arith.index_cast %get3A_1321 : i32 to index
      %get3A_1324 = arith.index_cast %mul3A_1319 : i32 to index
      %get3A_1325 = tpu.vector_load %arg8[%get3A_1322, %get3A_1323, %get3A_1324] {strides = array<i32>} : memref<2x32x768xf32, #tpu.memory_space<vmem>>, vector<1x1x16xf32>,
      %get3A_1326 = vector.shape_cast %get3A_1325 : vector<1x1x16xf32> to vector<16xf32>
      %mul3A_1327 = arith.mulf %get3A_1326, %get3A_315 : vector<16xf32>
      %get3A_1328 = arith.constant 0 : i32
      %get3A_1329 = arith.constant 31 : i32
      %get3A_1330 = arith.index_cast %get3A_1328 : i32 to index
      %get3A_1331 = arith.index_cast %get3A_1329 : i32 to index
      %get3A_1332 = arith.index_cast %mul3A_1319 : i32 to index
      %get3A_1333 = tpu.vector_load %arg8[%get3A_1330, %get3A_1331, %get3A_1332] {strides = array<i32>} : memref<2x32x768xf32, #tpu.memory_space<vmem>>, vector<1x1x16xf32>,
      %get3A_1334 = vector.shape_cast %get3A_1333 : vector<1x1x16xf32> to vector<16xf32>
      %mul3A_1335 = arith.mulf %get3A_1334, %get3A_320 : vector<16xf32>
      %add3A_1336 = arith.addf %mul3A_1327, %mul3A_1335 : vector<16xf32>
      %swap3A = arith.constant 0 : i32
      %swap3A_1337 = arith.constant 15 : i32
      %swap3A_1338 = arith.index_cast %swap3A : i32 to index
      %swap3A_1339 = arith.index_cast %swap3A_1337 : i32 to index
      %swap3A_1340 = arith.index_cast %mul3A_1319 : i32 to index
      %swap3A_1341 = tpu.vector_load %arg9[%swap3A_1338, %swap3A_1339, %swap3A_1340] {strides = array<i32>} : memref<2x16x768xf32, #tpu.memory_space<vmem>>, vector<1x1x16xf32>,
      %swap3A_1342 = vector.shape_cast %swap3A_1341 : vector<1x1x16xf32> to vector<16xf32>
      %swap3A_1343 = vector.shape_cast %add3A_1336 : vector<16xf32> to vector<1x1x16xf32>
      tpu.vector_store %arg9[%swap3A_1338, %swap3A_1339, %swap3A_1340], %swap3A_1343 {strides = array<i32>} : memref<2x16x768xf32, #tpu.memory_space<vmem>>, vector<1x1x16xf32>,
      %scan3A_1344 = arith.constant 0 : i32
      scf.yield %scan3A_1344 : i32
    }
    %scan3A_327 = arith.constant 48 : i32
    %dma_start3A_328 = arith.constant 2 : i32
    %dma_start3A_329 = arith.constant 0 : i32
    %dma_start3A_330 = arith.constant 0 : i32
    %dma_start3A_331 = arith.constant 0 : i32
    %dma_start3A_332 = tpu.memref_slice %arg8[%dma_start3A_329, %dma_start3A_330, %dma_start3A_331] : memref<2x32x768xf32, #tpu.memory_space<vmem>> -> memref<1x32x768xf32, #tpu.memory_space<vmem>>
    %dma_start3A_333 = tpu.memref_squeeze %dma_start3A_332 : memref<1x32x768xf32, #tpu.memory_space<vmem>> -> memref<32x768xf32, #tpu.memory_space<vmem>>
    %dma_start3A_334 = arith.constant 0 : i32
    %dma_start3A_335 = tpu.memref_slice %arg6[%dma_start3A_328, %dma_start3A_334] : memref<4x32xi32, #tpu.memory_space<vmem>> -> memref<1x32xi32, #tpu.memory_space<vmem>>
    %dma_start3A_336 = tpu.memref_squeeze %dma_start3A_335 : memref<1x32xi32, #tpu.memory_space<vmem>> -> memref<32xi32, #tpu.memory_space<vmem>>
    %dma_start3A_337 = arith.constant 0 : i32
    %dma_start3A_338 = arith.constant 0 : i32
    %dma_start3A_339 = tpu.memref_slice %arg2[%dma_start3A_337, %dma_start3A_338] : memref<12288x768xf32, #tpu.memory_space<hbm>> -> memref<12288x768xf32, #tpu.memory_space<hbm>>
    tpu.enqueue_indirect_dma source(%dma_start3A_339 : memref<12288x768xf32, #tpu.memory_space<hbm>>) target(%dma_start3A_333 : memref<32x768xf32, #tpu.memory_space<vmem>>) offsets(%dma_start3A_336 : memref<32xi32, #tpu.memory_space<vmem>>) semaphore(%arg10 : memref<!tpu.dma_semaphore, #tpu.memory_space<semaphore_mem>>)
    %add3A_340 = arith.constant 0 : i32
    %add3A_341 = arith.addi %mul3A_2, %add3A_340 : i32
    %dma_start3A_342 = arith.constant 0 : i32
    %dma_start3A_343 = arith.constant 0 : i32
    %dma_start3A_344 = arith.constant 0 : i32
    %dma_start3A_345 = tpu.memref_slice %arg9[%dma_start3A_342, %dma_start3A_343, %dma_start3A_344] : memref<2x16x768xf32, #tpu.memory_space<vmem>> -> memref<1x16x768xf32, #tpu.memory_space<vmem>>
    %dma_start3A_346 = tpu.memref_squeeze %dma_start3A_345 : memref<1x16x768xf32, #tpu.memory_space<vmem>> -> memref<16x768xf32, #tpu.memory_space<vmem>>
    %dma_start3A_347 = arith.constant 0 : i32
    %dma_start3A_348 = tpu.memref_slice %arg5[%add3A_341, %dma_start3A_347] : memref<2048x768xf32, #tpu.memory_space<hbm>> -> memref<16x768xf32, #tpu.memory_space<hbm>>
    %dma_start3A_349 = arith.constant 0 : i32
    %dma_start3A_350 = tpu.memref_slice %arg5[%add3A_341, %dma_start3A_349] : memref<2048x768xf32, #tpu.memory_space<hbm>> -> memref<16x768xf32, #tpu.memory_space<hbm>>
    %dma_start3A_351 = arith.constant 0 : i32
    %dma_start3A_352 = arith.constant 0 : i32
    %dma_start3A_353 = tpu.memref_slice %arg9[%dma_start3A_342, %dma_start3A_351, %dma_start3A_352] : memref<2x16x768xf32, #tpu.memory_space<vmem>> -> memref<1x16x768xf32, #tpu.memory_space<vmem>>
    %dma_start3A_354 = tpu.memref_squeeze %dma_start3A_353 : memref<1x16x768xf32, #tpu.memory_space<vmem>> -> memref<16x768xf32, #tpu.memory_space<vmem>>
    tpu.enqueue_dma source(%dma_start3A_354 : memref<16x768xf32, #tpu.memory_space<vmem>>) target(%dma_start3A_350 : memref<16x768xf32, #tpu.memory_space<hbm>>) target_semaphore(%arg12 : memref<!tpu.dma_semaphore, #tpu.memory_space<semaphore_mem>>)
    %dma_wait3A_355 = arith.constant 1 : i32
    %dma_wait3A_356 = arith.constant 1 : i32
    %dma_wait3A_357 = arith.constant 0 : i32
    %dma_wait3A_358 = arith.constant 0 : i32
    %dma_wait3A_359 = tpu.memref_slice %arg8[%dma_wait3A_356, %dma_wait3A_357, %dma_wait3A_358] : memref<2x32x768xf32, #tpu.memory_space<vmem>> -> memref<1x32x768xf32, #tpu.memory_space<vmem>>
    %dma_wait3A_360 = tpu.memref_squeeze %dma_wait3A_359 : memref<1x32x768xf32, #tpu.memory_space<vmem>> -> memref<32x768xf32, #tpu.memory_space<vmem>>
    %dma_wait3A_361 = arith.constant 0 : i32
    %dma_wait3A_362 = tpu.memref_slice %arg6[%dma_wait3A_355, %dma_wait3A_361] : memref<4x32xi32, #tpu.memory_space<vmem>> -> memref<1x32xi32, #tpu.memory_space<vmem>>
    %dma_wait3A_363 = tpu.memref_squeeze %dma_wait3A_362 : memref<1x32xi32, #tpu.memory_space<vmem>> -> memref<32xi32, #tpu.memory_space<vmem>>
    %dma_wait3A_364 = arith.constant 0 : i32
    %dma_wait3A_365 = arith.constant 0 : i32
    %dma_wait3A_366 = tpu.memref_slice %arg2[%dma_wait3A_364, %dma_wait3A_365] : memref<12288x768xf32, #tpu.memory_space<hbm>> -> memref<12288x768xf32, #tpu.memory_space<hbm>>
    tpu.wait_indirect_dma semaphore(%arg11 : memref<!tpu.dma_semaphore, #tpu.memory_space<semaphore_mem>>) src(%dma_wait3A_366 : memref<12288x768xf32, #tpu.memory_space<hbm>>) dst(%dma_wait3A_360 : memref<32x768xf32, #tpu.memory_space<vmem>>)
    %get3A_367 = arith.constant 32 : i32
    %get3A_368 = arith.index_cast %get3A_367 : i32 to index
    %get3A_369 = arith.constant 0 : index
    %get3A_370 = tpu.vector_load %arg7[%get3A_368, %get3A_369] {strides = array<i32>} : memref<128x128xf32, #tpu.memory_space<vmem>>, vector<1x16xf32>,
    %get3A_371 = vector.shape_cast %get3A_370 : vector<1x16xf32> to vector<16xf32>
    %get3A_372 = arith.constant 33 : i32
    %get3A_373 = arith.index_cast %get3A_372 : i32 to index
    %get3A_374 = arith.constant 0 : index
    %get3A_375 = tpu.vector_load %arg7[%get3A_373, %get3A_374] {strides = array<i32>} : memref<128x128xf32, #tpu.memory_space<vmem>>, vector<1x16xf32>,
    %get3A_376 = vector.shape_cast %get3A_375 : vector<1x16xf32> to vector<16xf32>
    %scan3A_377 = arith.constant 0 : i32
    %scan3A_378 = arith.constant 0 : i32
    %scan3A_379 = arith.constant 48 : i32
    %scan3A_380 = arith.addi %scan3A_378, %scan3A_379 : i32
    %scan3A_381 = arith.constant 1 : i32
    %scan3A_382 = scf.for %scan3A_1316 = %scan3A_378 to %scan3A_380 step %scan3A_381 iter_args(%scan3A_1317 = %scan3A_377) -> (i32)  : i32 {
      %mul3A_1318 = arith.constant 16 : i32
      %mul3A_1319 = arith.muli %scan3A_1316, %mul3A_1318 : i32
      %get3A_1320 = arith.constant 1 : i32
      %get3A_1321 = arith.constant 0 : i32
      %get3A_1322 = arith.index_cast %get3A_1320 : i32 to index
      %get3A_1323 = arith.index_cast %get3A_1321 : i32 to index
      %get3A_1324 = arith.index_cast %mul3A_1319 : i32 to index
      %get3A_1325 = tpu.vector_load %arg8[%get3A_1322, %get3A_1323, %get3A_1324] {strides = array<i32>} : memref<2x32x768xf32, #tpu.memory_space<vmem>>, vector<1x1x16xf32>,
      %get3A_1326 = vector.shape_cast %get3A_1325 : vector<1x1x16xf32> to vector<16xf32>
      %mul3A_1327 = arith.mulf %get3A_1326, %get3A_371 : vector<16xf32>
      %get3A_1328 = arith.constant 1 : i32
      %get3A_1329 = arith.constant 1 : i32
      %get3A_1330 = arith.index_cast %get3A_1328 : i32 to index
      %get3A_1331 = arith.index_cast %get3A_1329 : i32 to index
      %get3A_1332 = arith.index_cast %mul3A_1319 : i32 to index
      %get3A_1333 = tpu.vector_load %arg8[%get3A_1330, %get3A_1331, %get3A_1332] {strides = array<i32>} : memref<2x32x768xf32, #tpu.memory_space<vmem>>, vector<1x1x16xf32>,
      %get3A_1334 = vector.shape_cast %get3A_1333 : vector<1x1x16xf32> to vector<16xf32>
      %mul3A_1335 = arith.mulf %get3A_1334, %get3A_376 : vector<16xf32>
      %add3A_1336 = arith.addf %mul3A_1327, %mul3A_1335 : vector<16xf32>
      %swap3A = arith.constant 1 : i32
      %swap3A_1337 = arith.constant 0 : i32
      %swap3A_1338 = arith.index_cast %swap3A : i32 to index
      %swap3A_1339 = arith.index_cast %swap3A_1337 : i32 to index
      %swap3A_1340 = arith.index_cast %mul3A_1319 : i32 to index
      %swap3A_1341 = tpu.vector_load %arg9[%swap3A_1338, %swap3A_1339, %swap3A_1340] {strides = array<i32>} : memref<2x16x768xf32, #tpu.memory_space<vmem>>, vector<1x1x16xf32>,
      %swap3A_1342 = vector.shape_cast %swap3A_1341 : vector<1x1x16xf32> to vector<16xf32>
      %swap3A_1343 = vector.shape_cast %add3A_1336 : vector<16xf32> to vector<1x1x16xf32>
      tpu.vector_store %arg9[%swap3A_1338, %swap3A_1339, %swap3A_1340], %swap3A_1343 {strides = array<i32>} : memref<2x16x768xf32, #tpu.memory_space<vmem>>, vector<1x1x16xf32>,
      %scan3A_1344 = arith.constant 0 : i32
      scf.yield %scan3A_1344 : i32
    }
    %scan3A_383 = arith.constant 48 : i32
    %get3A_384 = arith.constant 34 : i32
    %get3A_385 = arith.index_cast %get3A_384 : i32 to index
    %get3A_386 = arith.constant 0 : index
    %get3A_387 = tpu.vector_load %arg7[%get3A_385, %get3A_386] {strides = array<i32>} : memref<128x128xf32, #tpu.memory_space<vmem>>, vector<1x16xf32>,
    %get3A_388 = vector.shape_cast %get3A_387 : vector<1x16xf32> to vector<16xf32>
    %get3A_389 = arith.constant 35 : i32
    %get3A_390 = arith.index_cast %get3A_389 : i32 to index
    %get3A_391 = arith.constant 0 : index
    %get3A_392 = tpu.vector_load %arg7[%get3A_390, %get3A_391] {strides = array<i32>} : memref<128x128xf32, #tpu.memory_space<vmem>>, vector<1x16xf32>,
    %get3A_393 = vector.shape_cast %get3A_392 : vector<1x16xf32> to vector<16xf32>
    %scan3A_394 = arith.constant 0 : i32
    %scan3A_395 = arith.constant 0 : i32
    %scan3A_396 = arith.constant 48 : i32
    %scan3A_397 = arith.addi %scan3A_395, %scan3A_396 : i32
    %scan3A_398 = arith.constant 1 : i32
    %scan3A_399 = scf.for %scan3A_1316 = %scan3A_395 to %scan3A_397 step %scan3A_398 iter_args(%scan3A_1317 = %scan3A_394) -> (i32)  : i32 {
      %mul3A_1318 = arith.constant 16 : i32
      %mul3A_1319 = arith.muli %scan3A_1316, %mul3A_1318 : i32
      %get3A_1320 = arith.constant 1 : i32
      %get3A_1321 = arith.constant 2 : i32
      %get3A_1322 = arith.index_cast %get3A_1320 : i32 to index
      %get3A_1323 = arith.index_cast %get3A_1321 : i32 to index
      %get3A_1324 = arith.index_cast %mul3A_1319 : i32 to index
      %get3A_1325 = tpu.vector_load %arg8[%get3A_1322, %get3A_1323, %get3A_1324] {strides = array<i32>} : memref<2x32x768xf32, #tpu.memory_space<vmem>>, vector<1x1x16xf32>,
      %get3A_1326 = vector.shape_cast %get3A_1325 : vector<1x1x16xf32> to vector<16xf32>
      %mul3A_1327 = arith.mulf %get3A_1326, %get3A_388 : vector<16xf32>
      %get3A_1328 = arith.constant 1 : i32
      %get3A_1329 = arith.constant 3 : i32
      %get3A_1330 = arith.index_cast %get3A_1328 : i32 to index
      %get3A_1331 = arith.index_cast %get3A_1329 : i32 to index
      %get3A_1332 = arith.index_cast %mul3A_1319 : i32 to index
      %get3A_1333 = tpu.vector_load %arg8[%get3A_1330, %get3A_1331, %get3A_1332] {strides = array<i32>} : memref<2x32x768xf32, #tpu.memory_space<vmem>>, vector<1x1x16xf32>,
      %get3A_1334 = vector.shape_cast %get3A_1333 : vector<1x1x16xf32> to vector<16xf32>
      %mul3A_1335 = arith.mulf %get3A_1334, %get3A_393 : vector<16xf32>
      %add3A_1336 = arith.addf %mul3A_1327, %mul3A_1335 : vector<16xf32>
      %swap3A = arith.constant 1 : i32
      %swap3A_1337 = arith.constant 1 : i32
      %swap3A_1338 = arith.index_cast %swap3A : i32 to index
      %swap3A_1339 = arith.index_cast %swap3A_1337 : i32 to index
      %swap3A_1340 = arith.index_cast %mul3A_1319 : i32 to index
      %swap3A_1341 = tpu.vector_load %arg9[%swap3A_1338, %swap3A_1339, %swap3A_1340] {strides = array<i32>} : memref<2x16x768xf32, #tpu.memory_space<vmem>>, vector<1x1x16xf32>,
      %swap3A_1342 = vector.shape_cast %swap3A_1341 : vector<1x1x16xf32> to vector<16xf32>
      %swap3A_1343 = vector.shape_cast %add3A_1336 : vector<16xf32> to vector<1x1x16xf32>
      tpu.vector_store %arg9[%swap3A_1338, %swap3A_1339, %swap3A_1340], %swap3A_1343 {strides = array<i32>} : memref<2x16x768xf32, #tpu.memory_space<vmem>>, vector<1x1x16xf32>,
      %scan3A_1344 = arith.constant 0 : i32
      scf.yield %scan3A_1344 : i32
    }
    %scan3A_400 = arith.constant 48 : i32
    %get3A_401 = arith.constant 36 : i32
    %get3A_402 = arith.index_cast %get3A_401 : i32 to index
    %get3A_403 = arith.constant 0 : index
    %get3A_404 = tpu.vector_load %arg7[%get3A_402, %get3A_403] {strides = array<i32>} : memref<128x128xf32, #tpu.memory_space<vmem>>, vector<1x16xf32>,
    %get3A_405 = vector.shape_cast %get3A_404 : vector<1x16xf32> to vector<16xf32>
    %get3A_406 = arith.constant 37 : i32
    %get3A_407 = arith.index_cast %get3A_406 : i32 to index
    %get3A_408 = arith.constant 0 : index
    %get3A_409 = tpu.vector_load %arg7[%get3A_407, %get3A_408] {strides = array<i32>} : memref<128x128xf32, #tpu.memory_space<vmem>>, vector<1x16xf32>,
    %get3A_410 = vector.shape_cast %get3A_409 : vector<1x16xf32> to vector<16xf32>
    %scan3A_411 = arith.constant 0 : i32
    %scan3A_412 = arith.constant 0 : i32
    %scan3A_413 = arith.constant 48 : i32
    %scan3A_414 = arith.addi %scan3A_412, %scan3A_413 : i32
    %scan3A_415 = arith.constant 1 : i32
    %scan3A_416 = scf.for %scan3A_1316 = %scan3A_412 to %scan3A_414 step %scan3A_415 iter_args(%scan3A_1317 = %scan3A_411) -> (i32)  : i32 {
      %mul3A_1318 = arith.constant 16 : i32
      %mul3A_1319 = arith.muli %scan3A_1316, %mul3A_1318 : i32
      %get3A_1320 = arith.constant 1 : i32
      %get3A_1321 = arith.constant 4 : i32
      %get3A_1322 = arith.index_cast %get3A_1320 : i32 to index
      %get3A_1323 = arith.index_cast %get3A_1321 : i32 to index
      %get3A_1324 = arith.index_cast %mul3A_1319 : i32 to index
      %get3A_1325 = tpu.vector_load %arg8[%get3A_1322, %get3A_1323, %get3A_1324] {strides = array<i32>} : memref<2x32x768xf32, #tpu.memory_space<vmem>>, vector<1x1x16xf32>,
      %get3A_1326 = vector.shape_cast %get3A_1325 : vector<1x1x16xf32> to vector<16xf32>
      %mul3A_1327 = arith.mulf %get3A_1326, %get3A_405 : vector<16xf32>
      %get3A_1328 = arith.constant 1 : i32
      %get3A_1329 = arith.constant 5 : i32
      %get3A_1330 = arith.index_cast %get3A_1328 : i32 to index
      %get3A_1331 = arith.index_cast %get3A_1329 : i32 to index
      %get3A_1332 = arith.index_cast %mul3A_1319 : i32 to index
      %get3A_1333 = tpu.vector_load %arg8[%get3A_1330, %get3A_1331, %get3A_1332] {strides = array<i32>} : memref<2x32x768xf32, #tpu.memory_space<vmem>>, vector<1x1x16xf32>,
      %get3A_1334 = vector.shape_cast %get3A_1333 : vector<1x1x16xf32> to vector<16xf32>
      %mul3A_1335 = arith.mulf %get3A_1334, %get3A_410 : vector<16xf32>
      %add3A_1336 = arith.addf %mul3A_1327, %mul3A_1335 : vector<16xf32>
      %swap3A = arith.constant 1 : i32
      %swap3A_1337 = arith.constant 2 : i32
      %swap3A_1338 = arith.index_cast %swap3A : i32 to index
      %swap3A_1339 = arith.index_cast %swap3A_1337 : i32 to index
      %swap3A_1340 = arith.index_cast %mul3A_1319 : i32 to index
      %swap3A_1341 = tpu.vector_load %arg9[%swap3A_1338, %swap3A_1339, %swap3A_1340] {strides = array<i32>} : memref<2x16x768xf32, #tpu.memory_space<vmem>>, vector<1x1x16xf32>,
      %swap3A_1342 = vector.shape_cast %swap3A_1341 : vector<1x1x16xf32> to vector<16xf32>
      %swap3A_1343 = vector.shape_cast %add3A_1336 : vector<16xf32> to vector<1x1x16xf32>
      tpu.vector_store %arg9[%swap3A_1338, %swap3A_1339, %swap3A_1340], %swap3A_1343 {strides = array<i32>} : memref<2x16x768xf32, #tpu.memory_space<vmem>>, vector<1x1x16xf32>,
      %scan3A_1344 = arith.constant 0 : i32
      scf.yield %scan3A_1344 : i32
    }
    %scan3A_417 = arith.constant 48 : i32
    %get3A_418 = arith.constant 38 : i32
    %get3A_419 = arith.index_cast %get3A_418 : i32 to index
    %get3A_420 = arith.constant 0 : index
    %get3A_421 = tpu.vector_load %arg7[%get3A_419, %get3A_420] {strides = array<i32>} : memref<128x128xf32, #tpu.memory_space<vmem>>, vector<1x16xf32>,
    %get3A_422 = vector.shape_cast %get3A_421 : vector<1x16xf32> to vector<16xf32>
    %get3A_423 = arith.constant 39 : i32
    %get3A_424 = arith.index_cast %get3A_423 : i32 to index
    %get3A_425 = arith.constant 0 : index
    %get3A_426 = tpu.vector_load %arg7[%get3A_424, %get3A_425] {strides = array<i32>} : memref<128x128xf32, #tpu.memory_space<vmem>>, vector<1x16xf32>,
    %get3A_427 = vector.shape_cast %get3A_426 : vector<1x16xf32> to vector<16xf32>
    %scan3A_428 = arith.constant 0 : i32
    %scan3A_429 = arith.constant 0 : i32
    %scan3A_430 = arith.constant 48 : i32
    %scan3A_431 = arith.addi %scan3A_429, %scan3A_430 : i32
    %scan3A_432 = arith.constant 1 : i32
    %scan3A_433 = scf.for %scan3A_1316 = %scan3A_429 to %scan3A_431 step %scan3A_432 iter_args(%scan3A_1317 = %scan3A_428) -> (i32)  : i32 {
      %mul3A_1318 = arith.constant 16 : i32
      %mul3A_1319 = arith.muli %scan3A_1316, %mul3A_1318 : i32
      %get3A_1320 = arith.constant 1 : i32
      %get3A_1321 = arith.constant 6 : i32
      %get3A_1322 = arith.index_cast %get3A_1320 : i32 to index
      %get3A_1323 = arith.index_cast %get3A_1321 : i32 to index
      %get3A_1324 = arith.index_cast %mul3A_1319 : i32 to index
      %get3A_1325 = tpu.vector_load %arg8[%get3A_1322, %get3A_1323, %get3A_1324] {strides = array<i32>} : memref<2x32x768xf32, #tpu.memory_space<vmem>>, vector<1x1x16xf32>,
      %get3A_1326 = vector.shape_cast %get3A_1325 : vector<1x1x16xf32> to vector<16xf32>
      %mul3A_1327 = arith.mulf %get3A_1326, %get3A_422 : vector<16xf32>
      %get3A_1328 = arith.constant 1 : i32
      %get3A_1329 = arith.constant 7 : i32
      %get3A_1330 = arith.index_cast %get3A_1328 : i32 to index
      %get3A_1331 = arith.index_cast %get3A_1329 : i32 to index
      %get3A_1332 = arith.index_cast %mul3A_1319 : i32 to index
      %get3A_1333 = tpu.vector_load %arg8[%get3A_1330, %get3A_1331, %get3A_1332] {strides = array<i32>} : memref<2x32x768xf32, #tpu.memory_space<vmem>>, vector<1x1x16xf32>,
      %get3A_1334 = vector.shape_cast %get3A_1333 : vector<1x1x16xf32> to vector<16xf32>
      %mul3A_1335 = arith.mulf %get3A_1334, %get3A_427 : vector<16xf32>
      %add3A_1336 = arith.addf %mul3A_1327, %mul3A_1335 : vector<16xf32>
      %swap3A = arith.constant 1 : i32
      %swap3A_1337 = arith.constant 3 : i32
      %swap3A_1338 = arith.index_cast %swap3A : i32 to index
      %swap3A_1339 = arith.index_cast %swap3A_1337 : i32 to index
      %swap3A_1340 = arith.index_cast %mul3A_1319 : i32 to index
      %swap3A_1341 = tpu.vector_load %arg9[%swap3A_1338, %swap3A_1339, %swap3A_1340] {strides = array<i32>} : memref<2x16x768xf32, #tpu.memory_space<vmem>>, vector<1x1x16xf32>,
      %swap3A_1342 = vector.shape_cast %swap3A_1341 : vector<1x1x16xf32> to vector<16xf32>
      %swap3A_1343 = vector.shape_cast %add3A_1336 : vector<16xf32> to vector<1x1x16xf32>
      tpu.vector_store %arg9[%swap3A_1338, %swap3A_1339, %swap3A_1340], %swap3A_1343 {strides = array<i32>} : memref<2x16x768xf32, #tpu.memory_space<vmem>>, vector<1x1x16xf32>,
      %scan3A_1344 = arith.constant 0 : i32
      scf.yield %scan3A_1344 : i32
    }
    %scan3A_434 = arith.constant 48 : i32
    %get3A_435 = arith.constant 40 : i32
    %get3A_436 = arith.index_cast %get3A_435 : i32 to index
    %get3A_437 = arith.constant 0 : index
    %get3A_438 = tpu.vector_load %arg7[%get3A_436, %get3A_437] {strides = array<i32>} : memref<128x128xf32, #tpu.memory_space<vmem>>, vector<1x16xf32>,
    %get3A_439 = vector.shape_cast %get3A_438 : vector<1x16xf32> to vector<16xf32>
    %get3A_440 = arith.constant 41 : i32
    %get3A_441 = arith.index_cast %get3A_440 : i32 to index
    %get3A_442 = arith.constant 0 : index
    %get3A_443 = tpu.vector_load %arg7[%get3A_441, %get3A_442] {strides = array<i32>} : memref<128x128xf32, #tpu.memory_space<vmem>>, vector<1x16xf32>,
    %get3A_444 = vector.shape_cast %get3A_443 : vector<1x16xf32> to vector<16xf32>
    %scan3A_445 = arith.constant 0 : i32
    %scan3A_446 = arith.constant 0 : i32
    %scan3A_447 = arith.constant 48 : i32
    %scan3A_448 = arith.addi %scan3A_446, %scan3A_447 : i32
    %scan3A_449 = arith.constant 1 : i32
    %scan3A_450 = scf.for %scan3A_1316 = %scan3A_446 to %scan3A_448 step %scan3A_449 iter_args(%scan3A_1317 = %scan3A_445) -> (i32)  : i32 {
      %mul3A_1318 = arith.constant 16 : i32
      %mul3A_1319 = arith.muli %scan3A_1316, %mul3A_1318 : i32
      %get3A_1320 = arith.constant 1 : i32
      %get3A_1321 = arith.constant 8 : i32
      %get3A_1322 = arith.index_cast %get3A_1320 : i32 to index
      %get3A_1323 = arith.index_cast %get3A_1321 : i32 to index
      %get3A_1324 = arith.index_cast %mul3A_1319 : i32 to index
      %get3A_1325 = tpu.vector_load %arg8[%get3A_1322, %get3A_1323, %get3A_1324] {strides = array<i32>} : memref<2x32x768xf32, #tpu.memory_space<vmem>>, vector<1x1x16xf32>,
      %get3A_1326 = vector.shape_cast %get3A_1325 : vector<1x1x16xf32> to vector<16xf32>
      %mul3A_1327 = arith.mulf %get3A_1326, %get3A_439 : vector<16xf32>
      %get3A_1328 = arith.constant 1 : i32
      %get3A_1329 = arith.constant 9 : i32
      %get3A_1330 = arith.index_cast %get3A_1328 : i32 to index
      %get3A_1331 = arith.index_cast %get3A_1329 : i32 to index
      %get3A_1332 = arith.index_cast %mul3A_1319 : i32 to index
      %get3A_1333 = tpu.vector_load %arg8[%get3A_1330, %get3A_1331, %get3A_1332] {strides = array<i32>} : memref<2x32x768xf32, #tpu.memory_space<vmem>>, vector<1x1x16xf32>,
      %get3A_1334 = vector.shape_cast %get3A_1333 : vector<1x1x16xf32> to vector<16xf32>
      %mul3A_1335 = arith.mulf %get3A_1334, %get3A_444 : vector<16xf32>
      %add3A_1336 = arith.addf %mul3A_1327, %mul3A_1335 : vector<16xf32>
      %swap3A = arith.constant 1 : i32
      %swap3A_1337 = arith.constant 4 : i32
      %swap3A_1338 = arith.index_cast %swap3A : i32 to index
      %swap3A_1339 = arith.index_cast %swap3A_1337 : i32 to index
      %swap3A_1340 = arith.index_cast %mul3A_1319 : i32 to index
      %swap3A_1341 = tpu.vector_load %arg9[%swap3A_1338, %swap3A_1339, %swap3A_1340] {strides = array<i32>} : memref<2x16x768xf32, #tpu.memory_space<vmem>>, vector<1x1x16xf32>,
      %swap3A_1342 = vector.shape_cast %swap3A_1341 : vector<1x1x16xf32> to vector<16xf32>
      %swap3A_1343 = vector.shape_cast %add3A_1336 : vector<16xf32> to vector<1x1x16xf32>
      tpu.vector_store %arg9[%swap3A_1338, %swap3A_1339, %swap3A_1340], %swap3A_1343 {strides = array<i32>} : memref<2x16x768xf32, #tpu.memory_space<vmem>>, vector<1x1x16xf32>,
      %scan3A_1344 = arith.constant 0 : i32
      scf.yield %scan3A_1344 : i32
    }
    %scan3A_451 = arith.constant 48 : i32
    %get3A_452 = arith.constant 42 : i32
    %get3A_453 = arith.index_cast %get3A_452 : i32 to index
    %get3A_454 = arith.constant 0 : index
    %get3A_455 = tpu.vector_load %arg7[%get3A_453, %get3A_454] {strides = array<i32>} : memref<128x128xf32, #tpu.memory_space<vmem>>, vector<1x16xf32>,
    %get3A_456 = vector.shape_cast %get3A_455 : vector<1x16xf32> to vector<16xf32>
    %get3A_457 = arith.constant 43 : i32
    %get3A_458 = arith.index_cast %get3A_457 : i32 to index
    %get3A_459 = arith.constant 0 : index
    %get3A_460 = tpu.vector_load %arg7[%get3A_458, %get3A_459] {strides = array<i32>} : memref<128x128xf32, #tpu.memory_space<vmem>>, vector<1x16xf32>,
    %get3A_461 = vector.shape_cast %get3A_460 : vector<1x16xf32> to vector<16xf32>
    %scan3A_462 = arith.constant 0 : i32
    %scan3A_463 = arith.constant 0 : i32
    %scan3A_464 = arith.constant 48 : i32
    %scan3A_465 = arith.addi %scan3A_463, %scan3A_464 : i32
    %scan3A_466 = arith.constant 1 : i32
    %scan3A_467 = scf.for %scan3A_1316 = %scan3A_463 to %scan3A_465 step %scan3A_466 iter_args(%scan3A_1317 = %scan3A_462) -> (i32)  : i32 {
      %mul3A_1318 = arith.constant 16 : i32
      %mul3A_1319 = arith.muli %scan3A_1316, %mul3A_1318 : i32
      %get3A_1320 = arith.constant 1 : i32
      %get3A_1321 = arith.constant 10 : i32
      %get3A_1322 = arith.index_cast %get3A_1320 : i32 to index
      %get3A_1323 = arith.index_cast %get3A_1321 : i32 to index
      %get3A_1324 = arith.index_cast %mul3A_1319 : i32 to index
      %get3A_1325 = tpu.vector_load %arg8[%get3A_1322, %get3A_1323, %get3A_1324] {strides = array<i32>} : memref<2x32x768xf32, #tpu.memory_space<vmem>>, vector<1x1x16xf32>,
      %get3A_1326 = vector.shape_cast %get3A_1325 : vector<1x1x16xf32> to vector<16xf32>
      %mul3A_1327 = arith.mulf %get3A_1326, %get3A_456 : vector<16xf32>
      %get3A_1328 = arith.constant 1 : i32
      %get3A_1329 = arith.constant 11 : i32
      %get3A_1330 = arith.index_cast %get3A_1328 : i32 to index
      %get3A_1331 = arith.index_cast %get3A_1329 : i32 to index
      %get3A_1332 = arith.index_cast %mul3A_1319 : i32 to index
      %get3A_1333 = tpu.vector_load %arg8[%get3A_1330, %get3A_1331, %get3A_1332] {strides = array<i32>} : memref<2x32x768xf32, #tpu.memory_space<vmem>>, vector<1x1x16xf32>,
      %get3A_1334 = vector.shape_cast %get3A_1333 : vector<1x1x16xf32> to vector<16xf32>
      %mul3A_1335 = arith.mulf %get3A_1334, %get3A_461 : vector<16xf32>
      %add3A_1336 = arith.addf %mul3A_1327, %mul3A_1335 : vector<16xf32>
      %swap3A = arith.constant 1 : i32
      %swap3A_1337 = arith.constant 5 : i32
      %swap3A_1338 = arith.index_cast %swap3A : i32 to index
      %swap3A_1339 = arith.index_cast %swap3A_1337 : i32 to index
      %swap3A_1340 = arith.index_cast %mul3A_1319 : i32 to index
      %swap3A_1341 = tpu.vector_load %arg9[%swap3A_1338, %swap3A_1339, %swap3A_1340] {strides = array<i32>} : memref<2x16x768xf32, #tpu.memory_space<vmem>>, vector<1x1x16xf32>,
      %swap3A_1342 = vector.shape_cast %swap3A_1341 : vector<1x1x16xf32> to vector<16xf32>
      %swap3A_1343 = vector.shape_cast %add3A_1336 : vector<16xf32> to vector<1x1x16xf32>
      tpu.vector_store %arg9[%swap3A_1338, %swap3A_1339, %swap3A_1340], %swap3A_1343 {strides = array<i32>} : memref<2x16x768xf32, #tpu.memory_space<vmem>>, vector<1x1x16xf32>,
      %scan3A_1344 = arith.constant 0 : i32
      scf.yield %scan3A_1344 : i32
    }
    %scan3A_468 = arith.constant 48 : i32
    %get3A_469 = arith.constant 44 : i32
    %get3A_470 = arith.index_cast %get3A_469 : i32 to index
    %get3A_471 = arith.constant 0 : index
    %get3A_472 = tpu.vector_load %arg7[%get3A_470, %get3A_471] {strides = array<i32>} : memref<128x128xf32, #tpu.memory_space<vmem>>, vector<1x16xf32>,
    %get3A_473 = vector.shape_cast %get3A_472 : vector<1x16xf32> to vector<16xf32>
    %get3A_474 = arith.constant 45 : i32
    %get3A_475 = arith.index_cast %get3A_474 : i32 to index
    %get3A_476 = arith.constant 0 : index
    %get3A_477 = tpu.vector_load %arg7[%get3A_475, %get3A_476] {strides = array<i32>} : memref<128x128xf32, #tpu.memory_space<vmem>>, vector<1x16xf32>,
    %get3A_478 = vector.shape_cast %get3A_477 : vector<1x16xf32> to vector<16xf32>
    %scan3A_479 = arith.constant 0 : i32
    %scan3A_480 = arith.constant 0 : i32
    %scan3A_481 = arith.constant 48 : i32
    %scan3A_482 = arith.addi %scan3A_480, %scan3A_481 : i32
    %scan3A_483 = arith.constant 1 : i32
    %scan3A_484 = scf.for %scan3A_1316 = %scan3A_480 to %scan3A_482 step %scan3A_483 iter_args(%scan3A_1317 = %scan3A_479) -> (i32)  : i32 {
      %mul3A_1318 = arith.constant 16 : i32
      %mul3A_1319 = arith.muli %scan3A_1316, %mul3A_1318 : i32
      %get3A_1320 = arith.constant 1 : i32
      %get3A_1321 = arith.constant 12 : i32
      %get3A_1322 = arith.index_cast %get3A_1320 : i32 to index
      %get3A_1323 = arith.index_cast %get3A_1321 : i32 to index
      %get3A_1324 = arith.index_cast %mul3A_1319 : i32 to index
      %get3A_1325 = tpu.vector_load %arg8[%get3A_1322, %get3A_1323, %get3A_1324] {strides = array<i32>} : memref<2x32x768xf32, #tpu.memory_space<vmem>>, vector<1x1x16xf32>,
      %get3A_1326 = vector.shape_cast %get3A_1325 : vector<1x1x16xf32> to vector<16xf32>
      %mul3A_1327 = arith.mulf %get3A_1326, %get3A_473 : vector<16xf32>
      %get3A_1328 = arith.constant 1 : i32
      %get3A_1329 = arith.constant 13 : i32
      %get3A_1330 = arith.index_cast %get3A_1328 : i32 to index
      %get3A_1331 = arith.index_cast %get3A_1329 : i32 to index
      %get3A_1332 = arith.index_cast %mul3A_1319 : i32 to index
      %get3A_1333 = tpu.vector_load %arg8[%get3A_1330, %get3A_1331, %get3A_1332] {strides = array<i32>} : memref<2x32x768xf32, #tpu.memory_space<vmem>>, vector<1x1x16xf32>,
      %get3A_1334 = vector.shape_cast %get3A_1333 : vector<1x1x16xf32> to vector<16xf32>
      %mul3A_1335 = arith.mulf %get3A_1334, %get3A_478 : vector<16xf32>
      %add3A_1336 = arith.addf %mul3A_1327, %mul3A_1335 : vector<16xf32>
      %swap3A = arith.constant 1 : i32
      %swap3A_1337 = arith.constant 6 : i32
      %swap3A_1338 = arith.index_cast %swap3A : i32 to index
      %swap3A_1339 = arith.index_cast %swap3A_1337 : i32 to index
      %swap3A_1340 = arith.index_cast %mul3A_1319 : i32 to index
      %swap3A_1341 = tpu.vector_load %arg9[%swap3A_1338, %swap3A_1339, %swap3A_1340] {strides = array<i32>} : memref<2x16x768xf32, #tpu.memory_space<vmem>>, vector<1x1x16xf32>,
      %swap3A_1342 = vector.shape_cast %swap3A_1341 : vector<1x1x16xf32> to vector<16xf32>
      %swap3A_1343 = vector.shape_cast %add3A_1336 : vector<16xf32> to vector<1x1x16xf32>
      tpu.vector_store %arg9[%swap3A_1338, %swap3A_1339, %swap3A_1340], %swap3A_1343 {strides = array<i32>} : memref<2x16x768xf32, #tpu.memory_space<vmem>>, vector<1x1x16xf32>,
      %scan3A_1344 = arith.constant 0 : i32
      scf.yield %scan3A_1344 : i32
    }
    %scan3A_485 = arith.constant 48 : i32
    %get3A_486 = arith.constant 46 : i32
    %get3A_487 = arith.index_cast %get3A_486 : i32 to index
    %get3A_488 = arith.constant 0 : index
    %get3A_489 = tpu.vector_load %arg7[%get3A_487, %get3A_488] {strides = array<i32>} : memref<128x128xf32, #tpu.memory_space<vmem>>, vector<1x16xf32>,
    %get3A_490 = vector.shape_cast %get3A_489 : vector<1x16xf32> to vector<16xf32>
    %get3A_491 = arith.constant 47 : i32
    %get3A_492 = arith.index_cast %get3A_491 : i32 to index
    %get3A_493 = arith.constant 0 : index
    %get3A_494 = tpu.vector_load %arg7[%get3A_492, %get3A_493] {strides = array<i32>} : memref<128x128xf32, #tpu.memory_space<vmem>>, vector<1x16xf32>,
    %get3A_495 = vector.shape_cast %get3A_494 : vector<1x16xf32> to vector<16xf32>
    %scan3A_496 = arith.constant 0 : i32
    %scan3A_497 = arith.constant 0 : i32
    %scan3A_498 = arith.constant 48 : i32
    %scan3A_499 = arith.addi %scan3A_497, %scan3A_498 : i32
    %scan3A_500 = arith.constant 1 : i32
    %scan3A_501 = scf.for %scan3A_1316 = %scan3A_497 to %scan3A_499 step %scan3A_500 iter_args(%scan3A_1317 = %scan3A_496) -> (i32)  : i32 {
      %mul3A_1318 = arith.constant 16 : i32
      %mul3A_1319 = arith.muli %scan3A_1316, %mul3A_1318 : i32
      %get3A_1320 = arith.constant 1 : i32
      %get3A_1321 = arith.constant 14 : i32
      %get3A_1322 = arith.index_cast %get3A_1320 : i32 to index
      %get3A_1323 = arith.index_cast %get3A_1321 : i32 to index
      %get3A_1324 = arith.index_cast %mul3A_1319 : i32 to index
      %get3A_1325 = tpu.vector_load %arg8[%get3A_1322, %get3A_1323, %get3A_1324] {strides = array<i32>} : memref<2x32x768xf32, #tpu.memory_space<vmem>>, vector<1x1x16xf32>,
      %get3A_1326 = vector.shape_cast %get3A_1325 : vector<1x1x16xf32> to vector<16xf32>
      %mul3A_1327 = arith.mulf %get3A_1326, %get3A_490 : vector<16xf32>
      %get3A_1328 = arith.constant 1 : i32
      %get3A_1329 = arith.constant 15 : i32
      %get3A_1330 = arith.index_cast %get3A_1328 : i32 to index
      %get3A_1331 = arith.index_cast %get3A_1329 : i32 to index
      %get3A_1332 = arith.index_cast %mul3A_1319 : i32 to index
      %get3A_1333 = tpu.vector_load %arg8[%get3A_1330, %get3A_1331, %get3A_1332] {strides = array<i32>} : memref<2x32x768xf32, #tpu.memory_space<vmem>>, vector<1x1x16xf32>,
      %get3A_1334 = vector.shape_cast %get3A_1333 : vector<1x1x16xf32> to vector<16xf32>
      %mul3A_1335 = arith.mulf %get3A_1334, %get3A_495 : vector<16xf32>
      %add3A_1336 = arith.addf %mul3A_1327, %mul3A_1335 : vector<16xf32>
      %swap3A = arith.constant 1 : i32
      %swap3A_1337 = arith.constant 7 : i32
      %swap3A_1338 = arith.index_cast %swap3A : i32 to index
      %swap3A_1339 = arith.index_cast %swap3A_1337 : i32 to index
      %swap3A_1340 = arith.index_cast %mul3A_1319 : i32 to index
      %swap3A_1341 = tpu.vector_load %arg9[%swap3A_1338, %swap3A_1339, %swap3A_1340] {strides = array<i32>} : memref<2x16x768xf32, #tpu.memory_space<vmem>>, vector<1x1x16xf32>,
      %swap3A_1342 = vector.shape_cast %swap3A_1341 : vector<1x1x16xf32> to vector<16xf32>
      %swap3A_1343 = vector.shape_cast %add3A_1336 : vector<16xf32> to vector<1x1x16xf32>
      tpu.vector_store %arg9[%swap3A_1338, %swap3A_1339, %swap3A_1340], %swap3A_1343 {strides = array<i32>} : memref<2x16x768xf32, #tpu.memory_space<vmem>>, vector<1x1x16xf32>,
      %scan3A_1344 = arith.constant 0 : i32
      scf.yield %scan3A_1344 : i32
    }
    %scan3A_502 = arith.constant 48 : i32
    %get3A_503 = arith.constant 48 : i32
    %get3A_504 = arith.index_cast %get3A_503 : i32 to index
    %get3A_505 = arith.constant 0 : index
    %get3A_506 = tpu.vector_load %arg7[%get3A_504, %get3A_505] {strides = array<i32>} : memref<128x128xf32, #tpu.memory_space<vmem>>, vector<1x16xf32>,
    %get3A_507 = vector.shape_cast %get3A_506 : vector<1x16xf32> to vector<16xf32>
    %get3A_508 = arith.constant 49 : i32
    %get3A_509 = arith.index_cast %get3A_508 : i32 to index
    %get3A_510 = arith.constant 0 : index
    %get3A_511 = tpu.vector_load %arg7[%get3A_509, %get3A_510] {strides = array<i32>} : memref<128x128xf32, #tpu.memory_space<vmem>>, vector<1x16xf32>,
    %get3A_512 = vector.shape_cast %get3A_511 : vector<1x16xf32> to vector<16xf32>
    %scan3A_513 = arith.constant 0 : i32
    %scan3A_514 = arith.constant 0 : i32
    %scan3A_515 = arith.constant 48 : i32
    %scan3A_516 = arith.addi %scan3A_514, %scan3A_515 : i32
    %scan3A_517 = arith.constant 1 : i32
    %scan3A_518 = scf.for %scan3A_1316 = %scan3A_514 to %scan3A_516 step %scan3A_517 iter_args(%scan3A_1317 = %scan3A_513) -> (i32)  : i32 {
      %mul3A_1318 = arith.constant 16 : i32
      %mul3A_1319 = arith.muli %scan3A_1316, %mul3A_1318 : i32
      %get3A_1320 = arith.constant 1 : i32
      %get3A_1321 = arith.constant 16 : i32
      %get3A_1322 = arith.index_cast %get3A_1320 : i32 to index
      %get3A_1323 = arith.index_cast %get3A_1321 : i32 to index
      %get3A_1324 = arith.index_cast %mul3A_1319 : i32 to index
      %get3A_1325 = tpu.vector_load %arg8[%get3A_1322, %get3A_1323, %get3A_1324] {strides = array<i32>} : memref<2x32x768xf32, #tpu.memory_space<vmem>>, vector<1x1x16xf32>,
      %get3A_1326 = vector.shape_cast %get3A_1325 : vector<1x1x16xf32> to vector<16xf32>
      %mul3A_1327 = arith.mulf %get3A_1326, %get3A_507 : vector<16xf32>
      %get3A_1328 = arith.constant 1 : i32
      %get3A_1329 = arith.constant 17 : i32
      %get3A_1330 = arith.index_cast %get3A_1328 : i32 to index
      %get3A_1331 = arith.index_cast %get3A_1329 : i32 to index
      %get3A_1332 = arith.index_cast %mul3A_1319 : i32 to index
      %get3A_1333 = tpu.vector_load %arg8[%get3A_1330, %get3A_1331, %get3A_1332] {strides = array<i32>} : memref<2x32x768xf32, #tpu.memory_space<vmem>>, vector<1x1x16xf32>,
      %get3A_1334 = vector.shape_cast %get3A_1333 : vector<1x1x16xf32> to vector<16xf32>
      %mul3A_1335 = arith.mulf %get3A_1334, %get3A_512 : vector<16xf32>
      %add3A_1336 = arith.addf %mul3A_1327, %mul3A_1335 : vector<16xf32>
      %swap3A = arith.constant 1 : i32
      %swap3A_1337 = arith.constant 8 : i32
      %swap3A_1338 = arith.index_cast %swap3A : i32 to index
      %swap3A_1339 = arith.index_cast %swap3A_1337 : i32 to index
      %swap3A_1340 = arith.index_cast %mul3A_1319 : i32 to index
      %swap3A_1341 = tpu.vector_load %arg9[%swap3A_1338, %swap3A_1339, %swap3A_1340] {strides = array<i32>} : memref<2x16x768xf32, #tpu.memory_space<vmem>>, vector<1x1x16xf32>,
      %swap3A_1342 = vector.shape_cast %swap3A_1341 : vector<1x1x16xf32> to vector<16xf32>
      %swap3A_1343 = vector.shape_cast %add3A_1336 : vector<16xf32> to vector<1x1x16xf32>
      tpu.vector_store %arg9[%swap3A_1338, %swap3A_1339, %swap3A_1340], %swap3A_1343 {strides = array<i32>} : memref<2x16x768xf32, #tpu.memory_space<vmem>>, vector<1x1x16xf32>,
      %scan3A_1344 = arith.constant 0 : i32
      scf.yield %scan3A_1344 : i32
    }
    %scan3A_519 = arith.constant 48 : i32
    %get3A_520 = arith.constant 50 : i32
    %get3A_521 = arith.index_cast %get3A_520 : i32 to index
    %get3A_522 = arith.constant 0 : index
    %get3A_523 = tpu.vector_load %arg7[%get3A_521, %get3A_522] {strides = array<i32>} : memref<128x128xf32, #tpu.memory_space<vmem>>, vector<1x16xf32>,
    %get3A_524 = vector.shape_cast %get3A_523 : vector<1x16xf32> to vector<16xf32>
    %get3A_525 = arith.constant 51 : i32
    %get3A_526 = arith.index_cast %get3A_525 : i32 to index
    %get3A_527 = arith.constant 0 : index
    %get3A_528 = tpu.vector_load %arg7[%get3A_526, %get3A_527] {strides = array<i32>} : memref<128x128xf32, #tpu.memory_space<vmem>>, vector<1x16xf32>,
    %get3A_529 = vector.shape_cast %get3A_528 : vector<1x16xf32> to vector<16xf32>
    %scan3A_530 = arith.constant 0 : i32
    %scan3A_531 = arith.constant 0 : i32
    %scan3A_532 = arith.constant 48 : i32
    %scan3A_533 = arith.addi %scan3A_531, %scan3A_532 : i32
    %scan3A_534 = arith.constant 1 : i32
    %scan3A_535 = scf.for %scan3A_1316 = %scan3A_531 to %scan3A_533 step %scan3A_534 iter_args(%scan3A_1317 = %scan3A_530) -> (i32)  : i32 {
      %mul3A_1318 = arith.constant 16 : i32
      %mul3A_1319 = arith.muli %scan3A_1316, %mul3A_1318 : i32
      %get3A_1320 = arith.constant 1 : i32
      %get3A_1321 = arith.constant 18 : i32
      %get3A_1322 = arith.index_cast %get3A_1320 : i32 to index
      %get3A_1323 = arith.index_cast %get3A_1321 : i32 to index
      %get3A_1324 = arith.index_cast %mul3A_1319 : i32 to index
      %get3A_1325 = tpu.vector_load %arg8[%get3A_1322, %get3A_1323, %get3A_1324] {strides = array<i32>} : memref<2x32x768xf32, #tpu.memory_space<vmem>>, vector<1x1x16xf32>,
      %get3A_1326 = vector.shape_cast %get3A_1325 : vector<1x1x16xf32> to vector<16xf32>
      %mul3A_1327 = arith.mulf %get3A_1326, %get3A_524 : vector<16xf32>
      %get3A_1328 = arith.constant 1 : i32
      %get3A_1329 = arith.constant 19 : i32
      %get3A_1330 = arith.index_cast %get3A_1328 : i32 to index
      %get3A_1331 = arith.index_cast %get3A_1329 : i32 to index
      %get3A_1332 = arith.index_cast %mul3A_1319 : i32 to index
      %get3A_1333 = tpu.vector_load %arg8[%get3A_1330, %get3A_1331, %get3A_1332] {strides = array<i32>} : memref<2x32x768xf32, #tpu.memory_space<vmem>>, vector<1x1x16xf32>,
      %get3A_1334 = vector.shape_cast %get3A_1333 : vector<1x1x16xf32> to vector<16xf32>
      %mul3A_1335 = arith.mulf %get3A_1334, %get3A_529 : vector<16xf32>
      %add3A_1336 = arith.addf %mul3A_1327, %mul3A_1335 : vector<16xf32>
      %swap3A = arith.constant 1 : i32
      %swap3A_1337 = arith.constant 9 : i32
      %swap3A_1338 = arith.index_cast %swap3A : i32 to index
      %swap3A_1339 = arith.index_cast %swap3A_1337 : i32 to index
      %swap3A_1340 = arith.index_cast %mul3A_1319 : i32 to index
      %swap3A_1341 = tpu.vector_load %arg9[%swap3A_1338, %swap3A_1339, %swap3A_1340] {strides = array<i32>} : memref<2x16x768xf32, #tpu.memory_space<vmem>>, vector<1x1x16xf32>,
      %swap3A_1342 = vector.shape_cast %swap3A_1341 : vector<1x1x16xf32> to vector<16xf32>
      %swap3A_1343 = vector.shape_cast %add3A_1336 : vector<16xf32> to vector<1x1x16xf32>
      tpu.vector_store %arg9[%swap3A_1338, %swap3A_1339, %swap3A_1340], %swap3A_1343 {strides = array<i32>} : memref<2x16x768xf32, #tpu.memory_space<vmem>>, vector<1x1x16xf32>,
      %scan3A_1344 = arith.constant 0 : i32
      scf.yield %scan3A_1344 : i32
    }
    %scan3A_536 = arith.constant 48 : i32
    %get3A_537 = arith.constant 52 : i32
    %get3A_538 = arith.index_cast %get3A_537 : i32 to index
    %get3A_539 = arith.constant 0 : index
    %get3A_540 = tpu.vector_load %arg7[%get3A_538, %get3A_539] {strides = array<i32>} : memref<128x128xf32, #tpu.memory_space<vmem>>, vector<1x16xf32>,
    %get3A_541 = vector.shape_cast %get3A_540 : vector<1x16xf32> to vector<16xf32>
    %get3A_542 = arith.constant 53 : i32
    %get3A_543 = arith.index_cast %get3A_542 : i32 to index
    %get3A_544 = arith.constant 0 : index
    %get3A_545 = tpu.vector_load %arg7[%get3A_543, %get3A_544] {strides = array<i32>} : memref<128x128xf32, #tpu.memory_space<vmem>>, vector<1x16xf32>,
    %get3A_546 = vector.shape_cast %get3A_545 : vector<1x16xf32> to vector<16xf32>
    %scan3A_547 = arith.constant 0 : i32
    %scan3A_548 = arith.constant 0 : i32
    %scan3A_549 = arith.constant 48 : i32
    %scan3A_550 = arith.addi %scan3A_548, %scan3A_549 : i32
    %scan3A_551 = arith.constant 1 : i32
    %scan3A_552 = scf.for %scan3A_1316 = %scan3A_548 to %scan3A_550 step %scan3A_551 iter_args(%scan3A_1317 = %scan3A_547) -> (i32)  : i32 {
      %mul3A_1318 = arith.constant 16 : i32
      %mul3A_1319 = arith.muli %scan3A_1316, %mul3A_1318 : i32
      %get3A_1320 = arith.constant 1 : i32
      %get3A_1321 = arith.constant 20 : i32
      %get3A_1322 = arith.index_cast %get3A_1320 : i32 to index
      %get3A_1323 = arith.index_cast %get3A_1321 : i32 to index
      %get3A_1324 = arith.index_cast %mul3A_1319 : i32 to index
      %get3A_1325 = tpu.vector_load %arg8[%get3A_1322, %get3A_1323, %get3A_1324] {strides = array<i32>} : memref<2x32x768xf32, #tpu.memory_space<vmem>>, vector<1x1x16xf32>,
      %get3A_1326 = vector.shape_cast %get3A_1325 : vector<1x1x16xf32> to vector<16xf32>
      %mul3A_1327 = arith.mulf %get3A_1326, %get3A_541 : vector<16xf32>
      %get3A_1328 = arith.constant 1 : i32
      %get3A_1329 = arith.constant 21 : i32
      %get3A_1330 = arith.index_cast %get3A_1328 : i32 to index
      %get3A_1331 = arith.index_cast %get3A_1329 : i32 to index
      %get3A_1332 = arith.index_cast %mul3A_1319 : i32 to index
      %get3A_1333 = tpu.vector_load %arg8[%get3A_1330, %get3A_1331, %get3A_1332] {strides = array<i32>} : memref<2x32x768xf32, #tpu.memory_space<vmem>>, vector<1x1x16xf32>,
      %get3A_1334 = vector.shape_cast %get3A_1333 : vector<1x1x16xf32> to vector<16xf32>
      %mul3A_1335 = arith.mulf %get3A_1334, %get3A_546 : vector<16xf32>
      %add3A_1336 = arith.addf %mul3A_1327, %mul3A_1335 : vector<16xf32>
      %swap3A = arith.constant 1 : i32
      %swap3A_1337 = arith.constant 10 : i32
      %swap3A_1338 = arith.index_cast %swap3A : i32 to index
      %swap3A_1339 = arith.index_cast %swap3A_1337 : i32 to index
      %swap3A_1340 = arith.index_cast %mul3A_1319 : i32 to index
      %swap3A_1341 = tpu.vector_load %arg9[%swap3A_1338, %swap3A_1339, %swap3A_1340] {strides = array<i32>} : memref<2x16x768xf32, #tpu.memory_space<vmem>>, vector<1x1x16xf32>,
      %swap3A_1342 = vector.shape_cast %swap3A_1341 : vector<1x1x16xf32> to vector<16xf32>
      %swap3A_1343 = vector.shape_cast %add3A_1336 : vector<16xf32> to vector<1x1x16xf32>
      tpu.vector_store %arg9[%swap3A_1338, %swap3A_1339, %swap3A_1340], %swap3A_1343 {strides = array<i32>} : memref<2x16x768xf32, #tpu.memory_space<vmem>>, vector<1x1x16xf32>,
      %scan3A_1344 = arith.constant 0 : i32
      scf.yield %scan3A_1344 : i32
    }
    %scan3A_553 = arith.constant 48 : i32
    %get3A_554 = arith.constant 54 : i32
    %get3A_555 = arith.index_cast %get3A_554 : i32 to index
    %get3A_556 = arith.constant 0 : index
    %get3A_557 = tpu.vector_load %arg7[%get3A_555, %get3A_556] {strides = array<i32>} : memref<128x128xf32, #tpu.memory_space<vmem>>, vector<1x16xf32>,
    %get3A_558 = vector.shape_cast %get3A_557 : vector<1x16xf32> to vector<16xf32>
    %get3A_559 = arith.constant 55 : i32
    %get3A_560 = arith.index_cast %get3A_559 : i32 to index
    %get3A_561 = arith.constant 0 : index
    %get3A_562 = tpu.vector_load %arg7[%get3A_560, %get3A_561] {strides = array<i32>} : memref<128x128xf32, #tpu.memory_space<vmem>>, vector<1x16xf32>,
    %get3A_563 = vector.shape_cast %get3A_562 : vector<1x16xf32> to vector<16xf32>
    %scan3A_564 = arith.constant 0 : i32
    %scan3A_565 = arith.constant 0 : i32
    %scan3A_566 = arith.constant 48 : i32
    %scan3A_567 = arith.addi %scan3A_565, %scan3A_566 : i32
    %scan3A_568 = arith.constant 1 : i32
    %scan3A_569 = scf.for %scan3A_1316 = %scan3A_565 to %scan3A_567 step %scan3A_568 iter_args(%scan3A_1317 = %scan3A_564) -> (i32)  : i32 {
      %mul3A_1318 = arith.constant 16 : i32
      %mul3A_1319 = arith.muli %scan3A_1316, %mul3A_1318 : i32
      %get3A_1320 = arith.constant 1 : i32
      %get3A_1321 = arith.constant 22 : i32
      %get3A_1322 = arith.index_cast %get3A_1320 : i32 to index
      %get3A_1323 = arith.index_cast %get3A_1321 : i32 to index
      %get3A_1324 = arith.index_cast %mul3A_1319 : i32 to index
      %get3A_1325 = tpu.vector_load %arg8[%get3A_1322, %get3A_1323, %get3A_1324] {strides = array<i32>} : memref<2x32x768xf32, #tpu.memory_space<vmem>>, vector<1x1x16xf32>,
      %get3A_1326 = vector.shape_cast %get3A_1325 : vector<1x1x16xf32> to vector<16xf32>
      %mul3A_1327 = arith.mulf %get3A_1326, %get3A_558 : vector<16xf32>
      %get3A_1328 = arith.constant 1 : i32
      %get3A_1329 = arith.constant 23 : i32
      %get3A_1330 = arith.index_cast %get3A_1328 : i32 to index
      %get3A_1331 = arith.index_cast %get3A_1329 : i32 to index
      %get3A_1332 = arith.index_cast %mul3A_1319 : i32 to index
      %get3A_1333 = tpu.vector_load %arg8[%get3A_1330, %get3A_1331, %get3A_1332] {strides = array<i32>} : memref<2x32x768xf32, #tpu.memory_space<vmem>>, vector<1x1x16xf32>,
      %get3A_1334 = vector.shape_cast %get3A_1333 : vector<1x1x16xf32> to vector<16xf32>
      %mul3A_1335 = arith.mulf %get3A_1334, %get3A_563 : vector<16xf32>
      %add3A_1336 = arith.addf %mul3A_1327, %mul3A_1335 : vector<16xf32>
      %swap3A = arith.constant 1 : i32
      %swap3A_1337 = arith.constant 11 : i32
      %swap3A_1338 = arith.index_cast %swap3A : i32 to index
      %swap3A_1339 = arith.index_cast %swap3A_1337 : i32 to index
      %swap3A_1340 = arith.index_cast %mul3A_1319 : i32 to index
      %swap3A_1341 = tpu.vector_load %arg9[%swap3A_1338, %swap3A_1339, %swap3A_1340] {strides = array<i32>} : memref<2x16x768xf32, #tpu.memory_space<vmem>>, vector<1x1x16xf32>,
      %swap3A_1342 = vector.shape_cast %swap3A_1341 : vector<1x1x16xf32> to vector<16xf32>
      %swap3A_1343 = vector.shape_cast %add3A_1336 : vector<16xf32> to vector<1x1x16xf32>
      tpu.vector_store %arg9[%swap3A_1338, %swap3A_1339, %swap3A_1340], %swap3A_1343 {strides = array<i32>} : memref<2x16x768xf32, #tpu.memory_space<vmem>>, vector<1x1x16xf32>,
      %scan3A_1344 = arith.constant 0 : i32
      scf.yield %scan3A_1344 : i32
    }
    %scan3A_570 = arith.constant 48 : i32
    %get3A_571 = arith.constant 56 : i32
    %get3A_572 = arith.index_cast %get3A_571 : i32 to index
    %get3A_573 = arith.constant 0 : index
    %get3A_574 = tpu.vector_load %arg7[%get3A_572, %get3A_573] {strides = array<i32>} : memref<128x128xf32, #tpu.memory_space<vmem>>, vector<1x16xf32>,
    %get3A_575 = vector.shape_cast %get3A_574 : vector<1x16xf32> to vector<16xf32>
    %get3A_576 = arith.constant 57 : i32
    %get3A_577 = arith.index_cast %get3A_576 : i32 to index
    %get3A_578 = arith.constant 0 : index
    %get3A_579 = tpu.vector_load %arg7[%get3A_577, %get3A_578] {strides = array<i32>} : memref<128x128xf32, #tpu.memory_space<vmem>>, vector<1x16xf32>,
    %get3A_580 = vector.shape_cast %get3A_579 : vector<1x16xf32> to vector<16xf32>
    %scan3A_581 = arith.constant 0 : i32
    %scan3A_582 = arith.constant 0 : i32
    %scan3A_583 = arith.constant 48 : i32
    %scan3A_584 = arith.addi %scan3A_582, %scan3A_583 : i32
    %scan3A_585 = arith.constant 1 : i32
    %scan3A_586 = scf.for %scan3A_1316 = %scan3A_582 to %scan3A_584 step %scan3A_585 iter_args(%scan3A_1317 = %scan3A_581) -> (i32)  : i32 {
      %mul3A_1318 = arith.constant 16 : i32
      %mul3A_1319 = arith.muli %scan3A_1316, %mul3A_1318 : i32
      %get3A_1320 = arith.constant 1 : i32
      %get3A_1321 = arith.constant 24 : i32
      %get3A_1322 = arith.index_cast %get3A_1320 : i32 to index
      %get3A_1323 = arith.index_cast %get3A_1321 : i32 to index
      %get3A_1324 = arith.index_cast %mul3A_1319 : i32 to index
      %get3A_1325 = tpu.vector_load %arg8[%get3A_1322, %get3A_1323, %get3A_1324] {strides = array<i32>} : memref<2x32x768xf32, #tpu.memory_space<vmem>>, vector<1x1x16xf32>,
      %get3A_1326 = vector.shape_cast %get3A_1325 : vector<1x1x16xf32> to vector<16xf32>
      %mul3A_1327 = arith.mulf %get3A_1326, %get3A_575 : vector<16xf32>
      %get3A_1328 = arith.constant 1 : i32
      %get3A_1329 = arith.constant 25 : i32
      %get3A_1330 = arith.index_cast %get3A_1328 : i32 to index
      %get3A_1331 = arith.index_cast %get3A_1329 : i32 to index
      %get3A_1332 = arith.index_cast %mul3A_1319 : i32 to index
      %get3A_1333 = tpu.vector_load %arg8[%get3A_1330, %get3A_1331, %get3A_1332] {strides = array<i32>} : memref<2x32x768xf32, #tpu.memory_space<vmem>>, vector<1x1x16xf32>,
      %get3A_1334 = vector.shape_cast %get3A_1333 : vector<1x1x16xf32> to vector<16xf32>
      %mul3A_1335 = arith.mulf %get3A_1334, %get3A_580 : vector<16xf32>
      %add3A_1336 = arith.addf %mul3A_1327, %mul3A_1335 : vector<16xf32>
      %swap3A = arith.constant 1 : i32
      %swap3A_1337 = arith.constant 12 : i32
      %swap3A_1338 = arith.index_cast %swap3A : i32 to index
      %swap3A_1339 = arith.index_cast %swap3A_1337 : i32 to index
      %swap3A_1340 = arith.index_cast %mul3A_1319 : i32 to index
      %swap3A_1341 = tpu.vector_load %arg9[%swap3A_1338, %swap3A_1339, %swap3A_1340] {strides = array<i32>} : memref<2x16x768xf32, #tpu.memory_space<vmem>>, vector<1x1x16xf32>,
      %swap3A_1342 = vector.shape_cast %swap3A_1341 : vector<1x1x16xf32> to vector<16xf32>
      %swap3A_1343 = vector.shape_cast %add3A_1336 : vector<16xf32> to vector<1x1x16xf32>
      tpu.vector_store %arg9[%swap3A_1338, %swap3A_1339, %swap3A_1340], %swap3A_1343 {strides = array<i32>} : memref<2x16x768xf32, #tpu.memory_space<vmem>>, vector<1x1x16xf32>,
      %scan3A_1344 = arith.constant 0 : i32
      scf.yield %scan3A_1344 : i32
    }
    %scan3A_587 = arith.constant 48 : i32
    %get3A_588 = arith.constant 58 : i32
    %get3A_589 = arith.index_cast %get3A_588 : i32 to index
    %get3A_590 = arith.constant 0 : index
    %get3A_591 = tpu.vector_load %arg7[%get3A_589, %get3A_590] {strides = array<i32>} : memref<128x128xf32, #tpu.memory_space<vmem>>, vector<1x16xf32>,
    %get3A_592 = vector.shape_cast %get3A_591 : vector<1x16xf32> to vector<16xf32>
    %get3A_593 = arith.constant 59 : i32
    %get3A_594 = arith.index_cast %get3A_593 : i32 to index
    %get3A_595 = arith.constant 0 : index
    %get3A_596 = tpu.vector_load %arg7[%get3A_594, %get3A_595] {strides = array<i32>} : memref<128x128xf32, #tpu.memory_space<vmem>>, vector<1x16xf32>,
    %get3A_597 = vector.shape_cast %get3A_596 : vector<1x16xf32> to vector<16xf32>
    %scan3A_598 = arith.constant 0 : i32
    %scan3A_599 = arith.constant 0 : i32
    %scan3A_600 = arith.constant 48 : i32
    %scan3A_601 = arith.addi %scan3A_599, %scan3A_600 : i32
    %scan3A_602 = arith.constant 1 : i32
    %scan3A_603 = scf.for %scan3A_1316 = %scan3A_599 to %scan3A_601 step %scan3A_602 iter_args(%scan3A_1317 = %scan3A_598) -> (i32)  : i32 {
      %mul3A_1318 = arith.constant 16 : i32
      %mul3A_1319 = arith.muli %scan3A_1316, %mul3A_1318 : i32
      %get3A_1320 = arith.constant 1 : i32
      %get3A_1321 = arith.constant 26 : i32
      %get3A_1322 = arith.index_cast %get3A_1320 : i32 to index
      %get3A_1323 = arith.index_cast %get3A_1321 : i32 to index
      %get3A_1324 = arith.index_cast %mul3A_1319 : i32 to index
      %get3A_1325 = tpu.vector_load %arg8[%get3A_1322, %get3A_1323, %get3A_1324] {strides = array<i32>} : memref<2x32x768xf32, #tpu.memory_space<vmem>>, vector<1x1x16xf32>,
      %get3A_1326 = vector.shape_cast %get3A_1325 : vector<1x1x16xf32> to vector<16xf32>
      %mul3A_1327 = arith.mulf %get3A_1326, %get3A_592 : vector<16xf32>
      %get3A_1328 = arith.constant 1 : i32
      %get3A_1329 = arith.constant 27 : i32
      %get3A_1330 = arith.index_cast %get3A_1328 : i32 to index
      %get3A_1331 = arith.index_cast %get3A_1329 : i32 to index
      %get3A_1332 = arith.index_cast %mul3A_1319 : i32 to index
      %get3A_1333 = tpu.vector_load %arg8[%get3A_1330, %get3A_1331, %get3A_1332] {strides = array<i32>} : memref<2x32x768xf32, #tpu.memory_space<vmem>>, vector<1x1x16xf32>,
      %get3A_1334 = vector.shape_cast %get3A_1333 : vector<1x1x16xf32> to vector<16xf32>
      %mul3A_1335 = arith.mulf %get3A_1334, %get3A_597 : vector<16xf32>
      %add3A_1336 = arith.addf %mul3A_1327, %mul3A_1335 : vector<16xf32>
      %swap3A = arith.constant 1 : i32
      %swap3A_1337 = arith.constant 13 : i32
      %swap3A_1338 = arith.index_cast %swap3A : i32 to index
      %swap3A_1339 = arith.index_cast %swap3A_1337 : i32 to index
      %swap3A_1340 = arith.index_cast %mul3A_1319 : i32 to index
      %swap3A_1341 = tpu.vector_load %arg9[%swap3A_1338, %swap3A_1339, %swap3A_1340] {strides = array<i32>} : memref<2x16x768xf32, #tpu.memory_space<vmem>>, vector<1x1x16xf32>,
      %swap3A_1342 = vector.shape_cast %swap3A_1341 : vector<1x1x16xf32> to vector<16xf32>
      %swap3A_1343 = vector.shape_cast %add3A_1336 : vector<16xf32> to vector<1x1x16xf32>
      tpu.vector_store %arg9[%swap3A_1338, %swap3A_1339, %swap3A_1340], %swap3A_1343 {strides = array<i32>} : memref<2x16x768xf32, #tpu.memory_space<vmem>>, vector<1x1x16xf32>,
      %scan3A_1344 = arith.constant 0 : i32
      scf.yield %scan3A_1344 : i32
    }
    %scan3A_604 = arith.constant 48 : i32
    %get3A_605 = arith.constant 60 : i32
    %get3A_606 = arith.index_cast %get3A_605 : i32 to index
    %get3A_607 = arith.constant 0 : index
    %get3A_608 = tpu.vector_load %arg7[%get3A_606, %get3A_607] {strides = array<i32>} : memref<128x128xf32, #tpu.memory_space<vmem>>, vector<1x16xf32>,
    %get3A_609 = vector.shape_cast %get3A_608 : vector<1x16xf32> to vector<16xf32>
    %get3A_610 = arith.constant 61 : i32
    %get3A_611 = arith.index_cast %get3A_610 : i32 to index
    %get3A_612 = arith.constant 0 : index
    %get3A_613 = tpu.vector_load %arg7[%get3A_611, %get3A_612] {strides = array<i32>} : memref<128x128xf32, #tpu.memory_space<vmem>>, vector<1x16xf32>,
    %get3A_614 = vector.shape_cast %get3A_613 : vector<1x16xf32> to vector<16xf32>
    %scan3A_615 = arith.constant 0 : i32
    %scan3A_616 = arith.constant 0 : i32
    %scan3A_617 = arith.constant 48 : i32
    %scan3A_618 = arith.addi %scan3A_616, %scan3A_617 : i32
    %scan3A_619 = arith.constant 1 : i32
    %scan3A_620 = scf.for %scan3A_1316 = %scan3A_616 to %scan3A_618 step %scan3A_619 iter_args(%scan3A_1317 = %scan3A_615) -> (i32)  : i32 {
      %mul3A_1318 = arith.constant 16 : i32
      %mul3A_1319 = arith.muli %scan3A_1316, %mul3A_1318 : i32
      %get3A_1320 = arith.constant 1 : i32
      %get3A_1321 = arith.constant 28 : i32
      %get3A_1322 = arith.index_cast %get3A_1320 : i32 to index
      %get3A_1323 = arith.index_cast %get3A_1321 : i32 to index
      %get3A_1324 = arith.index_cast %mul3A_1319 : i32 to index
      %get3A_1325 = tpu.vector_load %arg8[%get3A_1322, %get3A_1323, %get3A_1324] {strides = array<i32>} : memref<2x32x768xf32, #tpu.memory_space<vmem>>, vector<1x1x16xf32>,
      %get3A_1326 = vector.shape_cast %get3A_1325 : vector<1x1x16xf32> to vector<16xf32>
      %mul3A_1327 = arith.mulf %get3A_1326, %get3A_609 : vector<16xf32>
      %get3A_1328 = arith.constant 1 : i32
      %get3A_1329 = arith.constant 29 : i32
      %get3A_1330 = arith.index_cast %get3A_1328 : i32 to index
      %get3A_1331 = arith.index_cast %get3A_1329 : i32 to index
      %get3A_1332 = arith.index_cast %mul3A_1319 : i32 to index
      %get3A_1333 = tpu.vector_load %arg8[%get3A_1330, %get3A_1331, %get3A_1332] {strides = array<i32>} : memref<2x32x768xf32, #tpu.memory_space<vmem>>, vector<1x1x16xf32>,
      %get3A_1334 = vector.shape_cast %get3A_1333 : vector<1x1x16xf32> to vector<16xf32>
      %mul3A_1335 = arith.mulf %get3A_1334, %get3A_614 : vector<16xf32>
      %add3A_1336 = arith.addf %mul3A_1327, %mul3A_1335 : vector<16xf32>
      %swap3A = arith.constant 1 : i32
      %swap3A_1337 = arith.constant 14 : i32
      %swap3A_1338 = arith.index_cast %swap3A : i32 to index
      %swap3A_1339 = arith.index_cast %swap3A_1337 : i32 to index
      %swap3A_1340 = arith.index_cast %mul3A_1319 : i32 to index
      %swap3A_1341 = tpu.vector_load %arg9[%swap3A_1338, %swap3A_1339, %swap3A_1340] {strides = array<i32>} : memref<2x16x768xf32, #tpu.memory_space<vmem>>, vector<1x1x16xf32>,
      %swap3A_1342 = vector.shape_cast %swap3A_1341 : vector<1x1x16xf32> to vector<16xf32>
      %swap3A_1343 = vector.shape_cast %add3A_1336 : vector<16xf32> to vector<1x1x16xf32>
      tpu.vector_store %arg9[%swap3A_1338, %swap3A_1339, %swap3A_1340], %swap3A_1343 {strides = array<i32>} : memref<2x16x768xf32, #tpu.memory_space<vmem>>, vector<1x1x16xf32>,
      %scan3A_1344 = arith.constant 0 : i32
      scf.yield %scan3A_1344 : i32
    }
    %scan3A_621 = arith.constant 48 : i32
    %get3A_622 = arith.constant 62 : i32
    %get3A_623 = arith.index_cast %get3A_622 : i32 to index
    %get3A_624 = arith.constant 0 : index
    %get3A_625 = tpu.vector_load %arg7[%get3A_623, %get3A_624] {strides = array<i32>} : memref<128x128xf32, #tpu.memory_space<vmem>>, vector<1x16xf32>,
    %get3A_626 = vector.shape_cast %get3A_625 : vector<1x16xf32> to vector<16xf32>
    %get3A_627 = arith.constant 63 : i32
    %get3A_628 = arith.index_cast %get3A_627 : i32 to index
    %get3A_629 = arith.constant 0 : index
    %get3A_630 = tpu.vector_load %arg7[%get3A_628, %get3A_629] {strides = array<i32>} : memref<128x128xf32, #tpu.memory_space<vmem>>, vector<1x16xf32>,
    %get3A_631 = vector.shape_cast %get3A_630 : vector<1x16xf32> to vector<16xf32>
    %scan3A_632 = arith.constant 0 : i32
    %scan3A_633 = arith.constant 0 : i32
    %scan3A_634 = arith.constant 48 : i32
    %scan3A_635 = arith.addi %scan3A_633, %scan3A_634 : i32
    %scan3A_636 = arith.constant 1 : i32
    %scan3A_637 = scf.for %scan3A_1316 = %scan3A_633 to %scan3A_635 step %scan3A_636 iter_args(%scan3A_1317 = %scan3A_632) -> (i32)  : i32 {
      %mul3A_1318 = arith.constant 16 : i32
      %mul3A_1319 = arith.muli %scan3A_1316, %mul3A_1318 : i32
      %get3A_1320 = arith.constant 1 : i32
      %get3A_1321 = arith.constant 30 : i32
      %get3A_1322 = arith.index_cast %get3A_1320 : i32 to index
      %get3A_1323 = arith.index_cast %get3A_1321 : i32 to index
      %get3A_1324 = arith.index_cast %mul3A_1319 : i32 to index
      %get3A_1325 = tpu.vector_load %arg8[%get3A_1322, %get3A_1323, %get3A_1324] {strides = array<i32>} : memref<2x32x768xf32, #tpu.memory_space<vmem>>, vector<1x1x16xf32>,
      %get3A_1326 = vector.shape_cast %get3A_1325 : vector<1x1x16xf32> to vector<16xf32>
      %mul3A_1327 = arith.mulf %get3A_1326, %get3A_626 : vector<16xf32>
      %get3A_1328 = arith.constant 1 : i32
      %get3A_1329 = arith.constant 31 : i32
      %get3A_1330 = arith.index_cast %get3A_1328 : i32 to index
      %get3A_1331 = arith.index_cast %get3A_1329 : i32 to index
      %get3A_1332 = arith.index_cast %mul3A_1319 : i32 to index
      %get3A_1333 = tpu.vector_load %arg8[%get3A_1330, %get3A_1331, %get3A_1332] {strides = array<i32>} : memref<2x32x768xf32, #tpu.memory_space<vmem>>, vector<1x1x16xf32>,
      %get3A_1334 = vector.shape_cast %get3A_1333 : vector<1x1x16xf32> to vector<16xf32>
      %mul3A_1335 = arith.mulf %get3A_1334, %get3A_631 : vector<16xf32>
      %add3A_1336 = arith.addf %mul3A_1327, %mul3A_1335 : vector<16xf32>
      %swap3A = arith.constant 1 : i32
      %swap3A_1337 = arith.constant 15 : i32
      %swap3A_1338 = arith.index_cast %swap3A : i32 to index
      %swap3A_1339 = arith.index_cast %swap3A_1337 : i32 to index
      %swap3A_1340 = arith.index_cast %mul3A_1319 : i32 to index
      %swap3A_1341 = tpu.vector_load %arg9[%swap3A_1338, %swap3A_1339, %swap3A_1340] {strides = array<i32>} : memref<2x16x768xf32, #tpu.memory_space<vmem>>, vector<1x1x16xf32>,
      %swap3A_1342 = vector.shape_cast %swap3A_1341 : vector<1x1x16xf32> to vector<16xf32>
      %swap3A_1343 = vector.shape_cast %add3A_1336 : vector<16xf32> to vector<1x1x16xf32>
      tpu.vector_store %arg9[%swap3A_1338, %swap3A_1339, %swap3A_1340], %swap3A_1343 {strides = array<i32>} : memref<2x16x768xf32, #tpu.memory_space<vmem>>, vector<1x1x16xf32>,
      %scan3A_1344 = arith.constant 0 : i32
      scf.yield %scan3A_1344 : i32
    }
    %scan3A_638 = arith.constant 48 : i32
    %dma_start3A_639 = arith.constant 3 : i32
    %dma_start3A_640 = arith.constant 1 : i32
    %dma_start3A_641 = arith.constant 0 : i32
    %dma_start3A_642 = arith.constant 0 : i32
    %dma_start3A_643 = tpu.memref_slice %arg8[%dma_start3A_640, %dma_start3A_641, %dma_start3A_642] : memref<2x32x768xf32, #tpu.memory_space<vmem>> -> memref<1x32x768xf32, #tpu.memory_space<vmem>>
    %dma_start3A_644 = tpu.memref_squeeze %dma_start3A_643 : memref<1x32x768xf32, #tpu.memory_space<vmem>> -> memref<32x768xf32, #tpu.memory_space<vmem>>
    %dma_start3A_645 = arith.constant 0 : i32
    %dma_start3A_646 = tpu.memref_slice %arg6[%dma_start3A_639, %dma_start3A_645] : memref<4x32xi32, #tpu.memory_space<vmem>> -> memref<1x32xi32, #tpu.memory_space<vmem>>
    %dma_start3A_647 = tpu.memref_squeeze %dma_start3A_646 : memref<1x32xi32, #tpu.memory_space<vmem>> -> memref<32xi32, #tpu.memory_space<vmem>>
    %dma_start3A_648 = arith.constant 0 : i32
    %dma_start3A_649 = arith.constant 0 : i32
    %dma_start3A_650 = tpu.memref_slice %arg2[%dma_start3A_648, %dma_start3A_649] : memref<12288x768xf32, #tpu.memory_space<hbm>> -> memref<12288x768xf32, #tpu.memory_space<hbm>>
    tpu.enqueue_indirect_dma source(%dma_start3A_650 : memref<12288x768xf32, #tpu.memory_space<hbm>>) target(%dma_start3A_644 : memref<32x768xf32, #tpu.memory_space<vmem>>) offsets(%dma_start3A_647 : memref<32xi32, #tpu.memory_space<vmem>>) semaphore(%arg11 : memref<!tpu.dma_semaphore, #tpu.memory_space<semaphore_mem>>)
    %add3A_651 = arith.constant 16 : i32
    %add3A_652 = arith.addi %mul3A_2, %add3A_651 : i32
    %dma_start3A_653 = arith.constant 1 : i32
    %dma_start3A_654 = arith.constant 0 : i32
    %dma_start3A_655 = arith.constant 0 : i32
    %dma_start3A_656 = tpu.memref_slice %arg9[%dma_start3A_653, %dma_start3A_654, %dma_start3A_655] : memref<2x16x768xf32, #tpu.memory_space<vmem>> -> memref<1x16x768xf32, #tpu.memory_space<vmem>>
    %dma_start3A_657 = tpu.memref_squeeze %dma_start3A_656 : memref<1x16x768xf32, #tpu.memory_space<vmem>> -> memref<16x768xf32, #tpu.memory_space<vmem>>
    %dma_start3A_658 = arith.constant 0 : i32
    %dma_start3A_659 = tpu.memref_slice %arg5[%add3A_652, %dma_start3A_658] : memref<2048x768xf32, #tpu.memory_space<hbm>> -> memref<16x768xf32, #tpu.memory_space<hbm>>
    %dma_start3A_660 = arith.constant 0 : i32
    %dma_start3A_661 = tpu.memref_slice %arg5[%add3A_652, %dma_start3A_660] : memref<2048x768xf32, #tpu.memory_space<hbm>> -> memref<16x768xf32, #tpu.memory_space<hbm>>
    %dma_start3A_662 = arith.constant 0 : i32
    %dma_start3A_663 = arith.constant 0 : i32
    %dma_start3A_664 = tpu.memref_slice %arg9[%dma_start3A_653, %dma_start3A_662, %dma_start3A_663] : memref<2x16x768xf32, #tpu.memory_space<vmem>> -> memref<1x16x768xf32, #tpu.memory_space<vmem>>
    %dma_start3A_665 = tpu.memref_squeeze %dma_start3A_664 : memref<1x16x768xf32, #tpu.memory_space<vmem>> -> memref<16x768xf32, #tpu.memory_space<vmem>>
    tpu.enqueue_dma source(%dma_start3A_665 : memref<16x768xf32, #tpu.memory_space<vmem>>) target(%dma_start3A_661 : memref<16x768xf32, #tpu.memory_space<hbm>>) target_semaphore(%arg13 : memref<!tpu.dma_semaphore, #tpu.memory_space<semaphore_mem>>)
    %dma_wait3A_666 = arith.constant 0 : i32
    %dma_wait3A_667 = arith.constant 0 : i32
    %dma_wait3A_668 = arith.constant 0 : i32
    %dma_wait3A_669 = tpu.memref_slice %arg9[%dma_wait3A_666, %dma_wait3A_667, %dma_wait3A_668] : memref<2x16x768xf32, #tpu.memory_space<vmem>> -> memref<1x16x768xf32, #tpu.memory_space<vmem>>
    %dma_wait3A_670 = tpu.memref_squeeze %dma_wait3A_669 : memref<1x16x768xf32, #tpu.memory_space<vmem>> -> memref<16x768xf32, #tpu.memory_space<vmem>>
    %dma_wait3A_671 = arith.constant 0 : i32
    %dma_wait3A_672 = tpu.memref_slice %arg5[%add3A_341, %dma_wait3A_671] : memref<2048x768xf32, #tpu.memory_space<hbm>> -> memref<16x768xf32, #tpu.memory_space<hbm>>
    %dma_wait3A_673 = arith.constant 0 : i32
    %dma_wait3A_674 = tpu.memref_slice %arg5[%add3A_341, %dma_wait3A_673] : memref<2048x768xf32, #tpu.memory_space<hbm>> -> memref<16x768xf32, #tpu.memory_space<hbm>>
    %dma_wait3A_675 = arith.constant 0 : i32
    %dma_wait3A_676 = arith.constant 0 : i32
    %dma_wait3A_677 = tpu.memref_slice %arg9[%dma_wait3A_666, %dma_wait3A_675, %dma_wait3A_676] : memref<2x16x768xf32, #tpu.memory_space<vmem>> -> memref<1x16x768xf32, #tpu.memory_space<vmem>>
    %dma_wait3A_678 = tpu.memref_squeeze %dma_wait3A_677 : memref<1x16x768xf32, #tpu.memory_space<vmem>> -> memref<16x768xf32, #tpu.memory_space<vmem>>
    tpu.wait_dma2 semaphore(%arg12 : memref<!tpu.dma_semaphore, #tpu.memory_space<semaphore_mem>>) src(%dma_wait3A_678 : memref<16x768xf32, #tpu.memory_space<vmem>>) dst(%dma_wait3A_674 : memref<16x768xf32, #tpu.memory_space<hbm>>)
    %dma_wait3A_679 = arith.constant 2 : i32
    %dma_wait3A_680 = arith.constant 0 : i32
    %dma_wait3A_681 = arith.constant 0 : i32
    %dma_wait3A_682 = arith.constant 0 : i32
    %dma_wait3A_683 = tpu.memref_slice %arg8[%dma_wait3A_680, %dma_wait3A_681, %dma_wait3A_682] : memref<2x32x768xf32, #tpu.memory_space<vmem>> -> memref<1x32x768xf32, #tpu.memory_space<vmem>>
    %dma_wait3A_684 = tpu.memref_squeeze %dma_wait3A_683 : memref<1x32x768xf32, #tpu.memory_space<vmem>> -> memref<32x768xf32, #tpu.memory_space<vmem>>
    %dma_wait3A_685 = arith.constant 0 : i32
    %dma_wait3A_686 = tpu.memref_slice %arg6[%dma_wait3A_679, %dma_wait3A_685] : memref<4x32xi32, #tpu.memory_space<vmem>> -> memref<1x32xi32, #tpu.memory_space<vmem>>
    %dma_wait3A_687 = tpu.memref_squeeze %dma_wait3A_686 : memref<1x32xi32, #tpu.memory_space<vmem>> -> memref<32xi32, #tpu.memory_space<vmem>>
    %dma_wait3A_688 = arith.constant 0 : i32
    %dma_wait3A_689 = arith.constant 0 : i32
    %dma_wait3A_690 = tpu.memref_slice %arg2[%dma_wait3A_688, %dma_wait3A_689] : memref<12288x768xf32, #tpu.memory_space<hbm>> -> memref<12288x768xf32, #tpu.memory_space<hbm>>
    tpu.wait_indirect_dma semaphore(%arg10 : memref<!tpu.dma_semaphore, #tpu.memory_space<semaphore_mem>>) src(%dma_wait3A_690 : memref<12288x768xf32, #tpu.memory_space<hbm>>) dst(%dma_wait3A_684 : memref<32x768xf32, #tpu.memory_space<vmem>>)
    %get3A_691 = arith.constant 64 : i32
    %get3A_692 = arith.index_cast %get3A_691 : i32 to index
    %get3A_693 = arith.constant 0 : index
    %get3A_694 = tpu.vector_load %arg7[%get3A_692, %get3A_693] {strides = array<i32>} : memref<128x128xf32, #tpu.memory_space<vmem>>, vector<1x16xf32>,
    %get3A_695 = vector.shape_cast %get3A_694 : vector<1x16xf32> to vector<16xf32>
    %get3A_696 = arith.constant 65 : i32
    %get3A_697 = arith.index_cast %get3A_696 : i32 to index
    %get3A_698 = arith.constant 0 : index
    %get3A_699 = tpu.vector_load %arg7[%get3A_697, %get3A_698] {strides = array<i32>} : memref<128x128xf32, #tpu.memory_space<vmem>>, vector<1x16xf32>,
    %get3A_700 = vector.shape_cast %get3A_699 : vector<1x16xf32> to vector<16xf32>
    %scan3A_701 = arith.constant 0 : i32
    %scan3A_702 = arith.constant 0 : i32
    %scan3A_703 = arith.constant 48 : i32
    %scan3A_704 = arith.addi %scan3A_702, %scan3A_703 : i32
    %scan3A_705 = arith.constant 1 : i32
    %scan3A_706 = scf.for %scan3A_1316 = %scan3A_702 to %scan3A_704 step %scan3A_705 iter_args(%scan3A_1317 = %scan3A_701) -> (i32)  : i32 {
      %mul3A_1318 = arith.constant 16 : i32
      %mul3A_1319 = arith.muli %scan3A_1316, %mul3A_1318 : i32
      %get3A_1320 = arith.constant 0 : i32
      %get3A_1321 = arith.constant 0 : i32
      %get3A_1322 = arith.index_cast %get3A_1320 : i32 to index
      %get3A_1323 = arith.index_cast %get3A_1321 : i32 to index
      %get3A_1324 = arith.index_cast %mul3A_1319 : i32 to index
      %get3A_1325 = tpu.vector_load %arg8[%get3A_1322, %get3A_1323, %get3A_1324] {strides = array<i32>} : memref<2x32x768xf32, #tpu.memory_space<vmem>>, vector<1x1x16xf32>,
      %get3A_1326 = vector.shape_cast %get3A_1325 : vector<1x1x16xf32> to vector<16xf32>
      %mul3A_1327 = arith.mulf %get3A_1326, %get3A_695 : vector<16xf32>
      %get3A_1328 = arith.constant 0 : i32
      %get3A_1329 = arith.constant 1 : i32
      %get3A_1330 = arith.index_cast %get3A_1328 : i32 to index
      %get3A_1331 = arith.index_cast %get3A_1329 : i32 to index
      %get3A_1332 = arith.index_cast %mul3A_1319 : i32 to index
      %get3A_1333 = tpu.vector_load %arg8[%get3A_1330, %get3A_1331, %get3A_1332] {strides = array<i32>} : memref<2x32x768xf32, #tpu.memory_space<vmem>>, vector<1x1x16xf32>,
      %get3A_1334 = vector.shape_cast %get3A_1333 : vector<1x1x16xf32> to vector<16xf32>
      %mul3A_1335 = arith.mulf %get3A_1334, %get3A_700 : vector<16xf32>
      %add3A_1336 = arith.addf %mul3A_1327, %mul3A_1335 : vector<16xf32>
      %swap3A = arith.constant 0 : i32
      %swap3A_1337 = arith.constant 0 : i32
      %swap3A_1338 = arith.index_cast %swap3A : i32 to index
      %swap3A_1339 = arith.index_cast %swap3A_1337 : i32 to index
      %swap3A_1340 = arith.index_cast %mul3A_1319 : i32 to index
      %swap3A_1341 = tpu.vector_load %arg9[%swap3A_1338, %swap3A_1339, %swap3A_1340] {strides = array<i32>} : memref<2x16x768xf32, #tpu.memory_space<vmem>>, vector<1x1x16xf32>,
      %swap3A_1342 = vector.shape_cast %swap3A_1341 : vector<1x1x16xf32> to vector<16xf32>
      %swap3A_1343 = vector.shape_cast %add3A_1336 : vector<16xf32> to vector<1x1x16xf32>
      tpu.vector_store %arg9[%swap3A_1338, %swap3A_1339, %swap3A_1340], %swap3A_1343 {strides = array<i32>} : memref<2x16x768xf32, #tpu.memory_space<vmem>>, vector<1x1x16xf32>,
      %scan3A_1344 = arith.constant 0 : i32
      scf.yield %scan3A_1344 : i32
    }
    %scan3A_707 = arith.constant 48 : i32
    %get3A_708 = arith.constant 66 : i32
    %get3A_709 = arith.index_cast %get3A_708 : i32 to index
    %get3A_710 = arith.constant 0 : index
    %get3A_711 = tpu.vector_load %arg7[%get3A_709, %get3A_710] {strides = array<i32>} : memref<128x128xf32, #tpu.memory_space<vmem>>, vector<1x16xf32>,
    %get3A_712 = vector.shape_cast %get3A_711 : vector<1x16xf32> to vector<16xf32>
    %get3A_713 = arith.constant 67 : i32
    %get3A_714 = arith.index_cast %get3A_713 : i32 to index
    %get3A_715 = arith.constant 0 : index
    %get3A_716 = tpu.vector_load %arg7[%get3A_714, %get3A_715] {strides = array<i32>} : memref<128x128xf32, #tpu.memory_space<vmem>>, vector<1x16xf32>,
    %get3A_717 = vector.shape_cast %get3A_716 : vector<1x16xf32> to vector<16xf32>
    %scan3A_718 = arith.constant 0 : i32
    %scan3A_719 = arith.constant 0 : i32
    %scan3A_720 = arith.constant 48 : i32
    %scan3A_721 = arith.addi %scan3A_719, %scan3A_720 : i32
    %scan3A_722 = arith.constant 1 : i32
    %scan3A_723 = scf.for %scan3A_1316 = %scan3A_719 to %scan3A_721 step %scan3A_722 iter_args(%scan3A_1317 = %scan3A_718) -> (i32)  : i32 {
      %mul3A_1318 = arith.constant 16 : i32
      %mul3A_1319 = arith.muli %scan3A_1316, %mul3A_1318 : i32
      %get3A_1320 = arith.constant 0 : i32
      %get3A_1321 = arith.constant 2 : i32
      %get3A_1322 = arith.index_cast %get3A_1320 : i32 to index
      %get3A_1323 = arith.index_cast %get3A_1321 : i32 to index
      %get3A_1324 = arith.index_cast %mul3A_1319 : i32 to index
      %get3A_1325 = tpu.vector_load %arg8[%get3A_1322, %get3A_1323, %get3A_1324] {strides = array<i32>} : memref<2x32x768xf32, #tpu.memory_space<vmem>>, vector<1x1x16xf32>,
      %get3A_1326 = vector.shape_cast %get3A_1325 : vector<1x1x16xf32> to vector<16xf32>
      %mul3A_1327 = arith.mulf %get3A_1326, %get3A_712 : vector<16xf32>
      %get3A_1328 = arith.constant 0 : i32
      %get3A_1329 = arith.constant 3 : i32
      %get3A_1330 = arith.index_cast %get3A_1328 : i32 to index
      %get3A_1331 = arith.index_cast %get3A_1329 : i32 to index
      %get3A_1332 = arith.index_cast %mul3A_1319 : i32 to index
      %get3A_1333 = tpu.vector_load %arg8[%get3A_1330, %get3A_1331, %get3A_1332] {strides = array<i32>} : memref<2x32x768xf32, #tpu.memory_space<vmem>>, vector<1x1x16xf32>,
      %get3A_1334 = vector.shape_cast %get3A_1333 : vector<1x1x16xf32> to vector<16xf32>
      %mul3A_1335 = arith.mulf %get3A_1334, %get3A_717 : vector<16xf32>
      %add3A_1336 = arith.addf %mul3A_1327, %mul3A_1335 : vector<16xf32>
      %swap3A = arith.constant 0 : i32
      %swap3A_1337 = arith.constant 1 : i32
      %swap3A_1338 = arith.index_cast %swap3A : i32 to index
      %swap3A_1339 = arith.index_cast %swap3A_1337 : i32 to index
      %swap3A_1340 = arith.index_cast %mul3A_1319 : i32 to index
      %swap3A_1341 = tpu.vector_load %arg9[%swap3A_1338, %swap3A_1339, %swap3A_1340] {strides = array<i32>} : memref<2x16x768xf32, #tpu.memory_space<vmem>>, vector<1x1x16xf32>,
      %swap3A_1342 = vector.shape_cast %swap3A_1341 : vector<1x1x16xf32> to vector<16xf32>
      %swap3A_1343 = vector.shape_cast %add3A_1336 : vector<16xf32> to vector<1x1x16xf32>
      tpu.vector_store %arg9[%swap3A_1338, %swap3A_1339, %swap3A_1340], %swap3A_1343 {strides = array<i32>} : memref<2x16x768xf32, #tpu.memory_space<vmem>>, vector<1x1x16xf32>,
      %scan3A_1344 = arith.constant 0 : i32
      scf.yield %scan3A_1344 : i32
    }
    %scan3A_724 = arith.constant 48 : i32
    %get3A_725 = arith.constant 68 : i32
    %get3A_726 = arith.index_cast %get3A_725 : i32 to index
    %get3A_727 = arith.constant 0 : index
    %get3A_728 = tpu.vector_load %arg7[%get3A_726, %get3A_727] {strides = array<i32>} : memref<128x128xf32, #tpu.memory_space<vmem>>, vector<1x16xf32>,
    %get3A_729 = vector.shape_cast %get3A_728 : vector<1x16xf32> to vector<16xf32>
    %get3A_730 = arith.constant 69 : i32
    %get3A_731 = arith.index_cast %get3A_730 : i32 to index
    %get3A_732 = arith.constant 0 : index
    %get3A_733 = tpu.vector_load %arg7[%get3A_731, %get3A_732] {strides = array<i32>} : memref<128x128xf32, #tpu.memory_space<vmem>>, vector<1x16xf32>,
    %get3A_734 = vector.shape_cast %get3A_733 : vector<1x16xf32> to vector<16xf32>
    %scan3A_735 = arith.constant 0 : i32
    %scan3A_736 = arith.constant 0 : i32
    %scan3A_737 = arith.constant 48 : i32
    %scan3A_738 = arith.addi %scan3A_736, %scan3A_737 : i32
    %scan3A_739 = arith.constant 1 : i32
    %scan3A_740 = scf.for %scan3A_1316 = %scan3A_736 to %scan3A_738 step %scan3A_739 iter_args(%scan3A_1317 = %scan3A_735) -> (i32)  : i32 {
      %mul3A_1318 = arith.constant 16 : i32
      %mul3A_1319 = arith.muli %scan3A_1316, %mul3A_1318 : i32
      %get3A_1320 = arith.constant 0 : i32
      %get3A_1321 = arith.constant 4 : i32
      %get3A_1322 = arith.index_cast %get3A_1320 : i32 to index
      %get3A_1323 = arith.index_cast %get3A_1321 : i32 to index
      %get3A_1324 = arith.index_cast %mul3A_1319 : i32 to index
      %get3A_1325 = tpu.vector_load %arg8[%get3A_1322, %get3A_1323, %get3A_1324] {strides = array<i32>} : memref<2x32x768xf32, #tpu.memory_space<vmem>>, vector<1x1x16xf32>,
      %get3A_1326 = vector.shape_cast %get3A_1325 : vector<1x1x16xf32> to vector<16xf32>
      %mul3A_1327 = arith.mulf %get3A_1326, %get3A_729 : vector<16xf32>
      %get3A_1328 = arith.constant 0 : i32
      %get3A_1329 = arith.constant 5 : i32
      %get3A_1330 = arith.index_cast %get3A_1328 : i32 to index
      %get3A_1331 = arith.index_cast %get3A_1329 : i32 to index
      %get3A_1332 = arith.index_cast %mul3A_1319 : i32 to index
      %get3A_1333 = tpu.vector_load %arg8[%get3A_1330, %get3A_1331, %get3A_1332] {strides = array<i32>} : memref<2x32x768xf32, #tpu.memory_space<vmem>>, vector<1x1x16xf32>,
      %get3A_1334 = vector.shape_cast %get3A_1333 : vector<1x1x16xf32> to vector<16xf32>
      %mul3A_1335 = arith.mulf %get3A_1334, %get3A_734 : vector<16xf32>
      %add3A_1336 = arith.addf %mul3A_1327, %mul3A_1335 : vector<16xf32>
      %swap3A = arith.constant 0 : i32
      %swap3A_1337 = arith.constant 2 : i32
      %swap3A_1338 = arith.index_cast %swap3A : i32 to index
      %swap3A_1339 = arith.index_cast %swap3A_1337 : i32 to index
      %swap3A_1340 = arith.index_cast %mul3A_1319 : i32 to index
      %swap3A_1341 = tpu.vector_load %arg9[%swap3A_1338, %swap3A_1339, %swap3A_1340] {strides = array<i32>} : memref<2x16x768xf32, #tpu.memory_space<vmem>>, vector<1x1x16xf32>,
      %swap3A_1342 = vector.shape_cast %swap3A_1341 : vector<1x1x16xf32> to vector<16xf32>
      %swap3A_1343 = vector.shape_cast %add3A_1336 : vector<16xf32> to vector<1x1x16xf32>
      tpu.vector_store %arg9[%swap3A_1338, %swap3A_1339, %swap3A_1340], %swap3A_1343 {strides = array<i32>} : memref<2x16x768xf32, #tpu.memory_space<vmem>>, vector<1x1x16xf32>,
      %scan3A_1344 = arith.constant 0 : i32
      scf.yield %scan3A_1344 : i32
    }
    %scan3A_741 = arith.constant 48 : i32
    %get3A_742 = arith.constant 70 : i32
    %get3A_743 = arith.index_cast %get3A_742 : i32 to index
    %get3A_744 = arith.constant 0 : index
    %get3A_745 = tpu.vector_load %arg7[%get3A_743, %get3A_744] {strides = array<i32>} : memref<128x128xf32, #tpu.memory_space<vmem>>, vector<1x16xf32>,
    %get3A_746 = vector.shape_cast %get3A_745 : vector<1x16xf32> to vector<16xf32>
    %get3A_747 = arith.constant 71 : i32
    %get3A_748 = arith.index_cast %get3A_747 : i32 to index
    %get3A_749 = arith.constant 0 : index
    %get3A_750 = tpu.vector_load %arg7[%get3A_748, %get3A_749] {strides = array<i32>} : memref<128x128xf32, #tpu.memory_space<vmem>>, vector<1x16xf32>,
    %get3A_751 = vector.shape_cast %get3A_750 : vector<1x16xf32> to vector<16xf32>
    %scan3A_752 = arith.constant 0 : i32
    %scan3A_753 = arith.constant 0 : i32
    %scan3A_754 = arith.constant 48 : i32
    %scan3A_755 = arith.addi %scan3A_753, %scan3A_754 : i32
    %scan3A_756 = arith.constant 1 : i32
    %scan3A_757 = scf.for %scan3A_1316 = %scan3A_753 to %scan3A_755 step %scan3A_756 iter_args(%scan3A_1317 = %scan3A_752) -> (i32)  : i32 {
      %mul3A_1318 = arith.constant 16 : i32
      %mul3A_1319 = arith.muli %scan3A_1316, %mul3A_1318 : i32
      %get3A_1320 = arith.constant 0 : i32
      %get3A_1321 = arith.constant 6 : i32
      %get3A_1322 = arith.index_cast %get3A_1320 : i32 to index
      %get3A_1323 = arith.index_cast %get3A_1321 : i32 to index
      %get3A_1324 = arith.index_cast %mul3A_1319 : i32 to index
      %get3A_1325 = tpu.vector_load %arg8[%get3A_1322, %get3A_1323, %get3A_1324] {strides = array<i32>} : memref<2x32x768xf32, #tpu.memory_space<vmem>>, vector<1x1x16xf32>,
      %get3A_1326 = vector.shape_cast %get3A_1325 : vector<1x1x16xf32> to vector<16xf32>
      %mul3A_1327 = arith.mulf %get3A_1326, %get3A_746 : vector<16xf32>
      %get3A_1328 = arith.constant 0 : i32
      %get3A_1329 = arith.constant 7 : i32
      %get3A_1330 = arith.index_cast %get3A_1328 : i32 to index
      %get3A_1331 = arith.index_cast %get3A_1329 : i32 to index
      %get3A_1332 = arith.index_cast %mul3A_1319 : i32 to index
      %get3A_1333 = tpu.vector_load %arg8[%get3A_1330, %get3A_1331, %get3A_1332] {strides = array<i32>} : memref<2x32x768xf32, #tpu.memory_space<vmem>>, vector<1x1x16xf32>,
      %get3A_1334 = vector.shape_cast %get3A_1333 : vector<1x1x16xf32> to vector<16xf32>
      %mul3A_1335 = arith.mulf %get3A_1334, %get3A_751 : vector<16xf32>
      %add3A_1336 = arith.addf %mul3A_1327, %mul3A_1335 : vector<16xf32>
      %swap3A = arith.constant 0 : i32
      %swap3A_1337 = arith.constant 3 : i32
      %swap3A_1338 = arith.index_cast %swap3A : i32 to index
      %swap3A_1339 = arith.index_cast %swap3A_1337 : i32 to index
      %swap3A_1340 = arith.index_cast %mul3A_1319 : i32 to index
      %swap3A_1341 = tpu.vector_load %arg9[%swap3A_1338, %swap3A_1339, %swap3A_1340] {strides = array<i32>} : memref<2x16x768xf32, #tpu.memory_space<vmem>>, vector<1x1x16xf32>,
      %swap3A_1342 = vector.shape_cast %swap3A_1341 : vector<1x1x16xf32> to vector<16xf32>
      %swap3A_1343 = vector.shape_cast %add3A_1336 : vector<16xf32> to vector<1x1x16xf32>
      tpu.vector_store %arg9[%swap3A_1338, %swap3A_1339, %swap3A_1340], %swap3A_1343 {strides = array<i32>} : memref<2x16x768xf32, #tpu.memory_space<vmem>>, vector<1x1x16xf32>,
      %scan3A_1344 = arith.constant 0 : i32
      scf.yield %scan3A_1344 : i32
    }
    %scan3A_758 = arith.constant 48 : i32
    %get3A_759 = arith.constant 72 : i32
    %get3A_760 = arith.index_cast %get3A_759 : i32 to index
    %get3A_761 = arith.constant 0 : index
    %get3A_762 = tpu.vector_load %arg7[%get3A_760, %get3A_761] {strides = array<i32>} : memref<128x128xf32, #tpu.memory_space<vmem>>, vector<1x16xf32>,
    %get3A_763 = vector.shape_cast %get3A_762 : vector<1x16xf32> to vector<16xf32>
    %get3A_764 = arith.constant 73 : i32
    %get3A_765 = arith.index_cast %get3A_764 : i32 to index
    %get3A_766 = arith.constant 0 : index
    %get3A_767 = tpu.vector_load %arg7[%get3A_765, %get3A_766] {strides = array<i32>} : memref<128x128xf32, #tpu.memory_space<vmem>>, vector<1x16xf32>,
    %get3A_768 = vector.shape_cast %get3A_767 : vector<1x16xf32> to vector<16xf32>
    %scan3A_769 = arith.constant 0 : i32
    %scan3A_770 = arith.constant 0 : i32
    %scan3A_771 = arith.constant 48 : i32
    %scan3A_772 = arith.addi %scan3A_770, %scan3A_771 : i32
    %scan3A_773 = arith.constant 1 : i32
    %scan3A_774 = scf.for %scan3A_1316 = %scan3A_770 to %scan3A_772 step %scan3A_773 iter_args(%scan3A_1317 = %scan3A_769) -> (i32)  : i32 {
      %mul3A_1318 = arith.constant 16 : i32
      %mul3A_1319 = arith.muli %scan3A_1316, %mul3A_1318 : i32
      %get3A_1320 = arith.constant 0 : i32
      %get3A_1321 = arith.constant 8 : i32
      %get3A_1322 = arith.index_cast %get3A_1320 : i32 to index
      %get3A_1323 = arith.index_cast %get3A_1321 : i32 to index
      %get3A_1324 = arith.index_cast %mul3A_1319 : i32 to index
      %get3A_1325 = tpu.vector_load %arg8[%get3A_1322, %get3A_1323, %get3A_1324] {strides = array<i32>} : memref<2x32x768xf32, #tpu.memory_space<vmem>>, vector<1x1x16xf32>,
      %get3A_1326 = vector.shape_cast %get3A_1325 : vector<1x1x16xf32> to vector<16xf32>
      %mul3A_1327 = arith.mulf %get3A_1326, %get3A_763 : vector<16xf32>
      %get3A_1328 = arith.constant 0 : i32
      %get3A_1329 = arith.constant 9 : i32
      %get3A_1330 = arith.index_cast %get3A_1328 : i32 to index
      %get3A_1331 = arith.index_cast %get3A_1329 : i32 to index
      %get3A_1332 = arith.index_cast %mul3A_1319 : i32 to index
      %get3A_1333 = tpu.vector_load %arg8[%get3A_1330, %get3A_1331, %get3A_1332] {strides = array<i32>} : memref<2x32x768xf32, #tpu.memory_space<vmem>>, vector<1x1x16xf32>,
      %get3A_1334 = vector.shape_cast %get3A_1333 : vector<1x1x16xf32> to vector<16xf32>
      %mul3A_1335 = arith.mulf %get3A_1334, %get3A_768 : vector<16xf32>
      %add3A_1336 = arith.addf %mul3A_1327, %mul3A_1335 : vector<16xf32>
      %swap3A = arith.constant 0 : i32
      %swap3A_1337 = arith.constant 4 : i32
      %swap3A_1338 = arith.index_cast %swap3A : i32 to index
      %swap3A_1339 = arith.index_cast %swap3A_1337 : i32 to index
      %swap3A_1340 = arith.index_cast %mul3A_1319 : i32 to index
      %swap3A_1341 = tpu.vector_load %arg9[%swap3A_1338, %swap3A_1339, %swap3A_1340] {strides = array<i32>} : memref<2x16x768xf32, #tpu.memory_space<vmem>>, vector<1x1x16xf32>,
      %swap3A_1342 = vector.shape_cast %swap3A_1341 : vector<1x1x16xf32> to vector<16xf32>
      %swap3A_1343 = vector.shape_cast %add3A_1336 : vector<16xf32> to vector<1x1x16xf32>
      tpu.vector_store %arg9[%swap3A_1338, %swap3A_1339, %swap3A_1340], %swap3A_1343 {strides = array<i32>} : memref<2x16x768xf32, #tpu.memory_space<vmem>>, vector<1x1x16xf32>,
      %scan3A_1344 = arith.constant 0 : i32
      scf.yield %scan3A_1344 : i32
    }
    %scan3A_775 = arith.constant 48 : i32
    %get3A_776 = arith.constant 74 : i32
    %get3A_777 = arith.index_cast %get3A_776 : i32 to index
    %get3A_778 = arith.constant 0 : index
    %get3A_779 = tpu.vector_load %arg7[%get3A_777, %get3A_778] {strides = array<i32>} : memref<128x128xf32, #tpu.memory_space<vmem>>, vector<1x16xf32>,
    %get3A_780 = vector.shape_cast %get3A_779 : vector<1x16xf32> to vector<16xf32>
    %get3A_781 = arith.constant 75 : i32
    %get3A_782 = arith.index_cast %get3A_781 : i32 to index
    %get3A_783 = arith.constant 0 : index
    %get3A_784 = tpu.vector_load %arg7[%get3A_782, %get3A_783] {strides = array<i32>} : memref<128x128xf32, #tpu.memory_space<vmem>>, vector<1x16xf32>,
    %get3A_785 = vector.shape_cast %get3A_784 : vector<1x16xf32> to vector<16xf32>
    %scan3A_786 = arith.constant 0 : i32
    %scan3A_787 = arith.constant 0 : i32
    %scan3A_788 = arith.constant 48 : i32
    %scan3A_789 = arith.addi %scan3A_787, %scan3A_788 : i32
    %scan3A_790 = arith.constant 1 : i32
    %scan3A_791 = scf.for %scan3A_1316 = %scan3A_787 to %scan3A_789 step %scan3A_790 iter_args(%scan3A_1317 = %scan3A_786) -> (i32)  : i32 {
      %mul3A_1318 = arith.constant 16 : i32
      %mul3A_1319 = arith.muli %scan3A_1316, %mul3A_1318 : i32
      %get3A_1320 = arith.constant 0 : i32
      %get3A_1321 = arith.constant 10 : i32
      %get3A_1322 = arith.index_cast %get3A_1320 : i32 to index
      %get3A_1323 = arith.index_cast %get3A_1321 : i32 to index
      %get3A_1324 = arith.index_cast %mul3A_1319 : i32 to index
      %get3A_1325 = tpu.vector_load %arg8[%get3A_1322, %get3A_1323, %get3A_1324] {strides = array<i32>} : memref<2x32x768xf32, #tpu.memory_space<vmem>>, vector<1x1x16xf32>,
      %get3A_1326 = vector.shape_cast %get3A_1325 : vector<1x1x16xf32> to vector<16xf32>
      %mul3A_1327 = arith.mulf %get3A_1326, %get3A_780 : vector<16xf32>
      %get3A_1328 = arith.constant 0 : i32
      %get3A_1329 = arith.constant 11 : i32
      %get3A_1330 = arith.index_cast %get3A_1328 : i32 to index
      %get3A_1331 = arith.index_cast %get3A_1329 : i32 to index
      %get3A_1332 = arith.index_cast %mul3A_1319 : i32 to index
      %get3A_1333 = tpu.vector_load %arg8[%get3A_1330, %get3A_1331, %get3A_1332] {strides = array<i32>} : memref<2x32x768xf32, #tpu.memory_space<vmem>>, vector<1x1x16xf32>,
      %get3A_1334 = vector.shape_cast %get3A_1333 : vector<1x1x16xf32> to vector<16xf32>
      %mul3A_1335 = arith.mulf %get3A_1334, %get3A_785 : vector<16xf32>
      %add3A_1336 = arith.addf %mul3A_1327, %mul3A_1335 : vector<16xf32>
      %swap3A = arith.constant 0 : i32
      %swap3A_1337 = arith.constant 5 : i32
      %swap3A_1338 = arith.index_cast %swap3A : i32 to index
      %swap3A_1339 = arith.index_cast %swap3A_1337 : i32 to index
      %swap3A_1340 = arith.index_cast %mul3A_1319 : i32 to index
      %swap3A_1341 = tpu.vector_load %arg9[%swap3A_1338, %swap3A_1339, %swap3A_1340] {strides = array<i32>} : memref<2x16x768xf32, #tpu.memory_space<vmem>>, vector<1x1x16xf32>,
      %swap3A_1342 = vector.shape_cast %swap3A_1341 : vector<1x1x16xf32> to vector<16xf32>
      %swap3A_1343 = vector.shape_cast %add3A_1336 : vector<16xf32> to vector<1x1x16xf32>
      tpu.vector_store %arg9[%swap3A_1338, %swap3A_1339, %swap3A_1340], %swap3A_1343 {strides = array<i32>} : memref<2x16x768xf32, #tpu.memory_space<vmem>>, vector<1x1x16xf32>,
      %scan3A_1344 = arith.constant 0 : i32
      scf.yield %scan3A_1344 : i32
    }
    %scan3A_792 = arith.constant 48 : i32
    %get3A_793 = arith.constant 76 : i32
    %get3A_794 = arith.index_cast %get3A_793 : i32 to index
    %get3A_795 = arith.constant 0 : index
    %get3A_796 = tpu.vector_load %arg7[%get3A_794, %get3A_795] {strides = array<i32>} : memref<128x128xf32, #tpu.memory_space<vmem>>, vector<1x16xf32>,
    %get3A_797 = vector.shape_cast %get3A_796 : vector<1x16xf32> to vector<16xf32>
    %get3A_798 = arith.constant 77 : i32
    %get3A_799 = arith.index_cast %get3A_798 : i32 to index
    %get3A_800 = arith.constant 0 : index
    %get3A_801 = tpu.vector_load %arg7[%get3A_799, %get3A_800] {strides = array<i32>} : memref<128x128xf32, #tpu.memory_space<vmem>>, vector<1x16xf32>,
    %get3A_802 = vector.shape_cast %get3A_801 : vector<1x16xf32> to vector<16xf32>
    %scan3A_803 = arith.constant 0 : i32
    %scan3A_804 = arith.constant 0 : i32
    %scan3A_805 = arith.constant 48 : i32
    %scan3A_806 = arith.addi %scan3A_804, %scan3A_805 : i32
    %scan3A_807 = arith.constant 1 : i32
    %scan3A_808 = scf.for %scan3A_1316 = %scan3A_804 to %scan3A_806 step %scan3A_807 iter_args(%scan3A_1317 = %scan3A_803) -> (i32)  : i32 {
      %mul3A_1318 = arith.constant 16 : i32
      %mul3A_1319 = arith.muli %scan3A_1316, %mul3A_1318 : i32
      %get3A_1320 = arith.constant 0 : i32
      %get3A_1321 = arith.constant 12 : i32
      %get3A_1322 = arith.index_cast %get3A_1320 : i32 to index
      %get3A_1323 = arith.index_cast %get3A_1321 : i32 to index
      %get3A_1324 = arith.index_cast %mul3A_1319 : i32 to index
      %get3A_1325 = tpu.vector_load %arg8[%get3A_1322, %get3A_1323, %get3A_1324] {strides = array<i32>} : memref<2x32x768xf32, #tpu.memory_space<vmem>>, vector<1x1x16xf32>,
      %get3A_1326 = vector.shape_cast %get3A_1325 : vector<1x1x16xf32> to vector<16xf32>
      %mul3A_1327 = arith.mulf %get3A_1326, %get3A_797 : vector<16xf32>
      %get3A_1328 = arith.constant 0 : i32
      %get3A_1329 = arith.constant 13 : i32
      %get3A_1330 = arith.index_cast %get3A_1328 : i32 to index
      %get3A_1331 = arith.index_cast %get3A_1329 : i32 to index
      %get3A_1332 = arith.index_cast %mul3A_1319 : i32 to index
      %get3A_1333 = tpu.vector_load %arg8[%get3A_1330, %get3A_1331, %get3A_1332] {strides = array<i32>} : memref<2x32x768xf32, #tpu.memory_space<vmem>>, vector<1x1x16xf32>,
      %get3A_1334 = vector.shape_cast %get3A_1333 : vector<1x1x16xf32> to vector<16xf32>
      %mul3A_1335 = arith.mulf %get3A_1334, %get3A_802 : vector<16xf32>
      %add3A_1336 = arith.addf %mul3A_1327, %mul3A_1335 : vector<16xf32>
      %swap3A = arith.constant 0 : i32
      %swap3A_1337 = arith.constant 6 : i32
      %swap3A_1338 = arith.index_cast %swap3A : i32 to index
      %swap3A_1339 = arith.index_cast %swap3A_1337 : i32 to index
      %swap3A_1340 = arith.index_cast %mul3A_1319 : i32 to index
      %swap3A_1341 = tpu.vector_load %arg9[%swap3A_1338, %swap3A_1339, %swap3A_1340] {strides = array<i32>} : memref<2x16x768xf32, #tpu.memory_space<vmem>>, vector<1x1x16xf32>,
      %swap3A_1342 = vector.shape_cast %swap3A_1341 : vector<1x1x16xf32> to vector<16xf32>
      %swap3A_1343 = vector.shape_cast %add3A_1336 : vector<16xf32> to vector<1x1x16xf32>
      tpu.vector_store %arg9[%swap3A_1338, %swap3A_1339, %swap3A_1340], %swap3A_1343 {strides = array<i32>} : memref<2x16x768xf32, #tpu.memory_space<vmem>>, vector<1x1x16xf32>,
      %scan3A_1344 = arith.constant 0 : i32
      scf.yield %scan3A_1344 : i32
    }
    %scan3A_809 = arith.constant 48 : i32
    %get3A_810 = arith.constant 78 : i32
    %get3A_811 = arith.index_cast %get3A_810 : i32 to index
    %get3A_812 = arith.constant 0 : index
    %get3A_813 = tpu.vector_load %arg7[%get3A_811, %get3A_812] {strides = array<i32>} : memref<128x128xf32, #tpu.memory_space<vmem>>, vector<1x16xf32>,
    %get3A_814 = vector.shape_cast %get3A_813 : vector<1x16xf32> to vector<16xf32>
    %get3A_815 = arith.constant 79 : i32
    %get3A_816 = arith.index_cast %get3A_815 : i32 to index
    %get3A_817 = arith.constant 0 : index
    %get3A_818 = tpu.vector_load %arg7[%get3A_816, %get3A_817] {strides = array<i32>} : memref<128x128xf32, #tpu.memory_space<vmem>>, vector<1x16xf32>,
    %get3A_819 = vector.shape_cast %get3A_818 : vector<1x16xf32> to vector<16xf32>
    %scan3A_820 = arith.constant 0 : i32
    %scan3A_821 = arith.constant 0 : i32
    %scan3A_822 = arith.constant 48 : i32
    %scan3A_823 = arith.addi %scan3A_821, %scan3A_822 : i32
    %scan3A_824 = arith.constant 1 : i32
    %scan3A_825 = scf.for %scan3A_1316 = %scan3A_821 to %scan3A_823 step %scan3A_824 iter_args(%scan3A_1317 = %scan3A_820) -> (i32)  : i32 {
      %mul3A_1318 = arith.constant 16 : i32
      %mul3A_1319 = arith.muli %scan3A_1316, %mul3A_1318 : i32
      %get3A_1320 = arith.constant 0 : i32
      %get3A_1321 = arith.constant 14 : i32
      %get3A_1322 = arith.index_cast %get3A_1320 : i32 to index
      %get3A_1323 = arith.index_cast %get3A_1321 : i32 to index
      %get3A_1324 = arith.index_cast %mul3A_1319 : i32 to index
      %get3A_1325 = tpu.vector_load %arg8[%get3A_1322, %get3A_1323, %get3A_1324] {strides = array<i32>} : memref<2x32x768xf32, #tpu.memory_space<vmem>>, vector<1x1x16xf32>,
      %get3A_1326 = vector.shape_cast %get3A_1325 : vector<1x1x16xf32> to vector<16xf32>
      %mul3A_1327 = arith.mulf %get3A_1326, %get3A_814 : vector<16xf32>
      %get3A_1328 = arith.constant 0 : i32
      %get3A_1329 = arith.constant 15 : i32
      %get3A_1330 = arith.index_cast %get3A_1328 : i32 to index
      %get3A_1331 = arith.index_cast %get3A_1329 : i32 to index
      %get3A_1332 = arith.index_cast %mul3A_1319 : i32 to index
      %get3A_1333 = tpu.vector_load %arg8[%get3A_1330, %get3A_1331, %get3A_1332] {strides = array<i32>} : memref<2x32x768xf32, #tpu.memory_space<vmem>>, vector<1x1x16xf32>,
      %get3A_1334 = vector.shape_cast %get3A_1333 : vector<1x1x16xf32> to vector<16xf32>
      %mul3A_1335 = arith.mulf %get3A_1334, %get3A_819 : vector<16xf32>
      %add3A_1336 = arith.addf %mul3A_1327, %mul3A_1335 : vector<16xf32>
      %swap3A = arith.constant 0 : i32
      %swap3A_1337 = arith.constant 7 : i32
      %swap3A_1338 = arith.index_cast %swap3A : i32 to index
      %swap3A_1339 = arith.index_cast %swap3A_1337 : i32 to index
      %swap3A_1340 = arith.index_cast %mul3A_1319 : i32 to index
      %swap3A_1341 = tpu.vector_load %arg9[%swap3A_1338, %swap3A_1339, %swap3A_1340] {strides = array<i32>} : memref<2x16x768xf32, #tpu.memory_space<vmem>>, vector<1x1x16xf32>,
      %swap3A_1342 = vector.shape_cast %swap3A_1341 : vector<1x1x16xf32> to vector<16xf32>
      %swap3A_1343 = vector.shape_cast %add3A_1336 : vector<16xf32> to vector<1x1x16xf32>
      tpu.vector_store %arg9[%swap3A_1338, %swap3A_1339, %swap3A_1340], %swap3A_1343 {strides = array<i32>} : memref<2x16x768xf32, #tpu.memory_space<vmem>>, vector<1x1x16xf32>,
      %scan3A_1344 = arith.constant 0 : i32
      scf.yield %scan3A_1344 : i32
    }
    %scan3A_826 = arith.constant 48 : i32
    %get3A_827 = arith.constant 80 : i32
    %get3A_828 = arith.index_cast %get3A_827 : i32 to index
    %get3A_829 = arith.constant 0 : index
    %get3A_830 = tpu.vector_load %arg7[%get3A_828, %get3A_829] {strides = array<i32>} : memref<128x128xf32, #tpu.memory_space<vmem>>, vector<1x16xf32>,
    %get3A_831 = vector.shape_cast %get3A_830 : vector<1x16xf32> to vector<16xf32>
    %get3A_832 = arith.constant 81 : i32
    %get3A_833 = arith.index_cast %get3A_832 : i32 to index
    %get3A_834 = arith.constant 0 : index
    %get3A_835 = tpu.vector_load %arg7[%get3A_833, %get3A_834] {strides = array<i32>} : memref<128x128xf32, #tpu.memory_space<vmem>>, vector<1x16xf32>,
    %get3A_836 = vector.shape_cast %get3A_835 : vector<1x16xf32> to vector<16xf32>
    %scan3A_837 = arith.constant 0 : i32
    %scan3A_838 = arith.constant 0 : i32
    %scan3A_839 = arith.constant 48 : i32
    %scan3A_840 = arith.addi %scan3A_838, %scan3A_839 : i32
    %scan3A_841 = arith.constant 1 : i32
    %scan3A_842 = scf.for %scan3A_1316 = %scan3A_838 to %scan3A_840 step %scan3A_841 iter_args(%scan3A_1317 = %scan3A_837) -> (i32)  : i32 {
      %mul3A_1318 = arith.constant 16 : i32
      %mul3A_1319 = arith.muli %scan3A_1316, %mul3A_1318 : i32
      %get3A_1320 = arith.constant 0 : i32
      %get3A_1321 = arith.constant 16 : i32
      %get3A_1322 = arith.index_cast %get3A_1320 : i32 to index
      %get3A_1323 = arith.index_cast %get3A_1321 : i32 to index
      %get3A_1324 = arith.index_cast %mul3A_1319 : i32 to index
      %get3A_1325 = tpu.vector_load %arg8[%get3A_1322, %get3A_1323, %get3A_1324] {strides = array<i32>} : memref<2x32x768xf32, #tpu.memory_space<vmem>>, vector<1x1x16xf32>,
      %get3A_1326 = vector.shape_cast %get3A_1325 : vector<1x1x16xf32> to vector<16xf32>
      %mul3A_1327 = arith.mulf %get3A_1326, %get3A_831 : vector<16xf32>
      %get3A_1328 = arith.constant 0 : i32
      %get3A_1329 = arith.constant 17 : i32
      %get3A_1330 = arith.index_cast %get3A_1328 : i32 to index
      %get3A_1331 = arith.index_cast %get3A_1329 : i32 to index
      %get3A_1332 = arith.index_cast %mul3A_1319 : i32 to index
      %get3A_1333 = tpu.vector_load %arg8[%get3A_1330, %get3A_1331, %get3A_1332] {strides = array<i32>} : memref<2x32x768xf32, #tpu.memory_space<vmem>>, vector<1x1x16xf32>,
      %get3A_1334 = vector.shape_cast %get3A_1333 : vector<1x1x16xf32> to vector<16xf32>
      %mul3A_1335 = arith.mulf %get3A_1334, %get3A_836 : vector<16xf32>
      %add3A_1336 = arith.addf %mul3A_1327, %mul3A_1335 : vector<16xf32>
      %swap3A = arith.constant 0 : i32
      %swap3A_1337 = arith.constant 8 : i32
      %swap3A_1338 = arith.index_cast %swap3A : i32 to index
      %swap3A_1339 = arith.index_cast %swap3A_1337 : i32 to index
      %swap3A_1340 = arith.index_cast %mul3A_1319 : i32 to index
      %swap3A_1341 = tpu.vector_load %arg9[%swap3A_1338, %swap3A_1339, %swap3A_1340] {strides = array<i32>} : memref<2x16x768xf32, #tpu.memory_space<vmem>>, vector<1x1x16xf32>,
      %swap3A_1342 = vector.shape_cast %swap3A_1341 : vector<1x1x16xf32> to vector<16xf32>
      %swap3A_1343 = vector.shape_cast %add3A_1336 : vector<16xf32> to vector<1x1x16xf32>
      tpu.vector_store %arg9[%swap3A_1338, %swap3A_1339, %swap3A_1340], %swap3A_1343 {strides = array<i32>} : memref<2x16x768xf32, #tpu.memory_space<vmem>>, vector<1x1x16xf32>,
      %scan3A_1344 = arith.constant 0 : i32
      scf.yield %scan3A_1344 : i32
    }
    %scan3A_843 = arith.constant 48 : i32
    %get3A_844 = arith.constant 82 : i32
    %get3A_845 = arith.index_cast %get3A_844 : i32 to index
    %get3A_846 = arith.constant 0 : index
    %get3A_847 = tpu.vector_load %arg7[%get3A_845, %get3A_846] {strides = array<i32>} : memref<128x128xf32, #tpu.memory_space<vmem>>, vector<1x16xf32>,
    %get3A_848 = vector.shape_cast %get3A_847 : vector<1x16xf32> to vector<16xf32>
    %get3A_849 = arith.constant 83 : i32
    %get3A_850 = arith.index_cast %get3A_849 : i32 to index
    %get3A_851 = arith.constant 0 : index
    %get3A_852 = tpu.vector_load %arg7[%get3A_850, %get3A_851] {strides = array<i32>} : memref<128x128xf32, #tpu.memory_space<vmem>>, vector<1x16xf32>,
    %get3A_853 = vector.shape_cast %get3A_852 : vector<1x16xf32> to vector<16xf32>
    %scan3A_854 = arith.constant 0 : i32
    %scan3A_855 = arith.constant 0 : i32
    %scan3A_856 = arith.constant 48 : i32
    %scan3A_857 = arith.addi %scan3A_855, %scan3A_856 : i32
    %scan3A_858 = arith.constant 1 : i32
    %scan3A_859 = scf.for %scan3A_1316 = %scan3A_855 to %scan3A_857 step %scan3A_858 iter_args(%scan3A_1317 = %scan3A_854) -> (i32)  : i32 {
      %mul3A_1318 = arith.constant 16 : i32
      %mul3A_1319 = arith.muli %scan3A_1316, %mul3A_1318 : i32
      %get3A_1320 = arith.constant 0 : i32
      %get3A_1321 = arith.constant 18 : i32
      %get3A_1322 = arith.index_cast %get3A_1320 : i32 to index
      %get3A_1323 = arith.index_cast %get3A_1321 : i32 to index
      %get3A_1324 = arith.index_cast %mul3A_1319 : i32 to index
      %get3A_1325 = tpu.vector_load %arg8[%get3A_1322, %get3A_1323, %get3A_1324] {strides = array<i32>} : memref<2x32x768xf32, #tpu.memory_space<vmem>>, vector<1x1x16xf32>,
      %get3A_1326 = vector.shape_cast %get3A_1325 : vector<1x1x16xf32> to vector<16xf32>
      %mul3A_1327 = arith.mulf %get3A_1326, %get3A_848 : vector<16xf32>
      %get3A_1328 = arith.constant 0 : i32
      %get3A_1329 = arith.constant 19 : i32
      %get3A_1330 = arith.index_cast %get3A_1328 : i32 to index
      %get3A_1331 = arith.index_cast %get3A_1329 : i32 to index
      %get3A_1332 = arith.index_cast %mul3A_1319 : i32 to index
      %get3A_1333 = tpu.vector_load %arg8[%get3A_1330, %get3A_1331, %get3A_1332] {strides = array<i32>} : memref<2x32x768xf32, #tpu.memory_space<vmem>>, vector<1x1x16xf32>,
      %get3A_1334 = vector.shape_cast %get3A_1333 : vector<1x1x16xf32> to vector<16xf32>
      %mul3A_1335 = arith.mulf %get3A_1334, %get3A_853 : vector<16xf32>
      %add3A_1336 = arith.addf %mul3A_1327, %mul3A_1335 : vector<16xf32>
      %swap3A = arith.constant 0 : i32
      %swap3A_1337 = arith.constant 9 : i32
      %swap3A_1338 = arith.index_cast %swap3A : i32 to index
      %swap3A_1339 = arith.index_cast %swap3A_1337 : i32 to index
      %swap3A_1340 = arith.index_cast %mul3A_1319 : i32 to index
      %swap3A_1341 = tpu.vector_load %arg9[%swap3A_1338, %swap3A_1339, %swap3A_1340] {strides = array<i32>} : memref<2x16x768xf32, #tpu.memory_space<vmem>>, vector<1x1x16xf32>,
      %swap3A_1342 = vector.shape_cast %swap3A_1341 : vector<1x1x16xf32> to vector<16xf32>
      %swap3A_1343 = vector.shape_cast %add3A_1336 : vector<16xf32> to vector<1x1x16xf32>
      tpu.vector_store %arg9[%swap3A_1338, %swap3A_1339, %swap3A_1340], %swap3A_1343 {strides = array<i32>} : memref<2x16x768xf32, #tpu.memory_space<vmem>>, vector<1x1x16xf32>,
      %scan3A_1344 = arith.constant 0 : i32
      scf.yield %scan3A_1344 : i32
    }
    %scan3A_860 = arith.constant 48 : i32
    %get3A_861 = arith.constant 84 : i32
    %get3A_862 = arith.index_cast %get3A_861 : i32 to index
    %get3A_863 = arith.constant 0 : index
    %get3A_864 = tpu.vector_load %arg7[%get3A_862, %get3A_863] {strides = array<i32>} : memref<128x128xf32, #tpu.memory_space<vmem>>, vector<1x16xf32>,
    %get3A_865 = vector.shape_cast %get3A_864 : vector<1x16xf32> to vector<16xf32>
    %get3A_866 = arith.constant 85 : i32
    %get3A_867 = arith.index_cast %get3A_866 : i32 to index
    %get3A_868 = arith.constant 0 : index
    %get3A_869 = tpu.vector_load %arg7[%get3A_867, %get3A_868] {strides = array<i32>} : memref<128x128xf32, #tpu.memory_space<vmem>>, vector<1x16xf32>,
    %get3A_870 = vector.shape_cast %get3A_869 : vector<1x16xf32> to vector<16xf32>
    %scan3A_871 = arith.constant 0 : i32
    %scan3A_872 = arith.constant 0 : i32
    %scan3A_873 = arith.constant 48 : i32
    %scan3A_874 = arith.addi %scan3A_872, %scan3A_873 : i32
    %scan3A_875 = arith.constant 1 : i32
    %scan3A_876 = scf.for %scan3A_1316 = %scan3A_872 to %scan3A_874 step %scan3A_875 iter_args(%scan3A_1317 = %scan3A_871) -> (i32)  : i32 {
      %mul3A_1318 = arith.constant 16 : i32
      %mul3A_1319 = arith.muli %scan3A_1316, %mul3A_1318 : i32
      %get3A_1320 = arith.constant 0 : i32
      %get3A_1321 = arith.constant 20 : i32
      %get3A_1322 = arith.index_cast %get3A_1320 : i32 to index
      %get3A_1323 = arith.index_cast %get3A_1321 : i32 to index
      %get3A_1324 = arith.index_cast %mul3A_1319 : i32 to index
      %get3A_1325 = tpu.vector_load %arg8[%get3A_1322, %get3A_1323, %get3A_1324] {strides = array<i32>} : memref<2x32x768xf32, #tpu.memory_space<vmem>>, vector<1x1x16xf32>,
      %get3A_1326 = vector.shape_cast %get3A_1325 : vector<1x1x16xf32> to vector<16xf32>
      %mul3A_1327 = arith.mulf %get3A_1326, %get3A_865 : vector<16xf32>
      %get3A_1328 = arith.constant 0 : i32
      %get3A_1329 = arith.constant 21 : i32
      %get3A_1330 = arith.index_cast %get3A_1328 : i32 to index
      %get3A_1331 = arith.index_cast %get3A_1329 : i32 to index
      %get3A_1332 = arith.index_cast %mul3A_1319 : i32 to index
      %get3A_1333 = tpu.vector_load %arg8[%get3A_1330, %get3A_1331, %get3A_1332] {strides = array<i32>} : memref<2x32x768xf32, #tpu.memory_space<vmem>>, vector<1x1x16xf32>,
      %get3A_1334 = vector.shape_cast %get3A_1333 : vector<1x1x16xf32> to vector<16xf32>
      %mul3A_1335 = arith.mulf %get3A_1334, %get3A_870 : vector<16xf32>
      %add3A_1336 = arith.addf %mul3A_1327, %mul3A_1335 : vector<16xf32>
      %swap3A = arith.constant 0 : i32
      %swap3A_1337 = arith.constant 10 : i32
      %swap3A_1338 = arith.index_cast %swap3A : i32 to index
      %swap3A_1339 = arith.index_cast %swap3A_1337 : i32 to index
      %swap3A_1340 = arith.index_cast %mul3A_1319 : i32 to index
      %swap3A_1341 = tpu.vector_load %arg9[%swap3A_1338, %swap3A_1339, %swap3A_1340] {strides = array<i32>} : memref<2x16x768xf32, #tpu.memory_space<vmem>>, vector<1x1x16xf32>,
      %swap3A_1342 = vector.shape_cast %swap3A_1341 : vector<1x1x16xf32> to vector<16xf32>
      %swap3A_1343 = vector.shape_cast %add3A_1336 : vector<16xf32> to vector<1x1x16xf32>
      tpu.vector_store %arg9[%swap3A_1338, %swap3A_1339, %swap3A_1340], %swap3A_1343 {strides = array<i32>} : memref<2x16x768xf32, #tpu.memory_space<vmem>>, vector<1x1x16xf32>,
      %scan3A_1344 = arith.constant 0 : i32
      scf.yield %scan3A_1344 : i32
    }
    %scan3A_877 = arith.constant 48 : i32
    %get3A_878 = arith.constant 86 : i32
    %get3A_879 = arith.index_cast %get3A_878 : i32 to index
    %get3A_880 = arith.constant 0 : index
    %get3A_881 = tpu.vector_load %arg7[%get3A_879, %get3A_880] {strides = array<i32>} : memref<128x128xf32, #tpu.memory_space<vmem>>, vector<1x16xf32>,
    %get3A_882 = vector.shape_cast %get3A_881 : vector<1x16xf32> to vector<16xf32>
    %get3A_883 = arith.constant 87 : i32
    %get3A_884 = arith.index_cast %get3A_883 : i32 to index
    %get3A_885 = arith.constant 0 : index
    %get3A_886 = tpu.vector_load %arg7[%get3A_884, %get3A_885] {strides = array<i32>} : memref<128x128xf32, #tpu.memory_space<vmem>>, vector<1x16xf32>,
    %get3A_887 = vector.shape_cast %get3A_886 : vector<1x16xf32> to vector<16xf32>
    %scan3A_888 = arith.constant 0 : i32
    %scan3A_889 = arith.constant 0 : i32
    %scan3A_890 = arith.constant 48 : i32
    %scan3A_891 = arith.addi %scan3A_889, %scan3A_890 : i32
    %scan3A_892 = arith.constant 1 : i32
    %scan3A_893 = scf.for %scan3A_1316 = %scan3A_889 to %scan3A_891 step %scan3A_892 iter_args(%scan3A_1317 = %scan3A_888) -> (i32)  : i32 {
      %mul3A_1318 = arith.constant 16 : i32
      %mul3A_1319 = arith.muli %scan3A_1316, %mul3A_1318 : i32
      %get3A_1320 = arith.constant 0 : i32
      %get3A_1321 = arith.constant 22 : i32
      %get3A_1322 = arith.index_cast %get3A_1320 : i32 to index
      %get3A_1323 = arith.index_cast %get3A_1321 : i32 to index
      %get3A_1324 = arith.index_cast %mul3A_1319 : i32 to index
      %get3A_1325 = tpu.vector_load %arg8[%get3A_1322, %get3A_1323, %get3A_1324] {strides = array<i32>} : memref<2x32x768xf32, #tpu.memory_space<vmem>>, vector<1x1x16xf32>,
      %get3A_1326 = vector.shape_cast %get3A_1325 : vector<1x1x16xf32> to vector<16xf32>
      %mul3A_1327 = arith.mulf %get3A_1326, %get3A_882 : vector<16xf32>
      %get3A_1328 = arith.constant 0 : i32
      %get3A_1329 = arith.constant 23 : i32
      %get3A_1330 = arith.index_cast %get3A_1328 : i32 to index
      %get3A_1331 = arith.index_cast %get3A_1329 : i32 to index
      %get3A_1332 = arith.index_cast %mul3A_1319 : i32 to index
      %get3A_1333 = tpu.vector_load %arg8[%get3A_1330, %get3A_1331, %get3A_1332] {strides = array<i32>} : memref<2x32x768xf32, #tpu.memory_space<vmem>>, vector<1x1x16xf32>,
      %get3A_1334 = vector.shape_cast %get3A_1333 : vector<1x1x16xf32> to vector<16xf32>
      %mul3A_1335 = arith.mulf %get3A_1334, %get3A_887 : vector<16xf32>
      %add3A_1336 = arith.addf %mul3A_1327, %mul3A_1335 : vector<16xf32>
      %swap3A = arith.constant 0 : i32
      %swap3A_1337 = arith.constant 11 : i32
      %swap3A_1338 = arith.index_cast %swap3A : i32 to index
      %swap3A_1339 = arith.index_cast %swap3A_1337 : i32 to index
      %swap3A_1340 = arith.index_cast %mul3A_1319 : i32 to index
      %swap3A_1341 = tpu.vector_load %arg9[%swap3A_1338, %swap3A_1339, %swap3A_1340] {strides = array<i32>} : memref<2x16x768xf32, #tpu.memory_space<vmem>>, vector<1x1x16xf32>,
      %swap3A_1342 = vector.shape_cast %swap3A_1341 : vector<1x1x16xf32> to vector<16xf32>
      %swap3A_1343 = vector.shape_cast %add3A_1336 : vector<16xf32> to vector<1x1x16xf32>
      tpu.vector_store %arg9[%swap3A_1338, %swap3A_1339, %swap3A_1340], %swap3A_1343 {strides = array<i32>} : memref<2x16x768xf32, #tpu.memory_space<vmem>>, vector<1x1x16xf32>,
      %scan3A_1344 = arith.constant 0 : i32
      scf.yield %scan3A_1344 : i32
    }
    %scan3A_894 = arith.constant 48 : i32
    %get3A_895 = arith.constant 88 : i32
    %get3A_896 = arith.index_cast %get3A_895 : i32 to index
    %get3A_897 = arith.constant 0 : index
    %get3A_898 = tpu.vector_load %arg7[%get3A_896, %get3A_897] {strides = array<i32>} : memref<128x128xf32, #tpu.memory_space<vmem>>, vector<1x16xf32>,
    %get3A_899 = vector.shape_cast %get3A_898 : vector<1x16xf32> to vector<16xf32>
    %get3A_900 = arith.constant 89 : i32
    %get3A_901 = arith.index_cast %get3A_900 : i32 to index
    %get3A_902 = arith.constant 0 : index
    %get3A_903 = tpu.vector_load %arg7[%get3A_901, %get3A_902] {strides = array<i32>} : memref<128x128xf32, #tpu.memory_space<vmem>>, vector<1x16xf32>,
    %get3A_904 = vector.shape_cast %get3A_903 : vector<1x16xf32> to vector<16xf32>
    %scan3A_905 = arith.constant 0 : i32
    %scan3A_906 = arith.constant 0 : i32
    %scan3A_907 = arith.constant 48 : i32
    %scan3A_908 = arith.addi %scan3A_906, %scan3A_907 : i32
    %scan3A_909 = arith.constant 1 : i32
    %scan3A_910 = scf.for %scan3A_1316 = %scan3A_906 to %scan3A_908 step %scan3A_909 iter_args(%scan3A_1317 = %scan3A_905) -> (i32)  : i32 {
      %mul3A_1318 = arith.constant 16 : i32
      %mul3A_1319 = arith.muli %scan3A_1316, %mul3A_1318 : i32
      %get3A_1320 = arith.constant 0 : i32
      %get3A_1321 = arith.constant 24 : i32
      %get3A_1322 = arith.index_cast %get3A_1320 : i32 to index
      %get3A_1323 = arith.index_cast %get3A_1321 : i32 to index
      %get3A_1324 = arith.index_cast %mul3A_1319 : i32 to index
      %get3A_1325 = tpu.vector_load %arg8[%get3A_1322, %get3A_1323, %get3A_1324] {strides = array<i32>} : memref<2x32x768xf32, #tpu.memory_space<vmem>>, vector<1x1x16xf32>,
      %get3A_1326 = vector.shape_cast %get3A_1325 : vector<1x1x16xf32> to vector<16xf32>
      %mul3A_1327 = arith.mulf %get3A_1326, %get3A_899 : vector<16xf32>
      %get3A_1328 = arith.constant 0 : i32
      %get3A_1329 = arith.constant 25 : i32
      %get3A_1330 = arith.index_cast %get3A_1328 : i32 to index
      %get3A_1331 = arith.index_cast %get3A_1329 : i32 to index
      %get3A_1332 = arith.index_cast %mul3A_1319 : i32 to index
      %get3A_1333 = tpu.vector_load %arg8[%get3A_1330, %get3A_1331, %get3A_1332] {strides = array<i32>} : memref<2x32x768xf32, #tpu.memory_space<vmem>>, vector<1x1x16xf32>,
      %get3A_1334 = vector.shape_cast %get3A_1333 : vector<1x1x16xf32> to vector<16xf32>
      %mul3A_1335 = arith.mulf %get3A_1334, %get3A_904 : vector<16xf32>
      %add3A_1336 = arith.addf %mul3A_1327, %mul3A_1335 : vector<16xf32>
      %swap3A = arith.constant 0 : i32
      %swap3A_1337 = arith.constant 12 : i32
      %swap3A_1338 = arith.index_cast %swap3A : i32 to index
      %swap3A_1339 = arith.index_cast %swap3A_1337 : i32 to index
      %swap3A_1340 = arith.index_cast %mul3A_1319 : i32 to index
      %swap3A_1341 = tpu.vector_load %arg9[%swap3A_1338, %swap3A_1339, %swap3A_1340] {strides = array<i32>} : memref<2x16x768xf32, #tpu.memory_space<vmem>>, vector<1x1x16xf32>,
      %swap3A_1342 = vector.shape_cast %swap3A_1341 : vector<1x1x16xf32> to vector<16xf32>
      %swap3A_1343 = vector.shape_cast %add3A_1336 : vector<16xf32> to vector<1x1x16xf32>
      tpu.vector_store %arg9[%swap3A_1338, %swap3A_1339, %swap3A_1340], %swap3A_1343 {strides = array<i32>} : memref<2x16x768xf32, #tpu.memory_space<vmem>>, vector<1x1x16xf32>,
      %scan3A_1344 = arith.constant 0 : i32
      scf.yield %scan3A_1344 : i32
    }
    %scan3A_911 = arith.constant 48 : i32
    %get3A_912 = arith.constant 90 : i32
    %get3A_913 = arith.index_cast %get3A_912 : i32 to index
    %get3A_914 = arith.constant 0 : index
    %get3A_915 = tpu.vector_load %arg7[%get3A_913, %get3A_914] {strides = array<i32>} : memref<128x128xf32, #tpu.memory_space<vmem>>, vector<1x16xf32>,
    %get3A_916 = vector.shape_cast %get3A_915 : vector<1x16xf32> to vector<16xf32>
    %get3A_917 = arith.constant 91 : i32
    %get3A_918 = arith.index_cast %get3A_917 : i32 to index
    %get3A_919 = arith.constant 0 : index
    %get3A_920 = tpu.vector_load %arg7[%get3A_918, %get3A_919] {strides = array<i32>} : memref<128x128xf32, #tpu.memory_space<vmem>>, vector<1x16xf32>,
    %get3A_921 = vector.shape_cast %get3A_920 : vector<1x16xf32> to vector<16xf32>
    %scan3A_922 = arith.constant 0 : i32
    %scan3A_923 = arith.constant 0 : i32
    %scan3A_924 = arith.constant 48 : i32
    %scan3A_925 = arith.addi %scan3A_923, %scan3A_924 : i32
    %scan3A_926 = arith.constant 1 : i32
    %scan3A_927 = scf.for %scan3A_1316 = %scan3A_923 to %scan3A_925 step %scan3A_926 iter_args(%scan3A_1317 = %scan3A_922) -> (i32)  : i32 {
      %mul3A_1318 = arith.constant 16 : i32
      %mul3A_1319 = arith.muli %scan3A_1316, %mul3A_1318 : i32
      %get3A_1320 = arith.constant 0 : i32
      %get3A_1321 = arith.constant 26 : i32
      %get3A_1322 = arith.index_cast %get3A_1320 : i32 to index
      %get3A_1323 = arith.index_cast %get3A_1321 : i32 to index
      %get3A_1324 = arith.index_cast %mul3A_1319 : i32 to index
      %get3A_1325 = tpu.vector_load %arg8[%get3A_1322, %get3A_1323, %get3A_1324] {strides = array<i32>} : memref<2x32x768xf32, #tpu.memory_space<vmem>>, vector<1x1x16xf32>,
      %get3A_1326 = vector.shape_cast %get3A_1325 : vector<1x1x16xf32> to vector<16xf32>
      %mul3A_1327 = arith.mulf %get3A_1326, %get3A_916 : vector<16xf32>
      %get3A_1328 = arith.constant 0 : i32
      %get3A_1329 = arith.constant 27 : i32
      %get3A_1330 = arith.index_cast %get3A_1328 : i32 to index
      %get3A_1331 = arith.index_cast %get3A_1329 : i32 to index
      %get3A_1332 = arith.index_cast %mul3A_1319 : i32 to index
      %get3A_1333 = tpu.vector_load %arg8[%get3A_1330, %get3A_1331, %get3A_1332] {strides = array<i32>} : memref<2x32x768xf32, #tpu.memory_space<vmem>>, vector<1x1x16xf32>,
      %get3A_1334 = vector.shape_cast %get3A_1333 : vector<1x1x16xf32> to vector<16xf32>
      %mul3A_1335 = arith.mulf %get3A_1334, %get3A_921 : vector<16xf32>
      %add3A_1336 = arith.addf %mul3A_1327, %mul3A_1335 : vector<16xf32>
      %swap3A = arith.constant 0 : i32
      %swap3A_1337 = arith.constant 13 : i32
      %swap3A_1338 = arith.index_cast %swap3A : i32 to index
      %swap3A_1339 = arith.index_cast %swap3A_1337 : i32 to index
      %swap3A_1340 = arith.index_cast %mul3A_1319 : i32 to index
      %swap3A_1341 = tpu.vector_load %arg9[%swap3A_1338, %swap3A_1339, %swap3A_1340] {strides = array<i32>} : memref<2x16x768xf32, #tpu.memory_space<vmem>>, vector<1x1x16xf32>,
      %swap3A_1342 = vector.shape_cast %swap3A_1341 : vector<1x1x16xf32> to vector<16xf32>
      %swap3A_1343 = vector.shape_cast %add3A_1336 : vector<16xf32> to vector<1x1x16xf32>
      tpu.vector_store %arg9[%swap3A_1338, %swap3A_1339, %swap3A_1340], %swap3A_1343 {strides = array<i32>} : memref<2x16x768xf32, #tpu.memory_space<vmem>>, vector<1x1x16xf32>,
      %scan3A_1344 = arith.constant 0 : i32
      scf.yield %scan3A_1344 : i32
    }
    %scan3A_928 = arith.constant 48 : i32
    %get3A_929 = arith.constant 92 : i32
    %get3A_930 = arith.index_cast %get3A_929 : i32 to index
    %get3A_931 = arith.constant 0 : index
    %get3A_932 = tpu.vector_load %arg7[%get3A_930, %get3A_931] {strides = array<i32>} : memref<128x128xf32, #tpu.memory_space<vmem>>, vector<1x16xf32>,
    %get3A_933 = vector.shape_cast %get3A_932 : vector<1x16xf32> to vector<16xf32>
    %get3A_934 = arith.constant 93 : i32
    %get3A_935 = arith.index_cast %get3A_934 : i32 to index
    %get3A_936 = arith.constant 0 : index
    %get3A_937 = tpu.vector_load %arg7[%get3A_935, %get3A_936] {strides = array<i32>} : memref<128x128xf32, #tpu.memory_space<vmem>>, vector<1x16xf32>,
    %get3A_938 = vector.shape_cast %get3A_937 : vector<1x16xf32> to vector<16xf32>
    %scan3A_939 = arith.constant 0 : i32
    %scan3A_940 = arith.constant 0 : i32
    %scan3A_941 = arith.constant 48 : i32
    %scan3A_942 = arith.addi %scan3A_940, %scan3A_941 : i32
    %scan3A_943 = arith.constant 1 : i32
    %scan3A_944 = scf.for %scan3A_1316 = %scan3A_940 to %scan3A_942 step %scan3A_943 iter_args(%scan3A_1317 = %scan3A_939) -> (i32)  : i32 {
      %mul3A_1318 = arith.constant 16 : i32
      %mul3A_1319 = arith.muli %scan3A_1316, %mul3A_1318 : i32
      %get3A_1320 = arith.constant 0 : i32
      %get3A_1321 = arith.constant 28 : i32
      %get3A_1322 = arith.index_cast %get3A_1320 : i32 to index
      %get3A_1323 = arith.index_cast %get3A_1321 : i32 to index
      %get3A_1324 = arith.index_cast %mul3A_1319 : i32 to index
      %get3A_1325 = tpu.vector_load %arg8[%get3A_1322, %get3A_1323, %get3A_1324] {strides = array<i32>} : memref<2x32x768xf32, #tpu.memory_space<vmem>>, vector<1x1x16xf32>,
      %get3A_1326 = vector.shape_cast %get3A_1325 : vector<1x1x16xf32> to vector<16xf32>
      %mul3A_1327 = arith.mulf %get3A_1326, %get3A_933 : vector<16xf32>
      %get3A_1328 = arith.constant 0 : i32
      %get3A_1329 = arith.constant 29 : i32
      %get3A_1330 = arith.index_cast %get3A_1328 : i32 to index
      %get3A_1331 = arith.index_cast %get3A_1329 : i32 to index
      %get3A_1332 = arith.index_cast %mul3A_1319 : i32 to index
      %get3A_1333 = tpu.vector_load %arg8[%get3A_1330, %get3A_1331, %get3A_1332] {strides = array<i32>} : memref<2x32x768xf32, #tpu.memory_space<vmem>>, vector<1x1x16xf32>,
      %get3A_1334 = vector.shape_cast %get3A_1333 : vector<1x1x16xf32> to vector<16xf32>
      %mul3A_1335 = arith.mulf %get3A_1334, %get3A_938 : vector<16xf32>
      %add3A_1336 = arith.addf %mul3A_1327, %mul3A_1335 : vector<16xf32>
      %swap3A = arith.constant 0 : i32
      %swap3A_1337 = arith.constant 14 : i32
      %swap3A_1338 = arith.index_cast %swap3A : i32 to index
      %swap3A_1339 = arith.index_cast %swap3A_1337 : i32 to index
      %swap3A_1340 = arith.index_cast %mul3A_1319 : i32 to index
      %swap3A_1341 = tpu.vector_load %arg9[%swap3A_1338, %swap3A_1339, %swap3A_1340] {strides = array<i32>} : memref<2x16x768xf32, #tpu.memory_space<vmem>>, vector<1x1x16xf32>,
      %swap3A_1342 = vector.shape_cast %swap3A_1341 : vector<1x1x16xf32> to vector<16xf32>
      %swap3A_1343 = vector.shape_cast %add3A_1336 : vector<16xf32> to vector<1x1x16xf32>
      tpu.vector_store %arg9[%swap3A_1338, %swap3A_1339, %swap3A_1340], %swap3A_1343 {strides = array<i32>} : memref<2x16x768xf32, #tpu.memory_space<vmem>>, vector<1x1x16xf32>,
      %scan3A_1344 = arith.constant 0 : i32
      scf.yield %scan3A_1344 : i32
    }
    %scan3A_945 = arith.constant 48 : i32
    %get3A_946 = arith.constant 94 : i32
    %get3A_947 = arith.index_cast %get3A_946 : i32 to index
    %get3A_948 = arith.constant 0 : index
    %get3A_949 = tpu.vector_load %arg7[%get3A_947, %get3A_948] {strides = array<i32>} : memref<128x128xf32, #tpu.memory_space<vmem>>, vector<1x16xf32>,
    %get3A_950 = vector.shape_cast %get3A_949 : vector<1x16xf32> to vector<16xf32>
    %get3A_951 = arith.constant 95 : i32
    %get3A_952 = arith.index_cast %get3A_951 : i32 to index
    %get3A_953 = arith.constant 0 : index
    %get3A_954 = tpu.vector_load %arg7[%get3A_952, %get3A_953] {strides = array<i32>} : memref<128x128xf32, #tpu.memory_space<vmem>>, vector<1x16xf32>,
    %get3A_955 = vector.shape_cast %get3A_954 : vector<1x16xf32> to vector<16xf32>
    %scan3A_956 = arith.constant 0 : i32
    %scan3A_957 = arith.constant 0 : i32
    %scan3A_958 = arith.constant 48 : i32
    %scan3A_959 = arith.addi %scan3A_957, %scan3A_958 : i32
    %scan3A_960 = arith.constant 1 : i32
    %scan3A_961 = scf.for %scan3A_1316 = %scan3A_957 to %scan3A_959 step %scan3A_960 iter_args(%scan3A_1317 = %scan3A_956) -> (i32)  : i32 {
      %mul3A_1318 = arith.constant 16 : i32
      %mul3A_1319 = arith.muli %scan3A_1316, %mul3A_1318 : i32
      %get3A_1320 = arith.constant 0 : i32
      %get3A_1321 = arith.constant 30 : i32
      %get3A_1322 = arith.index_cast %get3A_1320 : i32 to index
      %get3A_1323 = arith.index_cast %get3A_1321 : i32 to index
      %get3A_1324 = arith.index_cast %mul3A_1319 : i32 to index
      %get3A_1325 = tpu.vector_load %arg8[%get3A_1322, %get3A_1323, %get3A_1324] {strides = array<i32>} : memref<2x32x768xf32, #tpu.memory_space<vmem>>, vector<1x1x16xf32>,
      %get3A_1326 = vector.shape_cast %get3A_1325 : vector<1x1x16xf32> to vector<16xf32>
      %mul3A_1327 = arith.mulf %get3A_1326, %get3A_950 : vector<16xf32>
      %get3A_1328 = arith.constant 0 : i32
      %get3A_1329 = arith.constant 31 : i32
      %get3A_1330 = arith.index_cast %get3A_1328 : i32 to index
      %get3A_1331 = arith.index_cast %get3A_1329 : i32 to index
      %get3A_1332 = arith.index_cast %mul3A_1319 : i32 to index
      %get3A_1333 = tpu.vector_load %arg8[%get3A_1330, %get3A_1331, %get3A_1332] {strides = array<i32>} : memref<2x32x768xf32, #tpu.memory_space<vmem>>, vector<1x1x16xf32>,
      %get3A_1334 = vector.shape_cast %get3A_1333 : vector<1x1x16xf32> to vector<16xf32>
      %mul3A_1335 = arith.mulf %get3A_1334, %get3A_955 : vector<16xf32>
      %add3A_1336 = arith.addf %mul3A_1327, %mul3A_1335 : vector<16xf32>
      %swap3A = arith.constant 0 : i32
      %swap3A_1337 = arith.constant 15 : i32
      %swap3A_1338 = arith.index_cast %swap3A : i32 to index
      %swap3A_1339 = arith.index_cast %swap3A_1337 : i32 to index
      %swap3A_1340 = arith.index_cast %mul3A_1319 : i32 to index
      %swap3A_1341 = tpu.vector_load %arg9[%swap3A_1338, %swap3A_1339, %swap3A_1340] {strides = array<i32>} : memref<2x16x768xf32, #tpu.memory_space<vmem>>, vector<1x1x16xf32>,
      %swap3A_1342 = vector.shape_cast %swap3A_1341 : vector<1x1x16xf32> to vector<16xf32>
      %swap3A_1343 = vector.shape_cast %add3A_1336 : vector<16xf32> to vector<1x1x16xf32>
      tpu.vector_store %arg9[%swap3A_1338, %swap3A_1339, %swap3A_1340], %swap3A_1343 {strides = array<i32>} : memref<2x16x768xf32, #tpu.memory_space<vmem>>, vector<1x1x16xf32>,
      %scan3A_1344 = arith.constant 0 : i32
      scf.yield %scan3A_1344 : i32
    }
    %scan3A_962 = arith.constant 48 : i32
    %add3A_963 = arith.constant 32 : i32
    %add3A_964 = arith.addi %mul3A_2, %add3A_963 : i32
    %dma_start3A_965 = arith.constant 0 : i32
    %dma_start3A_966 = arith.constant 0 : i32
    %dma_start3A_967 = arith.constant 0 : i32
    %dma_start3A_968 = tpu.memref_slice %arg9[%dma_start3A_965, %dma_start3A_966, %dma_start3A_967] : memref<2x16x768xf32, #tpu.memory_space<vmem>> -> memref<1x16x768xf32, #tpu.memory_space<vmem>>
    %dma_start3A_969 = tpu.memref_squeeze %dma_start3A_968 : memref<1x16x768xf32, #tpu.memory_space<vmem>> -> memref<16x768xf32, #tpu.memory_space<vmem>>
    %dma_start3A_970 = arith.constant 0 : i32
    %dma_start3A_971 = tpu.memref_slice %arg5[%add3A_964, %dma_start3A_970] : memref<2048x768xf32, #tpu.memory_space<hbm>> -> memref<16x768xf32, #tpu.memory_space<hbm>>
    %dma_start3A_972 = arith.constant 0 : i32
    %dma_start3A_973 = tpu.memref_slice %arg5[%add3A_964, %dma_start3A_972] : memref<2048x768xf32, #tpu.memory_space<hbm>> -> memref<16x768xf32, #tpu.memory_space<hbm>>
    %dma_start3A_974 = arith.constant 0 : i32
    %dma_start3A_975 = arith.constant 0 : i32
    %dma_start3A_976 = tpu.memref_slice %arg9[%dma_start3A_965, %dma_start3A_974, %dma_start3A_975] : memref<2x16x768xf32, #tpu.memory_space<vmem>> -> memref<1x16x768xf32, #tpu.memory_space<vmem>>
    %dma_start3A_977 = tpu.memref_squeeze %dma_start3A_976 : memref<1x16x768xf32, #tpu.memory_space<vmem>> -> memref<16x768xf32, #tpu.memory_space<vmem>>
    tpu.enqueue_dma source(%dma_start3A_977 : memref<16x768xf32, #tpu.memory_space<vmem>>) target(%dma_start3A_973 : memref<16x768xf32, #tpu.memory_space<hbm>>) target_semaphore(%arg12 : memref<!tpu.dma_semaphore, #tpu.memory_space<semaphore_mem>>)
    %dma_wait3A_978 = arith.constant 1 : i32
    %dma_wait3A_979 = arith.constant 0 : i32
    %dma_wait3A_980 = arith.constant 0 : i32
    %dma_wait3A_981 = tpu.memref_slice %arg9[%dma_wait3A_978, %dma_wait3A_979, %dma_wait3A_980] : memref<2x16x768xf32, #tpu.memory_space<vmem>> -> memref<1x16x768xf32, #tpu.memory_space<vmem>>
    %dma_wait3A_982 = tpu.memref_squeeze %dma_wait3A_981 : memref<1x16x768xf32, #tpu.memory_space<vmem>> -> memref<16x768xf32, #tpu.memory_space<vmem>>
    %dma_wait3A_983 = arith.constant 0 : i32
    %dma_wait3A_984 = tpu.memref_slice %arg5[%add3A_652, %dma_wait3A_983] : memref<2048x768xf32, #tpu.memory_space<hbm>> -> memref<16x768xf32, #tpu.memory_space<hbm>>
    %dma_wait3A_985 = arith.constant 0 : i32
    %dma_wait3A_986 = tpu.memref_slice %arg5[%add3A_652, %dma_wait3A_985] : memref<2048x768xf32, #tpu.memory_space<hbm>> -> memref<16x768xf32, #tpu.memory_space<hbm>>
    %dma_wait3A_987 = arith.constant 0 : i32
    %dma_wait3A_988 = arith.constant 0 : i32
    %dma_wait3A_989 = tpu.memref_slice %arg9[%dma_wait3A_978, %dma_wait3A_987, %dma_wait3A_988] : memref<2x16x768xf32, #tpu.memory_space<vmem>> -> memref<1x16x768xf32, #tpu.memory_space<vmem>>
    %dma_wait3A_990 = tpu.memref_squeeze %dma_wait3A_989 : memref<1x16x768xf32, #tpu.memory_space<vmem>> -> memref<16x768xf32, #tpu.memory_space<vmem>>
    tpu.wait_dma2 semaphore(%arg13 : memref<!tpu.dma_semaphore, #tpu.memory_space<semaphore_mem>>) src(%dma_wait3A_990 : memref<16x768xf32, #tpu.memory_space<vmem>>) dst(%dma_wait3A_986 : memref<16x768xf32, #tpu.memory_space<hbm>>)
    %dma_wait3A_991 = arith.constant 3 : i32
    %dma_wait3A_992 = arith.constant 1 : i32
    %dma_wait3A_993 = arith.constant 0 : i32
    %dma_wait3A_994 = arith.constant 0 : i32
    %dma_wait3A_995 = tpu.memref_slice %arg8[%dma_wait3A_992, %dma_wait3A_993, %dma_wait3A_994] : memref<2x32x768xf32, #tpu.memory_space<vmem>> -> memref<1x32x768xf32, #tpu.memory_space<vmem>>
    %dma_wait3A_996 = tpu.memref_squeeze %dma_wait3A_995 : memref<1x32x768xf32, #tpu.memory_space<vmem>> -> memref<32x768xf32, #tpu.memory_space<vmem>>
    %dma_wait3A_997 = arith.constant 0 : i32
    %dma_wait3A_998 = tpu.memref_slice %arg6[%dma_wait3A_991, %dma_wait3A_997] : memref<4x32xi32, #tpu.memory_space<vmem>> -> memref<1x32xi32, #tpu.memory_space<vmem>>
    %dma_wait3A_999 = tpu.memref_squeeze %dma_wait3A_998 : memref<1x32xi32, #tpu.memory_space<vmem>> -> memref<32xi32, #tpu.memory_space<vmem>>
    %dma_wait3A_1000 = arith.constant 0 : i32
    %dma_wait3A_1001 = arith.constant 0 : i32
    %dma_wait3A_1002 = tpu.memref_slice %arg2[%dma_wait3A_1000, %dma_wait3A_1001] : memref<12288x768xf32, #tpu.memory_space<hbm>> -> memref<12288x768xf32, #tpu.memory_space<hbm>>
    tpu.wait_indirect_dma semaphore(%arg11 : memref<!tpu.dma_semaphore, #tpu.memory_space<semaphore_mem>>) src(%dma_wait3A_1002 : memref<12288x768xf32, #tpu.memory_space<hbm>>) dst(%dma_wait3A_996 : memref<32x768xf32, #tpu.memory_space<vmem>>)
    %get3A_1003 = arith.constant 96 : i32
    %get3A_1004 = arith.index_cast %get3A_1003 : i32 to index
    %get3A_1005 = arith.constant 0 : index
    %get3A_1006 = tpu.vector_load %arg7[%get3A_1004, %get3A_1005] {strides = array<i32>} : memref<128x128xf32, #tpu.memory_space<vmem>>, vector<1x16xf32>,
    %get3A_1007 = vector.shape_cast %get3A_1006 : vector<1x16xf32> to vector<16xf32>
    %get3A_1008 = arith.constant 97 : i32
    %get3A_1009 = arith.index_cast %get3A_1008 : i32 to index
    %get3A_1010 = arith.constant 0 : index
    %get3A_1011 = tpu.vector_load %arg7[%get3A_1009, %get3A_1010] {strides = array<i32>} : memref<128x128xf32, #tpu.memory_space<vmem>>, vector<1x16xf32>,
    %get3A_1012 = vector.shape_cast %get3A_1011 : vector<1x16xf32> to vector<16xf32>
    %scan3A_1013 = arith.constant 0 : i32
    %scan3A_1014 = arith.constant 0 : i32
    %scan3A_1015 = arith.constant 48 : i32
    %scan3A_1016 = arith.addi %scan3A_1014, %scan3A_1015 : i32
    %scan3A_1017 = arith.constant 1 : i32
    %scan3A_1018 = scf.for %scan3A_1316 = %scan3A_1014 to %scan3A_1016 step %scan3A_1017 iter_args(%scan3A_1317 = %scan3A_1013) -> (i32)  : i32 {
      %mul3A_1318 = arith.constant 16 : i32
      %mul3A_1319 = arith.muli %scan3A_1316, %mul3A_1318 : i32
      %get3A_1320 = arith.constant 1 : i32
      %get3A_1321 = arith.constant 0 : i32
      %get3A_1322 = arith.index_cast %get3A_1320 : i32 to index
      %get3A_1323 = arith.index_cast %get3A_1321 : i32 to index
      %get3A_1324 = arith.index_cast %mul3A_1319 : i32 to index
      %get3A_1325 = tpu.vector_load %arg8[%get3A_1322, %get3A_1323, %get3A_1324] {strides = array<i32>} : memref<2x32x768xf32, #tpu.memory_space<vmem>>, vector<1x1x16xf32>,
      %get3A_1326 = vector.shape_cast %get3A_1325 : vector<1x1x16xf32> to vector<16xf32>
      %mul3A_1327 = arith.mulf %get3A_1326, %get3A_1007 : vector<16xf32>
      %get3A_1328 = arith.constant 1 : i32
      %get3A_1329 = arith.constant 1 : i32
      %get3A_1330 = arith.index_cast %get3A_1328 : i32 to index
      %get3A_1331 = arith.index_cast %get3A_1329 : i32 to index
      %get3A_1332 = arith.index_cast %mul3A_1319 : i32 to index
      %get3A_1333 = tpu.vector_load %arg8[%get3A_1330, %get3A_1331, %get3A_1332] {strides = array<i32>} : memref<2x32x768xf32, #tpu.memory_space<vmem>>, vector<1x1x16xf32>,
      %get3A_1334 = vector.shape_cast %get3A_1333 : vector<1x1x16xf32> to vector<16xf32>
      %mul3A_1335 = arith.mulf %get3A_1334, %get3A_1012 : vector<16xf32>
      %add3A_1336 = arith.addf %mul3A_1327, %mul3A_1335 : vector<16xf32>
      %swap3A = arith.constant 1 : i32
      %swap3A_1337 = arith.constant 0 : i32
      %swap3A_1338 = arith.index_cast %swap3A : i32 to index
      %swap3A_1339 = arith.index_cast %swap3A_1337 : i32 to index
      %swap3A_1340 = arith.index_cast %mul3A_1319 : i32 to index
      %swap3A_1341 = tpu.vector_load %arg9[%swap3A_1338, %swap3A_1339, %swap3A_1340] {strides = array<i32>} : memref<2x16x768xf32, #tpu.memory_space<vmem>>, vector<1x1x16xf32>,
      %swap3A_1342 = vector.shape_cast %swap3A_1341 : vector<1x1x16xf32> to vector<16xf32>
      %swap3A_1343 = vector.shape_cast %add3A_1336 : vector<16xf32> to vector<1x1x16xf32>
      tpu.vector_store %arg9[%swap3A_1338, %swap3A_1339, %swap3A_1340], %swap3A_1343 {strides = array<i32>} : memref<2x16x768xf32, #tpu.memory_space<vmem>>, vector<1x1x16xf32>,
      %scan3A_1344 = arith.constant 0 : i32
      scf.yield %scan3A_1344 : i32
    }
    %scan3A_1019 = arith.constant 48 : i32
    %get3A_1020 = arith.constant 98 : i32
    %get3A_1021 = arith.index_cast %get3A_1020 : i32 to index
    %get3A_1022 = arith.constant 0 : index
    %get3A_1023 = tpu.vector_load %arg7[%get3A_1021, %get3A_1022] {strides = array<i32>} : memref<128x128xf32, #tpu.memory_space<vmem>>, vector<1x16xf32>,
    %get3A_1024 = vector.shape_cast %get3A_1023 : vector<1x16xf32> to vector<16xf32>
    %get3A_1025 = arith.constant 99 : i32
    %get3A_1026 = arith.index_cast %get3A_1025 : i32 to index
    %get3A_1027 = arith.constant 0 : index
    %get3A_1028 = tpu.vector_load %arg7[%get3A_1026, %get3A_1027] {strides = array<i32>} : memref<128x128xf32, #tpu.memory_space<vmem>>, vector<1x16xf32>,
    %get3A_1029 = vector.shape_cast %get3A_1028 : vector<1x16xf32> to vector<16xf32>
    %scan3A_1030 = arith.constant 0 : i32
    %scan3A_1031 = arith.constant 0 : i32
    %scan3A_1032 = arith.constant 48 : i32
    %scan3A_1033 = arith.addi %scan3A_1031, %scan3A_1032 : i32
    %scan3A_1034 = arith.constant 1 : i32
    %scan3A_1035 = scf.for %scan3A_1316 = %scan3A_1031 to %scan3A_1033 step %scan3A_1034 iter_args(%scan3A_1317 = %scan3A_1030) -> (i32)  : i32 {
      %mul3A_1318 = arith.constant 16 : i32
      %mul3A_1319 = arith.muli %scan3A_1316, %mul3A_1318 : i32
      %get3A_1320 = arith.constant 1 : i32
      %get3A_1321 = arith.constant 2 : i32
      %get3A_1322 = arith.index_cast %get3A_1320 : i32 to index
      %get3A_1323 = arith.index_cast %get3A_1321 : i32 to index
      %get3A_1324 = arith.index_cast %mul3A_1319 : i32 to index
      %get3A_1325 = tpu.vector_load %arg8[%get3A_1322, %get3A_1323, %get3A_1324] {strides = array<i32>} : memref<2x32x768xf32, #tpu.memory_space<vmem>>, vector<1x1x16xf32>,
      %get3A_1326 = vector.shape_cast %get3A_1325 : vector<1x1x16xf32> to vector<16xf32>
      %mul3A_1327 = arith.mulf %get3A_1326, %get3A_1024 : vector<16xf32>
      %get3A_1328 = arith.constant 1 : i32
      %get3A_1329 = arith.constant 3 : i32
      %get3A_1330 = arith.index_cast %get3A_1328 : i32 to index
      %get3A_1331 = arith.index_cast %get3A_1329 : i32 to index
      %get3A_1332 = arith.index_cast %mul3A_1319 : i32 to index
      %get3A_1333 = tpu.vector_load %arg8[%get3A_1330, %get3A_1331, %get3A_1332] {strides = array<i32>} : memref<2x32x768xf32, #tpu.memory_space<vmem>>, vector<1x1x16xf32>,
      %get3A_1334 = vector.shape_cast %get3A_1333 : vector<1x1x16xf32> to vector<16xf32>
      %mul3A_1335 = arith.mulf %get3A_1334, %get3A_1029 : vector<16xf32>
      %add3A_1336 = arith.addf %mul3A_1327, %mul3A_1335 : vector<16xf32>
      %swap3A = arith.constant 1 : i32
      %swap3A_1337 = arith.constant 1 : i32
      %swap3A_1338 = arith.index_cast %swap3A : i32 to index
      %swap3A_1339 = arith.index_cast %swap3A_1337 : i32 to index
      %swap3A_1340 = arith.index_cast %mul3A_1319 : i32 to index
      %swap3A_1341 = tpu.vector_load %arg9[%swap3A_1338, %swap3A_1339, %swap3A_1340] {strides = array<i32>} : memref<2x16x768xf32, #tpu.memory_space<vmem>>, vector<1x1x16xf32>,
      %swap3A_1342 = vector.shape_cast %swap3A_1341 : vector<1x1x16xf32> to vector<16xf32>
      %swap3A_1343 = vector.shape_cast %add3A_1336 : vector<16xf32> to vector<1x1x16xf32>
      tpu.vector_store %arg9[%swap3A_1338, %swap3A_1339, %swap3A_1340], %swap3A_1343 {strides = array<i32>} : memref<2x16x768xf32, #tpu.memory_space<vmem>>, vector<1x1x16xf32>,
      %scan3A_1344 = arith.constant 0 : i32
      scf.yield %scan3A_1344 : i32
    }
    %scan3A_1036 = arith.constant 48 : i32
    %get3A_1037 = arith.constant 100 : i32
    %get3A_1038 = arith.index_cast %get3A_1037 : i32 to index
    %get3A_1039 = arith.constant 0 : index
    %get3A_1040 = tpu.vector_load %arg7[%get3A_1038, %get3A_1039] {strides = array<i32>} : memref<128x128xf32, #tpu.memory_space<vmem>>, vector<1x16xf32>,
    %get3A_1041 = vector.shape_cast %get3A_1040 : vector<1x16xf32> to vector<16xf32>
    %get3A_1042 = arith.constant 101 : i32
    %get3A_1043 = arith.index_cast %get3A_1042 : i32 to index
    %get3A_1044 = arith.constant 0 : index
    %get3A_1045 = tpu.vector_load %arg7[%get3A_1043, %get3A_1044] {strides = array<i32>} : memref<128x128xf32, #tpu.memory_space<vmem>>, vector<1x16xf32>,
    %get3A_1046 = vector.shape_cast %get3A_1045 : vector<1x16xf32> to vector<16xf32>
    %scan3A_1047 = arith.constant 0 : i32
    %scan3A_1048 = arith.constant 0 : i32
    %scan3A_1049 = arith.constant 48 : i32
    %scan3A_1050 = arith.addi %scan3A_1048, %scan3A_1049 : i32
    %scan3A_1051 = arith.constant 1 : i32
    %scan3A_1052 = scf.for %scan3A_1316 = %scan3A_1048 to %scan3A_1050 step %scan3A_1051 iter_args(%scan3A_1317 = %scan3A_1047) -> (i32)  : i32 {
      %mul3A_1318 = arith.constant 16 : i32
      %mul3A_1319 = arith.muli %scan3A_1316, %mul3A_1318 : i32
      %get3A_1320 = arith.constant 1 : i32
      %get3A_1321 = arith.constant 4 : i32
      %get3A_1322 = arith.index_cast %get3A_1320 : i32 to index
      %get3A_1323 = arith.index_cast %get3A_1321 : i32 to index
      %get3A_1324 = arith.index_cast %mul3A_1319 : i32 to index
      %get3A_1325 = tpu.vector_load %arg8[%get3A_1322, %get3A_1323, %get3A_1324] {strides = array<i32>} : memref<2x32x768xf32, #tpu.memory_space<vmem>>, vector<1x1x16xf32>,
      %get3A_1326 = vector.shape_cast %get3A_1325 : vector<1x1x16xf32> to vector<16xf32>
      %mul3A_1327 = arith.mulf %get3A_1326, %get3A_1041 : vector<16xf32>
      %get3A_1328 = arith.constant 1 : i32
      %get3A_1329 = arith.constant 5 : i32
      %get3A_1330 = arith.index_cast %get3A_1328 : i32 to index
      %get3A_1331 = arith.index_cast %get3A_1329 : i32 to index
      %get3A_1332 = arith.index_cast %mul3A_1319 : i32 to index
      %get3A_1333 = tpu.vector_load %arg8[%get3A_1330, %get3A_1331, %get3A_1332] {strides = array<i32>} : memref<2x32x768xf32, #tpu.memory_space<vmem>>, vector<1x1x16xf32>,
      %get3A_1334 = vector.shape_cast %get3A_1333 : vector<1x1x16xf32> to vector<16xf32>
      %mul3A_1335 = arith.mulf %get3A_1334, %get3A_1046 : vector<16xf32>
      %add3A_1336 = arith.addf %mul3A_1327, %mul3A_1335 : vector<16xf32>
      %swap3A = arith.constant 1 : i32
      %swap3A_1337 = arith.constant 2 : i32
      %swap3A_1338 = arith.index_cast %swap3A : i32 to index
      %swap3A_1339 = arith.index_cast %swap3A_1337 : i32 to index
      %swap3A_1340 = arith.index_cast %mul3A_1319 : i32 to index
      %swap3A_1341 = tpu.vector_load %arg9[%swap3A_1338, %swap3A_1339, %swap3A_1340] {strides = array<i32>} : memref<2x16x768xf32, #tpu.memory_space<vmem>>, vector<1x1x16xf32>,
      %swap3A_1342 = vector.shape_cast %swap3A_1341 : vector<1x1x16xf32> to vector<16xf32>
      %swap3A_1343 = vector.shape_cast %add3A_1336 : vector<16xf32> to vector<1x1x16xf32>
      tpu.vector_store %arg9[%swap3A_1338, %swap3A_1339, %swap3A_1340], %swap3A_1343 {strides = array<i32>} : memref<2x16x768xf32, #tpu.memory_space<vmem>>, vector<1x1x16xf32>,
      %scan3A_1344 = arith.constant 0 : i32
      scf.yield %scan3A_1344 : i32
    }
    %scan3A_1053 = arith.constant 48 : i32
    %get3A_1054 = arith.constant 102 : i32
    %get3A_1055 = arith.index_cast %get3A_1054 : i32 to index
    %get3A_1056 = arith.constant 0 : index
    %get3A_1057 = tpu.vector_load %arg7[%get3A_1055, %get3A_1056] {strides = array<i32>} : memref<128x128xf32, #tpu.memory_space<vmem>>, vector<1x16xf32>,
    %get3A_1058 = vector.shape_cast %get3A_1057 : vector<1x16xf32> to vector<16xf32>
    %get3A_1059 = arith.constant 103 : i32
    %get3A_1060 = arith.index_cast %get3A_1059 : i32 to index
    %get3A_1061 = arith.constant 0 : index
    %get3A_1062 = tpu.vector_load %arg7[%get3A_1060, %get3A_1061] {strides = array<i32>} : memref<128x128xf32, #tpu.memory_space<vmem>>, vector<1x16xf32>,
    %get3A_1063 = vector.shape_cast %get3A_1062 : vector<1x16xf32> to vector<16xf32>
    %scan3A_1064 = arith.constant 0 : i32
    %scan3A_1065 = arith.constant 0 : i32
    %scan3A_1066 = arith.constant 48 : i32
    %scan3A_1067 = arith.addi %scan3A_1065, %scan3A_1066 : i32
    %scan3A_1068 = arith.constant 1 : i32
    %scan3A_1069 = scf.for %scan3A_1316 = %scan3A_1065 to %scan3A_1067 step %scan3A_1068 iter_args(%scan3A_1317 = %scan3A_1064) -> (i32)  : i32 {
      %mul3A_1318 = arith.constant 16 : i32
      %mul3A_1319 = arith.muli %scan3A_1316, %mul3A_1318 : i32
      %get3A_1320 = arith.constant 1 : i32
      %get3A_1321 = arith.constant 6 : i32
      %get3A_1322 = arith.index_cast %get3A_1320 : i32 to index
      %get3A_1323 = arith.index_cast %get3A_1321 : i32 to index
      %get3A_1324 = arith.index_cast %mul3A_1319 : i32 to index
      %get3A_1325 = tpu.vector_load %arg8[%get3A_1322, %get3A_1323, %get3A_1324] {strides = array<i32>} : memref<2x32x768xf32, #tpu.memory_space<vmem>>, vector<1x1x16xf32>,
      %get3A_1326 = vector.shape_cast %get3A_1325 : vector<1x1x16xf32> to vector<16xf32>
      %mul3A_1327 = arith.mulf %get3A_1326, %get3A_1058 : vector<16xf32>
      %get3A_1328 = arith.constant 1 : i32
      %get3A_1329 = arith.constant 7 : i32
      %get3A_1330 = arith.index_cast %get3A_1328 : i32 to index
      %get3A_1331 = arith.index_cast %get3A_1329 : i32 to index
      %get3A_1332 = arith.index_cast %mul3A_1319 : i32 to index
      %get3A_1333 = tpu.vector_load %arg8[%get3A_1330, %get3A_1331, %get3A_1332] {strides = array<i32>} : memref<2x32x768xf32, #tpu.memory_space<vmem>>, vector<1x1x16xf32>,
      %get3A_1334 = vector.shape_cast %get3A_1333 : vector<1x1x16xf32> to vector<16xf32>
      %mul3A_1335 = arith.mulf %get3A_1334, %get3A_1063 : vector<16xf32>
      %add3A_1336 = arith.addf %mul3A_1327, %mul3A_1335 : vector<16xf32>
      %swap3A = arith.constant 1 : i32
      %swap3A_1337 = arith.constant 3 : i32
      %swap3A_1338 = arith.index_cast %swap3A : i32 to index
      %swap3A_1339 = arith.index_cast %swap3A_1337 : i32 to index
      %swap3A_1340 = arith.index_cast %mul3A_1319 : i32 to index
      %swap3A_1341 = tpu.vector_load %arg9[%swap3A_1338, %swap3A_1339, %swap3A_1340] {strides = array<i32>} : memref<2x16x768xf32, #tpu.memory_space<vmem>>, vector<1x1x16xf32>,
      %swap3A_1342 = vector.shape_cast %swap3A_1341 : vector<1x1x16xf32> to vector<16xf32>
      %swap3A_1343 = vector.shape_cast %add3A_1336 : vector<16xf32> to vector<1x1x16xf32>
      tpu.vector_store %arg9[%swap3A_1338, %swap3A_1339, %swap3A_1340], %swap3A_1343 {strides = array<i32>} : memref<2x16x768xf32, #tpu.memory_space<vmem>>, vector<1x1x16xf32>,
      %scan3A_1344 = arith.constant 0 : i32
      scf.yield %scan3A_1344 : i32
    }
    %scan3A_1070 = arith.constant 48 : i32
    %get3A_1071 = arith.constant 104 : i32
    %get3A_1072 = arith.index_cast %get3A_1071 : i32 to index
    %get3A_1073 = arith.constant 0 : index
    %get3A_1074 = tpu.vector_load %arg7[%get3A_1072, %get3A_1073] {strides = array<i32>} : memref<128x128xf32, #tpu.memory_space<vmem>>, vector<1x16xf32>,
    %get3A_1075 = vector.shape_cast %get3A_1074 : vector<1x16xf32> to vector<16xf32>
    %get3A_1076 = arith.constant 105 : i32
    %get3A_1077 = arith.index_cast %get3A_1076 : i32 to index
    %get3A_1078 = arith.constant 0 : index
    %get3A_1079 = tpu.vector_load %arg7[%get3A_1077, %get3A_1078] {strides = array<i32>} : memref<128x128xf32, #tpu.memory_space<vmem>>, vector<1x16xf32>,
    %get3A_1080 = vector.shape_cast %get3A_1079 : vector<1x16xf32> to vector<16xf32>
    %scan3A_1081 = arith.constant 0 : i32
    %scan3A_1082 = arith.constant 0 : i32
    %scan3A_1083 = arith.constant 48 : i32
    %scan3A_1084 = arith.addi %scan3A_1082, %scan3A_1083 : i32
    %scan3A_1085 = arith.constant 1 : i32
    %scan3A_1086 = scf.for %scan3A_1316 = %scan3A_1082 to %scan3A_1084 step %scan3A_1085 iter_args(%scan3A_1317 = %scan3A_1081) -> (i32)  : i32 {
      %mul3A_1318 = arith.constant 16 : i32
      %mul3A_1319 = arith.muli %scan3A_1316, %mul3A_1318 : i32
      %get3A_1320 = arith.constant 1 : i32
      %get3A_1321 = arith.constant 8 : i32
      %get3A_1322 = arith.index_cast %get3A_1320 : i32 to index
      %get3A_1323 = arith.index_cast %get3A_1321 : i32 to index
      %get3A_1324 = arith.index_cast %mul3A_1319 : i32 to index
      %get3A_1325 = tpu.vector_load %arg8[%get3A_1322, %get3A_1323, %get3A_1324] {strides = array<i32>} : memref<2x32x768xf32, #tpu.memory_space<vmem>>, vector<1x1x16xf32>,
      %get3A_1326 = vector.shape_cast %get3A_1325 : vector<1x1x16xf32> to vector<16xf32>
      %mul3A_1327 = arith.mulf %get3A_1326, %get3A_1075 : vector<16xf32>
      %get3A_1328 = arith.constant 1 : i32
      %get3A_1329 = arith.constant 9 : i32
      %get3A_1330 = arith.index_cast %get3A_1328 : i32 to index
      %get3A_1331 = arith.index_cast %get3A_1329 : i32 to index
      %get3A_1332 = arith.index_cast %mul3A_1319 : i32 to index
      %get3A_1333 = tpu.vector_load %arg8[%get3A_1330, %get3A_1331, %get3A_1332] {strides = array<i32>} : memref<2x32x768xf32, #tpu.memory_space<vmem>>, vector<1x1x16xf32>,
      %get3A_1334 = vector.shape_cast %get3A_1333 : vector<1x1x16xf32> to vector<16xf32>
      %mul3A_1335 = arith.mulf %get3A_1334, %get3A_1080 : vector<16xf32>
      %add3A_1336 = arith.addf %mul3A_1327, %mul3A_1335 : vector<16xf32>
      %swap3A = arith.constant 1 : i32
      %swap3A_1337 = arith.constant 4 : i32
      %swap3A_1338 = arith.index_cast %swap3A : i32 to index
      %swap3A_1339 = arith.index_cast %swap3A_1337 : i32 to index
      %swap3A_1340 = arith.index_cast %mul3A_1319 : i32 to index
      %swap3A_1341 = tpu.vector_load %arg9[%swap3A_1338, %swap3A_1339, %swap3A_1340] {strides = array<i32>} : memref<2x16x768xf32, #tpu.memory_space<vmem>>, vector<1x1x16xf32>,
      %swap3A_1342 = vector.shape_cast %swap3A_1341 : vector<1x1x16xf32> to vector<16xf32>
      %swap3A_1343 = vector.shape_cast %add3A_1336 : vector<16xf32> to vector<1x1x16xf32>
      tpu.vector_store %arg9[%swap3A_1338, %swap3A_1339, %swap3A_1340], %swap3A_1343 {strides = array<i32>} : memref<2x16x768xf32, #tpu.memory_space<vmem>>, vector<1x1x16xf32>,
      %scan3A_1344 = arith.constant 0 : i32
      scf.yield %scan3A_1344 : i32
    }
    %scan3A_1087 = arith.constant 48 : i32
    %get3A_1088 = arith.constant 106 : i32
    %get3A_1089 = arith.index_cast %get3A_1088 : i32 to index
    %get3A_1090 = arith.constant 0 : index
    %get3A_1091 = tpu.vector_load %arg7[%get3A_1089, %get3A_1090] {strides = array<i32>} : memref<128x128xf32, #tpu.memory_space<vmem>>, vector<1x16xf32>,
    %get3A_1092 = vector.shape_cast %get3A_1091 : vector<1x16xf32> to vector<16xf32>
    %get3A_1093 = arith.constant 107 : i32
    %get3A_1094 = arith.index_cast %get3A_1093 : i32 to index
    %get3A_1095 = arith.constant 0 : index
    %get3A_1096 = tpu.vector_load %arg7[%get3A_1094, %get3A_1095] {strides = array<i32>} : memref<128x128xf32, #tpu.memory_space<vmem>>, vector<1x16xf32>,
    %get3A_1097 = vector.shape_cast %get3A_1096 : vector<1x16xf32> to vector<16xf32>
    %scan3A_1098 = arith.constant 0 : i32
    %scan3A_1099 = arith.constant 0 : i32
    %scan3A_1100 = arith.constant 48 : i32
    %scan3A_1101 = arith.addi %scan3A_1099, %scan3A_1100 : i32
    %scan3A_1102 = arith.constant 1 : i32
    %scan3A_1103 = scf.for %scan3A_1316 = %scan3A_1099 to %scan3A_1101 step %scan3A_1102 iter_args(%scan3A_1317 = %scan3A_1098) -> (i32)  : i32 {
      %mul3A_1318 = arith.constant 16 : i32
      %mul3A_1319 = arith.muli %scan3A_1316, %mul3A_1318 : i32
      %get3A_1320 = arith.constant 1 : i32
      %get3A_1321 = arith.constant 10 : i32
      %get3A_1322 = arith.index_cast %get3A_1320 : i32 to index
      %get3A_1323 = arith.index_cast %get3A_1321 : i32 to index
      %get3A_1324 = arith.index_cast %mul3A_1319 : i32 to index
      %get3A_1325 = tpu.vector_load %arg8[%get3A_1322, %get3A_1323, %get3A_1324] {strides = array<i32>} : memref<2x32x768xf32, #tpu.memory_space<vmem>>, vector<1x1x16xf32>,
      %get3A_1326 = vector.shape_cast %get3A_1325 : vector<1x1x16xf32> to vector<16xf32>
      %mul3A_1327 = arith.mulf %get3A_1326, %get3A_1092 : vector<16xf32>
      %get3A_1328 = arith.constant 1 : i32
      %get3A_1329 = arith.constant 11 : i32
      %get3A_1330 = arith.index_cast %get3A_1328 : i32 to index
      %get3A_1331 = arith.index_cast %get3A_1329 : i32 to index
      %get3A_1332 = arith.index_cast %mul3A_1319 : i32 to index
      %get3A_1333 = tpu.vector_load %arg8[%get3A_1330, %get3A_1331, %get3A_1332] {strides = array<i32>} : memref<2x32x768xf32, #tpu.memory_space<vmem>>, vector<1x1x16xf32>,
      %get3A_1334 = vector.shape_cast %get3A_1333 : vector<1x1x16xf32> to vector<16xf32>
      %mul3A_1335 = arith.mulf %get3A_1334, %get3A_1097 : vector<16xf32>
      %add3A_1336 = arith.addf %mul3A_1327, %mul3A_1335 : vector<16xf32>
      %swap3A = arith.constant 1 : i32
      %swap3A_1337 = arith.constant 5 : i32
      %swap3A_1338 = arith.index_cast %swap3A : i32 to index
      %swap3A_1339 = arith.index_cast %swap3A_1337 : i32 to index
      %swap3A_1340 = arith.index_cast %mul3A_1319 : i32 to index
      %swap3A_1341 = tpu.vector_load %arg9[%swap3A_1338, %swap3A_1339, %swap3A_1340] {strides = array<i32>} : memref<2x16x768xf32, #tpu.memory_space<vmem>>, vector<1x1x16xf32>,
      %swap3A_1342 = vector.shape_cast %swap3A_1341 : vector<1x1x16xf32> to vector<16xf32>
      %swap3A_1343 = vector.shape_cast %add3A_1336 : vector<16xf32> to vector<1x1x16xf32>
      tpu.vector_store %arg9[%swap3A_1338, %swap3A_1339, %swap3A_1340], %swap3A_1343 {strides = array<i32>} : memref<2x16x768xf32, #tpu.memory_space<vmem>>, vector<1x1x16xf32>,
      %scan3A_1344 = arith.constant 0 : i32
      scf.yield %scan3A_1344 : i32
    }
    %scan3A_1104 = arith.constant 48 : i32
    %get3A_1105 = arith.constant 108 : i32
    %get3A_1106 = arith.index_cast %get3A_1105 : i32 to index
    %get3A_1107 = arith.constant 0 : index
    %get3A_1108 = tpu.vector_load %arg7[%get3A_1106, %get3A_1107] {strides = array<i32>} : memref<128x128xf32, #tpu.memory_space<vmem>>, vector<1x16xf32>,
    %get3A_1109 = vector.shape_cast %get3A_1108 : vector<1x16xf32> to vector<16xf32>
    %get3A_1110 = arith.constant 109 : i32
    %get3A_1111 = arith.index_cast %get3A_1110 : i32 to index
    %get3A_1112 = arith.constant 0 : index
    %get3A_1113 = tpu.vector_load %arg7[%get3A_1111, %get3A_1112] {strides = array<i32>} : memref<128x128xf32, #tpu.memory_space<vmem>>, vector<1x16xf32>,
    %get3A_1114 = vector.shape_cast %get3A_1113 : vector<1x16xf32> to vector<16xf32>
    %scan3A_1115 = arith.constant 0 : i32
    %scan3A_1116 = arith.constant 0 : i32
    %scan3A_1117 = arith.constant 48 : i32
    %scan3A_1118 = arith.addi %scan3A_1116, %scan3A_1117 : i32
    %scan3A_1119 = arith.constant 1 : i32
    %scan3A_1120 = scf.for %scan3A_1316 = %scan3A_1116 to %scan3A_1118 step %scan3A_1119 iter_args(%scan3A_1317 = %scan3A_1115) -> (i32)  : i32 {
      %mul3A_1318 = arith.constant 16 : i32
      %mul3A_1319 = arith.muli %scan3A_1316, %mul3A_1318 : i32
      %get3A_1320 = arith.constant 1 : i32
      %get3A_1321 = arith.constant 12 : i32
      %get3A_1322 = arith.index_cast %get3A_1320 : i32 to index
      %get3A_1323 = arith.index_cast %get3A_1321 : i32 to index
      %get3A_1324 = arith.index_cast %mul3A_1319 : i32 to index
      %get3A_1325 = tpu.vector_load %arg8[%get3A_1322, %get3A_1323, %get3A_1324] {strides = array<i32>} : memref<2x32x768xf32, #tpu.memory_space<vmem>>, vector<1x1x16xf32>,
      %get3A_1326 = vector.shape_cast %get3A_1325 : vector<1x1x16xf32> to vector<16xf32>
      %mul3A_1327 = arith.mulf %get3A_1326, %get3A_1109 : vector<16xf32>
      %get3A_1328 = arith.constant 1 : i32
      %get3A_1329 = arith.constant 13 : i32
      %get3A_1330 = arith.index_cast %get3A_1328 : i32 to index
      %get3A_1331 = arith.index_cast %get3A_1329 : i32 to index
      %get3A_1332 = arith.index_cast %mul3A_1319 : i32 to index
      %get3A_1333 = tpu.vector_load %arg8[%get3A_1330, %get3A_1331, %get3A_1332] {strides = array<i32>} : memref<2x32x768xf32, #tpu.memory_space<vmem>>, vector<1x1x16xf32>,
      %get3A_1334 = vector.shape_cast %get3A_1333 : vector<1x1x16xf32> to vector<16xf32>
      %mul3A_1335 = arith.mulf %get3A_1334, %get3A_1114 : vector<16xf32>
      %add3A_1336 = arith.addf %mul3A_1327, %mul3A_1335 : vector<16xf32>
      %swap3A = arith.constant 1 : i32
      %swap3A_1337 = arith.constant 6 : i32
      %swap3A_1338 = arith.index_cast %swap3A : i32 to index
      %swap3A_1339 = arith.index_cast %swap3A_1337 : i32 to index
      %swap3A_1340 = arith.index_cast %mul3A_1319 : i32 to index
      %swap3A_1341 = tpu.vector_load %arg9[%swap3A_1338, %swap3A_1339, %swap3A_1340] {strides = array<i32>} : memref<2x16x768xf32, #tpu.memory_space<vmem>>, vector<1x1x16xf32>,
      %swap3A_1342 = vector.shape_cast %swap3A_1341 : vector<1x1x16xf32> to vector<16xf32>
      %swap3A_1343 = vector.shape_cast %add3A_1336 : vector<16xf32> to vector<1x1x16xf32>
      tpu.vector_store %arg9[%swap3A_1338, %swap3A_1339, %swap3A_1340], %swap3A_1343 {strides = array<i32>} : memref<2x16x768xf32, #tpu.memory_space<vmem>>, vector<1x1x16xf32>,
      %scan3A_1344 = arith.constant 0 : i32
      scf.yield %scan3A_1344 : i32
    }
    %scan3A_1121 = arith.constant 48 : i32
    %get3A_1122 = arith.constant 110 : i32
    %get3A_1123 = arith.index_cast %get3A_1122 : i32 to index
    %get3A_1124 = arith.constant 0 : index
    %get3A_1125 = tpu.vector_load %arg7[%get3A_1123, %get3A_1124] {strides = array<i32>} : memref<128x128xf32, #tpu.memory_space<vmem>>, vector<1x16xf32>,
    %get3A_1126 = vector.shape_cast %get3A_1125 : vector<1x16xf32> to vector<16xf32>
    %get3A_1127 = arith.constant 111 : i32
    %get3A_1128 = arith.index_cast %get3A_1127 : i32 to index
    %get3A_1129 = arith.constant 0 : index
    %get3A_1130 = tpu.vector_load %arg7[%get3A_1128, %get3A_1129] {strides = array<i32>} : memref<128x128xf32, #tpu.memory_space<vmem>>, vector<1x16xf32>,
    %get3A_1131 = vector.shape_cast %get3A_1130 : vector<1x16xf32> to vector<16xf32>
    %scan3A_1132 = arith.constant 0 : i32
    %scan3A_1133 = arith.constant 0 : i32
    %scan3A_1134 = arith.constant 48 : i32
    %scan3A_1135 = arith.addi %scan3A_1133, %scan3A_1134 : i32
    %scan3A_1136 = arith.constant 1 : i32
    %scan3A_1137 = scf.for %scan3A_1316 = %scan3A_1133 to %scan3A_1135 step %scan3A_1136 iter_args(%scan3A_1317 = %scan3A_1132) -> (i32)  : i32 {
      %mul3A_1318 = arith.constant 16 : i32
      %mul3A_1319 = arith.muli %scan3A_1316, %mul3A_1318 : i32
      %get3A_1320 = arith.constant 1 : i32
      %get3A_1321 = arith.constant 14 : i32
      %get3A_1322 = arith.index_cast %get3A_1320 : i32 to index
      %get3A_1323 = arith.index_cast %get3A_1321 : i32 to index
      %get3A_1324 = arith.index_cast %mul3A_1319 : i32 to index
      %get3A_1325 = tpu.vector_load %arg8[%get3A_1322, %get3A_1323, %get3A_1324] {strides = array<i32>} : memref<2x32x768xf32, #tpu.memory_space<vmem>>, vector<1x1x16xf32>,
      %get3A_1326 = vector.shape_cast %get3A_1325 : vector<1x1x16xf32> to vector<16xf32>
      %mul3A_1327 = arith.mulf %get3A_1326, %get3A_1126 : vector<16xf32>
      %get3A_1328 = arith.constant 1 : i32
      %get3A_1329 = arith.constant 15 : i32
      %get3A_1330 = arith.index_cast %get3A_1328 : i32 to index
      %get3A_1331 = arith.index_cast %get3A_1329 : i32 to index
      %get3A_1332 = arith.index_cast %mul3A_1319 : i32 to index
      %get3A_1333 = tpu.vector_load %arg8[%get3A_1330, %get3A_1331, %get3A_1332] {strides = array<i32>} : memref<2x32x768xf32, #tpu.memory_space<vmem>>, vector<1x1x16xf32>,
      %get3A_1334 = vector.shape_cast %get3A_1333 : vector<1x1x16xf32> to vector<16xf32>
      %mul3A_1335 = arith.mulf %get3A_1334, %get3A_1131 : vector<16xf32>
      %add3A_1336 = arith.addf %mul3A_1327, %mul3A_1335 : vector<16xf32>
      %swap3A = arith.constant 1 : i32
      %swap3A_1337 = arith.constant 7 : i32
      %swap3A_1338 = arith.index_cast %swap3A : i32 to index
      %swap3A_1339 = arith.index_cast %swap3A_1337 : i32 to index
      %swap3A_1340 = arith.index_cast %mul3A_1319 : i32 to index
      %swap3A_1341 = tpu.vector_load %arg9[%swap3A_1338, %swap3A_1339, %swap3A_1340] {strides = array<i32>} : memref<2x16x768xf32, #tpu.memory_space<vmem>>, vector<1x1x16xf32>,
      %swap3A_1342 = vector.shape_cast %swap3A_1341 : vector<1x1x16xf32> to vector<16xf32>
      %swap3A_1343 = vector.shape_cast %add3A_1336 : vector<16xf32> to vector<1x1x16xf32>
      tpu.vector_store %arg9[%swap3A_1338, %swap3A_1339, %swap3A_1340], %swap3A_1343 {strides = array<i32>} : memref<2x16x768xf32, #tpu.memory_space<vmem>>, vector<1x1x16xf32>,
      %scan3A_1344 = arith.constant 0 : i32
      scf.yield %scan3A_1344 : i32
    }
    %scan3A_1138 = arith.constant 48 : i32
    %get3A_1139 = arith.constant 112 : i32
    %get3A_1140 = arith.index_cast %get3A_1139 : i32 to index
    %get3A_1141 = arith.constant 0 : index
    %get3A_1142 = tpu.vector_load %arg7[%get3A_1140, %get3A_1141] {strides = array<i32>} : memref<128x128xf32, #tpu.memory_space<vmem>>, vector<1x16xf32>,
    %get3A_1143 = vector.shape_cast %get3A_1142 : vector<1x16xf32> to vector<16xf32>
    %get3A_1144 = arith.constant 113 : i32
    %get3A_1145 = arith.index_cast %get3A_1144 : i32 to index
    %get3A_1146 = arith.constant 0 : index
    %get3A_1147 = tpu.vector_load %arg7[%get3A_1145, %get3A_1146] {strides = array<i32>} : memref<128x128xf32, #tpu.memory_space<vmem>>, vector<1x16xf32>,
    %get3A_1148 = vector.shape_cast %get3A_1147 : vector<1x16xf32> to vector<16xf32>
    %scan3A_1149 = arith.constant 0 : i32
    %scan3A_1150 = arith.constant 0 : i32
    %scan3A_1151 = arith.constant 48 : i32
    %scan3A_1152 = arith.addi %scan3A_1150, %scan3A_1151 : i32
    %scan3A_1153 = arith.constant 1 : i32
    %scan3A_1154 = scf.for %scan3A_1316 = %scan3A_1150 to %scan3A_1152 step %scan3A_1153 iter_args(%scan3A_1317 = %scan3A_1149) -> (i32)  : i32 {
      %mul3A_1318 = arith.constant 16 : i32
      %mul3A_1319 = arith.muli %scan3A_1316, %mul3A_1318 : i32
      %get3A_1320 = arith.constant 1 : i32
      %get3A_1321 = arith.constant 16 : i32
      %get3A_1322 = arith.index_cast %get3A_1320 : i32 to index
      %get3A_1323 = arith.index_cast %get3A_1321 : i32 to index
      %get3A_1324 = arith.index_cast %mul3A_1319 : i32 to index
      %get3A_1325 = tpu.vector_load %arg8[%get3A_1322, %get3A_1323, %get3A_1324] {strides = array<i32>} : memref<2x32x768xf32, #tpu.memory_space<vmem>>, vector<1x1x16xf32>,
      %get3A_1326 = vector.shape_cast %get3A_1325 : vector<1x1x16xf32> to vector<16xf32>
      %mul3A_1327 = arith.mulf %get3A_1326, %get3A_1143 : vector<16xf32>
      %get3A_1328 = arith.constant 1 : i32
      %get3A_1329 = arith.constant 17 : i32
      %get3A_1330 = arith.index_cast %get3A_1328 : i32 to index
      %get3A_1331 = arith.index_cast %get3A_1329 : i32 to index
      %get3A_1332 = arith.index_cast %mul3A_1319 : i32 to index
      %get3A_1333 = tpu.vector_load %arg8[%get3A_1330, %get3A_1331, %get3A_1332] {strides = array<i32>} : memref<2x32x768xf32, #tpu.memory_space<vmem>>, vector<1x1x16xf32>,
      %get3A_1334 = vector.shape_cast %get3A_1333 : vector<1x1x16xf32> to vector<16xf32>
      %mul3A_1335 = arith.mulf %get3A_1334, %get3A_1148 : vector<16xf32>
      %add3A_1336 = arith.addf %mul3A_1327, %mul3A_1335 : vector<16xf32>
      %swap3A = arith.constant 1 : i32
      %swap3A_1337 = arith.constant 8 : i32
      %swap3A_1338 = arith.index_cast %swap3A : i32 to index
      %swap3A_1339 = arith.index_cast %swap3A_1337 : i32 to index
      %swap3A_1340 = arith.index_cast %mul3A_1319 : i32 to index
      %swap3A_1341 = tpu.vector_load %arg9[%swap3A_1338, %swap3A_1339, %swap3A_1340] {strides = array<i32>} : memref<2x16x768xf32, #tpu.memory_space<vmem>>, vector<1x1x16xf32>,
      %swap3A_1342 = vector.shape_cast %swap3A_1341 : vector<1x1x16xf32> to vector<16xf32>
      %swap3A_1343 = vector.shape_cast %add3A_1336 : vector<16xf32> to vector<1x1x16xf32>
      tpu.vector_store %arg9[%swap3A_1338, %swap3A_1339, %swap3A_1340], %swap3A_1343 {strides = array<i32>} : memref<2x16x768xf32, #tpu.memory_space<vmem>>, vector<1x1x16xf32>,
      %scan3A_1344 = arith.constant 0 : i32
      scf.yield %scan3A_1344 : i32
    }
    %scan3A_1155 = arith.constant 48 : i32
    %get3A_1156 = arith.constant 114 : i32
    %get3A_1157 = arith.index_cast %get3A_1156 : i32 to index
    %get3A_1158 = arith.constant 0 : index
    %get3A_1159 = tpu.vector_load %arg7[%get3A_1157, %get3A_1158] {strides = array<i32>} : memref<128x128xf32, #tpu.memory_space<vmem>>, vector<1x16xf32>,
    %get3A_1160 = vector.shape_cast %get3A_1159 : vector<1x16xf32> to vector<16xf32>
    %get3A_1161 = arith.constant 115 : i32
    %get3A_1162 = arith.index_cast %get3A_1161 : i32 to index
    %get3A_1163 = arith.constant 0 : index
    %get3A_1164 = tpu.vector_load %arg7[%get3A_1162, %get3A_1163] {strides = array<i32>} : memref<128x128xf32, #tpu.memory_space<vmem>>, vector<1x16xf32>,
    %get3A_1165 = vector.shape_cast %get3A_1164 : vector<1x16xf32> to vector<16xf32>
    %scan3A_1166 = arith.constant 0 : i32
    %scan3A_1167 = arith.constant 0 : i32
    %scan3A_1168 = arith.constant 48 : i32
    %scan3A_1169 = arith.addi %scan3A_1167, %scan3A_1168 : i32
    %scan3A_1170 = arith.constant 1 : i32
    %scan3A_1171 = scf.for %scan3A_1316 = %scan3A_1167 to %scan3A_1169 step %scan3A_1170 iter_args(%scan3A_1317 = %scan3A_1166) -> (i32)  : i32 {
      %mul3A_1318 = arith.constant 16 : i32
      %mul3A_1319 = arith.muli %scan3A_1316, %mul3A_1318 : i32
      %get3A_1320 = arith.constant 1 : i32
      %get3A_1321 = arith.constant 18 : i32
      %get3A_1322 = arith.index_cast %get3A_1320 : i32 to index
      %get3A_1323 = arith.index_cast %get3A_1321 : i32 to index
      %get3A_1324 = arith.index_cast %mul3A_1319 : i32 to index
      %get3A_1325 = tpu.vector_load %arg8[%get3A_1322, %get3A_1323, %get3A_1324] {strides = array<i32>} : memref<2x32x768xf32, #tpu.memory_space<vmem>>, vector<1x1x16xf32>,
      %get3A_1326 = vector.shape_cast %get3A_1325 : vector<1x1x16xf32> to vector<16xf32>
      %mul3A_1327 = arith.mulf %get3A_1326, %get3A_1160 : vector<16xf32>
      %get3A_1328 = arith.constant 1 : i32
      %get3A_1329 = arith.constant 19 : i32
      %get3A_1330 = arith.index_cast %get3A_1328 : i32 to index
      %get3A_1331 = arith.index_cast %get3A_1329 : i32 to index
      %get3A_1332 = arith.index_cast %mul3A_1319 : i32 to index
      %get3A_1333 = tpu.vector_load %arg8[%get3A_1330, %get3A_1331, %get3A_1332] {strides = array<i32>} : memref<2x32x768xf32, #tpu.memory_space<vmem>>, vector<1x1x16xf32>,
      %get3A_1334 = vector.shape_cast %get3A_1333 : vector<1x1x16xf32> to vector<16xf32>
      %mul3A_1335 = arith.mulf %get3A_1334, %get3A_1165 : vector<16xf32>
      %add3A_1336 = arith.addf %mul3A_1327, %mul3A_1335 : vector<16xf32>
      %swap3A = arith.constant 1 : i32
      %swap3A_1337 = arith.constant 9 : i32
      %swap3A_1338 = arith.index_cast %swap3A : i32 to index
      %swap3A_1339 = arith.index_cast %swap3A_1337 : i32 to index
      %swap3A_1340 = arith.index_cast %mul3A_1319 : i32 to index
      %swap3A_1341 = tpu.vector_load %arg9[%swap3A_1338, %swap3A_1339, %swap3A_1340] {strides = array<i32>} : memref<2x16x768xf32, #tpu.memory_space<vmem>>, vector<1x1x16xf32>,
      %swap3A_1342 = vector.shape_cast %swap3A_1341 : vector<1x1x16xf32> to vector<16xf32>
      %swap3A_1343 = vector.shape_cast %add3A_1336 : vector<16xf32> to vector<1x1x16xf32>
      tpu.vector_store %arg9[%swap3A_1338, %swap3A_1339, %swap3A_1340], %swap3A_1343 {strides = array<i32>} : memref<2x16x768xf32, #tpu.memory_space<vmem>>, vector<1x1x16xf32>,
      %scan3A_1344 = arith.constant 0 : i32
      scf.yield %scan3A_1344 : i32
    }
    %scan3A_1172 = arith.constant 48 : i32
    %get3A_1173 = arith.constant 116 : i32
    %get3A_1174 = arith.index_cast %get3A_1173 : i32 to index
    %get3A_1175 = arith.constant 0 : index
    %get3A_1176 = tpu.vector_load %arg7[%get3A_1174, %get3A_1175] {strides = array<i32>} : memref<128x128xf32, #tpu.memory_space<vmem>>, vector<1x16xf32>,
    %get3A_1177 = vector.shape_cast %get3A_1176 : vector<1x16xf32> to vector<16xf32>
    %get3A_1178 = arith.constant 117 : i32
    %get3A_1179 = arith.index_cast %get3A_1178 : i32 to index
    %get3A_1180 = arith.constant 0 : index
    %get3A_1181 = tpu.vector_load %arg7[%get3A_1179, %get3A_1180] {strides = array<i32>} : memref<128x128xf32, #tpu.memory_space<vmem>>, vector<1x16xf32>,
    %get3A_1182 = vector.shape_cast %get3A_1181 : vector<1x16xf32> to vector<16xf32>
    %scan3A_1183 = arith.constant 0 : i32
    %scan3A_1184 = arith.constant 0 : i32
    %scan3A_1185 = arith.constant 48 : i32
    %scan3A_1186 = arith.addi %scan3A_1184, %scan3A_1185 : i32
    %scan3A_1187 = arith.constant 1 : i32
    %scan3A_1188 = scf.for %scan3A_1316 = %scan3A_1184 to %scan3A_1186 step %scan3A_1187 iter_args(%scan3A_1317 = %scan3A_1183) -> (i32)  : i32 {
      %mul3A_1318 = arith.constant 16 : i32
      %mul3A_1319 = arith.muli %scan3A_1316, %mul3A_1318 : i32
      %get3A_1320 = arith.constant 1 : i32
      %get3A_1321 = arith.constant 20 : i32
      %get3A_1322 = arith.index_cast %get3A_1320 : i32 to index
      %get3A_1323 = arith.index_cast %get3A_1321 : i32 to index
      %get3A_1324 = arith.index_cast %mul3A_1319 : i32 to index
      %get3A_1325 = tpu.vector_load %arg8[%get3A_1322, %get3A_1323, %get3A_1324] {strides = array<i32>} : memref<2x32x768xf32, #tpu.memory_space<vmem>>, vector<1x1x16xf32>,
      %get3A_1326 = vector.shape_cast %get3A_1325 : vector<1x1x16xf32> to vector<16xf32>
      %mul3A_1327 = arith.mulf %get3A_1326, %get3A_1177 : vector<16xf32>
      %get3A_1328 = arith.constant 1 : i32
      %get3A_1329 = arith.constant 21 : i32
      %get3A_1330 = arith.index_cast %get3A_1328 : i32 to index
      %get3A_1331 = arith.index_cast %get3A_1329 : i32 to index
      %get3A_1332 = arith.index_cast %mul3A_1319 : i32 to index
      %get3A_1333 = tpu.vector_load %arg8[%get3A_1330, %get3A_1331, %get3A_1332] {strides = array<i32>} : memref<2x32x768xf32, #tpu.memory_space<vmem>>, vector<1x1x16xf32>,
      %get3A_1334 = vector.shape_cast %get3A_1333 : vector<1x1x16xf32> to vector<16xf32>
      %mul3A_1335 = arith.mulf %get3A_1334, %get3A_1182 : vector<16xf32>
      %add3A_1336 = arith.addf %mul3A_1327, %mul3A_1335 : vector<16xf32>
      %swap3A = arith.constant 1 : i32
      %swap3A_1337 = arith.constant 10 : i32
      %swap3A_1338 = arith.index_cast %swap3A : i32 to index
      %swap3A_1339 = arith.index_cast %swap3A_1337 : i32 to index
      %swap3A_1340 = arith.index_cast %mul3A_1319 : i32 to index
      %swap3A_1341 = tpu.vector_load %arg9[%swap3A_1338, %swap3A_1339, %swap3A_1340] {strides = array<i32>} : memref<2x16x768xf32, #tpu.memory_space<vmem>>, vector<1x1x16xf32>,
      %swap3A_1342 = vector.shape_cast %swap3A_1341 : vector<1x1x16xf32> to vector<16xf32>
      %swap3A_1343 = vector.shape_cast %add3A_1336 : vector<16xf32> to vector<1x1x16xf32>
      tpu.vector_store %arg9[%swap3A_1338, %swap3A_1339, %swap3A_1340], %swap3A_1343 {strides = array<i32>} : memref<2x16x768xf32, #tpu.memory_space<vmem>>, vector<1x1x16xf32>,
      %scan3A_1344 = arith.constant 0 : i32
      scf.yield %scan3A_1344 : i32
    }
    %scan3A_1189 = arith.constant 48 : i32
    %get3A_1190 = arith.constant 118 : i32
    %get3A_1191 = arith.index_cast %get3A_1190 : i32 to index
    %get3A_1192 = arith.constant 0 : index
    %get3A_1193 = tpu.vector_load %arg7[%get3A_1191, %get3A_1192] {strides = array<i32>} : memref<128x128xf32, #tpu.memory_space<vmem>>, vector<1x16xf32>,
    %get3A_1194 = vector.shape_cast %get3A_1193 : vector<1x16xf32> to vector<16xf32>
    %get3A_1195 = arith.constant 119 : i32
    %get3A_1196 = arith.index_cast %get3A_1195 : i32 to index
    %get3A_1197 = arith.constant 0 : index
    %get3A_1198 = tpu.vector_load %arg7[%get3A_1196, %get3A_1197] {strides = array<i32>} : memref<128x128xf32, #tpu.memory_space<vmem>>, vector<1x16xf32>,
    %get3A_1199 = vector.shape_cast %get3A_1198 : vector<1x16xf32> to vector<16xf32>
    %scan3A_1200 = arith.constant 0 : i32
    %scan3A_1201 = arith.constant 0 : i32
    %scan3A_1202 = arith.constant 48 : i32
    %scan3A_1203 = arith.addi %scan3A_1201, %scan3A_1202 : i32
    %scan3A_1204 = arith.constant 1 : i32
    %scan3A_1205 = scf.for %scan3A_1316 = %scan3A_1201 to %scan3A_1203 step %scan3A_1204 iter_args(%scan3A_1317 = %scan3A_1200) -> (i32)  : i32 {
      %mul3A_1318 = arith.constant 16 : i32
      %mul3A_1319 = arith.muli %scan3A_1316, %mul3A_1318 : i32
      %get3A_1320 = arith.constant 1 : i32
      %get3A_1321 = arith.constant 22 : i32
      %get3A_1322 = arith.index_cast %get3A_1320 : i32 to index
      %get3A_1323 = arith.index_cast %get3A_1321 : i32 to index
      %get3A_1324 = arith.index_cast %mul3A_1319 : i32 to index
      %get3A_1325 = tpu.vector_load %arg8[%get3A_1322, %get3A_1323, %get3A_1324] {strides = array<i32>} : memref<2x32x768xf32, #tpu.memory_space<vmem>>, vector<1x1x16xf32>,
      %get3A_1326 = vector.shape_cast %get3A_1325 : vector<1x1x16xf32> to vector<16xf32>
      %mul3A_1327 = arith.mulf %get3A_1326, %get3A_1194 : vector<16xf32>
      %get3A_1328 = arith.constant 1 : i32
      %get3A_1329 = arith.constant 23 : i32
      %get3A_1330 = arith.index_cast %get3A_1328 : i32 to index
      %get3A_1331 = arith.index_cast %get3A_1329 : i32 to index
      %get3A_1332 = arith.index_cast %mul3A_1319 : i32 to index
      %get3A_1333 = tpu.vector_load %arg8[%get3A_1330, %get3A_1331, %get3A_1332] {strides = array<i32>} : memref<2x32x768xf32, #tpu.memory_space<vmem>>, vector<1x1x16xf32>,
      %get3A_1334 = vector.shape_cast %get3A_1333 : vector<1x1x16xf32> to vector<16xf32>
      %mul3A_1335 = arith.mulf %get3A_1334, %get3A_1199 : vector<16xf32>
      %add3A_1336 = arith.addf %mul3A_1327, %mul3A_1335 : vector<16xf32>
      %swap3A = arith.constant 1 : i32
      %swap3A_1337 = arith.constant 11 : i32
      %swap3A_1338 = arith.index_cast %swap3A : i32 to index
      %swap3A_1339 = arith.index_cast %swap3A_1337 : i32 to index
      %swap3A_1340 = arith.index_cast %mul3A_1319 : i32 to index
      %swap3A_1341 = tpu.vector_load %arg9[%swap3A_1338, %swap3A_1339, %swap3A_1340] {strides = array<i32>} : memref<2x16x768xf32, #tpu.memory_space<vmem>>, vector<1x1x16xf32>,
      %swap3A_1342 = vector.shape_cast %swap3A_1341 : vector<1x1x16xf32> to vector<16xf32>
      %swap3A_1343 = vector.shape_cast %add3A_1336 : vector<16xf32> to vector<1x1x16xf32>
      tpu.vector_store %arg9[%swap3A_1338, %swap3A_1339, %swap3A_1340], %swap3A_1343 {strides = array<i32>} : memref<2x16x768xf32, #tpu.memory_space<vmem>>, vector<1x1x16xf32>,
      %scan3A_1344 = arith.constant 0 : i32
      scf.yield %scan3A_1344 : i32
    }
    %scan3A_1206 = arith.constant 48 : i32
    %get3A_1207 = arith.constant 120 : i32
    %get3A_1208 = arith.index_cast %get3A_1207 : i32 to index
    %get3A_1209 = arith.constant 0 : index
    %get3A_1210 = tpu.vector_load %arg7[%get3A_1208, %get3A_1209] {strides = array<i32>} : memref<128x128xf32, #tpu.memory_space<vmem>>, vector<1x16xf32>,
    %get3A_1211 = vector.shape_cast %get3A_1210 : vector<1x16xf32> to vector<16xf32>
    %get3A_1212 = arith.constant 121 : i32
    %get3A_1213 = arith.index_cast %get3A_1212 : i32 to index
    %get3A_1214 = arith.constant 0 : index
    %get3A_1215 = tpu.vector_load %arg7[%get3A_1213, %get3A_1214] {strides = array<i32>} : memref<128x128xf32, #tpu.memory_space<vmem>>, vector<1x16xf32>,
    %get3A_1216 = vector.shape_cast %get3A_1215 : vector<1x16xf32> to vector<16xf32>
    %scan3A_1217 = arith.constant 0 : i32
    %scan3A_1218 = arith.constant 0 : i32
    %scan3A_1219 = arith.constant 48 : i32
    %scan3A_1220 = arith.addi %scan3A_1218, %scan3A_1219 : i32
    %scan3A_1221 = arith.constant 1 : i32
    %scan3A_1222 = scf.for %scan3A_1316 = %scan3A_1218 to %scan3A_1220 step %scan3A_1221 iter_args(%scan3A_1317 = %scan3A_1217) -> (i32)  : i32 {
      %mul3A_1318 = arith.constant 16 : i32
      %mul3A_1319 = arith.muli %scan3A_1316, %mul3A_1318 : i32
      %get3A_1320 = arith.constant 1 : i32
      %get3A_1321 = arith.constant 24 : i32
      %get3A_1322 = arith.index_cast %get3A_1320 : i32 to index
      %get3A_1323 = arith.index_cast %get3A_1321 : i32 to index
      %get3A_1324 = arith.index_cast %mul3A_1319 : i32 to index
      %get3A_1325 = tpu.vector_load %arg8[%get3A_1322, %get3A_1323, %get3A_1324] {strides = array<i32>} : memref<2x32x768xf32, #tpu.memory_space<vmem>>, vector<1x1x16xf32>,
      %get3A_1326 = vector.shape_cast %get3A_1325 : vector<1x1x16xf32> to vector<16xf32>
      %mul3A_1327 = arith.mulf %get3A_1326, %get3A_1211 : vector<16xf32>
      %get3A_1328 = arith.constant 1 : i32
      %get3A_1329 = arith.constant 25 : i32
      %get3A_1330 = arith.index_cast %get3A_1328 : i32 to index
      %get3A_1331 = arith.index_cast %get3A_1329 : i32 to index
      %get3A_1332 = arith.index_cast %mul3A_1319 : i32 to index
      %get3A_1333 = tpu.vector_load %arg8[%get3A_1330, %get3A_1331, %get3A_1332] {strides = array<i32>} : memref<2x32x768xf32, #tpu.memory_space<vmem>>, vector<1x1x16xf32>,
      %get3A_1334 = vector.shape_cast %get3A_1333 : vector<1x1x16xf32> to vector<16xf32>
      %mul3A_1335 = arith.mulf %get3A_1334, %get3A_1216 : vector<16xf32>
      %add3A_1336 = arith.addf %mul3A_1327, %mul3A_1335 : vector<16xf32>
      %swap3A = arith.constant 1 : i32
      %swap3A_1337 = arith.constant 12 : i32
      %swap3A_1338 = arith.index_cast %swap3A : i32 to index
      %swap3A_1339 = arith.index_cast %swap3A_1337 : i32 to index
      %swap3A_1340 = arith.index_cast %mul3A_1319 : i32 to index
      %swap3A_1341 = tpu.vector_load %arg9[%swap3A_1338, %swap3A_1339, %swap3A_1340] {strides = array<i32>} : memref<2x16x768xf32, #tpu.memory_space<vmem>>, vector<1x1x16xf32>,
      %swap3A_1342 = vector.shape_cast %swap3A_1341 : vector<1x1x16xf32> to vector<16xf32>
      %swap3A_1343 = vector.shape_cast %add3A_1336 : vector<16xf32> to vector<1x1x16xf32>
      tpu.vector_store %arg9[%swap3A_1338, %swap3A_1339, %swap3A_1340], %swap3A_1343 {strides = array<i32>} : memref<2x16x768xf32, #tpu.memory_space<vmem>>, vector<1x1x16xf32>,
      %scan3A_1344 = arith.constant 0 : i32
      scf.yield %scan3A_1344 : i32
    }
    %scan3A_1223 = arith.constant 48 : i32
    %get3A_1224 = arith.constant 122 : i32
    %get3A_1225 = arith.index_cast %get3A_1224 : i32 to index
    %get3A_1226 = arith.constant 0 : index
    %get3A_1227 = tpu.vector_load %arg7[%get3A_1225, %get3A_1226] {strides = array<i32>} : memref<128x128xf32, #tpu.memory_space<vmem>>, vector<1x16xf32>,
    %get3A_1228 = vector.shape_cast %get3A_1227 : vector<1x16xf32> to vector<16xf32>
    %get3A_1229 = arith.constant 123 : i32
    %get3A_1230 = arith.index_cast %get3A_1229 : i32 to index
    %get3A_1231 = arith.constant 0 : index
    %get3A_1232 = tpu.vector_load %arg7[%get3A_1230, %get3A_1231] {strides = array<i32>} : memref<128x128xf32, #tpu.memory_space<vmem>>, vector<1x16xf32>,
    %get3A_1233 = vector.shape_cast %get3A_1232 : vector<1x16xf32> to vector<16xf32>
    %scan3A_1234 = arith.constant 0 : i32
    %scan3A_1235 = arith.constant 0 : i32
    %scan3A_1236 = arith.constant 48 : i32
    %scan3A_1237 = arith.addi %scan3A_1235, %scan3A_1236 : i32
    %scan3A_1238 = arith.constant 1 : i32
    %scan3A_1239 = scf.for %scan3A_1316 = %scan3A_1235 to %scan3A_1237 step %scan3A_1238 iter_args(%scan3A_1317 = %scan3A_1234) -> (i32)  : i32 {
      %mul3A_1318 = arith.constant 16 : i32
      %mul3A_1319 = arith.muli %scan3A_1316, %mul3A_1318 : i32
      %get3A_1320 = arith.constant 1 : i32
      %get3A_1321 = arith.constant 26 : i32
      %get3A_1322 = arith.index_cast %get3A_1320 : i32 to index
      %get3A_1323 = arith.index_cast %get3A_1321 : i32 to index
      %get3A_1324 = arith.index_cast %mul3A_1319 : i32 to index
      %get3A_1325 = tpu.vector_load %arg8[%get3A_1322, %get3A_1323, %get3A_1324] {strides = array<i32>} : memref<2x32x768xf32, #tpu.memory_space<vmem>>, vector<1x1x16xf32>,
      %get3A_1326 = vector.shape_cast %get3A_1325 : vector<1x1x16xf32> to vector<16xf32>
      %mul3A_1327 = arith.mulf %get3A_1326, %get3A_1228 : vector<16xf32>
      %get3A_1328 = arith.constant 1 : i32
      %get3A_1329 = arith.constant 27 : i32
      %get3A_1330 = arith.index_cast %get3A_1328 : i32 to index
      %get3A_1331 = arith.index_cast %get3A_1329 : i32 to index
      %get3A_1332 = arith.index_cast %mul3A_1319 : i32 to index
      %get3A_1333 = tpu.vector_load %arg8[%get3A_1330, %get3A_1331, %get3A_1332] {strides = array<i32>} : memref<2x32x768xf32, #tpu.memory_space<vmem>>, vector<1x1x16xf32>,
      %get3A_1334 = vector.shape_cast %get3A_1333 : vector<1x1x16xf32> to vector<16xf32>
      %mul3A_1335 = arith.mulf %get3A_1334, %get3A_1233 : vector<16xf32>
      %add3A_1336 = arith.addf %mul3A_1327, %mul3A_1335 : vector<16xf32>
      %swap3A = arith.constant 1 : i32
      %swap3A_1337 = arith.constant 13 : i32
      %swap3A_1338 = arith.index_cast %swap3A : i32 to index
      %swap3A_1339 = arith.index_cast %swap3A_1337 : i32 to index
      %swap3A_1340 = arith.index_cast %mul3A_1319 : i32 to index
      %swap3A_1341 = tpu.vector_load %arg9[%swap3A_1338, %swap3A_1339, %swap3A_1340] {strides = array<i32>} : memref<2x16x768xf32, #tpu.memory_space<vmem>>, vector<1x1x16xf32>,
      %swap3A_1342 = vector.shape_cast %swap3A_1341 : vector<1x1x16xf32> to vector<16xf32>
      %swap3A_1343 = vector.shape_cast %add3A_1336 : vector<16xf32> to vector<1x1x16xf32>
      tpu.vector_store %arg9[%swap3A_1338, %swap3A_1339, %swap3A_1340], %swap3A_1343 {strides = array<i32>} : memref<2x16x768xf32, #tpu.memory_space<vmem>>, vector<1x1x16xf32>,
      %scan3A_1344 = arith.constant 0 : i32
      scf.yield %scan3A_1344 : i32
    }
    %scan3A_1240 = arith.constant 48 : i32
    %get3A_1241 = arith.constant 124 : i32
    %get3A_1242 = arith.index_cast %get3A_1241 : i32 to index
    %get3A_1243 = arith.constant 0 : index
    %get3A_1244 = tpu.vector_load %arg7[%get3A_1242, %get3A_1243] {strides = array<i32>} : memref<128x128xf32, #tpu.memory_space<vmem>>, vector<1x16xf32>,
    %get3A_1245 = vector.shape_cast %get3A_1244 : vector<1x16xf32> to vector<16xf32>
    %get3A_1246 = arith.constant 125 : i32
    %get3A_1247 = arith.index_cast %get3A_1246 : i32 to index
    %get3A_1248 = arith.constant 0 : index
    %get3A_1249 = tpu.vector_load %arg7[%get3A_1247, %get3A_1248] {strides = array<i32>} : memref<128x128xf32, #tpu.memory_space<vmem>>, vector<1x16xf32>,
    %get3A_1250 = vector.shape_cast %get3A_1249 : vector<1x16xf32> to vector<16xf32>
    %scan3A_1251 = arith.constant 0 : i32
    %scan3A_1252 = arith.constant 0 : i32
    %scan3A_1253 = arith.constant 48 : i32
    %scan3A_1254 = arith.addi %scan3A_1252, %scan3A_1253 : i32
    %scan3A_1255 = arith.constant 1 : i32
    %scan3A_1256 = scf.for %scan3A_1316 = %scan3A_1252 to %scan3A_1254 step %scan3A_1255 iter_args(%scan3A_1317 = %scan3A_1251) -> (i32)  : i32 {
      %mul3A_1318 = arith.constant 16 : i32
      %mul3A_1319 = arith.muli %scan3A_1316, %mul3A_1318 : i32
      %get3A_1320 = arith.constant 1 : i32
      %get3A_1321 = arith.constant 28 : i32
      %get3A_1322 = arith.index_cast %get3A_1320 : i32 to index
      %get3A_1323 = arith.index_cast %get3A_1321 : i32 to index
      %get3A_1324 = arith.index_cast %mul3A_1319 : i32 to index
      %get3A_1325 = tpu.vector_load %arg8[%get3A_1322, %get3A_1323, %get3A_1324] {strides = array<i32>} : memref<2x32x768xf32, #tpu.memory_space<vmem>>, vector<1x1x16xf32>,
      %get3A_1326 = vector.shape_cast %get3A_1325 : vector<1x1x16xf32> to vector<16xf32>
      %mul3A_1327 = arith.mulf %get3A_1326, %get3A_1245 : vector<16xf32>
      %get3A_1328 = arith.constant 1 : i32
      %get3A_1329 = arith.constant 29 : i32
      %get3A_1330 = arith.index_cast %get3A_1328 : i32 to index
      %get3A_1331 = arith.index_cast %get3A_1329 : i32 to index
      %get3A_1332 = arith.index_cast %mul3A_1319 : i32 to index
      %get3A_1333 = tpu.vector_load %arg8[%get3A_1330, %get3A_1331, %get3A_1332] {strides = array<i32>} : memref<2x32x768xf32, #tpu.memory_space<vmem>>, vector<1x1x16xf32>,
      %get3A_1334 = vector.shape_cast %get3A_1333 : vector<1x1x16xf32> to vector<16xf32>
      %mul3A_1335 = arith.mulf %get3A_1334, %get3A_1250 : vector<16xf32>
      %add3A_1336 = arith.addf %mul3A_1327, %mul3A_1335 : vector<16xf32>
      %swap3A = arith.constant 1 : i32
      %swap3A_1337 = arith.constant 14 : i32
      %swap3A_1338 = arith.index_cast %swap3A : i32 to index
      %swap3A_1339 = arith.index_cast %swap3A_1337 : i32 to index
      %swap3A_1340 = arith.index_cast %mul3A_1319 : i32 to index
      %swap3A_1341 = tpu.vector_load %arg9[%swap3A_1338, %swap3A_1339, %swap3A_1340] {strides = array<i32>} : memref<2x16x768xf32, #tpu.memory_space<vmem>>, vector<1x1x16xf32>,
      %swap3A_1342 = vector.shape_cast %swap3A_1341 : vector<1x1x16xf32> to vector<16xf32>
      %swap3A_1343 = vector.shape_cast %add3A_1336 : vector<16xf32> to vector<1x1x16xf32>
      tpu.vector_store %arg9[%swap3A_1338, %swap3A_1339, %swap3A_1340], %swap3A_1343 {strides = array<i32>} : memref<2x16x768xf32, #tpu.memory_space<vmem>>, vector<1x1x16xf32>,
      %scan3A_1344 = arith.constant 0 : i32
      scf.yield %scan3A_1344 : i32
    }
    %scan3A_1257 = arith.constant 48 : i32
    %get3A_1258 = arith.constant 126 : i32
    %get3A_1259 = arith.index_cast %get3A_1258 : i32 to index
    %get3A_1260 = arith.constant 0 : index
    %get3A_1261 = tpu.vector_load %arg7[%get3A_1259, %get3A_1260] {strides = array<i32>} : memref<128x128xf32, #tpu.memory_space<vmem>>, vector<1x16xf32>,
    %get3A_1262 = vector.shape_cast %get3A_1261 : vector<1x16xf32> to vector<16xf32>
    %get3A_1263 = arith.constant 127 : i32
    %get3A_1264 = arith.index_cast %get3A_1263 : i32 to index
    %get3A_1265 = arith.constant 0 : index
    %get3A_1266 = tpu.vector_load %arg7[%get3A_1264, %get3A_1265] {strides = array<i32>} : memref<128x128xf32, #tpu.memory_space<vmem>>, vector<1x16xf32>,
    %get3A_1267 = vector.shape_cast %get3A_1266 : vector<1x16xf32> to vector<16xf32>
    %scan3A_1268 = arith.constant 0 : i32
    %scan3A_1269 = arith.constant 0 : i32
    %scan3A_1270 = arith.constant 48 : i32
    %scan3A_1271 = arith.addi %scan3A_1269, %scan3A_1270 : i32
    %scan3A_1272 = arith.constant 1 : i32
    %scan3A_1273 = scf.for %scan3A_1316 = %scan3A_1269 to %scan3A_1271 step %scan3A_1272 iter_args(%scan3A_1317 = %scan3A_1268) -> (i32)  : i32 {
      %mul3A_1318 = arith.constant 16 : i32
      %mul3A_1319 = arith.muli %scan3A_1316, %mul3A_1318 : i32
      %get3A_1320 = arith.constant 1 : i32
      %get3A_1321 = arith.constant 30 : i32
      %get3A_1322 = arith.index_cast %get3A_1320 : i32 to index
      %get3A_1323 = arith.index_cast %get3A_1321 : i32 to index
      %get3A_1324 = arith.index_cast %mul3A_1319 : i32 to index
      %get3A_1325 = tpu.vector_load %arg8[%get3A_1322, %get3A_1323, %get3A_1324] {strides = array<i32>} : memref<2x32x768xf32, #tpu.memory_space<vmem>>, vector<1x1x16xf32>,
      %get3A_1326 = vector.shape_cast %get3A_1325 : vector<1x1x16xf32> to vector<16xf32>
      %mul3A_1327 = arith.mulf %get3A_1326, %get3A_1262 : vector<16xf32>
      %get3A_1328 = arith.constant 1 : i32
      %get3A_1329 = arith.constant 31 : i32
      %get3A_1330 = arith.index_cast %get3A_1328 : i32 to index
      %get3A_1331 = arith.index_cast %get3A_1329 : i32 to index
      %get3A_1332 = arith.index_cast %mul3A_1319 : i32 to index
      %get3A_1333 = tpu.vector_load %arg8[%get3A_1330, %get3A_1331, %get3A_1332] {strides = array<i32>} : memref<2x32x768xf32, #tpu.memory_space<vmem>>, vector<1x1x16xf32>,
      %get3A_1334 = vector.shape_cast %get3A_1333 : vector<1x1x16xf32> to vector<16xf32>
      %mul3A_1335 = arith.mulf %get3A_1334, %get3A_1267 : vector<16xf32>
      %add3A_1336 = arith.addf %mul3A_1327, %mul3A_1335 : vector<16xf32>
      %swap3A = arith.constant 1 : i32
      %swap3A_1337 = arith.constant 15 : i32
      %swap3A_1338 = arith.index_cast %swap3A : i32 to index
      %swap3A_1339 = arith.index_cast %swap3A_1337 : i32 to index
      %swap3A_1340 = arith.index_cast %mul3A_1319 : i32 to index
      %swap3A_1341 = tpu.vector_load %arg9[%swap3A_1338, %swap3A_1339, %swap3A_1340] {strides = array<i32>} : memref<2x16x768xf32, #tpu.memory_space<vmem>>, vector<1x1x16xf32>,
      %swap3A_1342 = vector.shape_cast %swap3A_1341 : vector<1x1x16xf32> to vector<16xf32>
      %swap3A_1343 = vector.shape_cast %add3A_1336 : vector<16xf32> to vector<1x1x16xf32>
      tpu.vector_store %arg9[%swap3A_1338, %swap3A_1339, %swap3A_1340], %swap3A_1343 {strides = array<i32>} : memref<2x16x768xf32, #tpu.memory_space<vmem>>, vector<1x1x16xf32>,
      %scan3A_1344 = arith.constant 0 : i32
      scf.yield %scan3A_1344 : i32
    }
    %scan3A_1274 = arith.constant 48 : i32
    %add3A_1275 = arith.constant 48 : i32
    %add3A_1276 = arith.addi %mul3A_2, %add3A_1275 : i32
    %dma_start3A_1277 = arith.constant 1 : i32
    %dma_start3A_1278 = arith.constant 0 : i32
    %dma_start3A_1279 = arith.constant 0 : i32
    %dma_start3A_1280 = tpu.memref_slice %arg9[%dma_start3A_1277, %dma_start3A_1278, %dma_start3A_1279] : memref<2x16x768xf32, #tpu.memory_space<vmem>> -> memref<1x16x768xf32, #tpu.memory_space<vmem>>
    %dma_start3A_1281 = tpu.memref_squeeze %dma_start3A_1280 : memref<1x16x768xf32, #tpu.memory_space<vmem>> -> memref<16x768xf32, #tpu.memory_space<vmem>>
    %dma_start3A_1282 = arith.constant 0 : i32
    %dma_start3A_1283 = tpu.memref_slice %arg5[%add3A_1276, %dma_start3A_1282] : memref<2048x768xf32, #tpu.memory_space<hbm>> -> memref<16x768xf32, #tpu.memory_space<hbm>>
    %dma_start3A_1284 = arith.constant 0 : i32
    %dma_start3A_1285 = tpu.memref_slice %arg5[%add3A_1276, %dma_start3A_1284] : memref<2048x768xf32, #tpu.memory_space<hbm>> -> memref<16x768xf32, #tpu.memory_space<hbm>>
    %dma_start3A_1286 = arith.constant 0 : i32
    %dma_start3A_1287 = arith.constant 0 : i32
    %dma_start3A_1288 = tpu.memref_slice %arg9[%dma_start3A_1277, %dma_start3A_1286, %dma_start3A_1287] : memref<2x16x768xf32, #tpu.memory_space<vmem>> -> memref<1x16x768xf32, #tpu.memory_space<vmem>>
    %dma_start3A_1289 = tpu.memref_squeeze %dma_start3A_1288 : memref<1x16x768xf32, #tpu.memory_space<vmem>> -> memref<16x768xf32, #tpu.memory_space<vmem>>
    tpu.enqueue_dma source(%dma_start3A_1289 : memref<16x768xf32, #tpu.memory_space<vmem>>) target(%dma_start3A_1285 : memref<16x768xf32, #tpu.memory_space<hbm>>) target_semaphore(%arg13 : memref<!tpu.dma_semaphore, #tpu.memory_space<semaphore_mem>>)
    %dma_wait3A_1290 = arith.constant 0 : i32
    %dma_wait3A_1291 = arith.constant 0 : i32
    %dma_wait3A_1292 = arith.constant 0 : i32
    %dma_wait3A_1293 = tpu.memref_slice %arg9[%dma_wait3A_1290, %dma_wait3A_1291, %dma_wait3A_1292] : memref<2x16x768xf32, #tpu.memory_space<vmem>> -> memref<1x16x768xf32, #tpu.memory_space<vmem>>
    %dma_wait3A_1294 = tpu.memref_squeeze %dma_wait3A_1293 : memref<1x16x768xf32, #tpu.memory_space<vmem>> -> memref<16x768xf32, #tpu.memory_space<vmem>>
    %dma_wait3A_1295 = arith.constant 0 : i32
    %dma_wait3A_1296 = tpu.memref_slice %arg5[%add3A_964, %dma_wait3A_1295] : memref<2048x768xf32, #tpu.memory_space<hbm>> -> memref<16x768xf32, #tpu.memory_space<hbm>>
    %dma_wait3A_1297 = arith.constant 0 : i32
    %dma_wait3A_1298 = tpu.memref_slice %arg5[%add3A_964, %dma_wait3A_1297] : memref<2048x768xf32, #tpu.memory_space<hbm>> -> memref<16x768xf32, #tpu.memory_space<hbm>>
    %dma_wait3A_1299 = arith.constant 0 : i32
    %dma_wait3A_1300 = arith.constant 0 : i32
    %dma_wait3A_1301 = tpu.memref_slice %arg9[%dma_wait3A_1290, %dma_wait3A_1299, %dma_wait3A_1300] : memref<2x16x768xf32, #tpu.memory_space<vmem>> -> memref<1x16x768xf32, #tpu.memory_space<vmem>>
    %dma_wait3A_1302 = tpu.memref_squeeze %dma_wait3A_1301 : memref<1x16x768xf32, #tpu.memory_space<vmem>> -> memref<16x768xf32, #tpu.memory_space<vmem>>
    tpu.wait_dma2 semaphore(%arg12 : memref<!tpu.dma_semaphore, #tpu.memory_space<semaphore_mem>>) src(%dma_wait3A_1302 : memref<16x768xf32, #tpu.memory_space<vmem>>) dst(%dma_wait3A_1298 : memref<16x768xf32, #tpu.memory_space<hbm>>)
    %dma_wait3A_1303 = arith.constant 1 : i32
    %dma_wait3A_1304 = arith.constant 0 : i32
    %dma_wait3A_1305 = arith.constant 0 : i32
    %dma_wait3A_1306 = tpu.memref_slice %arg9[%dma_wait3A_1303, %dma_wait3A_1304, %dma_wait3A_1305] : memref<2x16x768xf32, #tpu.memory_space<vmem>> -> memref<1x16x768xf32, #tpu.memory_space<vmem>>
    %dma_wait3A_1307 = tpu.memref_squeeze %dma_wait3A_1306 : memref<1x16x768xf32, #tpu.memory_space<vmem>> -> memref<16x768xf32, #tpu.memory_space<vmem>>
    %dma_wait3A_1308 = arith.constant 0 : i32
    %dma_wait3A_1309 = tpu.memref_slice %arg5[%add3A_1276, %dma_wait3A_1308] : memref<2048x768xf32, #tpu.memory_space<hbm>> -> memref<16x768xf32, #tpu.memory_space<hbm>>
    %dma_wait3A_1310 = arith.constant 0 : i32
    %dma_wait3A_1311 = tpu.memref_slice %arg5[%add3A_1276, %dma_wait3A_1310] : memref<2048x768xf32, #tpu.memory_space<hbm>> -> memref<16x768xf32, #tpu.memory_space<hbm>>
    %dma_wait3A_1312 = arith.constant 0 : i32
    %dma_wait3A_1313 = arith.constant 0 : i32
    %dma_wait3A_1314 = tpu.memref_slice %arg9[%dma_wait3A_1303, %dma_wait3A_1312, %dma_wait3A_1313] : memref<2x16x768xf32, #tpu.memory_space<vmem>> -> memref<1x16x768xf32, #tpu.memory_space<vmem>>
    %dma_wait3A_1315 = tpu.memref_squeeze %dma_wait3A_1314 : memref<1x16x768xf32, #tpu.memory_space<vmem>> -> memref<16x768xf32, #tpu.memory_space<vmem>>
    tpu.wait_dma2 semaphore(%arg13 : memref<!tpu.dma_semaphore, #tpu.memory_space<semaphore_mem>>) src(%dma_wait3A_1315 : memref<16x768xf32, #tpu.memory_space<vmem>>) dst(%dma_wait3A_1311 : memref<16x768xf32, #tpu.memory_space<hbm>>)
    return
  }
}

module attributes {stable_mosaic.version = 14 : i64} {
  func.func @_router_body(%arg0: memref<2048x768xf32, #tpu.memory_space<vmem>>, %arg1: memref<64x768xf32, #tpu.memory_space<vmem>>, %arg2: memref<1x64xf32, #tpu.memory_space<vmem>>, %arg3: memref<2048x2xi32, #tpu.memory_space<vmem>>, %arg4: memref<2048x256xf32, #tpu.memory_space<vmem>>, %arg5: memref<96x3xi32, #tpu.memory_space<vmem>>) attributes {dimension_semantics = [], scalar_prefetch = 0 : i64, scratch_operands = 0 : i64, tpu.core_type = #tpu.core_type<tc>} {
    %get3A = arith.constant 0 : index
    %get3A_0 = arith.constant 0 : index
    %get3A_1 = vector.load %arg0[%get3A, %get3A_0] : memref<2048x768xf32, #tpu.memory_space<vmem>>, vector<2048x768xf32>
    %get3A_2 = arith.constant 0 : index
    %get3A_3 = arith.constant 0 : index
    %get3A_4 = vector.load %arg1[%get3A_2, %get3A_3] : memref<64x768xf32, #tpu.memory_space<vmem>>, vector<64x768xf32>
    %dot_general3A = arith.constant dense<0.000000e+00> : vector<2048x64xf32>
    %dot_general3A_5 = tpu.matmul %get3A_1, %get3A_4, %dot_general3A {dimension_numbers = #tpu.dot_dimension_numbers<[1], [1], [0], [0], [0, 0, 1, 0], [], []>, transpose_lhs_hint = false} : vector<2048x768xf32>, vector<64x768xf32>, vector<2048x64xf32> -> vector<2048x64xf32>
    %get3A_6 = arith.constant 0 : index
    %get3A_7 = arith.constant 0 : index
    %get3A_8 = vector.load %arg2[%get3A_6, %get3A_7] : memref<1x64xf32, #tpu.memory_space<vmem>>, vector<1x64xf32>
    %add3A = vector.broadcast %get3A_8 : vector<1x64xf32> to vector<2048x64xf32>
    %add3A_9 = arith.addf %dot_general3A_5, %add3A : vector<2048x64xf32>
    %reduce_max3A = arith.constant dense<0xFF800000> : vector<2048xf32>
    %reduce_max3A_10 = vector.multi_reduction <maximumf>, %add3A_9, %reduce_max3A [1] : vector<2048x64xf32> to vector<2048xf32>
    %broadcast_in_dim3A = vector.shape_cast %reduce_max3A_10 : vector<2048xf32> to vector<2048x1xf32>
    %sub3A = vector.broadcast %broadcast_in_dim3A : vector<2048x1xf32> to vector<2048x64xf32>
    %sub3A_11 = arith.subf %add3A_9, %sub3A : vector<2048x64xf32>
    %exp3A = math.exp %sub3A_11 : vector<2048x64xf32>
    %reduce_sum3A = arith.constant dense<0.000000e+00> : vector<2048xf32>
    %reduce_sum3A_12 = vector.multi_reduction <add>, %exp3A, %reduce_sum3A [1] : vector<2048x64xf32> to vector<2048xf32>
    %broadcast_in_dim3A_13 = vector.shape_cast %reduce_sum3A_12 : vector<2048xf32> to vector<2048x1xf32>
    %div3A = vector.broadcast %broadcast_in_dim3A_13 : vector<2048x1xf32> to vector<2048x64xf32>
    %div3A_14 = arith.divf %exp3A, %div3A : vector<2048x64xf32>
    %iota3A = tpu.iota {dimensions = array<i32: 1>} : vector<2048x64xi32>
    %reduce_max3A_15 = arith.constant dense<0xFF800000> : vector<2048xf32>
    %reduce_max3A_16 = vector.multi_reduction <maximumf>, %div3A_14, %reduce_max3A_15 [1] : vector<2048x64xf32> to vector<2048xf32>
    %broadcast_in_dim3A_17 = vector.shape_cast %reduce_max3A_16 : vector<2048xf32> to vector<2048x1xf32>
    %ge3A = vector.broadcast %broadcast_in_dim3A_17 : vector<2048x1xf32> to vector<2048x64xf32>
    %ge3A_18 = arith.cmpf oge, %div3A_14, %ge3A : vector<2048x64xf32>
    %jit3A = arith.constant 64 : i32
    %broadcast_in_dim3A_19 = vector.broadcast %jit3A : i32 to vector<2048x64xi32>
    %select_n3A = arith.select %ge3A_18, %iota3A, %broadcast_in_dim3A_19 : vector<2048x64xi1>, vector<2048x64xi32>
    %reduce_min3A = arith.constant dense<2147483647> : vector<2048xi32>
    %reduce_min3A_20 = vector.multi_reduction <minsi>, %select_n3A, %reduce_min3A [1] : vector<2048x64xi32> to vector<2048xi32>
    %broadcast_in_dim3A_21 = vector.shape_cast %reduce_min3A_20 : vector<2048xi32> to vector<2048x1xi32>
    %eq3A = vector.broadcast %broadcast_in_dim3A_21 : vector<2048x1xi32> to vector<2048x64xi32>
    %eq3A_22 = arith.cmpi eq, %iota3A, %eq3A : vector<2048x64xi32>
    %jit3A_23 = arith.constant -1.000000e+00 : f32
    %broadcast_in_dim3A_24 = vector.broadcast %jit3A_23 : f32 to vector<2048x64xf32>
    %select_n3A_25 = arith.select %eq3A_22, %broadcast_in_dim3A_24, %div3A_14 : vector<2048x64xi1>, vector<2048x64xf32>
    %reduce_max3A_26 = arith.constant dense<0xFF800000> : vector<2048xf32>
    %reduce_max3A_27 = vector.multi_reduction <maximumf>, %select_n3A_25, %reduce_max3A_26 [1] : vector<2048x64xf32> to vector<2048xf32>
    %broadcast_in_dim3A_28 = vector.shape_cast %reduce_max3A_27 : vector<2048xf32> to vector<2048x1xf32>
    %ge3A_29 = vector.broadcast %broadcast_in_dim3A_28 : vector<2048x1xf32> to vector<2048x64xf32>
    %ge3A_30 = arith.cmpf oge, %select_n3A_25, %ge3A_29 : vector<2048x64xf32>
    %jit3A_31 = arith.constant 64 : i32
    %broadcast_in_dim3A_32 = vector.broadcast %jit3A_31 : i32 to vector<2048x64xi32>
    %select_n3A_33 = arith.select %ge3A_30, %iota3A, %broadcast_in_dim3A_32 : vector<2048x64xi1>, vector<2048x64xi32>
    %reduce_min3A_34 = arith.constant dense<2147483647> : vector<2048xi32>
    %reduce_min3A_35 = vector.multi_reduction <minsi>, %select_n3A_33, %reduce_min3A_34 [1] : vector<2048x64xi32> to vector<2048xi32>
    %broadcast_in_dim3A_36 = vector.shape_cast %reduce_min3A_35 : vector<2048xi32> to vector<2048x1xi32>
    %add3A_37 = arith.addf %broadcast_in_dim3A_17, %broadcast_in_dim3A_28 : vector<2048x1xf32>
    %broadcast_in_dim3A_38 = arith.constant 1.000000e+00 : f32
    %broadcast_in_dim3A_39 = vector.broadcast %broadcast_in_dim3A_38 : f32 to vector<1x128xf32>
    %div3A_40 = arith.divf %broadcast_in_dim3A_17, %add3A_37 : vector<2048x1xf32>
    %mul3A = vector.broadcast %div3A_40 : vector<2048x1xf32> to vector<2048x128xf32>
    %mul3A_41 = vector.broadcast %broadcast_in_dim3A_39 : vector<1x128xf32> to vector<2048x128xf32>
    %mul3A_42 = arith.mulf %mul3A, %mul3A_41 : vector<2048x128xf32>
    %div3A_43 = arith.divf %broadcast_in_dim3A_28, %add3A_37 : vector<2048x1xf32>
    %mul3A_44 = vector.broadcast %div3A_43 : vector<2048x1xf32> to vector<2048x128xf32>
    %mul3A_45 = vector.broadcast %broadcast_in_dim3A_39 : vector<1x128xf32> to vector<2048x128xf32>
    %mul3A_46 = arith.mulf %mul3A_44, %mul3A_45 : vector<2048x128xf32>
    %concatenate3A = tpu.concatenate %mul3A_42, %mul3A_46 in 1 : vector<2048x128xf32>, vector<2048x128xf32> -> vector<2048x256xf32>
    %swap3A = arith.constant 0 : index
    %swap3A_47 = arith.constant 0 : index
    %swap3A_48 = vector.load %arg4[%swap3A, %swap3A_47] : memref<2048x256xf32, #tpu.memory_space<vmem>>, vector<2048x256xf32>
    tpu.vector_store %arg4[%swap3A, %swap3A_47], %concatenate3A {strides = array<i32>} : memref<2048x256xf32, #tpu.memory_space<vmem>>, vector<2048x256xf32>,
    %eq3A_49 = vector.broadcast %broadcast_in_dim3A_21 : vector<2048x1xi32> to vector<2048x64xi32>
    %eq3A_50 = arith.cmpi eq, %iota3A, %eq3A_49 : vector<2048x64xi32>
    %convert_element_type3A = arith.extui %eq3A_50 : vector<2048x64xi1> to vector<2048x64xi32>
    %convert_element_type3A_51 = arith.sitofp %convert_element_type3A : vector<2048x64xi32> to vector<2048x64xf32>
    %eq3A_52 = vector.broadcast %broadcast_in_dim3A_36 : vector<2048x1xi32> to vector<2048x64xi32>
    %eq3A_53 = arith.cmpi eq, %iota3A, %eq3A_52 : vector<2048x64xi32>
    %convert_element_type3A_54 = arith.extui %eq3A_53 : vector<2048x64xi1> to vector<2048x64xi32>
    %convert_element_type3A_55 = arith.sitofp %convert_element_type3A_54 : vector<2048x64xi32> to vector<2048x64xf32>
    %add3A_56 = arith.addf %convert_element_type3A_51, %convert_element_type3A_55 : vector<2048x64xf32>
    %iota3A_57 = tpu.iota {dimensions = array<i32: 0>} : vector<2048x2048xi32>
    %iota3A_58 = tpu.iota {dimensions = array<i32: 1>} : vector<2048x2048xi32>
    %lt3A = arith.cmpi slt, %iota3A_58, %iota3A_57 : vector<2048x2048xi32>
    %convert_element_type3A_59 = arith.extui %lt3A : vector<2048x2048xi1> to vector<2048x2048xi32>
    %convert_element_type3A_60 = arith.sitofp %convert_element_type3A_59 : vector<2048x2048xi32> to vector<2048x2048xf32>
    %dot_general3A_61 = arith.constant dense<0.000000e+00> : vector<2048x64xf32>
    %dot_general3A_62 = tpu.matmul %convert_element_type3A_60, %add3A_56, %dot_general3A_61 {dimension_numbers = #tpu.dot_dimension_numbers<[1], [0], [0], [1], [0, 0, 1, 1], [], []>, transpose_lhs_hint = false} : vector<2048x2048xf32>, vector<2048x64xf32>, vector<2048x64xf32> -> vector<2048x64xf32>
    %reduce_sum3A_63 = arith.constant dense<0.000000e+00> : vector<64xf32>
    %reduce_sum3A_64 = vector.multi_reduction <add>, %add3A_56, %reduce_sum3A_63 [0] : vector<2048x64xf32> to vector<64xf32>
    %broadcast_in_dim3A_65 = vector.shape_cast %reduce_sum3A_64 : vector<64xf32> to vector<1x64xf32>
    %convert_element_type3A_66 = arith.fptosi %broadcast_in_dim3A_65 : vector<1x64xf32> to vector<1x64xi32>
    %add3A_67 = arith.constant 127 : i32
    %add3A_68 = vector.broadcast %add3A_67 : i32 to vector<1x64xi32>
    %add3A_69 = arith.addi %convert_element_type3A_66, %add3A_68 : vector<1x64xi32>
    %shift_right_logical3A = arith.constant 7 : i32
    %shift_right_logical3A_70 = vector.broadcast %shift_right_logical3A : i32 to vector<1x64xi32>
    %shift_right_logical3A_71 = arith.shrui %add3A_69, %shift_right_logical3A_70 : vector<1x64xi32>
    %broadcast_in_dim3A_72 = arith.constant 0 : i32
    %broadcast_in_dim3A_73 = vector.broadcast %broadcast_in_dim3A_72 : i32 to vector<1x1xi32>
    %slice3A = vector.extract_strided_slice %shift_right_logical3A_71 {offsets = [0, 0], sizes = [1, 63], strides = [1, 1]} : vector<1x64xi32> to vector<1x63xi32>
    %concatenate3A_74 = tpu.concatenate %broadcast_in_dim3A_73, %slice3A in 1 : vector<1x1xi32>, vector<1x63xi32> -> vector<1x64xi32>
    %add3A_75 = arith.addi %shift_right_logical3A_71, %concatenate3A_74 : vector<1x64xi32>
    %broadcast_in_dim3A_76 = arith.constant 0 : i32
    %broadcast_in_dim3A_77 = vector.broadcast %broadcast_in_dim3A_76 : i32 to vector<1x2xi32>
    %slice3A_78 = vector.extract_strided_slice %add3A_75 {offsets = [0, 0], sizes = [1, 62], strides = [1, 1]} : vector<1x64xi32> to vector<1x62xi32>
    %concatenate3A_79 = tpu.concatenate %broadcast_in_dim3A_77, %slice3A_78 in 1 : vector<1x2xi32>, vector<1x62xi32> -> vector<1x64xi32>
    %add3A_80 = arith.addi %add3A_75, %concatenate3A_79 : vector<1x64xi32>
    %broadcast_in_dim3A_81 = arith.constant 0 : i32
    %broadcast_in_dim3A_82 = vector.broadcast %broadcast_in_dim3A_81 : i32 to vector<1x4xi32>
    %slice3A_83 = vector.extract_strided_slice %add3A_80 {offsets = [0, 0], sizes = [1, 60], strides = [1, 1]} : vector<1x64xi32> to vector<1x60xi32>
    %concatenate3A_84 = tpu.concatenate %broadcast_in_dim3A_82, %slice3A_83 in 1 : vector<1x4xi32>, vector<1x60xi32> -> vector<1x64xi32>
    %add3A_85 = arith.addi %add3A_80, %concatenate3A_84 : vector<1x64xi32>
    %broadcast_in_dim3A_86 = arith.constant 0 : i32
    %broadcast_in_dim3A_87 = vector.broadcast %broadcast_in_dim3A_86 : i32 to vector<1x8xi32>
    %slice3A_88 = vector.extract_strided_slice %add3A_85 {offsets = [0, 0], sizes = [1, 56], strides = [1, 1]} : vector<1x64xi32> to vector<1x56xi32>
    %concatenate3A_89 = tpu.concatenate %broadcast_in_dim3A_87, %slice3A_88 in 1 : vector<1x8xi32>, vector<1x56xi32> -> vector<1x64xi32>
    %add3A_90 = arith.addi %add3A_85, %concatenate3A_89 : vector<1x64xi32>
    %broadcast_in_dim3A_91 = arith.constant 0 : i32
    %broadcast_in_dim3A_92 = vector.broadcast %broadcast_in_dim3A_91 : i32 to vector<1x16xi32>
    %slice3A_93 = vector.extract_strided_slice %add3A_90 {offsets = [0, 0], sizes = [1, 48], strides = [1, 1]} : vector<1x64xi32> to vector<1x48xi32>
    %concatenate3A_94 = tpu.concatenate %broadcast_in_dim3A_92, %slice3A_93 in 1 : vector<1x16xi32>, vector<1x48xi32> -> vector<1x64xi32>
    %add3A_95 = arith.addi %add3A_90, %concatenate3A_94 : vector<1x64xi32>
    %broadcast_in_dim3A_96 = arith.constant 0 : i32
    %broadcast_in_dim3A_97 = vector.broadcast %broadcast_in_dim3A_96 : i32 to vector<1x32xi32>
    %slice3A_98 = vector.extract_strided_slice %add3A_95 {offsets = [0, 0], sizes = [1, 32], strides = [1, 1]} : vector<1x64xi32> to vector<1x32xi32>
    %concatenate3A_99 = tpu.concatenate %broadcast_in_dim3A_97, %slice3A_98 in 1 : vector<1x32xi32>, vector<1x32xi32> -> vector<1x64xi32>
    %add3A_100 = arith.addi %add3A_95, %concatenate3A_99 : vector<1x64xi32>
    %sub3A_101 = arith.subi %add3A_100, %shift_right_logical3A_71 : vector<1x64xi32>
    %mul3A_102 = arith.constant 128 : i32
    %mul3A_103 = vector.broadcast %mul3A_102 : i32 to vector<1x64xi32>
    %mul3A_104 = arith.muli %sub3A_101, %mul3A_103 : vector<1x64xi32>
    %convert_element_type3A_105 = arith.sitofp %mul3A_104 : vector<1x64xi32> to vector<1x64xf32>
    %add3A_106 = vector.broadcast %convert_element_type3A_105 : vector<1x64xf32> to vector<2048x64xf32>
    %add3A_107 = arith.addf %add3A_106, %dot_general3A_62 : vector<2048x64xf32>
    %mul3A_108 = arith.mulf %convert_element_type3A_51, %add3A_107 : vector<2048x64xf32>
    %reduce_sum3A_109 = arith.constant dense<0.000000e+00> : vector<2048xf32>
    %reduce_sum3A_110 = vector.multi_reduction <add>, %mul3A_108, %reduce_sum3A_109 [1] : vector<2048x64xf32> to vector<2048xf32>
    %broadcast_in_dim3A_111 = vector.shape_cast %reduce_sum3A_110 : vector<2048xf32> to vector<2048x1xf32>
    %mul3A_112 = arith.mulf %convert_element_type3A_55, %add3A_107 : vector<2048x64xf32>
    %reduce_sum3A_113 = arith.constant dense<0.000000e+00> : vector<2048xf32>
    %reduce_sum3A_114 = vector.multi_reduction <add>, %mul3A_112, %reduce_sum3A_113 [1] : vector<2048x64xf32> to vector<2048xf32>
    %broadcast_in_dim3A_115 = vector.shape_cast %reduce_sum3A_114 : vector<2048xf32> to vector<2048x1xf32>
    %concatenate3A_116 = tpu.concatenate %broadcast_in_dim3A_111, %broadcast_in_dim3A_115 in 1 : vector<2048x1xf32>, vector<2048x1xf32> -> vector<2048x2xf32>
    %convert_element_type3A_117 = arith.fptosi %concatenate3A_116 : vector<2048x2xf32> to vector<2048x2xi32>
    %swap3A_118 = arith.constant 0 : index
    %swap3A_119 = arith.constant 0 : index
    %swap3A_120 = vector.load %arg3[%swap3A_118, %swap3A_119] : memref<2048x2xi32, #tpu.memory_space<vmem>>, vector<2048x2xi32>
    tpu.vector_store %arg3[%swap3A_118, %swap3A_119], %convert_element_type3A_117 {strides = array<i32>} : memref<2048x2xi32, #tpu.memory_space<vmem>>, vector<2048x2xi32>,
    %slice3A_121 = vector.extract_strided_slice %add3A_100 {offsets = [0, 63], sizes = [1, 1], strides = [1, 1]} : vector<1x64xi32> to vector<1x1xi32>
    %iota3A_122 = tpu.iota {dimensions = array<i32: 0>} : vector<96x64xi32>
    %ge3A_123 = vector.broadcast %sub3A_101 : vector<1x64xi32> to vector<96x64xi32>
    %ge3A_124 = arith.cmpi sge, %iota3A_122, %ge3A_123 : vector<96x64xi32>
    %add3A_125 = arith.addi %sub3A_101, %shift_right_logical3A_71 : vector<1x64xi32>
    %lt3A_126 = vector.broadcast %add3A_125 : vector<1x64xi32> to vector<96x64xi32>
    %lt3A_127 = arith.cmpi slt, %iota3A_122, %lt3A_126 : vector<96x64xi32>
    %and3A = arith.andi %ge3A_124, %lt3A_127 : vector<96x64xi1>
    %iota3A_128 = tpu.iota {dimensions = array<i32: 1>} : vector<96x64xi32>
    %jit3A_129 = arith.constant 0 : i32
    %broadcast_in_dim3A_130 = vector.broadcast %jit3A_129 : i32 to vector<96x64xi32>
    %select_n3A_131 = arith.select %and3A, %iota3A_128, %broadcast_in_dim3A_130 : vector<96x64xi1>, vector<96x64xi32>
    %reduce_max3A_132 = arith.constant dense<-2147483648> : vector<96xi32>
    %reduce_max3A_133 = vector.multi_reduction <maxsi>, %select_n3A_131, %reduce_max3A_132 [1] : vector<96x64xi32> to vector<96xi32>
    %broadcast_in_dim3A_134 = vector.shape_cast %reduce_max3A_133 : vector<96xi32> to vector<96x1xi32>
    %jit3A_135 = arith.constant 1 : i32
    %jit3A_136 = arith.constant 0 : i32
    %broadcast_in_dim3A_137 = vector.broadcast %jit3A_135 : i32 to vector<96x64xi32>
    %broadcast_in_dim3A_138 = vector.broadcast %jit3A_136 : i32 to vector<96x64xi32>
    %select_n3A_139 = arith.select %and3A, %broadcast_in_dim3A_137, %broadcast_in_dim3A_138 : vector<96x64xi1>, vector<96x64xi32>
    %reduce_max3A_140 = arith.constant dense<-2147483648> : vector<96xi32>
    %reduce_max3A_141 = vector.multi_reduction <maxsi>, %select_n3A_139, %reduce_max3A_140 [1] : vector<96x64xi32> to vector<96xi32>
    %broadcast_in_dim3A_142 = vector.shape_cast %reduce_max3A_141 : vector<96xi32> to vector<96x1xi32>
    %gt3A = arith.constant 0 : i32
    %gt3A_143 = vector.broadcast %gt3A : i32 to vector<1x64xi32>
    %gt3A_144 = arith.cmpi sgt, %convert_element_type3A_66, %gt3A_143 : vector<1x64xi32>
    %iota3A_145 = tpu.iota {dimensions = array<i32: 1>} : vector<1x64xi32>
    %jit3A_146 = arith.constant 0 : i32
    %broadcast_in_dim3A_147 = vector.broadcast %jit3A_146 : i32 to vector<1x64xi32>
    %select_n3A_148 = arith.select %gt3A_144, %iota3A_145, %broadcast_in_dim3A_147 : vector<1x64xi1>, vector<1x64xi32>
    %reduce_max3A_149 = arith.constant dense<-2147483648> : vector<1xi32>
    %reduce_max3A_150 = vector.multi_reduction <maxsi>, %select_n3A_148, %reduce_max3A_149 [1] : vector<1x64xi32> to vector<1xi32>
    %broadcast_in_dim3A_151 = vector.shape_cast %reduce_max3A_150 : vector<1xi32> to vector<1x1xi32>
    %gt3A_152 = arith.constant 0 : i32
    %gt3A_153 = vector.broadcast %gt3A_152 : i32 to vector<96x1xi32>
    %gt3A_154 = arith.cmpi sgt, %broadcast_in_dim3A_142, %gt3A_153 : vector<96x1xi32>
    %broadcast_in_dim3A_155 = vector.shape_cast %broadcast_in_dim3A_151 : vector<1x1xi32> to vector<1x1xi32>
    %broadcast_in_dim3A_156 = vector.broadcast %broadcast_in_dim3A_155 : vector<1x1xi32> to vector<96x1xi32>
    %select_n3A_157 = arith.select %gt3A_154, %broadcast_in_dim3A_134, %broadcast_in_dim3A_156 : vector<96x1xi1>, vector<96x1xi32>
    %iota3A_158 = tpu.iota {dimensions = array<i32: 0>} : vector<96x1xi32>
    %sub3A_159 = arith.constant 1 : i32
    %sub3A_160 = vector.broadcast %sub3A_159 : i32 to vector<1x1xi32>
    %sub3A_161 = arith.subi %slice3A_121, %sub3A_160 : vector<1x1xi32>
    %min3A = vector.broadcast %sub3A_161 : vector<1x1xi32> to vector<96x1xi32>
    %min3A_162 = arith.minsi %iota3A_158, %min3A : vector<96x1xi32>
    %concatenate3A_163 = tpu.concatenate %select_n3A_157, %broadcast_in_dim3A_142, %min3A_162 in 1 : vector<96x1xi32>, vector<96x1xi32>, vector<96x1xi32> -> vector<96x3xi32>
    %swap3A_164 = arith.constant 0 : index
    %swap3A_165 = arith.constant 0 : index
    %swap3A_166 = vector.load %arg5[%swap3A_164, %swap3A_165] : memref<96x3xi32, #tpu.memory_space<vmem>>, vector<96x3xi32>
    tpu.vector_store %arg5[%swap3A_164, %swap3A_165], %concatenate3A_163 {strides = array<i32>} : memref<96x3xi32, #tpu.memory_space<vmem>>, vector<96x3xi32>,
    return
  }
}

module attributes {stable_mosaic.version = 14 : i64} {
  func.func @_mlp_body(%arg0: i32, %arg1: memref<96x3xi32, #tpu.memory_space<smem>>, %arg2: memref<128x768xf32, #tpu.memory_space<vmem>>, %arg3: memref<1x1536x768xf32, #tpu.memory_space<vmem>>, %arg4: memref<1x1536x768xf32, #tpu.memory_space<vmem>>, %arg5: memref<1x768x1536xf32, #tpu.memory_space<vmem>>, %arg6: memref<128x768xf32, #tpu.memory_space<vmem>>) attributes {dimension_semantics = [#tpu.dimension_semantics<arbitrary>], iteration_bounds = array<i64: 96>, scalar_prefetch = 1 : i64, scratch_operands = 0 : i64, tpu.core_type = #tpu.core_type<tc>, window_params = [{transform_indices = @transform_0, window_bounds = array<i64: 128, 768>}, {transform_indices = @transform_1, window_bounds = array<i64: 1, 1536, 768>}, {transform_indices = @transform_2, window_bounds = array<i64: 1, 1536, 768>}, {transform_indices = @transform_3, window_bounds = array<i64: 1, 768, 1536>}, {transform_indices = @transform_4, window_bounds = array<i64: 128, 768>}]} {
    %get3A = arith.index_cast %arg0 : i32 to index
    %get3A_0 = arith.constant 1 : index
    %get3A_1 = memref.load %arg1[%get3A, %get3A_0] : memref<96x3xi32, #tpu.memory_space<smem>>
    %gt3A = arith.constant 0 : i32
    %gt3A_2 = arith.cmpi sgt, %get3A_1, %gt3A : i32
    %convert_element_type3A = arith.extui %gt3A_2 : i1 to i32
    %cond3A = arith.constant 0 : i32
    %cond3A_3 = arith.cmpi ne, %convert_element_type3A, %cond3A : i32
    scf.if %cond3A_3 {
      %get3A_4 = arith.constant 0 : index
      %get3A_5 = arith.constant 0 : index
      %get3A_6 = vector.load %arg2[%get3A_4, %get3A_5] : memref<128x768xf32, #tpu.memory_space<vmem>>, vector<128x768xf32>
      %get3A_7 = arith.constant 0 : index
      %get3A_8 = arith.constant 0 : index
      %get3A_9 = arith.constant 0 : index
      %get3A_10 = vector.load %arg3[%get3A_7, %get3A_8, %get3A_9] : memref<1x1536x768xf32, #tpu.memory_space<vmem>>, vector<1x1536x768xf32>
      %get3A_11 = vector.shape_cast %get3A_10 : vector<1x1536x768xf32> to vector<1536x768xf32>
      %dot_general3A = arith.constant dense<0.000000e+00> : vector<128x1536xf32>
      %dot_general3A_12 = tpu.matmul %get3A_6, %get3A_11, %dot_general3A {dimension_numbers = #tpu.dot_dimension_numbers<[1], [1], [0], [0], [0, 0, 1, 0], [], []>, transpose_lhs_hint = false} : vector<128x768xf32>, vector<1536x768xf32>, vector<128x1536xf32> -> vector<128x1536xf32>
      %get3A_13 = arith.constant 0 : index
      %get3A_14 = arith.constant 0 : index
      %get3A_15 = arith.constant 0 : index
      %get3A_16 = vector.load %arg4[%get3A_13, %get3A_14, %get3A_15] : memref<1x1536x768xf32, #tpu.memory_space<vmem>>, vector<1x1536x768xf32>
      %get3A_17 = vector.shape_cast %get3A_16 : vector<1x1536x768xf32> to vector<1536x768xf32>
      %dot_general3A_18 = arith.constant dense<0.000000e+00> : vector<128x1536xf32>
      %dot_general3A_19 = tpu.matmul %get3A_6, %get3A_17, %dot_general3A_18 {dimension_numbers = #tpu.dot_dimension_numbers<[1], [1], [0], [0], [0, 0, 1, 0], [], []>, transpose_lhs_hint = false} : vector<128x768xf32>, vector<1536x768xf32>, vector<128x1536xf32> -> vector<128x1536xf32>
      %neg3A = arith.constant 0.000000e+00 : f32
      %neg3A_20 = vector.broadcast %neg3A : f32 to vector<128x1536xf32>
      %neg3A_21 = arith.subf %neg3A_20, %dot_general3A_12 : vector<128x1536xf32>
      %exp3A = math.exp %neg3A_21 : vector<128x1536xf32>
      %add3A = arith.constant 1.000000e+00 : f32
      %add3A_22 = vector.broadcast %add3A : f32 to vector<128x1536xf32>
      %add3A_23 = arith.addf %add3A_22, %exp3A : vector<128x1536xf32>
      %div3A = arith.constant 1.000000e+00 : f32
      %div3A_24 = vector.broadcast %div3A : f32 to vector<128x1536xf32>
      %div3A_25 = arith.divf %div3A_24, %add3A_23 : vector<128x1536xf32>
      %mul3A = arith.mulf %dot_general3A_12, %div3A_25 : vector<128x1536xf32>
      %mul3A_26 = arith.mulf %mul3A, %dot_general3A_19 : vector<128x1536xf32>
      %get3A_27 = arith.constant 0 : index
      %get3A_28 = arith.constant 0 : index
      %get3A_29 = arith.constant 0 : index
      %get3A_30 = vector.load %arg5[%get3A_27, %get3A_28, %get3A_29] : memref<1x768x1536xf32, #tpu.memory_space<vmem>>, vector<1x768x1536xf32>
      %get3A_31 = vector.shape_cast %get3A_30 : vector<1x768x1536xf32> to vector<768x1536xf32>
      %dot_general3A_32 = arith.constant dense<0.000000e+00> : vector<128x768xf32>
      %dot_general3A_33 = tpu.matmul %mul3A_26, %get3A_31, %dot_general3A_32 {dimension_numbers = #tpu.dot_dimension_numbers<[1], [1], [0], [0], [0, 0, 1, 0], [], []>, transpose_lhs_hint = false} : vector<128x1536xf32>, vector<768x1536xf32>, vector<128x768xf32> -> vector<128x768xf32>
      %swap3A = arith.constant 0 : index
      %swap3A_34 = arith.constant 0 : index
      %swap3A_35 = vector.load %arg6[%swap3A, %swap3A_34] : memref<128x768xf32, #tpu.memory_space<vmem>>, vector<128x768xf32>
      tpu.vector_store %arg6[%swap3A, %swap3A_34], %dot_general3A_33 {strides = array<i32>} : memref<128x768xf32, #tpu.memory_space<vmem>>, vector<128x768xf32>,
    } else {
    }
    return
  }
  func.func @transform_0(%arg0: i32, %arg1: memref<96x3xi32, #tpu.memory_space<smem>>) -> (i32, i32) {
    %get3A = arith.index_cast %arg0 : i32 to index
    %get3A_0 = arith.constant 2 : index
    %get3A_1 = memref.load %arg1[%get3A, %get3A_0] : memref<96x3xi32, #tpu.memory_space<smem>>
    %c0_i32 = arith.constant 0 : i32
    %c0_i32_2 = arith.constant 0 : i32
    return %get3A_1, %c0_i32 : i32, i32
  }
  func.func @transform_1(%arg0: i32, %arg1: memref<96x3xi32, #tpu.memory_space<smem>>) -> (i32, i32, i32) {
    %get3A = arith.index_cast %arg0 : i32 to index
    %get3A_0 = arith.constant 0 : index
    %get3A_1 = memref.load %arg1[%get3A, %get3A_0] : memref<96x3xi32, #tpu.memory_space<smem>>
    %c0_i32 = arith.constant 0 : i32
    %c0_i32_2 = arith.constant 0 : i32
    %c0_i32_3 = arith.constant 0 : i32
    return %get3A_1, %c0_i32, %c0_i32_2 : i32, i32, i32
  }
  func.func @transform_2(%arg0: i32, %arg1: memref<96x3xi32, #tpu.memory_space<smem>>) -> (i32, i32, i32) {
    %get3A = arith.index_cast %arg0 : i32 to index
    %get3A_0 = arith.constant 0 : index
    %get3A_1 = memref.load %arg1[%get3A, %get3A_0] : memref<96x3xi32, #tpu.memory_space<smem>>
    %c0_i32 = arith.constant 0 : i32
    %c0_i32_2 = arith.constant 0 : i32
    %c0_i32_3 = arith.constant 0 : i32
    return %get3A_1, %c0_i32, %c0_i32_2 : i32, i32, i32
  }
  func.func @transform_3(%arg0: i32, %arg1: memref<96x3xi32, #tpu.memory_space<smem>>) -> (i32, i32, i32) {
    %get3A = arith.index_cast %arg0 : i32 to index
    %get3A_0 = arith.constant 0 : index
    %get3A_1 = memref.load %arg1[%get3A, %get3A_0] : memref<96x3xi32, #tpu.memory_space<smem>>
    %c0_i32 = arith.constant 0 : i32
    %c0_i32_2 = arith.constant 0 : i32
    %c0_i32_3 = arith.constant 0 : i32
    return %get3A_1, %c0_i32, %c0_i32_2 : i32, i32, i32
  }
  func.func @transform_4(%arg0: i32, %arg1: memref<96x3xi32, #tpu.memory_space<smem>>) -> (i32, i32) {
    %get3A = arith.index_cast %arg0 : i32 to index
    %get3A_0 = arith.constant 2 : index
    %get3A_1 = memref.load %arg1[%get3A, %get3A_0] : memref<96x3xi32, #tpu.memory_space<smem>>
    %c0_i32 = arith.constant 0 : i32
    %c0_i32_2 = arith.constant 0 : i32
    return %get3A_1, %c0_i32 : i32, i32
  }
}

</mosaic_0001>

<sc_bundles>
// kernel: kernel.6.cloned.1.call-start
scs
__scs_entry_jumppad:
0x0: {  	(pc) =	sbr.rel $0x88, $3  }
0x1: {  	(tag) =	ssettag $0x0;
	lr =	simm.s32 $0x1  }
0x2: {  	[smem:$0x3F9B] =	sst lr;
	_ =	strace $0xD0000000  }
0x3: {  	_ = 	snop  }
0x4: {  	_ = 	snop  }
0x5: {  	_ = 	snop  }
0x6: {  	_ = 	snop  }
0x7: {  	_ = 	snop  }
__scs_overlays_trampoline_lowered:
0x8: {  	[smem:$0x3FAA] =	sst s0  }
0x9: {  	[smem:$0x3FAB] =	sst s1  }
0xa: {  	[smem:$0x3FAC] =	sst s2  }
0xb: {  	[smem:$0x3FAD] =	sst s3  }
0xc: {  	[smem:$0x3FAE] =	sst s4  }
0xd: {  	[smem:$0x3FAF] =	sst s5  }
0xe: {  	[smem:$0x3FB0] =	sst s6  }
0xf: {  	[smem:$0x3FB1] =	sst s7  }
0x10: {  	[smem:$0x3FB2] =	sst s8  }
0x11: {  	[smem:$0x3FB3] =	sst s9;
	s0 =	simm.s32 @!p0 $0x0  }
0x12: {  	s1 =	sld [smem:$0x3F99];
	s0 =	simm.s32 @p0 $0x1  }
0x13: {  	[smem:$0x3FB4] =	sst s0;
	s0 =	simm.s32 @!p1 $0x0  }
0x14: {  	s2 =	sld [smem:$0x3F98];
	s0 =	simm.s32 @p1 $0x1  }
0x15: {  	[smem:$0x3FB5] =	sst s0;
	s0 =	simm.s32 @!p2 $0x0  }
0x16: {  	s3 =	sld [smem:$0x3FDB];
	s0 =	simm.s32 @p2 $0x1  }
0x17: {  	s4 =	simm.s32 $0x1BF5;
	[smem:$0x3FB7] =	sst s0  }
0x18: {  	s0 =	sld [smem:$0x3F9A];
	_ =	swait.ge [sflag:s4], $0x0  }
0x19: {  	s7 =	sld [smem:$0x3F9B]  }
0x1a: {  	s8 =	sadd.s32 $0xFFFFE003, lr  }
0x1b: {  	s9 =	sadd.s32 $0xFFFFFEF7, lr;
	s5 =	simm.s32 $0xFFFFFFFF;
	p2 =	slt.u32 s8, $0xFFFFF086  }
0x1c: {  	p1 =	slt.u32 s9, $0xF7A;
	s5 =	simm.s32 @!p2 $0x0  }
0x1d: {  	s5 =	simm.s32 @p1 $0x1;
	p0 =	seq.s32 s7, s2  }
0x1e: {  	s7 =	smul.u32 @!p0 $0xF7A, s2;
	p2 =	seq.s32 @!p0 s5, $0x0  }
0x1f: {  	s9 =	smul.u32 $0xF7A, s1;
	s8 =	simm.s32 @!p0 $0x1BF5;
	p2 =	por !p2, p0  }
0x20: {  	[sflag:s8] =	ssyncset.s32 @!p0 $0xFFFFF086;
	s6 =	sadd.s32 @!p0 s3, s7;
	s7 =	simm.s32 @!p0 $0x108  }
0x21: {  	s3 =	sadd.s32 s3, s9;
	s6 =	sadd.s32 @!p0 $0x88, s6;
	s7 =	simm.s32 @p2 $0x1082  }
0x22: {  	[simem:s7], [sflag:s8] =	dma.local @!p0 [hbm:s6], $0xF7A  }
0x23: {  	s9 =	sor.u32 $0xD0000000, s2;
	s6 =	simm.s32 $0x108;
	_ =	swait.ge @!p0 [sflag:s8], $0x0  }
0x24: {  	s3 =	sadd.s32 $0x88, s3;
	s6 =	simm.s32 @!p1 $0x1082;
	[sflag:s4] =	ssyncset.s32 $0xFFFFF086  }
0x25: {  	[simem:s6], [sflag:s4] =	dma.local [hbm:s3], $0xF7A  }
0x26: {  	[smem:$0x3F9B] =	sst s1;
	(tag) =	ssettag s2;
	_ =	strace s9  }
0x27: {  	s1 =	sld [smem:$0x3FAB]  }
0x28: {  	s2 =	sld [smem:$0x3FAC]  }
0x29: {  	s4 =	sld [smem:$0x3FAE]  }
0x2a: {  	p0 =	seq.s32 s5, $0x0;
	s5 =	sld [smem:$0x3FAF]  }
0x2b: {  	s6 =	sld [smem:$0x3FB0]  }
0x2c: {  	s7 =	sld [smem:$0x3FB1]  }
0x2d: {  	s3 =	simm.s32 $0x108;
	s8 =	sld [smem:$0x3FB2]  }
0x2e: {  	s3 =	simm.s32 @!p0 $0x1082;
	s9 =	sld [smem:$0x3FB3]  }
0x2f: {  	lr =	sadd.s32 s0, s3;
	s0 =	sld [smem:$0x3FAA]  }
0x30: {  	s3 =	sld [smem:$0x3FAD]  }
0x31: {  	[smem:$0x3FB6] =	sst s10  }
0x32: {  	s10 =	sld [smem:$0x3FB4];
	_ =	sdelay $0x3  }
0x33: {  	p0 =	seq.s32 s10, $0x1;
	s10 =	sld [smem:$0x3FB6];
	_ =	sdelay $0x3  }
0x34: {  	[smem:$0x3FB6] =	sst s10  }
0x35: {  	s10 =	sld [smem:$0x3FB5];
	_ =	sdelay $0x3  }
0x36: {  	p1 =	seq.s32 s10, $0x1;
	s10 =	sld [smem:$0x3FB6];
	_ =	sdelay $0x3  }
0x37: {  	[smem:$0x3FB6] =	sst s10  }
0x38: {  	s10 =	sld [smem:$0x3FB7]  }
0x39: {  	_ = 	snop;
	(pc) =	sbr.ind lr, $3  }
0x3a: {  	_ = 	snop  }
0x3b: {  	_ = 	snop  }
0x3c: {  	p2 =	seq.s32 s10, $0x1;
	s10 =	sld [smem:$0x3FB6]  }
0x3d: {  	_ =	shalt  }
0x3e: {  	_ =	shalt  }
0x3f: {  	_ =	shalt  }
0x40: {  	_ =	shalt  }
0x41: {  	_ =	shalt  }
0x42: {  	_ =	shalt  }
0x43: {  	_ =	shalt  }
0x44: {  	_ =	shalt  }
0x45: {  	_ =	shalt  }
0x46: {  	_ =	shalt  }
0x47: {  	_ =	shalt  }
0x48: {  	_ =	shalt  }
0x49: {  	_ =	shalt  }
0x4a: {  	_ =	shalt  }
0x4b: {  	_ =	shalt  }
0x4c: {  	_ =	shalt  }
0x4d: {  	_ =	shalt  }
0x4e: {  	_ =	shalt  }
0x4f: {  	_ =	shalt  }
0x50: {  	_ =	shalt  }
0x51: {  	_ =	shalt  }
0x52: {  	_ =	shalt  }
0x53: {  	_ =	shalt  }
0x54: {  	_ =	shalt  }
0x55: {  	_ =	shalt  }
0x56: {  	_ =	shalt  }
0x57: {  	_ =	shalt  }
0x58: {  	_ =	shalt  }
0x59: {  	_ =	shalt  }
0x5a: {  	_ =	shalt  }
0x5b: {  	_ =	shalt  }
0x5c: {  	_ =	shalt  }
0x5d: {  	_ =	shalt  }
0x5e: {  	_ =	shalt  }
0x5f: {  	_ =	shalt  }
0x60: {  	_ =	shalt  }
0x61: {  	_ =	shalt  }
0x62: {  	_ =	shalt  }
0x63: {  	_ =	shalt  }
0x64: {  	_ =	shalt  }
0x65: {  	_ =	shalt  }
0x66: {  	_ =	shalt  }
0x67: {  	_ =	shalt  }
0x68: {  	_ =	shalt  }
0x69: {  	_ =	shalt  }
0x6a: {  	_ =	shalt  }
0x6b: {  	_ =	shalt  }
0x6c: {  	_ =	shalt  }
0x6d: {  	_ =	shalt  }
0x6e: {  	_ =	shalt  }
0x6f: {  	_ =	shalt  }
0x70: {  	_ =	shalt  }
0x71: {  	_ =	shalt  }
0x72: {  	_ =	shalt  }
0x73: {  	_ =	shalt  }
0x74: {  	_ =	shalt  }
0x75: {  	_ =	shalt  }
0x76: {  	_ =	shalt  }
0x77: {  	_ =	shalt  }
0x78: {  	_ =	shalt  }
0x79: {  	_ =	shalt  }
0x7a: {  	_ =	shalt  }
0x7b: {  	_ =	shalt  }
0x7c: {  	_ =	shalt  }
0x7d: {  	_ =	shalt  }
0x7e: {  	_ =	shalt  }
0x7f: {  	_ =	shalt  }
0x80: {  	_ =	shalt  }
0x81: {  	_ =	shalt  }
0x82: {  	_ =	shalt  }
0x83: {  	_ =	shalt  }
0x84: {  	_ =	shalt  }
0x85: {  	_ =	shalt  }
0x86: {  	_ =	shalt  }
0x87: {  	_ =	shalt  }
.Lfunc_end0:
.L_simem_size_0:
called_computation_lowered:
.L_overlay_start_0:
0x88: {  	s2 =	sld [smem:$0x3FD9]  }
0x89: {  	s3 =	sld [smem:$0x3FFE];
	_ =	sdelay $0x1  }
0x8a: {  	s1 =	srdreg.scid  }
0x8b: {  	s0 =	sand.u32 $0x1, s1  }
0x8c: {  	s17 =	sshll.u32 s0, $0xA;
	s2 =	sadd.s32 s3, s2  }
0x8d: {  	s2 =	sadd.s32 s2, s17  }
0x8e: {  	[smem:$0x3FC2] =	sst s2  }
0x8f: {  	_ = 	snop  }
0x90: {  	s2 =	sld [smem:$0x3FC9];
	(tm) =	ssettm $0x1  }
0x91: {  	s18 =	sld [smem:$0x3FFB];
	_ =	sdelay $0x3  }
0x92: {  	_ =	strace s18  }
0x93: {  	s3 =	sld [smem:$0x3FFC];
	_ =	sdelay $0x3  }
0x94: {  	_ =	strace s3  }
0x95: {  	s3 =	sld [smem:$0x3FFD];
	_ =	sdelay $0x3  }
0x96: {  	_ =	strace s3  }
0x97: {  	_ =	strace $0x8FFFFFFF  }
0x98: {  	s19 =	sld [smem:$0x3FDB];
	_ =	sdelay $0x1  }
0x99: {  	s4 =	simm.s32 $_scs_section_size  }
0x9a: {  	s5 =	simm.s32 $_size__tile_overlayer_lowered;
	s6 =	simm.s32 $_tile_overlayer_lowered  }
0x9b: {  	s22 =	simm.s32 $0x1BFF;
	s21 =	sshll.u32 s6, $0x1;
	s3 =	sadd.s32 s4, s19  }
0x9c: {  	s7 =	simm.s32 $0x0;
	s20 =	sshll.u32 s5, $0x1;
	s5 =	sadd.s32 s21, s3  }
0x9d: {  	[timem:s7], [sflag:s22] =	dma.local [hbm:s5], s20  }
0x9e: {  	_ =	swait.ge [sflag:s22], s20  }
0x9f: {  	s4 =	ssub.s32 $0x0, s20;
	[sflag:s22] =	ssyncset.done $0x0  }
0xa0: {  	[sflag:s22] =	ssyncadd.s32 s4;
	_ =	sdelay $0x1  }
0xa1: {  	s23 =	simm.s32 $0x1B8B  }
0xa2: {  	_ =	swait.ge [sflag:s23], $0x1  }
0xa3: {  	[sflag:s23] =	ssyncset.done $0x0  }
0xa4: {  	s25 =	simm.s32 $0x1B8E;
	s24 =	sld [smem:$0x3FFE];
	[sflag:s23] =	ssyncadd.s32 $0xFFFFFFFF  }
0xa5: {  	s26 =	simm.s32 $execute0_lowered;
	[smem:$0x3FD2] =	sst s25  }
0xa6: {  	s5 =	sshll.u32 s26, $0x1;
	_ =	strace $0x80000046;
	[dreg:$0x1] =	wrdreg $0xFFFFFFFF  }
0xa7: {  	s28 =	simm.s32 $_size_execute0_lowered;
	s3 =	sadd.s32 s3, s5;
	[dreg:$0x0] =	wrdreg $0x0  }
0xa8: {  	s5 =	sshll.u32 s28, $0x1;
	[dreg:$0x2] =	wrdreg s3  }
0xa9: {  	[dreg:$0x3] =	wrdreg s5  }
0xaa: {  	[dreg:$0x4] =	wrdreg $0xC0  }
0xab: {  	_ =	task [dreg:s7], $0x5FFFF  }
0xac: {  	[dreg:$0x1] =	wrdreg $0xFFFFFFFF  }
0xad: {  	[dreg:$0x0] =	wrdreg $0x60  }
0xae: {  	[dreg:$0x2] =	wrdreg s2  }
0xaf: {  	[dreg:$0x3] =	wrdreg s24  }
0xb0: {  	[dreg:$0x4] =	wrdreg $0x9  }
0xb1: {  	_ =	task.clear_ibuf [dreg:s7], $0x5FFFF;
	_ =	strace $0x90000046  }
0xb2: {  	s29 =	simm.s32 $0x9;
	_ =	strace $0x80000048  }
0xb3: {  	_ =	swait.ge [sflag:s29], $0x1  }
0xb4: {  	[sflag:s29] =	ssyncadd.s32 $0xFFFFFFFF  }
0xb5: {  	_ =	strace $0x90000048  }
0xb6: {  	_ =	sfence  }
0xb7: {  	s30 =	sld [smem:$0x0];
	_ =	sdelay $0x2  }
0xb8: {  	s31 =	sshll.u32 s1, $0xD;
	s1 =	sshrl.u32 s1, $0x2  }
0xb9: {  	s3 =	sand.u32 $0x4000, s31;
	s1 =	sadd.s32 s1, s30  }
0xba: {  	s0 =	sor.u32 s3, s0;
	s1 =	sshll.u32 s1, $0x11  }
0xbb: {  	s0 =	sor.u32 s1, s0  }
0xbc: {  	s0 =	sadd.s32 $0x8F2B, s0  }
0xbd: {  	[sflag:s0] =	ssyncadd.remote.s32 $0x1  }
0xbe: {  	_ =	sfence.sel $0xFFFF  }
0xbf: {  	[dreg:$0x0] =	wrdreg $0xFFFFFFFF;
	(pc) =	sbr.abs _section_cstart, $3  }
0xc0: {  	[dreg:$0x1] =	wrdreg $0xFFFFFFFF  }
0xc1: {  	_ =	task.clear_ibuf [dreg:s7], $0x2FFFF;
	_ =	strace $0x9FFFFFFF  }
0xc2: {  	(tm) =	ssettm $0x7FFFFFFF  }
0xc3: {  	_ =	shalt  }
tec
execute0_lowered:
.L_overlay_start_1:
0x0: {  	(tag) =	ssettag $0x1  }
0x1: {  	s0 =	srdreg.scid  }
0x2: {  	s2 =	rddreg [dreg:$0x0];
	s3 =	stileid.u32  }
0x3: {  	s1 =	rddreg [dreg:$0x1];
	s19 =	simm.s32 $0x1900;
	s20 =	simm.s32 $0x2100  }
0x4: {  	s21 =	simm.s32 $0x2900;
	s22 =	simm.s32 $0x3100;
	s23 =	simm.s32 $0x3900  }
0x5: {  	s24 =	simm.s32 $0x4100;
	s25 =	simm.s32 $0x4900;
	s0 =	sand.u32 $0x1, s0  }
0x6: {  	s28 =	simm.s32 $0x5900;
	s4 =	sshll.u32 s3, $0x8;
	s5 =	sshll.u32 s0, $0x7  }
0x7: {  	s29 =	simm.s32 $0x6100;
	s30 =	simm.s32 $0x6900;
	s11 =	sor.u32 s5, s4  }
0x8: {  	v6 =	vlaneseq.u32;
	s31 =	simm.s32 $0x7100;
	s10 =	simm.s32 $0xA900;
	s12 =	sor.u32 $0x10, s11  }
0x9: {  	s13 =	sor.u32 $0x20, s11;
	s14 =	sor.u32 $0x30, s11;
	s15 =	sor.u32 $0x40, s11;
	v0 =	vmov s11;
	v1 =	vor.u32 s11, v6;
	v2 =	vor.u32 s12, v6  }
0xa: {  	s3 =	simm.s32 $0x0;
	s16 =	sor.u32 $0x50, s11;
	s17 =	sor.u32 $0x60, s11;
	v3 =	vor.u32 s13, v6;
	v4 =	vor.u32 s14, v6;
	v5 =	vor.u32 s15, v6  }
0xb: {  	s7 =	sadd.s32 $0x1300, s1;
	s0 =	ssub.s32 $0x2, s0;
	s18 =	sor.u32 $0x70, s11;
	v8 =	vor.u32 s16, v6;
	v9 =	vor.u32 s17, v6;
	v7 =	vshrl.u32 v0, $0x4  }
0xc: {  	s8 =	sadd.s32 $0x1400, s1;
	[smem:$0x7FF] =	sst s3;
	s6 =	sshrl.u32 s0, $0x1;
	v10 =	vor.u32 s18, v6;
	v0 =	vshrl.u32 v1, $0x1;
	v7 =	vmul.u32 $0x30, v7  }
0xd: {  	_ =	strace $0x80000047;
	s4 =	sshrl.u32 s11, $0x3;
	s0 =	ssub.s32 s0, s6;
	v1 =	vshrl.u32 v2, $0x1;
	v2 =	vshrl.u32 v3, $0x1;
	v11 =	vand.u32 $0x7, v0  }
0xe: {  	s6 =	sadd.s32 $0x200, s2;
	s11 =	simm.s32 $0x8900;
	s26 =	sadd.s32 s4, s1;
	v3 =	vshrl.u32 v4, $0x1;
	v4 =	vshrl.u32 v5, $0x1;
	v5 =	vand.u32 $0x7, v6  }
0xf: {  	s4 =	sadd.s32 $0x1200, s1;
	s9 =	smax.u32 s0, $0x1;
	s15 =	simm.s32 $0x1;
	v11 =	vor.u32 v7, v11;
	v7 =	vshrl.u32 v6, $0x3;
	v6 =	vor.u32 $0x8, v6  }
0x10: {  	s17 =	simm.s32 $0x900;
	s18 =	simm.s32 $0x1100;
	s12 =	simm.s32 $0x9100;
	v12 =	vperm.xlane v11, v5;
	v7 =	vmul.u32 $0x8, v7;
	v13 =	vperm.xlane v11, v6  }
0x11: {  	vm0 =	vmmov $0xffff;
	s13 =	simm.s32 $0x9900;
	s14 =	simm.s32 $0xA100;
	s5 =	sadd.s32 $0x1000, s26;
	v8 =	vshrl.u32 v8, $0x1;
	v9 =	vshrl.u32 v9, $0x1  }
0x12: {  	v10 =	vshrl.u32 v10, $0x1;
	s26 =	simm.s32 $0x5100;
	[dreg:$0x3] =	wrdreg s5;
	s5 =	sadd.s32 $0x100, s2;
	v11 =	vadd.s32 v7, v12;
	v12 =	vadd.s32 v7, v13  }
.LBB2_1:
0x13: {  	s16 =	rddreg [dreg:$0x3];
	s0 =	simm.s32 $0x2  }
0x14: {  	[tilespmem:s3], [sflag:$0x2] =	stream.linear.gather [hbm4b:s16+s3], $0x80, $0x38;
	[tilespmem:$0x18100] =	vst v63  }
0x15: {  	_ =	swait.ge [sflag:s0], $0x80  }
0x16: {  	[sflag:s0] =	ssyncset.done $0x0  }
0x17: {  	[sflag:s0] =	ssyncadd.s32 $0xFFFFFF80  }
0x18: {  	[tilespmem:$0x80] =	vst v0  }
0x19: {  	[tilespmem:$0x90] =	vst v1  }
0x1a: {  	[tilespmem:$0xA0] =	vst v2  }
0x1b: {  	[tilespmem:$0xB0] =	vst v3  }
0x1c: {  	[tilespmem:$0xC0] =	vst v4  }
0x1d: {  	[tilespmem:$0xD0] =	vst v8  }
0x1e: {  	[tilespmem:$0xE0] =	vst v9  }
0x1f: {  	s16 =	simm.s32 $0x100;
	[tilespmem:$0xF0] =	vst v10  }
0x20: {  	[tilespmem:s16], [sflag:$0x1] =	stream.indirect_vreg.gather [hbm4b:s2+s3], $0x80, v11, vm0, $0xb8;
	[tilespmem:$0x18100] =	vst v63  }
0x21: {  	_ = 	snop  }
0x22: {  	[tilespmem:s17], [sflag:$0x1] =	stream.indirect_vreg.gather [hbm4b:s5+s3], $0x80, v11, vm0, $0xb8;
	[tilespmem:$0x18100] =	vst v63  }
0x23: {  	_ = 	snop  }
0x24: {  	[tilespmem:s18], [sflag:$0x1] =	stream.indirect_vreg.gather [hbm4b:s6+s3], $0x80, v11, vm0, $0xb8;
	[tilespmem:$0x18100] =	vst v63  }
0x25: {  	_ = 	snop  }
0x26: {  	[tilespmem:s19], [sflag:$0x1] =	stream.indirect_vreg.gather [hbm4b:s2+s3], $0x80, v12, vm0, $0xb8;
	[tilespmem:$0x18100] =	vst v63  }
0x27: {  	_ = 	snop  }
0x28: {  	[tilespmem:s20], [sflag:$0x1] =	stream.indirect_vreg.gather [hbm4b:s5+s3], $0x80, v12, vm0, $0xb8;
	[tilespmem:$0x18100] =	vst v63  }
0x29: {  	_ = 	snop  }
0x2a: {  	[tilespmem:s21], [sflag:$0x1] =	stream.indirect_vreg.gather [hbm4b:s6+s3], $0x80, v12, vm0, $0xb8;
	[tilespmem:$0x18100] =	vst v63  }
0x2b: {  	v13 =	vld [tilespmem:$0x90];
	_ =	sdelay $0x4  }
0x2c: {  	v14 =	vshrl.u32 v13, $0x3  }
0x2d: {  	v14 =	vmul.u32 $0x30, v14  }
0x2e: {  	v13 =	vand.u32 $0x7, v13  }
0x2f: {  	v13 =	vor.u32 v13, v14  }
0x30: {  	v14 =	vperm.xlane v13, v5;
	_ =	sdelay $0x1  }
0x31: {  	v14 =	vadd.s32 v7, v14;
	_ =	sdelay $0x3  }
0x32: {  	v13 =	vperm.xlane v13, v6  }
0x33: {  	[tilespmem:s22], [sflag:$0x1] =	stream.indirect_vreg.gather [hbm4b:s2+s3], $0x80, v14, vm0, $0xb8;
	[tilespmem:$0x18100] =	vst v63  }
0x34: {  	v13 =	vadd.s32 v7, v13  }
0x35: {  	[tilespmem:s23], [sflag:$0x1] =	stream.indirect_vreg.gather [hbm4b:s5+s3], $0x80, v14, vm0, $0xb8;
	[tilespmem:$0x18100] =	vst v63  }
0x36: {  	_ = 	snop  }
0x37: {  	[tilespmem:s24], [sflag:$0x1] =	stream.indirect_vreg.gather [hbm4b:s6+s3], $0x80, v14, vm0, $0xb8;
	[tilespmem:$0x18100] =	vst v63  }
0x38: {  	_ = 	snop  }
0x39: {  	[tilespmem:s25], [sflag:$0x1] =	stream.indirect_vreg.gather [hbm4b:s2+s3], $0x80, v13, vm0, $0xb8;
	[tilespmem:$0x18100] =	vst v63  }
0x3a: {  	_ = 	snop  }
0x3b: {  	[tilespmem:s26], [sflag:$0x1] =	stream.indirect_vreg.gather [hbm4b:s5+s3], $0x80, v13, vm0, $0xb8;
	[tilespmem:$0x18100] =	vst v63  }
0x3c: {  	_ = 	snop  }
0x3d: {  	[tilespmem:s28], [sflag:$0x1] =	stream.indirect_vreg.gather [hbm4b:s6+s3], $0x80, v13, vm0, $0xb8;
	[tilespmem:$0x18100] =	vst v63  }
0x3e: {  	v13 =	vld [tilespmem:$0xA0];
	_ =	sdelay $0x4  }
0x3f: {  	v14 =	vshrl.u32 v13, $0x3  }
0x40: {  	v14 =	vmul.u32 $0x30, v14  }
0x41: {  	v13 =	vand.u32 $0x7, v13  }
0x42: {  	v13 =	vor.u32 v13, v14  }
0x43: {  	v14 =	vperm.xlane v13, v5;
	_ =	sdelay $0x1  }
0x44: {  	v14 =	vadd.s32 v7, v14;
	_ =	sdelay $0x3  }
0x45: {  	v13 =	vperm.xlane v13, v6  }
0x46: {  	[tilespmem:s29], [sflag:$0x1] =	stream.indirect_vreg.gather [hbm4b:s2+s3], $0x80, v14, vm0, $0xb8;
	[tilespmem:$0x18100] =	vst v63  }
0x47: {  	v13 =	vadd.s32 v7, v13  }
0x48: {  	[tilespmem:s30], [sflag:$0x1] =	stream.indirect_vreg.gather [hbm4b:s5+s3], $0x80, v14, vm0, $0xb8;
	[tilespmem:$0x18100] =	vst v63  }
0x49: {  	_ = 	snop  }
0x4a: {  	[tilespmem:s31], [sflag:$0x1] =	stream.indirect_vreg.gather [hbm4b:s6+s3], $0x80, v14, vm0, $0xb8;
	[tilespmem:$0x18100] =	vst v63  }
0x4b: {  	s1 =	simm.s32 $0x7900  }
0x4c: {  	[tilespmem:s1], [sflag:$0x1] =	stream.indirect_vreg.gather [hbm4b:s2+s3], $0x80, v13, vm0, $0xb8;
	[tilespmem:$0x18100] =	vst v63  }
0x4d: {  	s0 =	simm.s32 $0x8100  }
0x4e: {  	[tilespmem:s0], [sflag:$0x1] =	stream.indirect_vreg.gather [hbm4b:s5+s3], $0x80, v13, vm0, $0xb8;
	[tilespmem:$0x18100] =	vst v63  }
0x4f: {  	_ = 	snop  }
0x50: {  	[tilespmem:s11], [sflag:$0x1] =	stream.indirect_vreg.gather [hbm4b:s6+s3], $0x80, v13, vm0, $0xb8;
	[tilespmem:$0x18100] =	vst v63  }
0x51: {  	v13 =	vld [tilespmem:$0xB0];
	_ =	sdelay $0x4  }
0x52: {  	v14 =	vshrl.u32 v13, $0x3  }
0x53: {  	v14 =	vmul.u32 $0x30, v14  }
0x54: {  	v13 =	vand.u32 $0x7, v13  }
0x55: {  	v13 =	vor.u32 v13, v14  }
0x56: {  	v14 =	vperm.xlane v13, v5;
	_ =	sdelay $0x1  }
0x57: {  	v14 =	vadd.s32 v7, v14;
	_ =	sdelay $0x3  }
0x58: {  	v13 =	vperm.xlane v13, v6  }
0x59: {  	[tilespmem:s12], [sflag:$0x1] =	stream.indirect_vreg.gather [hbm4b:s2+s3], $0x80, v14, vm0, $0xb8;
	[tilespmem:$0x18100] =	vst v63  }
0x5a: {  	v13 =	vadd.s32 v7, v13  }
0x5b: {  	[tilespmem:s13], [sflag:$0x1] =	stream.indirect_vreg.gather [hbm4b:s5+s3], $0x80, v14, vm0, $0xb8;
	[tilespmem:$0x18100] =	vst v63  }
0x5c: {  	_ = 	snop  }
0x5d: {  	[tilespmem:s14], [sflag:$0x1] =	stream.indirect_vreg.gather [hbm4b:s6+s3], $0x80, v14, vm0, $0xb8;
	[tilespmem:$0x18100] =	vst v63  }
0x5e: {  	_ = 	snop  }
0x5f: {  	[tilespmem:s10], [sflag:$0x1] =	stream.indirect_vreg.gather [hbm4b:s2+s3], $0x80, v13, vm0, $0xb8;
	[tilespmem:$0x18100] =	vst v63  }
0x60: {  	s0 =	simm.s32 $0xB100  }
0x61: {  	[tilespmem:s0], [sflag:$0x1] =	stream.indirect_vreg.gather [hbm4b:s5+s3], $0x80, v13, vm0, $0xb8;
	[tilespmem:$0x18100] =	vst v63  }
0x62: {  	s0 =	simm.s32 $0xB900  }
0x63: {  	[tilespmem:s0], [sflag:$0x1] =	stream.indirect_vreg.gather [hbm4b:s6+s3], $0x80, v13, vm0, $0xb8;
	[tilespmem:$0x18100] =	vst v63  }
0x64: {  	v13 =	vld [tilespmem:$0xC0];
	_ =	sdelay $0x4  }
0x65: {  	v14 =	vshrl.u32 v13, $0x3  }
0x66: {  	v14 =	vmul.u32 $0x30, v14  }
0x67: {  	v13 =	vand.u32 $0x7, v13  }
0x68: {  	v13 =	vor.u32 v13, v14  }
0x69: {  	v14 =	vperm.xlane v13, v5;
	_ =	sdelay $0x1  }
0x6a: {  	v14 =	vadd.s32 v7, v14;
	_ =	sdelay $0x3  }
0x6b: {  	s0 =	simm.s32 $0xC100;
	v13 =	vperm.xlane v13, v6  }
0x6c: {  	[tilespmem:s0], [sflag:$0x1] =	stream.indirect_vreg.gather [hbm4b:s2+s3], $0x80, v14, vm0, $0xb8;
	[tilespmem:$0x18100] =	vst v63  }
0x6d: {  	v13 =	vadd.s32 v7, v13;
	s0 =	simm.s32 $0xC900  }
0x6e: {  	[tilespmem:s0], [sflag:$0x1] =	stream.indirect_vreg.gather [hbm4b:s5+s3], $0x80, v14, vm0, $0xb8;
	[tilespmem:$0x18100] =	vst v63  }
0x6f: {  	s0 =	simm.s32 $0xD100  }
0x70: {  	[tilespmem:s0], [sflag:$0x1] =	stream.indirect_vreg.gather [hbm4b:s6+s3], $0x80, v14, vm0, $0xb8;
	[tilespmem:$0x18100] =	vst v63  }
0x71: {  	s0 =	simm.s32 $0xD900  }
0x72: {  	[tilespmem:s0], [sflag:$0x1] =	stream.indirect_vreg.gather [hbm4b:s2+s3], $0x80, v13, vm0, $0xb8;
	[tilespmem:$0x18100] =	vst v63  }
0x73: {  	s0 =	simm.s32 $0xE100  }
0x74: {  	[tilespmem:s0], [sflag:$0x1] =	stream.indirect_vreg.gather [hbm4b:s5+s3], $0x80, v13, vm0, $0xb8;
	[tilespmem:$0x18100] =	vst v63  }
0x75: {  	s0 =	simm.s32 $0xE900  }
0x76: {  	[tilespmem:s0], [sflag:$0x1] =	stream.indirect_vreg.gather [hbm4b:s6+s3], $0x80, v13, vm0, $0xb8;
	[tilespmem:$0x18100] =	vst v63  }
0x77: {  	v13 =	vld [tilespmem:$0xD0];
	_ =	sdelay $0x4  }
0x78: {  	v14 =	vshrl.u32 v13, $0x3  }
0x79: {  	v14 =	vmul.u32 $0x30, v14  }
0x7a: {  	v13 =	vand.u32 $0x7, v13  }
0x7b: {  	v13 =	vor.u32 v13, v14  }
0x7c: {  	v14 =	vperm.xlane v13, v5;
	_ =	sdelay $0x1  }
0x7d: {  	v14 =	vadd.s32 v7, v14;
	_ =	sdelay $0x3  }
0x7e: {  	s0 =	simm.s32 $0xF100;
	v13 =	vperm.xlane v13, v6  }
0x7f: {  	[tilespmem:s0], [sflag:$0x1] =	stream.indirect_vreg.gather [hbm4b:s2+s3], $0x80, v14, vm0, $0xb8;
	[tilespmem:$0x18100] =	vst v63  }
0x80: {  	v13 =	vadd.s32 v7, v13;
	s0 =	simm.s32 $0xF900  }
0x81: {  	[tilespmem:s0], [sflag:$0x1] =	stream.indirect_vreg.gather [hbm4b:s5+s3], $0x80, v14, vm0, $0xb8;
	[tilespmem:$0x18100] =	vst v63  }
0x82: {  	s0 =	simm.s32 $0x10100  }
0x83: {  	[tilespmem:s0], [sflag:$0x1] =	stream.indirect_vreg.gather [hbm4b:s6+s3], $0x80, v14, vm0, $0xb8;
	[tilespmem:$0x18100] =	vst v63  }
0x84: {  	s0 =	simm.s32 $0x10900  }
0x85: {  	[tilespmem:s0], [sflag:$0x1] =	stream.indirect_vreg.gather [hbm4b:s2+s3], $0x80, v13, vm0, $0xb8;
	[tilespmem:$0x18100] =	vst v63  }
0x86: {  	s0 =	simm.s32 $0x11100  }
0x87: {  	[tilespmem:s0], [sflag:$0x1] =	stream.indirect_vreg.gather [hbm4b:s5+s3], $0x80, v13, vm0, $0xb8;
	[tilespmem:$0x18100] =	vst v63  }
0x88: {  	s0 =	simm.s32 $0x11900  }
0x89: {  	[tilespmem:s0], [sflag:$0x1] =	stream.indirect_vreg.gather [hbm4b:s6+s3], $0x80, v13, vm0, $0xb8;
	[tilespmem:$0x18100] =	vst v63  }
0x8a: {  	v13 =	vld [tilespmem:$0xE0];
	_ =	sdelay $0x4  }
0x8b: {  	v14 =	vshrl.u32 v13, $0x3  }
0x8c: {  	v14 =	vmul.u32 $0x30, v14  }
0x8d: {  	v13 =	vand.u32 $0x7, v13  }
0x8e: {  	v13 =	vor.u32 v13, v14  }
0x8f: {  	v14 =	vperm.xlane v13, v5;
	_ =	sdelay $0x1  }
0x90: {  	v14 =	vadd.s32 v7, v14;
	_ =	sdelay $0x3  }
0x91: {  	s0 =	simm.s32 $0x12100;
	v13 =	vperm.xlane v13, v6  }
0x92: {  	[tilespmem:s0], [sflag:$0x1] =	stream.indirect_vreg.gather [hbm4b:s2+s3], $0x80, v14, vm0, $0xb8;
	[tilespmem:$0x18100] =	vst v63  }
0x93: {  	v13 =	vadd.s32 v7, v13;
	s0 =	simm.s32 $0x12900  }
0x94: {  	[tilespmem:s0], [sflag:$0x1] =	stream.indirect_vreg.gather [hbm4b:s5+s3], $0x80, v14, vm0, $0xb8;
	[tilespmem:$0x18100] =	vst v63  }
0x95: {  	s0 =	simm.s32 $0x13100  }
0x96: {  	[tilespmem:s0], [sflag:$0x1] =	stream.indirect_vreg.gather [hbm4b:s6+s3], $0x80, v14, vm0, $0xb8;
	[tilespmem:$0x18100] =	vst v63  }
0x97: {  	s0 =	simm.s32 $0x13900  }
0x98: {  	[tilespmem:s0], [sflag:$0x1] =	stream.indirect_vreg.gather [hbm4b:s2+s3], $0x80, v13, vm0, $0xb8;
	[tilespmem:$0x18100] =	vst v63  }
0x99: {  	s0 =	simm.s32 $0x14100  }
0x9a: {  	[tilespmem:s0], [sflag:$0x1] =	stream.indirect_vreg.gather [hbm4b:s5+s3], $0x80, v13, vm0, $0xb8;
	[tilespmem:$0x18100] =	vst v63  }
0x9b: {  	s0 =	simm.s32 $0x14900  }
0x9c: {  	[tilespmem:s0], [sflag:$0x1] =	stream.indirect_vreg.gather [hbm4b:s6+s3], $0x80, v13, vm0, $0xb8;
	[tilespmem:$0x18100] =	vst v63  }
0x9d: {  	v13 =	vld [tilespmem:$0xF0];
	_ =	sdelay $0x4  }
0x9e: {  	v14 =	vshrl.u32 v13, $0x3  }
0x9f: {  	v14 =	vmul.u32 $0x30, v14  }
0xa0: {  	v13 =	vand.u32 $0x7, v13  }
0xa1: {  	v13 =	vor.u32 v13, v14  }
0xa2: {  	v14 =	vperm.xlane v13, v5;
	_ =	sdelay $0x1  }
0xa3: {  	v14 =	vadd.s32 v7, v14;
	_ =	sdelay $0x3  }
0xa4: {  	s0 =	simm.s32 $0x15100;
	v13 =	vperm.xlane v13, v6  }
0xa5: {  	[tilespmem:s0], [sflag:$0x1] =	stream.indirect_vreg.gather [hbm4b:s2+s3], $0x80, v14, vm0, $0xb8;
	[tilespmem:$0x18100] =	vst v63  }
0xa6: {  	v13 =	vadd.s32 v7, v13;
	s0 =	simm.s32 $0x15900  }
0xa7: {  	[tilespmem:s0], [sflag:$0x1] =	stream.indirect_vreg.gather [hbm4b:s5+s3], $0x80, v14, vm0, $0xb8;
	[tilespmem:$0x18100] =	vst v63  }
0xa8: {  	s0 =	simm.s32 $0x16100  }
0xa9: {  	[tilespmem:s0], [sflag:$0x1] =	stream.indirect_vreg.gather [hbm4b:s6+s3], $0x80, v14, vm0, $0xb8;
	[tilespmem:$0x18100] =	vst v63  }
0xaa: {  	s0 =	simm.s32 $0x16900  }
0xab: {  	[tilespmem:s0], [sflag:$0x1] =	stream.indirect_vreg.gather [hbm4b:s2+s3], $0x80, v13, vm0, $0xb8;
	[tilespmem:$0x18100] =	vst v63  }
0xac: {  	s0 =	simm.s32 $0x17100  }
0xad: {  	[tilespmem:s0], [sflag:$0x1] =	stream.indirect_vreg.gather [hbm4b:s5+s3], $0x80, v13, vm0, $0xb8;
	[tilespmem:$0x18100] =	vst v63  }
0xae: {  	s0 =	simm.s32 $0x17900  }
0xaf: {  	[tilespmem:s0], [sflag:$0x1] =	stream.indirect_vreg.gather [hbm4b:s6+s3], $0x80, v13, vm0, $0xb8;
	[tilespmem:$0x18100] =	vst v63  }
0xb0: {  	_ =	swait.ge [sflag:s15], $0x18000  }
0xb1: {  	[sflag:s15] =	ssyncset.done $0x0  }
0xb2: {  	[sflag:s15] =	ssyncadd.s32 $0xFFFE8000  }
0xb3: {  	v13 =	vld [tilespmem:$0x0];
	_ =	sdelay $0x4  }
0xb4: {  	v14 =	vshrl.u32 v13, $0x3  }
0xb5: {  	v14 =	vmul.u32 $0x30, v14  }
0xb6: {  	v13 =	vand.u32 $0x7, v13  }
0xb7: {  	v13 =	vor.u32 v13, v14  }
0xb8: {  	v14 =	vperm.xlane v13, v5;
	_ =	sdelay $0x1  }
0xb9: {  	v14 =	vadd.s32 v7, v14;
	_ =	sdelay $0x3  }
0xba: {  	v13 =	vperm.xlane v13, v6  }
0xbb: {  	[hbm4b:s4+s3] =	stream.indirect_vreg.scatter [tilespmem:s16], [sflag:$0x1], $0x80, v14, vm0, $0xb8;
	[tilespmem:$0x18100] =	vst v63  }
0xbc: {  	v13 =	vadd.s32 v7, v13  }
0xbd: {  	[hbm4b:s7+s3] =	stream.indirect_vreg.scatter [tilespmem:s17], [sflag:$0x1], $0x80, v14, vm0, $0xb8;
	[tilespmem:$0x18100] =	vst v63  }
0xbe: {  	_ = 	snop  }
0xbf: {  	[hbm4b:s8+s3] =	stream.indirect_vreg.scatter [tilespmem:s18], [sflag:$0x1], $0x80, v14, vm0, $0xb8;
	[tilespmem:$0x18100] =	vst v63  }
0xc0: {  	_ = 	snop  }
0xc1: {  	[hbm4b:s4+s3] =	stream.indirect_vreg.scatter [tilespmem:s19], [sflag:$0x1], $0x80, v13, vm0, $0xb8;
	[tilespmem:$0x18100] =	vst v63  }
0xc2: {  	_ = 	snop  }
0xc3: {  	[hbm4b:s7+s3] =	stream.indirect_vreg.scatter [tilespmem:s20], [sflag:$0x1], $0x80, v13, vm0, $0xb8;
	[tilespmem:$0x18100] =	vst v63  }
0xc4: {  	_ = 	snop  }
0xc5: {  	[hbm4b:s8+s3] =	stream.indirect_vreg.scatter [tilespmem:s21], [sflag:$0x1], $0x80, v13, vm0, $0xb8;
	[tilespmem:$0x18100] =	vst v63  }
0xc6: {  	v13 =	vld [tilespmem:$0x10];
	_ =	sdelay $0x4  }
0xc7: {  	v14 =	vshrl.u32 v13, $0x3  }
0xc8: {  	v14 =	vmul.u32 $0x30, v14  }
0xc9: {  	v13 =	vand.u32 $0x7, v13  }
0xca: {  	v13 =	vor.u32 v13, v14  }
0xcb: {  	v14 =	vperm.xlane v13, v5;
	_ =	sdelay $0x1  }
0xcc: {  	v14 =	vadd.s32 v7, v14;
	_ =	sdelay $0x3  }
0xcd: {  	v13 =	vperm.xlane v13, v6  }
0xce: {  	[hbm4b:s4+s3] =	stream.indirect_vreg.scatter [tilespmem:s22], [sflag:$0x1], $0x80, v14, vm0, $0xb8;
	[tilespmem:$0x18100] =	vst v63  }
0xcf: {  	v13 =	vadd.s32 v7, v13  }
0xd0: {  	[hbm4b:s7+s3] =	stream.indirect_vreg.scatter [tilespmem:s23], [sflag:$0x1], $0x80, v14, vm0, $0xb8;
	[tilespmem:$0x18100] =	vst v63  }
0xd1: {  	_ = 	snop  }
0xd2: {  	[hbm4b:s8+s3] =	stream.indirect_vreg.scatter [tilespmem:s24], [sflag:$0x1], $0x80, v14, vm0, $0xb8;
	[tilespmem:$0x18100] =	vst v63  }
0xd3: {  	_ = 	snop  }
0xd4: {  	[hbm4b:s4+s3] =	stream.indirect_vreg.scatter [tilespmem:s25], [sflag:$0x1], $0x80, v13, vm0, $0xb8;
	[tilespmem:$0x18100] =	vst v63  }
0xd5: {  	_ = 	snop  }
0xd6: {  	[hbm4b:s7+s3] =	stream.indirect_vreg.scatter [tilespmem:s26], [sflag:$0x1], $0x80, v13, vm0, $0xb8;
	[tilespmem:$0x18100] =	vst v63  }
0xd7: {  	_ = 	snop  }
0xd8: {  	[hbm4b:s8+s3] =	stream.indirect_vreg.scatter [tilespmem:s28], [sflag:$0x1], $0x80, v13, vm0, $0xb8;
	[tilespmem:$0x18100] =	vst v63  }
0xd9: {  	v13 =	vld [tilespmem:$0x20];
	_ =	sdelay $0x4  }
0xda: {  	v14 =	vshrl.u32 v13, $0x3  }
0xdb: {  	v14 =	vmul.u32 $0x30, v14  }
0xdc: {  	v13 =	vand.u32 $0x7, v13  }
0xdd: {  	v13 =	vor.u32 v13, v14  }
0xde: {  	v14 =	vperm.xlane v13, v5;
	_ =	sdelay $0x1  }
0xdf: {  	v14 =	vadd.s32 v7, v14;
	_ =	sdelay $0x3  }
0xe0: {  	v13 =	vperm.xlane v13, v6  }
0xe1: {  	[hbm4b:s4+s3] =	stream.indirect_vreg.scatter [tilespmem:s29], [sflag:$0x1], $0x80, v14, vm0, $0xb8;
	[tilespmem:$0x18100] =	vst v63  }
0xe2: {  	v13 =	vadd.s32 v7, v13  }
0xe3: {  	[hbm4b:s7+s3] =	stream.indirect_vreg.scatter [tilespmem:s30], [sflag:$0x1], $0x80, v14, vm0, $0xb8;
	[tilespmem:$0x18100] =	vst v63  }
0xe4: {  	_ = 	snop  }
0xe5: {  	[hbm4b:s8+s3] =	stream.indirect_vreg.scatter [tilespmem:s31], [sflag:$0x1], $0x80, v14, vm0, $0xb8;
	[tilespmem:$0x18100] =	vst v63  }
0xe6: {  	_ = 	snop  }
0xe7: {  	[hbm4b:s4+s3] =	stream.indirect_vreg.scatter [tilespmem:s1], [sflag:$0x1], $0x80, v13, vm0, $0xb8;
	[tilespmem:$0x18100] =	vst v63  }
0xe8: {  	s16 =	simm.s32 $0x8100  }
0xe9: {  	[hbm4b:s7+s3] =	stream.indirect_vreg.scatter [tilespmem:s16], [sflag:$0x1], $0x80, v13, vm0, $0xb8;
	[tilespmem:$0x18100] =	vst v63  }
0xea: {  	_ = 	snop  }
0xeb: {  	[hbm4b:s8+s3] =	stream.indirect_vreg.scatter [tilespmem:s11], [sflag:$0x1], $0x80, v13, vm0, $0xb8;
	[tilespmem:$0x18100] =	vst v63  }
0xec: {  	v13 =	vld [tilespmem:$0x30];
	_ =	sdelay $0x4  }
0xed: {  	v14 =	vshrl.u32 v13, $0x3  }
0xee: {  	v14 =	vmul.u32 $0x30, v14  }
0xef: {  	v13 =	vand.u32 $0x7, v13  }
0xf0: {  	v13 =	vor.u32 v13, v14  }
0xf1: {  	v14 =	vperm.xlane v13, v5;
	_ =	sdelay $0x1  }
0xf2: {  	v14 =	vadd.s32 v7, v14;
	_ =	sdelay $0x3  }
0xf3: {  	v13 =	vperm.xlane v13, v6  }
0xf4: {  	[hbm4b:s4+s3] =	stream.indirect_vreg.scatter [tilespmem:s12], [sflag:$0x1], $0x80, v14, vm0, $0xb8;
	[tilespmem:$0x18100] =	vst v63  }
0xf5: {  	v13 =	vadd.s32 v7, v13  }
0xf6: {  	[hbm4b:s7+s3] =	stream.indirect_vreg.scatter [tilespmem:s13], [sflag:$0x1], $0x80, v14, vm0, $0xb8;
	[tilespmem:$0x18100] =	vst v63  }
0xf7: {  	_ = 	snop  }
0xf8: {  	[hbm4b:s8+s3] =	stream.indirect_vreg.scatter [tilespmem:s14], [sflag:$0x1], $0x80, v14, vm0, $0xb8;
	[tilespmem:$0x18100] =	vst v63  }
0xf9: {  	_ = 	snop  }
0xfa: {  	[hbm4b:s4+s3] =	stream.indirect_vreg.scatter [tilespmem:s10], [sflag:$0x1], $0x80, v13, vm0, $0xb8;
	[tilespmem:$0x18100] =	vst v63  }
0xfb: {  	s16 =	simm.s32 $0xB100  }
0xfc: {  	[hbm4b:s7+s3] =	stream.indirect_vreg.scatter [tilespmem:s16], [sflag:$0x1], $0x80, v13, vm0, $0xb8;
	[tilespmem:$0x18100] =	vst v63  }
0xfd: {  	s16 =	simm.s32 $0xB900  }
0xfe: {  	[hbm4b:s8+s3] =	stream.indirect_vreg.scatter [tilespmem:s16], [sflag:$0x1], $0x80, v13, vm0, $0xb8;
	[tilespmem:$0x18100] =	vst v63  }
0xff: {  	v13 =	vld [tilespmem:$0x40];
	_ =	sdelay $0x4  }
0x100: {  	v14 =	vshrl.u32 v13, $0x3  }
0x101: {  	v14 =	vmul.u32 $0x30, v14  }
0x102: {  	v13 =	vand.u32 $0x7, v13  }
0x103: {  	v13 =	vor.u32 v13, v14  }
0x104: {  	v14 =	vperm.xlane v13, v5;
	_ =	sdelay $0x1  }
0x105: {  	v14 =	vadd.s32 v7, v14;
	_ =	sdelay $0x3  }
0x106: {  	s16 =	simm.s32 $0xC100;
	v13 =	vperm.xlane v13, v6  }
0x107: {  	[hbm4b:s4+s3] =	stream.indirect_vreg.scatter [tilespmem:s16], [sflag:$0x1], $0x80, v14, vm0, $0xb8;
	[tilespmem:$0x18100] =	vst v63  }
0x108: {  	v13 =	vadd.s32 v7, v13;
	s16 =	simm.s32 $0xC900  }
0x109: {  	[hbm4b:s7+s3] =	stream.indirect_vreg.scatter [tilespmem:s16], [sflag:$0x1], $0x80, v14, vm0, $0xb8;
	[tilespmem:$0x18100] =	vst v63  }
0x10a: {  	s16 =	simm.s32 $0xD100  }
0x10b: {  	[hbm4b:s8+s3] =	stream.indirect_vreg.scatter [tilespmem:s16], [sflag:$0x1], $0x80, v14, vm0, $0xb8;
	[tilespmem:$0x18100] =	vst v63  }
0x10c: {  	s16 =	simm.s32 $0xD900  }
0x10d: {  	[hbm4b:s4+s3] =	stream.indirect_vreg.scatter [tilespmem:s16], [sflag:$0x1], $0x80, v13, vm0, $0xb8;
	[tilespmem:$0x18100] =	vst v63  }
0x10e: {  	s16 =	simm.s32 $0xE100  }
0x10f: {  	[hbm4b:s7+s3] =	stream.indirect_vreg.scatter [tilespmem:s16], [sflag:$0x1], $0x80, v13, vm0, $0xb8;
	[tilespmem:$0x18100] =	vst v63  }
0x110: {  	s16 =	simm.s32 $0xE900  }
0x111: {  	[hbm4b:s8+s3] =	stream.indirect_vreg.scatter [tilespmem:s16], [sflag:$0x1], $0x80, v13, vm0, $0xb8;
	[tilespmem:$0x18100] =	vst v63  }
0x112: {  	v13 =	vld [tilespmem:$0x50];
	_ =	sdelay $0x4  }
0x113: {  	v14 =	vshrl.u32 v13, $0x3  }
0x114: {  	v14 =	vmul.u32 $0x30, v14  }
0x115: {  	v13 =	vand.u32 $0x7, v13  }
0x116: {  	v13 =	vor.u32 v13, v14  }
0x117: {  	v14 =	vperm.xlane v13, v5;
	_ =	sdelay $0x1  }
0x118: {  	v14 =	vadd.s32 v7, v14;
	_ =	sdelay $0x3  }
0x119: {  	s16 =	simm.s32 $0xF100;
	v13 =	vperm.xlane v13, v6  }
0x11a: {  	[hbm4b:s4+s3] =	stream.indirect_vreg.scatter [tilespmem:s16], [sflag:$0x1], $0x80, v14, vm0, $0xb8;
	[tilespmem:$0x18100] =	vst v63  }
0x11b: {  	v13 =	vadd.s32 v7, v13;
	s16 =	simm.s32 $0xF900  }
0x11c: {  	[hbm4b:s7+s3] =	stream.indirect_vreg.scatter [tilespmem:s16], [sflag:$0x1], $0x80, v14, vm0, $0xb8;
	[tilespmem:$0x18100] =	vst v63  }
0x11d: {  	s16 =	simm.s32 $0x10100  }
0x11e: {  	[hbm4b:s8+s3] =	stream.indirect_vreg.scatter [tilespmem:s16], [sflag:$0x1], $0x80, v14, vm0, $0xb8;
	[tilespmem:$0x18100] =	vst v63  }
0x11f: {  	s16 =	simm.s32 $0x10900  }
0x120: {  	[hbm4b:s4+s3] =	stream.indirect_vreg.scatter [tilespmem:s16], [sflag:$0x1], $0x80, v13, vm0, $0xb8;
	[tilespmem:$0x18100] =	vst v63  }
0x121: {  	s16 =	simm.s32 $0x11100  }
0x122: {  	[hbm4b:s7+s3] =	stream.indirect_vreg.scatter [tilespmem:s16], [sflag:$0x1], $0x80, v13, vm0, $0xb8;
	[tilespmem:$0x18100] =	vst v63  }
0x123: {  	s16 =	simm.s32 $0x11900  }
0x124: {  	[hbm4b:s8+s3] =	stream.indirect_vreg.scatter [tilespmem:s16], [sflag:$0x1], $0x80, v13, vm0, $0xb8;
	[tilespmem:$0x18100] =	vst v63  }
0x125: {  	v13 =	vld [tilespmem:$0x60];
	_ =	sdelay $0x4  }
0x126: {  	v14 =	vshrl.u32 v13, $0x3  }
0x127: {  	v14 =	vmul.u32 $0x30, v14  }
0x128: {  	v13 =	vand.u32 $0x7, v13  }
0x129: {  	v13 =	vor.u32 v13, v14  }
0x12a: {  	v14 =	vperm.xlane v13, v5;
	_ =	sdelay $0x1  }
0x12b: {  	v14 =	vadd.s32 v7, v14;
	_ =	sdelay $0x3  }
0x12c: {  	s16 =	simm.s32 $0x12100;
	v13 =	vperm.xlane v13, v6  }
0x12d: {  	[hbm4b:s4+s3] =	stream.indirect_vreg.scatter [tilespmem:s16], [sflag:$0x1], $0x80, v14, vm0, $0xb8;
	[tilespmem:$0x18100] =	vst v63  }
0x12e: {  	v13 =	vadd.s32 v7, v13;
	s16 =	simm.s32 $0x12900  }
0x12f: {  	[hbm4b:s7+s3] =	stream.indirect_vreg.scatter [tilespmem:s16], [sflag:$0x1], $0x80, v14, vm0, $0xb8;
	[tilespmem:$0x18100] =	vst v63  }
0x130: {  	s16 =	simm.s32 $0x13100  }
0x131: {  	[hbm4b:s8+s3] =	stream.indirect_vreg.scatter [tilespmem:s16], [sflag:$0x1], $0x80, v14, vm0, $0xb8;
	[tilespmem:$0x18100] =	vst v63  }
0x132: {  	s16 =	simm.s32 $0x13900  }
0x133: {  	[hbm4b:s4+s3] =	stream.indirect_vreg.scatter [tilespmem:s16], [sflag:$0x1], $0x80, v13, vm0, $0xb8;
	[tilespmem:$0x18100] =	vst v63  }
0x134: {  	s16 =	simm.s32 $0x14100  }
0x135: {  	[hbm4b:s7+s3] =	stream.indirect_vreg.scatter [tilespmem:s16], [sflag:$0x1], $0x80, v13, vm0, $0xb8;
	[tilespmem:$0x18100] =	vst v63  }
0x136: {  	s16 =	simm.s32 $0x14900  }
0x137: {  	[hbm4b:s8+s3] =	stream.indirect_vreg.scatter [tilespmem:s16], [sflag:$0x1], $0x80, v13, vm0, $0xb8;
	[tilespmem:$0x18100] =	vst v63  }
0x138: {  	v13 =	vld [tilespmem:$0x70];
	_ =	sdelay $0x4  }
0x139: {  	v14 =	vshrl.u32 v13, $0x3  }
0x13a: {  	v14 =	vmul.u32 $0x30, v14  }
0x13b: {  	v13 =	vand.u32 $0x7, v13  }
0x13c: {  	v13 =	vor.u32 v13, v14  }
0x13d: {  	v14 =	vperm.xlane v13, v5;
	_ =	sdelay $0x1  }
0x13e: {  	v14 =	vadd.s32 v7, v14;
	_ =	sdelay $0x3  }
0x13f: {  	s16 =	simm.s32 $0x15100;
	v13 =	vperm.xlane v13, v6  }
0x140: {  	[hbm4b:s4+s3] =	stream.indirect_vreg.scatter [tilespmem:s16], [sflag:$0x1], $0x80, v14, vm0, $0xb8;
	[tilespmem:$0x18100] =	vst v63  }
0x141: {  	v13 =	vadd.s32 v7, v13;
	s16 =	simm.s32 $0x15900  }
0x142: {  	[hbm4b:s7+s3] =	stream.indirect_vreg.scatter [tilespmem:s16], [sflag:$0x1], $0x80, v14, vm0, $0xb8;
	[tilespmem:$0x18100] =	vst v63  }
0x143: {  	s16 =	simm.s32 $0x16100  }
0x144: {  	[hbm4b:s8+s3] =	stream.indirect_vreg.scatter [tilespmem:s16], [sflag:$0x1], $0x80, v14, vm0, $0xb8;
	[tilespmem:$0x18100] =	vst v63  }
0x145: {  	s16 =	simm.s32 $0x16900  }
0x146: {  	[hbm4b:s4+s3] =	stream.indirect_vreg.scatter [tilespmem:s16], [sflag:$0x1], $0x80, v13, vm0, $0xb8;
	[tilespmem:$0x18100] =	vst v63  }
0x147: {  	p0 =	sne.s32 s9, $0x1;
	s16 =	simm.s32 $0x17100  }
0x148: {  	[hbm4b:s7+s3] =	stream.indirect_vreg.scatter [tilespmem:s16], [sflag:$0x1], $0x80, v13, vm0, $0xb8;
	[tilespmem:$0x18100] =	vst v63  }
.Ltmp0:
0x149: {  	_ = 	snop;
	(pc) =	sbr.rel @p0 .LBB2_1-.Ltmp0, $4  }
0x14a: {  	[hbm4b:s8+s3] =	stream.indirect_vreg.scatter [tilespmem:s0], [sflag:$0x1], $0x80, v13, vm0, $0xb8;
	[tilespmem:$0x18100] =	vst v63  }
0x14b: {  	_ =	swait.ge [sflag:s15], $0x18000  }
0x14c: {  	[sflag:s15] =	ssyncset.done $0x0  }
0x14d: {  	s9 =	sadd.s32 $0xFFFFFFFF, s9;
	[sflag:s15] =	ssyncadd.s32 $0xFFFE8000  }
0x14e: {  	_ =	sfence.sel $0x180000  }
0x14f: {  	[bflag:$0x0] =	sbarrier.arrive $0xFFFF  }
0x150: {  	_ =	strace $0x90000047  }
0x151: {  	s0 =	stileid.u32;
	[bflag:$0x2] =	sbarrier.arrive $0xFFFF  }
0x152: {  	p0 =	sne.s32 s0, $0x0;
	s0 =	rddreg [dreg:$0x2]  }
0x153: {  	s0 =	sadd.s32 @!p0 $0x100000, s0  }
0x154: {  	[sflag:s0] =	ssyncadd.tile.s32 @!p0 $0x1;
	_ =	shalt  }
.Lfunc_end2:
_tile_overlayer_lowered:
.L_overlay_start_2:
0x155: {  	(tag) =	ssettag $0x2  }
0x156: {  	s0 =	rddreg [dreg:$0x0];
	s2 =	stileid.u32  }
0x157: {  	s1 =	rddreg [dreg:$0x1];
	p0 =	sne.s32 s2, $0x0  }
0x158: {  	s3 =	rddreg [dreg:$0x2];
	[bflag:$0x3] =	sbarrier.arrive $0xFFFF;
	s2 =	simm.s32 @!p0 $0x1C02  }
0x159: {  	[timem:s3], [sflag:s2] =	dma.local @!p0 [hbm:s0], s1  }
0x15a: {  	s0 =	simm.s32 @!p0 $0x2  }
0x15b: {  	_ =	swait.ge @!p0 [sflag:s0], s1  }
0x15c: {  	s1 =	ssub.s32 @!p0 $0x0, s1;
	[sflag:s0] =	ssyncset.done @!p0 $0x0  }
0x15d: {  	[sflag:s0] =	ssyncadd.s32 @!p0 s1  }
0x15e: {  	[bflag:$0x3] =	sbarrier.arrive $0xFFFF  }
0x15f: {  	_ =	shalt  }

// kernel: kernel.9.cloned.1.call-start
scs
__scs_entry_jumppad:
0x0: {  	(pc) =	sbr.rel $0x88, $3  }
0x1: {  	(tag) =	ssettag $0x0;
	lr =	simm.s32 $0x1  }
0x2: {  	[smem:$0x3F9B] =	sst lr;
	_ =	strace $0xD0000000  }
0x3: {  	_ = 	snop  }
0x4: {  	_ = 	snop  }
0x5: {  	_ = 	snop  }
0x6: {  	_ = 	snop  }
0x7: {  	_ = 	snop  }
__scs_overlays_trampoline_lowered:
0x8: {  	[smem:$0x3FAA] =	sst s0  }
0x9: {  	[smem:$0x3FAB] =	sst s1  }
0xa: {  	[smem:$0x3FAC] =	sst s2  }
0xb: {  	[smem:$0x3FAD] =	sst s3  }
0xc: {  	[smem:$0x3FAE] =	sst s4  }
0xd: {  	[smem:$0x3FAF] =	sst s5  }
0xe: {  	[smem:$0x3FB0] =	sst s6  }
0xf: {  	[smem:$0x3FB1] =	sst s7  }
0x10: {  	[smem:$0x3FB2] =	sst s8  }
0x11: {  	[smem:$0x3FB3] =	sst s9;
	s0 =	simm.s32 @!p0 $0x0  }
0x12: {  	s1 =	sld [smem:$0x3F99];
	s0 =	simm.s32 @p0 $0x1  }
0x13: {  	[smem:$0x3FB4] =	sst s0;
	s0 =	simm.s32 @!p1 $0x0  }
0x14: {  	s2 =	sld [smem:$0x3F98];
	s0 =	simm.s32 @p1 $0x1  }
0x15: {  	[smem:$0x3FB5] =	sst s0;
	s0 =	simm.s32 @!p2 $0x0  }
0x16: {  	s3 =	sld [smem:$0x3FDB];
	s0 =	simm.s32 @p2 $0x1  }
0x17: {  	s4 =	simm.s32 $0x1BF5;
	[smem:$0x3FB7] =	sst s0  }
0x18: {  	s0 =	sld [smem:$0x3F9A];
	_ =	swait.ge [sflag:s4], $0x0  }
0x19: {  	s7 =	sld [smem:$0x3F9B]  }
0x1a: {  	s8 =	sadd.s32 $0xFFFFE003, lr  }
0x1b: {  	s9 =	sadd.s32 $0xFFFFFEF7, lr;
	s5 =	simm.s32 $0xFFFFFFFF;
	p2 =	slt.u32 s8, $0xFFFFF086  }
0x1c: {  	p1 =	slt.u32 s9, $0xF7A;
	s5 =	simm.s32 @!p2 $0x0  }
0x1d: {  	s5 =	simm.s32 @p1 $0x1;
	p0 =	seq.s32 s7, s2  }
0x1e: {  	s7 =	smul.u32 @!p0 $0xF7A, s2;
	p2 =	seq.s32 @!p0 s5, $0x0  }
0x1f: {  	s9 =	smul.u32 $0xF7A, s1;
	s8 =	simm.s32 @!p0 $0x1BF5;
	p2 =	por !p2, p0  }
0x20: {  	[sflag:s8] =	ssyncset.s32 @!p0 $0xFFFFF086;
	s6 =	sadd.s32 @!p0 s3, s7;
	s7 =	simm.s32 @!p0 $0x108  }
0x21: {  	s3 =	sadd.s32 s3, s9;
	s6 =	sadd.s32 @!p0 $0x88, s6;
	s7 =	simm.s32 @p2 $0x1082  }
0x22: {  	[simem:s7], [sflag:s8] =	dma.local @!p0 [hbm:s6], $0xF7A  }
0x23: {  	s9 =	sor.u32 $0xD0000000, s2;
	s6 =	simm.s32 $0x108;
	_ =	swait.ge @!p0 [sflag:s8], $0x0  }
0x24: {  	s3 =	sadd.s32 $0x88, s3;
	s6 =	simm.s32 @!p1 $0x1082;
	[sflag:s4] =	ssyncset.s32 $0xFFFFF086  }
0x25: {  	[simem:s6], [sflag:s4] =	dma.local [hbm:s3], $0xF7A  }
0x26: {  	[smem:$0x3F9B] =	sst s1;
	(tag) =	ssettag s2;
	_ =	strace s9  }
0x27: {  	s1 =	sld [smem:$0x3FAB]  }
0x28: {  	s2 =	sld [smem:$0x3FAC]  }
0x29: {  	s4 =	sld [smem:$0x3FAE]  }
0x2a: {  	p0 =	seq.s32 s5, $0x0;
	s5 =	sld [smem:$0x3FAF]  }
0x2b: {  	s6 =	sld [smem:$0x3FB0]  }
0x2c: {  	s7 =	sld [smem:$0x3FB1]  }
0x2d: {  	s3 =	simm.s32 $0x108;
	s8 =	sld [smem:$0x3FB2]  }
0x2e: {  	s3 =	simm.s32 @!p0 $0x1082;
	s9 =	sld [smem:$0x3FB3]  }
0x2f: {  	lr =	sadd.s32 s0, s3;
	s0 =	sld [smem:$0x3FAA]  }
0x30: {  	s3 =	sld [smem:$0x3FAD]  }
0x31: {  	[smem:$0x3FB6] =	sst s10  }
0x32: {  	s10 =	sld [smem:$0x3FB4];
	_ =	sdelay $0x3  }
0x33: {  	p0 =	seq.s32 s10, $0x1;
	s10 =	sld [smem:$0x3FB6];
	_ =	sdelay $0x3  }
0x34: {  	[smem:$0x3FB6] =	sst s10  }
0x35: {  	s10 =	sld [smem:$0x3FB5];
	_ =	sdelay $0x3  }
0x36: {  	p1 =	seq.s32 s10, $0x1;
	s10 =	sld [smem:$0x3FB6];
	_ =	sdelay $0x3  }
0x37: {  	[smem:$0x3FB6] =	sst s10  }
0x38: {  	s10 =	sld [smem:$0x3FB7]  }
0x39: {  	_ = 	snop;
	(pc) =	sbr.ind lr, $3  }
0x3a: {  	_ = 	snop  }
0x3b: {  	_ = 	snop  }
0x3c: {  	p2 =	seq.s32 s10, $0x1;
	s10 =	sld [smem:$0x3FB6]  }
0x3d: {  	_ =	shalt  }
0x3e: {  	_ =	shalt  }
0x3f: {  	_ =	shalt  }
0x40: {  	_ =	shalt  }
0x41: {  	_ =	shalt  }
0x42: {  	_ =	shalt  }
0x43: {  	_ =	shalt  }
0x44: {  	_ =	shalt  }
0x45: {  	_ =	shalt  }
0x46: {  	_ =	shalt  }
0x47: {  	_ =	shalt  }
0x48: {  	_ =	shalt  }
0x49: {  	_ =	shalt  }
0x4a: {  	_ =	shalt  }
0x4b: {  	_ =	shalt  }
0x4c: {  	_ =	shalt  }
0x4d: {  	_ =	shalt  }
0x4e: {  	_ =	shalt  }
0x4f: {  	_ =	shalt  }
0x50: {  	_ =	shalt  }
0x51: {  	_ =	shalt  }
0x52: {  	_ =	shalt  }
0x53: {  	_ =	shalt  }
0x54: {  	_ =	shalt  }
0x55: {  	_ =	shalt  }
0x56: {  	_ =	shalt  }
0x57: {  	_ =	shalt  }
0x58: {  	_ =	shalt  }
0x59: {  	_ =	shalt  }
0x5a: {  	_ =	shalt  }
0x5b: {  	_ =	shalt  }
0x5c: {  	_ =	shalt  }
0x5d: {  	_ =	shalt  }
0x5e: {  	_ =	shalt  }
0x5f: {  	_ =	shalt  }
0x60: {  	_ =	shalt  }
0x61: {  	_ =	shalt  }
0x62: {  	_ =	shalt  }
0x63: {  	_ =	shalt  }
0x64: {  	_ =	shalt  }
0x65: {  	_ =	shalt  }
0x66: {  	_ =	shalt  }
0x67: {  	_ =	shalt  }
0x68: {  	_ =	shalt  }
0x69: {  	_ =	shalt  }
0x6a: {  	_ =	shalt  }
0x6b: {  	_ =	shalt  }
0x6c: {  	_ =	shalt  }
0x6d: {  	_ =	shalt  }
0x6e: {  	_ =	shalt  }
0x6f: {  	_ =	shalt  }
0x70: {  	_ =	shalt  }
0x71: {  	_ =	shalt  }
0x72: {  	_ =	shalt  }
0x73: {  	_ =	shalt  }
0x74: {  	_ =	shalt  }
0x75: {  	_ =	shalt  }
0x76: {  	_ =	shalt  }
0x77: {  	_ =	shalt  }
0x78: {  	_ =	shalt  }
0x79: {  	_ =	shalt  }
0x7a: {  	_ =	shalt  }
0x7b: {  	_ =	shalt  }
0x7c: {  	_ =	shalt  }
0x7d: {  	_ =	shalt  }
0x7e: {  	_ =	shalt  }
0x7f: {  	_ =	shalt  }
0x80: {  	_ =	shalt  }
0x81: {  	_ =	shalt  }
0x82: {  	_ =	shalt  }
0x83: {  	_ =	shalt  }
0x84: {  	_ =	shalt  }
0x85: {  	_ =	shalt  }
0x86: {  	_ =	shalt  }
0x87: {  	_ =	shalt  }
.Lfunc_end0:
.L_simem_size_0:
called_computation.1_lowered:
.L_overlay_start_0:
0x88: {  	s2 =	sld [smem:$0x3FD9]  }
0x89: {  	s3 =	sld [smem:$0x3FFE];
	_ =	sdelay $0x1  }
0x8a: {  	s1 =	srdreg.scid  }
0x8b: {  	s0 =	sand.u32 $0x1, s1  }
0x8c: {  	s17 =	sshll.u32 s0, $0xA;
	s2 =	sadd.s32 s3, s2  }
0x8d: {  	s2 =	sadd.s32 s2, s17  }
0x8e: {  	[smem:$0x3FC2] =	sst s2  }
0x8f: {  	_ = 	snop  }
0x90: {  	s2 =	sld [smem:$0x3FD0];
	(tm) =	ssettm $0x1  }
0x91: {  	s18 =	sld [smem:$0x3FFB];
	_ =	sdelay $0x3  }
0x92: {  	_ =	strace s18  }
0x93: {  	s3 =	sld [smem:$0x3FFC];
	_ =	sdelay $0x3  }
0x94: {  	_ =	strace s3  }
0x95: {  	s3 =	sld [smem:$0x3FFD];
	_ =	sdelay $0x3  }
0x96: {  	_ =	strace s3  }
0x97: {  	_ =	strace $0x8FFFFFFF  }
0x98: {  	s19 =	sld [smem:$0x3FDB];
	_ =	sdelay $0x1  }
0x99: {  	s4 =	simm.s32 $_scs_section_size  }
0x9a: {  	s5 =	simm.s32 $_size__tile_overlayer_lowered;
	s6 =	simm.s32 $_tile_overlayer_lowered  }
0x9b: {  	s22 =	simm.s32 $0x1BFF;
	s21 =	sshll.u32 s6, $0x1;
	s3 =	sadd.s32 s4, s19  }
0x9c: {  	s7 =	simm.s32 $0x0;
	s20 =	sshll.u32 s5, $0x1;
	s5 =	sadd.s32 s21, s3  }
0x9d: {  	[timem:s7], [sflag:s22] =	dma.local [hbm:s5], s20  }
0x9e: {  	_ =	swait.ge [sflag:s22], s20  }
0x9f: {  	s4 =	ssub.s32 $0x0, s20;
	[sflag:s22] =	ssyncset.done $0x0  }
0xa0: {  	[sflag:s22] =	ssyncadd.s32 s4;
	_ =	sdelay $0x1  }
0xa1: {  	s23 =	simm.s32 $0x1B8B  }
0xa2: {  	_ =	swait.ge [sflag:s23], $0x1  }
0xa3: {  	[sflag:s23] =	ssyncset.done $0x0  }
0xa4: {  	s25 =	simm.s32 $0x1B8E;
	s24 =	sld [smem:$0x3FFE];
	[sflag:s23] =	ssyncadd.s32 $0xFFFFFFFF  }
0xa5: {  	s26 =	simm.s32 $execute0_lowered;
	[smem:$0x3FD2] =	sst s25  }
0xa6: {  	s5 =	sshll.u32 s26, $0x1;
	_ =	strace $0x80000049;
	[dreg:$0x1] =	wrdreg $0xFFFFFFFF  }
0xa7: {  	s28 =	simm.s32 $_size_execute0_lowered;
	s3 =	sadd.s32 s3, s5;
	[dreg:$0x0] =	wrdreg $0x0  }
0xa8: {  	s5 =	sshll.u32 s28, $0x1;
	[dreg:$0x2] =	wrdreg s3  }
0xa9: {  	[dreg:$0x3] =	wrdreg s5  }
0xaa: {  	[dreg:$0x4] =	wrdreg $0xC0  }
0xab: {  	_ =	task [dreg:s7], $0x5FFFF  }
0xac: {  	[dreg:$0x1] =	wrdreg $0xFFFFFFFF  }
0xad: {  	[dreg:$0x0] =	wrdreg $0x60  }
0xae: {  	[dreg:$0x2] =	wrdreg s24  }
0xaf: {  	[dreg:$0x3] =	wrdreg s2  }
0xb0: {  	[dreg:$0x4] =	wrdreg $0x9  }
0xb1: {  	_ =	task.clear_ibuf [dreg:s7], $0x5FFFF;
	_ =	strace $0x90000049  }
0xb2: {  	s29 =	simm.s32 $0x9;
	_ =	strace $0x8000004B  }
0xb3: {  	_ =	swait.ge [sflag:s29], $0x1  }
0xb4: {  	[sflag:s29] =	ssyncadd.s32 $0xFFFFFFFF  }
0xb5: {  	_ =	strace $0x9000004B  }
0xb6: {  	_ =	sfence  }
0xb7: {  	s30 =	sld [smem:$0x0];
	_ =	sdelay $0x2  }
0xb8: {  	s31 =	sshll.u32 s1, $0xD;
	s1 =	sshrl.u32 s1, $0x2  }
0xb9: {  	s3 =	sand.u32 $0x4000, s31;
	s1 =	sadd.s32 s1, s30  }
0xba: {  	s0 =	sor.u32 s3, s0;
	s1 =	sshll.u32 s1, $0x11  }
0xbb: {  	s0 =	sor.u32 s1, s0  }
0xbc: {  	s0 =	sadd.s32 $0x8F2B, s0  }
0xbd: {  	[sflag:s0] =	ssyncadd.remote.s32 $0x1  }
0xbe: {  	_ =	sfence.sel $0xFFFF  }
0xbf: {  	[dreg:$0x0] =	wrdreg $0xFFFFFFFF;
	(pc) =	sbr.abs _section_cstart, $3  }
0xc0: {  	[dreg:$0x1] =	wrdreg $0xFFFFFFFF  }
0xc1: {  	_ =	task.clear_ibuf [dreg:s7], $0x2FFFF;
	_ =	strace $0x9FFFFFFF  }
0xc2: {  	(tm) =	ssettm $0x7FFFFFFF  }
0xc3: {  	_ =	shalt  }
tec
execute0_lowered:
.L_overlay_start_1:
0x0: {  	(tag) =	ssettag $0x1  }
0x1: {  	s0 =	rddreg [dreg:$0x0]  }
0x2: {  	s1 =	rddreg [dreg:$0x1]  }
0x3: {  	s2 =	simm.s32 $0x0;
	s3 =	srdreg.scid;
	s5 =	stileid.u32  }
0x4: {  	s16 =	simm.s32 $0x5;
	s28 =	simm.s32 $0xF200;
	s29 =	simm.s32 $0xFA00  }
0x5: {  	s30 =	simm.s32 $0x1;
	s31 =	simm.s32 $0x10200;
	s17 =	simm.s32 $0x3  }
0x6: {  	s18 =	simm.s32 $0x4;
	s19 =	simm.s32 $0x0;
	[smem:$0x7FF] =	sst s2  }
0x7: {  	s4 =	sand.u32 $0x1, s3;
	s23 =	sshll.u32 s5, $0x1;
	s3 =	sadd.s32 $0x131200, s0  }
0x8: {  	_ =	strace $0x8000004A;
	s6 =	sor.u32 s4, s23;
	s4 =	ssub.s32 $0x2, s4  }
0x9: {  	s24 =	sshll.u32 s6, $0x4;
	s25 =	sshll.u32 s6, $0xB;
	s10 =	smul.u32 $0x1800, s6  }
0xa: {  	s8 =	sshrl.u32 s4, $0x1;
	s11 =	smul.u32 $0xC000, s6;
	s7 =	sadd.s32 s24, s0  }
0xb: {  	s9 =	sadd.s32 s25, s0;
	s15 =	ssub.s32 s4, s8;
	s4 =	sadd.s32 $0x1000, s7  }
0xc: {  	s5 =	sadd.s32 $0x1004, s7;
	s6 =	sadd.s32 $0x1008, s7;
	s7 =	sadd.s32 $0x100C, s7  }
0xd: {  	s8 =	sadd.s32 $0x121200, s9;
	s9 =	sadd.s32 $0x131300, s0;
	s10 =	sadd.s32 s1, s10  }
0xe: {  	v2 =	vlaneseq.u32;
	s13 =	sshrl.u32 s11, $0x3;
	s11 =	sadd.s32 $0x131400, s0;
	s15 =	smax.u32 s15, $0x1  }
0xf: {  	vm0 =	vmmov $0xffff;
	v1 =	vshrl.u32 v2, $0x3;
	s0 =	simm.s32 $0x2;
	s12 =	sadd.s32 $0x600, s10;
	s26 =	sadd.s32 s1, s13  }
0x10: {  	v0 =	vand.u32 $0x7, v2;
	v2 =	vor.u32 $0x8, v2;
	v1 =	vmul.u32 $0x8, v1;
	s1 =	simm.s32 $0x13200;
	s13 =	sadd.s32 $0xC00, s26;
	s14 =	sadd.s32 $0x1200, s26  }
.LBB2_1:
0x11: {  	[tilespmem:s2], [sflag:$0x5] =	stream.linear.gather [hbm4b:s4+s2], $0x20, $0x38;
	[tilespmem:$0x16200] =	vst v63  }
0x12: {  	_ =	swait.ge [sflag:s16], $0x20  }
0x13: {  	[sflag:s16] =	ssyncset.done $0x0  }
0x14: {  	s20 =	simm.s32 $0x80;
	[sflag:s16] =	ssyncadd.s32 $0xFFFFFFE0  }
0x15: {  	[tilespmem:s20], [sflag:$0x5] =	stream.linear.gather [hbm4b:s5+s2], $0x20, $0x38;
	[tilespmem:$0x16200] =	vst v63  }
0x16: {  	_ =	swait.ge [sflag:s16], $0x20  }
0x17: {  	[sflag:s16] =	ssyncset.done $0x0  }
0x18: {  	s24 =	simm.s32 $0x100;
	[sflag:s16] =	ssyncadd.s32 $0xFFFFFFE0  }
0x19: {  	[tilespmem:s24], [sflag:$0x5] =	stream.linear.gather [hbm4b:s6+s2], $0x20, $0x38;
	[tilespmem:$0x16200] =	vst v63  }
0x1a: {  	_ =	swait.ge [sflag:s16], $0x20  }
0x1b: {  	[sflag:s16] =	ssyncset.done $0x0  }
0x1c: {  	s25 =	simm.s32 $0x180;
	[sflag:s16] =	ssyncadd.s32 $0xFFFFFFE0  }
0x1d: {  	[tilespmem:s25], [sflag:$0x5] =	stream.linear.gather [hbm4b:s7+s2], $0x20, $0x38;
	[tilespmem:$0x16200] =	vst v63  }
0x1e: {  	_ =	swait.ge [sflag:s16], $0x20  }
0x1f: {  	[sflag:s16] =	ssyncset.done $0x0  }
0x20: {  	s26 =	simm.s32 $0x200;
	[sflag:s16] =	ssyncadd.s32 $0xFFFFFFE0  }
0x21: {  	[tilespmem:s26], [sflag:$0x5] =	stream.linear.gather [hbm4b:s8+s2], $0x4000, $0x38;
	[tilespmem:$0x16200] =	vst v63  }
0x22: {  	_ =	swait.ge [sflag:s16], $0x4000  }
0x23: {  	[sflag:s16] =	ssyncset.done $0x0  }
0x24: {  	[sflag:s16] =	ssyncadd.s32 $0xFFFFC000  }
0x25: {  	v3 =	vld [tilespmem:$0x0];
	_ =	sdelay $0x4  }
0x26: {  	v4 =	vshrl.u32 v3, $0x3  }
0x27: {  	v4 =	vmul.u32 $0x30, v4  }
0x28: {  	v3 =	vand.u32 $0x7, v3  }
0x29: {  	v3 =	vor.u32 v3, v4  }
0x2a: {  	v4 =	vperm.xlane v3, v0;
	_ =	sdelay $0x1  }
0x2b: {  	v4 =	vadd.s32 v1, v4;
	_ =	sdelay $0x3  }
0x2c: {  	s21 =	simm.s32 $0x4200;
	v3 =	vperm.xlane v3, v2  }
0x2d: {  	[tilespmem:s21], [sflag:$0x1] =	stream.indirect_vreg.gather [hbm4b:s3+s2], $0x80, v4, vm0, $0xb8;
	[tilespmem:$0x16200] =	vst v63  }
0x2e: {  	s22 =	simm.s32 $0x4A00;
	v3 =	vadd.s32 v1, v3  }
0x2f: {  	[tilespmem:s22], [sflag:$0x1] =	stream.indirect_vreg.gather [hbm4b:s9+s2], $0x80, v4, vm0, $0xb8;
	[tilespmem:$0x16200] =	vst v63  }
0x30: {  	s23 =	simm.s32 $0x5200  }
0x31: {  	[tilespmem:s23], [sflag:$0x1] =	stream.indirect_vreg.gather [hbm4b:s11+s2], $0x80, v4, vm0, $0xb8;
	[tilespmem:$0x16200] =	vst v63  }
0x32: {  	s24 =	simm.s32 $0x5A00  }
0x33: {  	[tilespmem:s24], [sflag:$0x1] =	stream.indirect_vreg.gather [hbm4b:s3+s2], $0x80, v3, vm0, $0xb8;
	[tilespmem:$0x16200] =	vst v63  }
0x34: {  	s25 =	simm.s32 $0x6200  }
0x35: {  	[tilespmem:s25], [sflag:$0x1] =	stream.indirect_vreg.gather [hbm4b:s9+s2], $0x80, v3, vm0, $0xb8;
	[tilespmem:$0x16200] =	vst v63  }
0x36: {  	s26 =	simm.s32 $0x6A00  }
0x37: {  	[tilespmem:s26], [sflag:$0x1] =	stream.indirect_vreg.gather [hbm4b:s11+s2], $0x80, v3, vm0, $0xb8;
	[tilespmem:$0x16200] =	vst v63  }
0x38: {  	v3 =	vld [tilespmem:$0x10];
	_ =	sdelay $0x4  }
0x39: {  	v4 =	vshrl.u32 v3, $0x3  }
0x3a: {  	v4 =	vmul.u32 $0x30, v4  }
0x3b: {  	v3 =	vand.u32 $0x7, v3  }
0x3c: {  	v3 =	vor.u32 v3, v4  }
0x3d: {  	v4 =	vperm.xlane v3, v0;
	_ =	sdelay $0x1  }
0x3e: {  	v4 =	vadd.s32 v1, v4;
	_ =	sdelay $0x3  }
0x3f: {  	s21 =	simm.s32 $0x7200;
	v3 =	vperm.xlane v3, v2  }
0x40: {  	[tilespmem:s21], [sflag:$0x1] =	stream.indirect_vreg.gather [hbm4b:s3+s2], $0x80, v4, vm0, $0xb8;
	[tilespmem:$0x16200] =	vst v63  }
0x41: {  	s22 =	simm.s32 $0x7A00;
	v3 =	vadd.s32 v1, v3  }
0x42: {  	[tilespmem:s22], [sflag:$0x1] =	stream.indirect_vreg.gather [hbm4b:s9+s2], $0x80, v4, vm0, $0xb8;
	[tilespmem:$0x16200] =	vst v63  }
0x43: {  	s23 =	simm.s32 $0x8200  }
0x44: {  	[tilespmem:s23], [sflag:$0x1] =	stream.indirect_vreg.gather [hbm4b:s11+s2], $0x80, v4, vm0, $0xb8;
	[tilespmem:$0x16200] =	vst v63  }
0x45: {  	s24 =	simm.s32 $0x8A00  }
0x46: {  	[tilespmem:s24], [sflag:$0x1] =	stream.indirect_vreg.gather [hbm4b:s3+s2], $0x80, v3, vm0, $0xb8;
	[tilespmem:$0x16200] =	vst v63  }
0x47: {  	s25 =	simm.s32 $0x9200  }
0x48: {  	[tilespmem:s25], [sflag:$0x1] =	stream.indirect_vreg.gather [hbm4b:s9+s2], $0x80, v3, vm0, $0xb8;
	[tilespmem:$0x16200] =	vst v63  }
0x49: {  	s26 =	simm.s32 $0x9A00  }
0x4a: {  	[tilespmem:s26], [sflag:$0x1] =	stream.indirect_vreg.gather [hbm4b:s11+s2], $0x80, v3, vm0, $0xb8;
	[tilespmem:$0x16200] =	vst v63  }
0x4b: {  	v3 =	vld [tilespmem:$0x80];
	_ =	sdelay $0x4  }
0x4c: {  	v4 =	vshrl.u32 v3, $0x3  }
0x4d: {  	v4 =	vmul.u32 $0x30, v4  }
0x4e: {  	v3 =	vand.u32 $0x7, v3  }
0x4f: {  	v3 =	vor.u32 v3, v4  }
0x50: {  	v4 =	vperm.xlane v3, v0;
	_ =	sdelay $0x1  }
0x51: {  	v4 =	vadd.s32 v1, v4;
	_ =	sdelay $0x3  }
0x52: {  	s21 =	simm.s32 $0xA200;
	v3 =	vperm.xlane v3, v2  }
0x53: {  	[tilespmem:s21], [sflag:$0x2] =	stream.indirect_vreg.gather [hbm4b:s3+s2], $0x80, v4, vm0, $0xb8;
	[tilespmem:$0x16200] =	vst v63  }
0x54: {  	s22 =	simm.s32 $0xAA00;
	v3 =	vadd.s32 v1, v3  }
0x55: {  	[tilespmem:s22], [sflag:$0x2] =	stream.indirect_vreg.gather [hbm4b:s9+s2], $0x80, v4, vm0, $0xb8;
	[tilespmem:$0x16200] =	vst v63  }
0x56: {  	s23 =	simm.s32 $0xB200  }
0x57: {  	[tilespmem:s23], [sflag:$0x2] =	stream.indirect_vreg.gather [hbm4b:s11+s2], $0x80, v4, vm0, $0xb8;
	[tilespmem:$0x16200] =	vst v63  }
0x58: {  	s24 =	simm.s32 $0xBA00  }
0x59: {  	[tilespmem:s24], [sflag:$0x2] =	stream.indirect_vreg.gather [hbm4b:s3+s2], $0x80, v3, vm0, $0xb8;
	[tilespmem:$0x16200] =	vst v63  }
0x5a: {  	s25 =	simm.s32 $0xC200  }
0x5b: {  	[tilespmem:s25], [sflag:$0x2] =	stream.indirect_vreg.gather [hbm4b:s9+s2], $0x80, v3, vm0, $0xb8;
	[tilespmem:$0x16200] =	vst v63  }
0x5c: {  	s26 =	simm.s32 $0xCA00  }
0x5d: {  	[tilespmem:s26], [sflag:$0x2] =	stream.indirect_vreg.gather [hbm4b:s11+s2], $0x80, v3, vm0, $0xb8;
	[tilespmem:$0x16200] =	vst v63  }
0x5e: {  	v3 =	vld [tilespmem:$0x90];
	_ =	sdelay $0x4  }
0x5f: {  	v4 =	vshrl.u32 v3, $0x3  }
0x60: {  	v4 =	vmul.u32 $0x30, v4  }
0x61: {  	v3 =	vand.u32 $0x7, v3  }
0x62: {  	v3 =	vor.u32 v3, v4  }
0x63: {  	v4 =	vperm.xlane v3, v0;
	_ =	sdelay $0x1  }
0x64: {  	v4 =	vadd.s32 v1, v4;
	_ =	sdelay $0x3  }
0x65: {  	s21 =	simm.s32 $0xD200;
	v3 =	vperm.xlane v3, v2  }
0x66: {  	[tilespmem:s21], [sflag:$0x2] =	stream.indirect_vreg.gather [hbm4b:s3+s2], $0x80, v4, vm0, $0xb8;
	[tilespmem:$0x16200] =	vst v63  }
0x67: {  	s22 =	simm.s32 $0xDA00;
	v3 =	vadd.s32 v1, v3  }
0x68: {  	[tilespmem:s22], [sflag:$0x2] =	stream.indirect_vreg.gather [hbm4b:s9+s2], $0x80, v4, vm0, $0xb8;
	[tilespmem:$0x16200] =	vst v63  }
0x69: {  	s23 =	simm.s32 $0xE200  }
0x6a: {  	[tilespmem:s23], [sflag:$0x2] =	stream.indirect_vreg.gather [hbm4b:s11+s2], $0x80, v4, vm0, $0xb8;
	[tilespmem:$0x16200] =	vst v63  }
0x6b: {  	s24 =	simm.s32 $0xEA00  }
0x6c: {  	[tilespmem:s24], [sflag:$0x2] =	stream.indirect_vreg.gather [hbm4b:s3+s2], $0x80, v3, vm0, $0xb8;
	[tilespmem:$0x16200] =	vst v63  }
0x6d: {  	_ = 	snop  }
0x6e: {  	[tilespmem:s28], [sflag:$0x2] =	stream.indirect_vreg.gather [hbm4b:s9+s2], $0x80, v3, vm0, $0xb8;
	[tilespmem:$0x16200] =	vst v63  }
0x6f: {  	_ = 	snop  }
0x70: {  	[tilespmem:s29], [sflag:$0x2] =	stream.indirect_vreg.gather [hbm4b:s11+s2], $0x80, v3, vm0, $0xb8;
	[tilespmem:$0x16200] =	vst v63  }
0x71: {  	_ =	swait.ge [sflag:s30], $0x6000  }
0x72: {  	[sflag:s30] =	ssyncset.done $0x0  }
0x73: {  	[sflag:s30] =	ssyncadd.s32 $0xFFFFA000  }
0x74: {  	s25 =	sand.u32 $0x70, s2;
	s21 =	sand.u32 $0x1C00, s2;
	v3 =	vld [tilespmem:$0x200]  }
0x75: {  	s20 =	sor.u32 s25, s21;
	v4 =	vld [tilespmem:$0x280]  }
0x76: {  	v5 =	vld [tilespmem:s20+$0x4200]  }
0x77: {  	v6 =	vld [tilespmem:s20+$0x4280];
	_ =	sdelay $0x1  }
0x78: {  	s26 =	simm.s32 $0x10;
	s22 =	simm.s32 $0x80  }
0x79: {  	s21 =	sand.u32 $0x70, s26;
	s22 =	sand.u32 $0x1C00, s22  }
0x7a: {  	s21 =	sor.u32 s21, s22  }
0x7b: {  	v7 =	vmul.f32 v5, v3;
	v8 =	vmul.f32 v6, v4;
	v5 =	vld [tilespmem:s21+$0x4200]  }
0x7c: {  	v6 =	vld [tilespmem:s21+$0x4280]  }
0x7d: {  	s22 =	simm.s32 $0x20;
	s23 =	simm.s32 $0x100;
	v7 =	vadd.f32 v8, v7  }
.LBB2_2:
0x7e: {  	s24 =	sand.u32 $0x70, s22  }
0x7f: {  	s25 =	sand.u32 $0x1C00, s23;
	[tilespmem:s20+$0x10200] =	vst v7;
	s20 =	smov.u32 s21;
	p0 =	sne.s32 s22, $0x2F0  }
.Ltmp0:
0x80: {  	s22 =	sadd.s32 $0x10, s22;
	s21 =	sor.u32 s24, s25;
	(pc) =	sbr.rel @p0 .LBB2_2-.Ltmp0, $4  }
0x81: {  	v7 =	vmul.f32 v5, v3;
	v5 =	vld [tilespmem:s21+$0x4200];
	v8 =	vmul.f32 v6, v4  }
0x82: {  	v6 =	vld [tilespmem:s21+$0x4280]  }
0x83: {  	v7 =	vadd.f32 v8, v7  }
0x84: {  	s23 =	sadd.s32 $0x80, s23  }
0x85: {  	_ =	sdelay $0x1  }
0x86: {  	v3 =	vmul.f32 v5, v3;
	v4 =	vmul.f32 v6, v4;
	_ =	sdelay $0x1  }
0x87: {  	v3 =	vadd.f32 v4, v3  }
0x88: {  	[tilespmem:s20+$0x10200] =	vst v7  }
0x89: {  	s24 =	simm.s32 $0x0;
	[tilespmem:s21+$0x10200] =	vst v3  }
0x8a: {  	s25 =	sand.u32 $0x70, s24;
	s20 =	sand.u32 $0x1C00, s24;
	v3 =	vld [tilespmem:$0x300]  }
0x8b: {  	s20 =	sor.u32 s25, s20;
	v4 =	vld [tilespmem:$0x380]  }
0x8c: {  	v5 =	vld [tilespmem:s20+$0x4300]  }
0x8d: {  	v6 =	vld [tilespmem:s20+$0x4380];
	_ =	sdelay $0x1  }
0x8e: {  	s26 =	simm.s32 $0x10;
	s22 =	simm.s32 $0x80  }
0x8f: {  	s22 =	sand.u32 $0x1C00, s22;
	s21 =	sand.u32 $0x70, s26  }
0x90: {  	s21 =	sor.u32 s21, s22  }
0x91: {  	v7 =	vmul.f32 v5, v3;
	v8 =	vmul.f32 v6, v4;
	v5 =	vld [tilespmem:s21+$0x4300]  }
0x92: {  	v6 =	vld [tilespmem:s21+$0x4380]  }
0x93: {  	s23 =	simm.s32 $0x100;
	s22 =	simm.s32 $0x20;
	v7 =	vadd.f32 v8, v7  }
.LBB2_4:
0x94: {  	s24 =	sand.u32 $0x70, s22  }
0x95: {  	s25 =	sand.u32 $0x1C00, s23;
	[tilespmem:s20+$0x10280] =	vst v7;
	s20 =	smov.u32 s21;
	p0 =	sne.s32 s22, $0x2F0  }
.Ltmp1:
0x96: {  	s22 =	sadd.s32 $0x10, s22;
	s21 =	sor.u32 s24, s25;
	(pc) =	sbr.rel @p0 .LBB2_4-.Ltmp1, $4  }
0x97: {  	v7 =	vmul.f32 v5, v3;
	v5 =	vld [tilespmem:s21+$0x4300];
	v8 =	vmul.f32 v6, v4  }
0x98: {  	v6 =	vld [tilespmem:s21+$0x4380]  }
0x99: {  	v7 =	vadd.f32 v8, v7  }
0x9a: {  	s23 =	sadd.s32 $0x80, s23  }
0x9b: {  	_ =	sdelay $0x1  }
0x9c: {  	v3 =	vmul.f32 v5, v3;
	v4 =	vmul.f32 v6, v4;
	_ =	sdelay $0x1  }
0x9d: {  	v3 =	vadd.f32 v4, v3  }
0x9e: {  	[tilespmem:s20+$0x10280] =	vst v7  }
0x9f: {  	s24 =	simm.s32 $0x0;
	[tilespmem:s21+$0x10280] =	vst v3  }
0xa0: {  	s25 =	sand.u32 $0x70, s24;
	s20 =	sand.u32 $0x1C00, s24;
	v3 =	vld [tilespmem:$0x400]  }
0xa1: {  	s20 =	sor.u32 s25, s20;
	v4 =	vld [tilespmem:$0x480]  }
0xa2: {  	v5 =	vld [tilespmem:s20+$0x4400]  }
0xa3: {  	v6 =	vld [tilespmem:s20+$0x4480];
	_ =	sdelay $0x1  }
0xa4: {  	s26 =	simm.s32 $0x10;
	s22 =	simm.s32 $0x80  }
0xa5: {  	s22 =	sand.u32 $0x1C00, s22;
	s21 =	sand.u32 $0x70, s26  }
0xa6: {  	s21 =	sor.u32 s21, s22  }
0xa7: {  	v7 =	vmul.f32 v5, v3;
	v8 =	vmul.f32 v6, v4;
	v5 =	vld [tilespmem:s21+$0x4400]  }
0xa8: {  	v6 =	vld [tilespmem:s21+$0x4480]  }
0xa9: {  	s23 =	simm.s32 $0x100;
	s22 =	simm.s32 $0x20;
	v7 =	vadd.f32 v8, v7  }
.LBB2_6:
0xaa: {  	s24 =	sand.u32 $0x70, s22  }
0xab: {  	s25 =	sand.u32 $0x1C00, s23;
	[tilespmem:s20+$0x10300] =	vst v7;
	s20 =	smov.u32 s21;
	p0 =	sne.s32 s22, $0x2F0  }
.Ltmp2:
0xac: {  	s22 =	sadd.s32 $0x10, s22;
	s21 =	sor.u32 s24, s25;
	(pc) =	sbr.rel @p0 .LBB2_6-.Ltmp2, $4  }
0xad: {  	v7 =	vmul.f32 v5, v3;
	v5 =	vld [tilespmem:s21+$0x4400];
	v8 =	vmul.f32 v6, v4  }
0xae: {  	v6 =	vld [tilespmem:s21+$0x4480]  }
0xaf: {  	v7 =	vadd.f32 v8, v7  }
0xb0: {  	s23 =	sadd.s32 $0x80, s23  }
0xb1: {  	_ =	sdelay $0x1  }
0xb2: {  	v3 =	vmul.f32 v5, v3;
	v4 =	vmul.f32 v6, v4;
	_ =	sdelay $0x1  }
0xb3: {  	v3 =	vadd.f32 v4, v3  }
0xb4: {  	[tilespmem:s20+$0x10300] =	vst v7  }
0xb5: {  	s24 =	simm.s32 $0x0;
	[tilespmem:s21+$0x10300] =	vst v3  }
0xb6: {  	s25 =	sand.u32 $0x70, s24;
	s22 =	sand.u32 $0x1C00, s24;
	v3 =	vld [tilespmem:$0x500]  }
0xb7: {  	s20 =	sor.u32 s25, s22;
	s21 =	sor.u32 s24, s24;
	v4 =	vld [tilespmem:$0x580]  }
0xb8: {  	v5 =	vld [tilespmem:s20+$0x4500];
	s21 =	sor.u32 $0x380, s21  }
0xb9: {  	v6 =	vld [tilespmem:s21+$0x4200];
	_ =	sdelay $0x4  }
0xba: {  	v5 =	vmul.f32 v5, v3;
	v6 =	vmul.f32 v6, v4  }
0xbb: {  	s26 =	simm.s32 $0x10;
	s21 =	simm.s32 $0x80  }
0xbc: {  	s23 =	sand.u32 $0x70, s26;
	s24 =	sand.u32 $0x1C00, s21;
	v5 =	vadd.f32 v6, v5  }
0xbd: {  	s22 =	simm.s32 $0x20;
	s23 =	sor.u32 s23, s24;
	s24 =	sor.u32 s21, s26  }
.LBB2_8:
0xbe: {  	p0 =	sne.s32 s22, $0x2F0;
	v6 =	vld [tilespmem:s23+$0x4500];
	s24 =	sor.u32 $0x380, s24;
	[tilespmem:s20+$0x10380] =	vst v5;
	s20 =	smov.u32 s23  }
0xbf: {  	v5 =	vld [tilespmem:s24+$0x4200];
	_ =	sdelay $0x3  }
.Ltmp3:
0xc0: {  	(pc) =	sbr.rel @p0 .LBB2_8-.Ltmp3, $4  }
0xc1: {  	v6 =	vmul.f32 v6, v3;
	v5 =	vmul.f32 v5, v4  }
0xc2: {  	s21 =	sadd.s32 $0x80, s21  }
0xc3: {  	s23 =	sand.u32 $0x70, s22;
	s24 =	sand.u32 $0x1C00, s21;
	v5 =	vadd.f32 v5, v6  }
0xc4: {  	s23 =	sor.u32 s23, s24;
	s24 =	sor.u32 s21, s22;
	s22 =	sadd.s32 $0x10, s22  }
0xc5: {  	v6 =	vld [tilespmem:s23+$0x4500];
	s21 =	sor.u32 $0x380, s24;
	[tilespmem:s20+$0x10380] =	vst v5  }
0xc6: {  	v5 =	vld [tilespmem:s21+$0x4200];
	_ =	sdelay $0x4  }
0xc7: {  	v3 =	vmul.f32 v6, v3;
	v4 =	vmul.f32 v5, v4;
	_ =	sdelay $0x1  }
0xc8: {  	v3 =	vadd.f32 v4, v3;
	_ =	sdelay $0x1  }
0xc9: {  	s24 =	simm.s32 $0x0;
	[tilespmem:s23+$0x10380] =	vst v3  }
0xca: {  	s25 =	sand.u32 $0x70, s24;
	s20 =	sand.u32 $0x1C00, s24;
	v3 =	vld [tilespmem:$0x600]  }
0xcb: {  	s20 =	sor.u32 s25, s20;
	v4 =	vld [tilespmem:$0x680]  }
0xcc: {  	v5 =	vld [tilespmem:s20+$0x5A00]  }
0xcd: {  	v6 =	vld [tilespmem:s20+$0x5A80];
	_ =	sdelay $0x1  }
0xce: {  	s26 =	simm.s32 $0x10;
	s22 =	simm.s32 $0x80  }
0xcf: {  	s21 =	sand.u32 $0x70, s26;
	s22 =	sand.u32 $0x1C00, s22  }
0xd0: {  	s21 =	sor.u32 s21, s22  }
0xd1: {  	v7 =	vmul.f32 v5, v3;
	v8 =	vmul.f32 v6, v4;
	v5 =	vld [tilespmem:s21+$0x5A00]  }
0xd2: {  	v6 =	vld [tilespmem:s21+$0x5A80]  }
0xd3: {  	s22 =	simm.s32 $0x20;
	s23 =	simm.s32 $0x100;
	v7 =	vadd.f32 v8, v7  }
.LBB2_10:
0xd4: {  	s24 =	sand.u32 $0x70, s22  }
0xd5: {  	s25 =	sand.u32 $0x1C00, s23;
	[tilespmem:s20+$0x10400] =	vst v7;
	s20 =	smov.u32 s21;
	p0 =	sne.s32 s22, $0x2F0  }
.Ltmp4:
0xd6: {  	s22 =	sadd.s32 $0x10, s22;
	s21 =	sor.u32 s24, s25;
	(pc) =	sbr.rel @p0 .LBB2_10-.Ltmp4, $4  }
0xd7: {  	v7 =	vmul.f32 v5, v3;
	v5 =	vld [tilespmem:s21+$0x5A00];
	v8 =	vmul.f32 v6, v4  }
0xd8: {  	v6 =	vld [tilespmem:s21+$0x5A80]  }
0xd9: {  	v7 =	vadd.f32 v8, v7  }
0xda: {  	s23 =	sadd.s32 $0x80, s23  }
0xdb: {  	_ =	sdelay $0x1  }
0xdc: {  	v3 =	vmul.f32 v5, v3;
	v4 =	vmul.f32 v6, v4;
	_ =	sdelay $0x1  }
0xdd: {  	v3 =	vadd.f32 v4, v3  }
0xde: {  	[tilespmem:s20+$0x10400] =	vst v7  }
0xdf: {  	s24 =	simm.s32 $0x0;
	[tilespmem:s21+$0x10400] =	vst v3  }
0xe0: {  	s25 =	sand.u32 $0x70, s24;
	s20 =	sand.u32 $0x1C00, s24;
	v3 =	vld [tilespmem:$0x700]  }
0xe1: {  	s20 =	sor.u32 s25, s20;
	v4 =	vld [tilespmem:$0x780]  }
0xe2: {  	v5 =	vld [tilespmem:s20+$0x5B00]  }
0xe3: {  	v6 =	vld [tilespmem:s20+$0x5B80];
	_ =	sdelay $0x1  }
0xe4: {  	s26 =	simm.s32 $0x10;
	s22 =	simm.s32 $0x80  }
0xe5: {  	s22 =	sand.u32 $0x1C00, s22;
	s21 =	sand.u32 $0x70, s26  }
0xe6: {  	s21 =	sor.u32 s21, s22  }
0xe7: {  	v7 =	vmul.f32 v5, v3;
	v8 =	vmul.f32 v6, v4;
	v5 =	vld [tilespmem:s21+$0x5B00]  }
0xe8: {  	v6 =	vld [tilespmem:s21+$0x5B80]  }
0xe9: {  	s23 =	simm.s32 $0x100;
	s22 =	simm.s32 $0x20;
	v7 =	vadd.f32 v8, v7  }
.LBB2_12:
0xea: {  	s24 =	sand.u32 $0x70, s22  }
0xeb: {  	s25 =	sand.u32 $0x1C00, s23;
	[tilespmem:s20+$0x10480] =	vst v7;
	s20 =	smov.u32 s21;
	p0 =	sne.s32 s22, $0x2F0  }
.Ltmp5:
0xec: {  	s22 =	sadd.s32 $0x10, s22;
	s21 =	sor.u32 s24, s25;
	(pc) =	sbr.rel @p0 .LBB2_12-.Ltmp5, $4  }
0xed: {  	v7 =	vmul.f32 v5, v3;
	v5 =	vld [tilespmem:s21+$0x5B00];
	v8 =	vmul.f32 v6, v4  }
0xee: {  	v6 =	vld [tilespmem:s21+$0x5B80]  }
0xef: {  	v7 =	vadd.f32 v8, v7  }
0xf0: {  	s23 =	sadd.s32 $0x80, s23  }
0xf1: {  	_ =	sdelay $0x1  }
0xf2: {  	v3 =	vmul.f32 v5, v3;
	v4 =	vmul.f32 v6, v4;
	_ =	sdelay $0x1  }
0xf3: {  	v3 =	vadd.f32 v4, v3  }
0xf4: {  	[tilespmem:s20+$0x10480] =	vst v7  }
0xf5: {  	s24 =	simm.s32 $0x0;
	[tilespmem:s21+$0x10480] =	vst v3  }
0xf6: {  	s25 =	sand.u32 $0x70, s24;
	s20 =	sand.u32 $0x1C00, s24;
	v3 =	vld [tilespmem:$0x800]  }
0xf7: {  	s20 =	sor.u32 s25, s20;
	v4 =	vld [tilespmem:$0x880]  }
0xf8: {  	v5 =	vld [tilespmem:s20+$0x5C00]  }
0xf9: {  	v6 =	vld [tilespmem:s20+$0x5C80];
	_ =	sdelay $0x1  }
0xfa: {  	s26 =	simm.s32 $0x10;
	s22 =	simm.s32 $0x80  }
0xfb: {  	s22 =	sand.u32 $0x1C00, s22;
	s21 =	sand.u32 $0x70, s26  }
0xfc: {  	s21 =	sor.u32 s21, s22  }
0xfd: {  	v7 =	vmul.f32 v5, v3;
	v8 =	vmul.f32 v6, v4;
	v5 =	vld [tilespmem:s21+$0x5C00]  }
0xfe: {  	v6 =	vld [tilespmem:s21+$0x5C80]  }
0xff: {  	s23 =	simm.s32 $0x100;
	s22 =	simm.s32 $0x20;
	v7 =	vadd.f32 v8, v7  }
.LBB2_14:
0x100: {  	s24 =	sand.u32 $0x70, s22  }
0x101: {  	s25 =	sand.u32 $0x1C00, s23;
	[tilespmem:s20+$0x10500] =	vst v7;
	s20 =	smov.u32 s21;
	p0 =	sne.s32 s22, $0x2F0  }
.Ltmp6:
0x102: {  	s22 =	sadd.s32 $0x10, s22;
	s21 =	sor.u32 s24, s25;
	(pc) =	sbr.rel @p0 .LBB2_14-.Ltmp6, $4  }
0x103: {  	v7 =	vmul.f32 v5, v3;
	v5 =	vld [tilespmem:s21+$0x5C00];
	v8 =	vmul.f32 v6, v4  }
0x104: {  	v6 =	vld [tilespmem:s21+$0x5C80]  }
0x105: {  	v7 =	vadd.f32 v8, v7  }
0x106: {  	s23 =	sadd.s32 $0x80, s23  }
0x107: {  	_ =	sdelay $0x1  }
0x108: {  	v3 =	vmul.f32 v5, v3;
	v4 =	vmul.f32 v6, v4;
	_ =	sdelay $0x1  }
0x109: {  	v3 =	vadd.f32 v4, v3  }
0x10a: {  	[tilespmem:s20+$0x10500] =	vst v7  }
0x10b: {  	s20 =	simm.s32 $0x0;
	[tilespmem:s21+$0x10500] =	vst v3  }
0x10c: {  	s26 =	sand.u32 $0x70, s20;
	s22 =	sand.u32 $0x1C00, s20;
	v3 =	vld [tilespmem:$0x900]  }
0x10d: {  	s23 =	sor.u32 s26, s22;
	s22 =	simm.s32 $0x10;
	s21 =	simm.s32 $0x0;
	v4 =	vld [tilespmem:$0x980]  }
.LBB2_16:
0x10e: {  	p0 =	sne.s32 s22, $0x2F0;
	v5 =	vld [tilespmem:s23+$0x5D00]  }
0x10f: {  	v6 =	vld [tilespmem:s23+$0x5D80];
	_ =	sdelay $0x4  }
.Ltmp7:
0x110: {  	v5 =	vmul.f32 v5, v3;
	v6 =	vmul.f32 v6, v4;
	(pc) =	sbr.rel @p0 .LBB2_16-.Ltmp7, $4  }
0x111: {  	_ = 	snop  }
0x112: {  	s23 =	sor.u32 s21, s20;
	s21 =	sadd.s32 $0x80, s21;
	s20 =	smov.u32 s22;
	v5 =	vadd.f32 v6, v5  }
0x113: {  	s24 =	sand.u32 $0x70, s22;
	s25 =	sand.u32 $0x1C00, s21;
	s26 =	sor.u32 $0x380, s23  }
0x114: {  	s22 =	sadd.s32 $0x10, s22;
	s23 =	sor.u32 s24, s25;
	[tilespmem:s26+$0x10200] =	vst v5  }
0x115: {  	v5 =	vld [tilespmem:s23+$0x5D00]  }
0x116: {  	v6 =	vld [tilespmem:s23+$0x5D80];
	_ =	sdelay $0x4  }
0x117: {  	v3 =	vmul.f32 v5, v3;
	v4 =	vmul.f32 v6, v4;
	_ =	sdelay $0x1  }
0x118: {  	s20 =	sor.u32 s21, s20;
	v3 =	vadd.f32 v4, v3  }
0x119: {  	s20 =	sor.u32 $0x380, s20  }
0x11a: {  	s24 =	simm.s32 $0x0;
	[tilespmem:s20+$0x10200] =	vst v3  }
0x11b: {  	s25 =	sand.u32 $0x70, s24;
	s20 =	sand.u32 $0x1C00, s24;
	v3 =	vld [tilespmem:$0xA00]  }
0x11c: {  	v4 =	vld [tilespmem:$0xA80];
	s20 =	sor.u32 s25, s20  }
0x11d: {  	v5 =	vld [tilespmem:s20+$0x7200]  }
0x11e: {  	v6 =	vld [tilespmem:s20+$0x7280];
	_ =	sdelay $0x1  }
0x11f: {  	s26 =	simm.s32 $0x10;
	s22 =	simm.s32 $0x80  }
0x120: {  	s21 =	sand.u32 $0x70, s26;
	s22 =	sand.u32 $0x1C00, s22  }
0x121: {  	s21 =	sor.u32 s21, s22  }
0x122: {  	v7 =	vmul.f32 v5, v3;
	v8 =	vmul.f32 v6, v4;
	v5 =	vld [tilespmem:s21+$0x7200]  }
0x123: {  	v6 =	vld [tilespmem:s21+$0x7280]  }
0x124: {  	s23 =	simm.s32 $0x100;
	s22 =	simm.s32 $0x20;
	v7 =	vadd.f32 v8, v7  }
.LBB2_18:
0x125: {  	s24 =	sand.u32 $0x70, s22  }
0x126: {  	s25 =	sand.u32 $0x1C00, s23;
	[tilespmem:s20+$0x11A00] =	vst v7;
	s20 =	smov.u32 s21;
	p0 =	sne.s32 s22, $0x2F0  }
.Ltmp8:
0x127: {  	s22 =	sadd.s32 $0x10, s22;
	s21 =	sor.u32 s24, s25;
	(pc) =	sbr.rel @p0 .LBB2_18-.Ltmp8, $4  }
0x128: {  	v7 =	vmul.f32 v5, v3;
	v5 =	vld [tilespmem:s21+$0x7200];
	v8 =	vmul.f32 v6, v4  }
0x129: {  	v6 =	vld [tilespmem:s21+$0x7280]  }
0x12a: {  	v7 =	vadd.f32 v8, v7  }
0x12b: {  	s23 =	sadd.s32 $0x80, s23  }
0x12c: {  	_ =	sdelay $0x1  }
0x12d: {  	v3 =	vmul.f32 v5, v3;
	v4 =	vmul.f32 v6, v4;
	_ =	sdelay $0x1  }
0x12e: {  	v3 =	vadd.f32 v4, v3  }
0x12f: {  	[tilespmem:s20+$0x11A00] =	vst v7  }
0x130: {  	s24 =	simm.s32 $0x0;
	[tilespmem:s21+$0x11A00] =	vst v3  }
0x131: {  	s25 =	sand.u32 $0x70, s24;
	s20 =	sand.u32 $0x1C00, s24;
	v3 =	vld [tilespmem:$0xB00]  }
0x132: {  	s20 =	sor.u32 s25, s20;
	v4 =	vld [tilespmem:$0xB80]  }
0x133: {  	v5 =	vld [tilespmem:s20+$0x7300]  }
0x134: {  	v6 =	vld [tilespmem:s20+$0x7380];
	_ =	sdelay $0x1  }
0x135: {  	s26 =	simm.s32 $0x10;
	s22 =	simm.s32 $0x80  }
0x136: {  	s22 =	sand.u32 $0x1C00, s22;
	s21 =	sand.u32 $0x70, s26  }
0x137: {  	s21 =	sor.u32 s21, s22  }
0x138: {  	v7 =	vmul.f32 v5, v3;
	v8 =	vmul.f32 v6, v4;
	v5 =	vld [tilespmem:s21+$0x7300]  }
0x139: {  	v6 =	vld [tilespmem:s21+$0x7380]  }
0x13a: {  	s23 =	simm.s32 $0x100;
	s22 =	simm.s32 $0x20;
	v7 =	vadd.f32 v8, v7  }
.LBB2_20:
0x13b: {  	s24 =	sand.u32 $0x70, s22  }
0x13c: {  	s25 =	sand.u32 $0x1C00, s23;
	[tilespmem:s20+$0x11A80] =	vst v7;
	s20 =	smov.u32 s21;
	p0 =	sne.s32 s22, $0x2F0  }
.Ltmp9:
0x13d: {  	s22 =	sadd.s32 $0x10, s22;
	s21 =	sor.u32 s24, s25;
	(pc) =	sbr.rel @p0 .LBB2_20-.Ltmp9, $4  }
0x13e: {  	v7 =	vmul.f32 v5, v3;
	v5 =	vld [tilespmem:s21+$0x7300];
	v8 =	vmul.f32 v6, v4  }
0x13f: {  	v6 =	vld [tilespmem:s21+$0x7380]  }
0x140: {  	v7 =	vadd.f32 v8, v7  }
0x141: {  	s23 =	sadd.s32 $0x80, s23  }
0x142: {  	_ =	sdelay $0x1  }
0x143: {  	v3 =	vmul.f32 v5, v3;
	v4 =	vmul.f32 v6, v4;
	_ =	sdelay $0x1  }
0x144: {  	v3 =	vadd.f32 v4, v3  }
0x145: {  	[tilespmem:s20+$0x11A80] =	vst v7  }
0x146: {  	s24 =	simm.s32 $0x0;
	[tilespmem:s21+$0x11A80] =	vst v3  }
0x147: {  	s25 =	sand.u32 $0x70, s24;
	s20 =	sand.u32 $0x1C00, s24;
	v3 =	vld [tilespmem:$0xC00]  }
0x148: {  	s20 =	sor.u32 s25, s20;
	v4 =	vld [tilespmem:$0xC80]  }
0x149: {  	v5 =	vld [tilespmem:s20+$0x7400]  }
0x14a: {  	v6 =	vld [tilespmem:s20+$0x7480];
	_ =	sdelay $0x1  }
0x14b: {  	s26 =	simm.s32 $0x10;
	s22 =	simm.s32 $0x80  }
0x14c: {  	s22 =	sand.u32 $0x1C00, s22;
	s21 =	sand.u32 $0x70, s26  }
0x14d: {  	s21 =	sor.u32 s21, s22  }
0x14e: {  	v7 =	vmul.f32 v5, v3;
	v8 =	vmul.f32 v6, v4;
	v5 =	vld [tilespmem:s21+$0x7400]  }
0x14f: {  	v6 =	vld [tilespmem:s21+$0x7480]  }
0x150: {  	s23 =	simm.s32 $0x100;
	s22 =	simm.s32 $0x20;
	v7 =	vadd.f32 v8, v7  }
.LBB2_22:
0x151: {  	s24 =	sand.u32 $0x70, s22  }
0x152: {  	s25 =	sand.u32 $0x1C00, s23;
	[tilespmem:s20+$0x11B00] =	vst v7;
	s20 =	smov.u32 s21;
	p0 =	sne.s32 s22, $0x2F0  }
.Ltmp10:
0x153: {  	s22 =	sadd.s32 $0x10, s22;
	s21 =	sor.u32 s24, s25;
	(pc) =	sbr.rel @p0 .LBB2_22-.Ltmp10, $4  }
0x154: {  	v7 =	vmul.f32 v5, v3;
	v5 =	vld [tilespmem:s21+$0x7400];
	v8 =	vmul.f32 v6, v4  }
0x155: {  	v6 =	vld [tilespmem:s21+$0x7480]  }
0x156: {  	v7 =	vadd.f32 v8, v7  }
0x157: {  	s23 =	sadd.s32 $0x80, s23  }
0x158: {  	_ =	sdelay $0x1  }
0x159: {  	v3 =	vmul.f32 v5, v3;
	v4 =	vmul.f32 v6, v4;
	_ =	sdelay $0x1  }
0x15a: {  	v3 =	vadd.f32 v4, v3  }
0x15b: {  	[tilespmem:s20+$0x11B00] =	vst v7  }
0x15c: {  	s24 =	simm.s32 $0x0;
	[tilespmem:s21+$0x11B00] =	vst v3  }
0x15d: {  	s25 =	sand.u32 $0x70, s24;
	s20 =	sand.u32 $0x1C00, s24;
	v3 =	vld [tilespmem:$0xD00]  }
0x15e: {  	s20 =	sor.u32 s25, s20;
	v4 =	vld [tilespmem:$0xD80]  }
0x15f: {  	v5 =	vld [tilespmem:s20+$0x7500]  }
0x160: {  	v6 =	vld [tilespmem:s20+$0x7580];
	_ =	sdelay $0x1  }
0x161: {  	s26 =	simm.s32 $0x10;
	s22 =	simm.s32 $0x80  }
0x162: {  	s22 =	sand.u32 $0x1C00, s22;
	s21 =	sand.u32 $0x70, s26  }
0x163: {  	s21 =	sor.u32 s21, s22  }
0x164: {  	v7 =	vmul.f32 v5, v3;
	v8 =	vmul.f32 v6, v4;
	v5 =	vld [tilespmem:s21+$0x7500]  }
0x165: {  	v6 =	vld [tilespmem:s21+$0x7580]  }
0x166: {  	s23 =	simm.s32 $0x100;
	s22 =	simm.s32 $0x20;
	v7 =	vadd.f32 v8, v7  }
.LBB2_24:
0x167: {  	s24 =	sand.u32 $0x70, s22  }
0x168: {  	s25 =	sand.u32 $0x1C00, s23;
	[tilespmem:s20+$0x11B80] =	vst v7;
	s20 =	smov.u32 s21;
	p0 =	sne.s32 s22, $0x2F0  }
.Ltmp11:
0x169: {  	s22 =	sadd.s32 $0x10, s22;
	s21 =	sor.u32 s24, s25;
	(pc) =	sbr.rel @p0 .LBB2_24-.Ltmp11, $4  }
0x16a: {  	v7 =	vmul.f32 v5, v3;
	v5 =	vld [tilespmem:s21+$0x7500];
	v8 =	vmul.f32 v6, v4  }
0x16b: {  	v6 =	vld [tilespmem:s21+$0x7580]  }
0x16c: {  	v7 =	vadd.f32 v8, v7  }
0x16d: {  	s23 =	sadd.s32 $0x80, s23  }
0x16e: {  	_ =	sdelay $0x1  }
0x16f: {  	v3 =	vmul.f32 v5, v3;
	v4 =	vmul.f32 v6, v4;
	_ =	sdelay $0x1  }
0x170: {  	v3 =	vadd.f32 v4, v3  }
0x171: {  	[tilespmem:s20+$0x11B80] =	vst v7  }
0x172: {  	s24 =	simm.s32 $0x0;
	[tilespmem:s21+$0x11B80] =	vst v3  }
0x173: {  	s25 =	sand.u32 $0x70, s24;
	s20 =	sand.u32 $0x1C00, s24;
	v3 =	vld [tilespmem:$0xE00]  }
0x174: {  	s20 =	sor.u32 s25, s20;
	v4 =	vld [tilespmem:$0xE80]  }
0x175: {  	v5 =	vld [tilespmem:s20+$0x8A00]  }
0x176: {  	v6 =	vld [tilespmem:s20+$0x8A80];
	_ =	sdelay $0x1  }
0x177: {  	s26 =	simm.s32 $0x10;
	s22 =	simm.s32 $0x80  }
0x178: {  	s22 =	sand.u32 $0x1C00, s22;
	s21 =	sand.u32 $0x70, s26  }
0x179: {  	s21 =	sor.u32 s21, s22  }
0x17a: {  	v7 =	vmul.f32 v5, v3;
	v8 =	vmul.f32 v6, v4;
	v5 =	vld [tilespmem:s21+$0x8A00]  }
0x17b: {  	v6 =	vld [tilespmem:s21+$0x8A80]  }
0x17c: {  	s23 =	simm.s32 $0x100;
	s22 =	simm.s32 $0x20;
	v7 =	vadd.f32 v8, v7  }
.LBB2_26:
0x17d: {  	s24 =	sand.u32 $0x70, s22  }
0x17e: {  	s25 =	sand.u32 $0x1C00, s23;
	[tilespmem:s20+$0x11C00] =	vst v7;
	s20 =	smov.u32 s21;
	p0 =	sne.s32 s22, $0x2F0  }
.Ltmp12:
0x17f: {  	s22 =	sadd.s32 $0x10, s22;
	s21 =	sor.u32 s24, s25;
	(pc) =	sbr.rel @p0 .LBB2_26-.Ltmp12, $4  }
0x180: {  	v7 =	vmul.f32 v5, v3;
	v5 =	vld [tilespmem:s21+$0x8A00];
	v8 =	vmul.f32 v6, v4  }
0x181: {  	v6 =	vld [tilespmem:s21+$0x8A80]  }
0x182: {  	v7 =	vadd.f32 v8, v7  }
0x183: {  	s23 =	sadd.s32 $0x80, s23  }
0x184: {  	_ =	sdelay $0x1  }
0x185: {  	v3 =	vmul.f32 v5, v3;
	v4 =	vmul.f32 v6, v4;
	_ =	sdelay $0x1  }
0x186: {  	v3 =	vadd.f32 v4, v3  }
0x187: {  	[tilespmem:s20+$0x11C00] =	vst v7  }
0x188: {  	s24 =	simm.s32 $0x0;
	[tilespmem:s21+$0x11C00] =	vst v3  }
0x189: {  	s25 =	sand.u32 $0x70, s24;
	s20 =	sand.u32 $0x1C00, s24;
	v3 =	vld [tilespmem:$0xF00]  }
0x18a: {  	s20 =	sor.u32 s25, s20;
	v4 =	vld [tilespmem:$0xF80]  }
0x18b: {  	v5 =	vld [tilespmem:s20+$0x8B00]  }
0x18c: {  	v6 =	vld [tilespmem:s20+$0x8B80];
	_ =	sdelay $0x1  }
0x18d: {  	s26 =	simm.s32 $0x10;
	s22 =	simm.s32 $0x80  }
0x18e: {  	s22 =	sand.u32 $0x1C00, s22;
	s21 =	sand.u32 $0x70, s26  }
0x18f: {  	s21 =	sor.u32 s21, s22  }
0x190: {  	v7 =	vmul.f32 v5, v3;
	v8 =	vmul.f32 v6, v4;
	v5 =	vld [tilespmem:s21+$0x8B00]  }
0x191: {  	v6 =	vld [tilespmem:s21+$0x8B80]  }
0x192: {  	s23 =	simm.s32 $0x100;
	s22 =	simm.s32 $0x20;
	v7 =	vadd.f32 v8, v7  }
.LBB2_28:
0x193: {  	s24 =	sand.u32 $0x70, s22  }
0x194: {  	s25 =	sand.u32 $0x1C00, s23;
	[tilespmem:s20+$0x11C80] =	vst v7;
	s20 =	smov.u32 s21;
	p0 =	sne.s32 s22, $0x2F0  }
.Ltmp13:
0x195: {  	s22 =	sadd.s32 $0x10, s22;
	s21 =	sor.u32 s24, s25;
	(pc) =	sbr.rel @p0 .LBB2_28-.Ltmp13, $4  }
0x196: {  	v7 =	vmul.f32 v5, v3;
	v5 =	vld [tilespmem:s21+$0x8B00];
	v8 =	vmul.f32 v6, v4  }
0x197: {  	v6 =	vld [tilespmem:s21+$0x8B80]  }
0x198: {  	v7 =	vadd.f32 v8, v7  }
0x199: {  	s23 =	sadd.s32 $0x80, s23  }
0x19a: {  	_ =	sdelay $0x1  }
0x19b: {  	v3 =	vmul.f32 v5, v3;
	v4 =	vmul.f32 v6, v4;
	_ =	sdelay $0x1  }
0x19c: {  	v3 =	vadd.f32 v4, v3  }
0x19d: {  	[tilespmem:s20+$0x11C80] =	vst v7  }
0x19e: {  	s24 =	simm.s32 $0x0;
	[tilespmem:s21+$0x11C80] =	vst v3  }
0x19f: {  	s25 =	sand.u32 $0x70, s24;
	s20 =	sand.u32 $0x1C00, s24;
	v3 =	vld [tilespmem:$0x1000]  }
0x1a0: {  	s20 =	sor.u32 s25, s20;
	v4 =	vld [tilespmem:$0x1080]  }
0x1a1: {  	v5 =	vld [tilespmem:s20+$0x8C00]  }
0x1a2: {  	v6 =	vld [tilespmem:s20+$0x8C80];
	_ =	sdelay $0x1  }
0x1a3: {  	s26 =	simm.s32 $0x10;
	s22 =	simm.s32 $0x80  }
0x1a4: {  	s22 =	sand.u32 $0x1C00, s22;
	s21 =	sand.u32 $0x70, s26  }
0x1a5: {  	s21 =	sor.u32 s21, s22  }
0x1a6: {  	v7 =	vmul.f32 v5, v3;
	v8 =	vmul.f32 v6, v4;
	v5 =	vld [tilespmem:s21+$0x8C00]  }
0x1a7: {  	v6 =	vld [tilespmem:s21+$0x8C80]  }
0x1a8: {  	s23 =	simm.s32 $0x100;
	s22 =	simm.s32 $0x20;
	v7 =	vadd.f32 v8, v7  }
.LBB2_30:
0x1a9: {  	s24 =	sand.u32 $0x70, s22  }
0x1aa: {  	s25 =	sand.u32 $0x1C00, s23;
	[tilespmem:s20+$0x11D00] =	vst v7;
	s20 =	smov.u32 s21;
	p0 =	sne.s32 s22, $0x2F0  }
.Ltmp14:
0x1ab: {  	s22 =	sadd.s32 $0x10, s22;
	s21 =	sor.u32 s24, s25;
	(pc) =	sbr.rel @p0 .LBB2_30-.Ltmp14, $4  }
0x1ac: {  	v7 =	vmul.f32 v5, v3;
	v5 =	vld [tilespmem:s21+$0x8C00];
	v8 =	vmul.f32 v6, v4  }
0x1ad: {  	v6 =	vld [tilespmem:s21+$0x8C80]  }
0x1ae: {  	v7 =	vadd.f32 v8, v7  }
0x1af: {  	s23 =	sadd.s32 $0x80, s23  }
0x1b0: {  	_ =	sdelay $0x1  }
0x1b1: {  	v3 =	vmul.f32 v5, v3;
	v4 =	vmul.f32 v6, v4;
	_ =	sdelay $0x1  }
0x1b2: {  	v3 =	vadd.f32 v4, v3  }
0x1b3: {  	[tilespmem:s20+$0x11D00] =	vst v7  }
0x1b4: {  	s24 =	simm.s32 $0x0;
	[tilespmem:s21+$0x11D00] =	vst v3  }
0x1b5: {  	s25 =	sand.u32 $0x70, s24;
	s20 =	sand.u32 $0x1C00, s24;
	v3 =	vld [tilespmem:$0x1100]  }
0x1b6: {  	s20 =	sor.u32 s25, s20;
	v4 =	vld [tilespmem:$0x1180]  }
0x1b7: {  	v5 =	vld [tilespmem:s20+$0x8D00]  }
0x1b8: {  	v6 =	vld [tilespmem:s20+$0x8D80];
	_ =	sdelay $0x1  }
0x1b9: {  	s26 =	simm.s32 $0x10;
	s22 =	simm.s32 $0x80  }
0x1ba: {  	s22 =	sand.u32 $0x1C00, s22;
	s21 =	sand.u32 $0x70, s26  }
0x1bb: {  	s21 =	sor.u32 s21, s22  }
0x1bc: {  	v7 =	vmul.f32 v5, v3;
	v8 =	vmul.f32 v6, v4;
	v5 =	vld [tilespmem:s21+$0x8D00]  }
0x1bd: {  	v6 =	vld [tilespmem:s21+$0x8D80]  }
0x1be: {  	s23 =	simm.s32 $0x100;
	s22 =	simm.s32 $0x20;
	v7 =	vadd.f32 v8, v7  }
.LBB2_32:
0x1bf: {  	s24 =	sand.u32 $0x70, s22  }
0x1c0: {  	s25 =	sand.u32 $0x1C00, s23;
	[tilespmem:s20+$0x11D80] =	vst v7;
	s20 =	smov.u32 s21;
	p0 =	sne.s32 s22, $0x2F0  }
.Ltmp15:
0x1c1: {  	s22 =	sadd.s32 $0x10, s22;
	s21 =	sor.u32 s24, s25;
	(pc) =	sbr.rel @p0 .LBB2_32-.Ltmp15, $4  }
0x1c2: {  	v7 =	vmul.f32 v5, v3;
	v5 =	vld [tilespmem:s21+$0x8D00];
	v8 =	vmul.f32 v6, v4  }
0x1c3: {  	v6 =	vld [tilespmem:s21+$0x8D80]  }
0x1c4: {  	v7 =	vadd.f32 v8, v7  }
0x1c5: {  	s23 =	sadd.s32 $0x80, s23  }
0x1c6: {  	_ =	sdelay $0x1  }
0x1c7: {  	v3 =	vmul.f32 v5, v3;
	v4 =	vmul.f32 v6, v4;
	_ =	sdelay $0x1  }
0x1c8: {  	v3 =	vadd.f32 v4, v3  }
0x1c9: {  	[tilespmem:s20+$0x11D80] =	vst v7  }
0x1ca: {  	[tilespmem:s21+$0x11D80] =	vst v3  }
0x1cb: {  	v3 =	vld [tilespmem:$0x100];
	_ =	sdelay $0x4  }
0x1cc: {  	v4 =	vshrl.u32 v3, $0x3  }
0x1cd: {  	v4 =	vmul.u32 $0x30, v4  }
0x1ce: {  	v3 =	vand.u32 $0x7, v3  }
0x1cf: {  	v3 =	vor.u32 v3, v4  }
0x1d0: {  	v4 =	vperm.xlane v3, v0;
	_ =	sdelay $0x1  }
0x1d1: {  	v4 =	vadd.s32 v1, v4;
	_ =	sdelay $0x3  }
0x1d2: {  	s20 =	simm.s32 $0x0;
	s23 =	simm.s32 $0x4200;
	v3 =	vperm.xlane v3, v2  }
0x1d3: {  	[tilespmem:s23], [sflag:$0x1] =	stream.indirect_vreg.gather [hbm4b:s3+s20], $0x80, v4, vm0, $0xb8;
	[tilespmem:$0x16200] =	vst v63  }
0x1d4: {  	s24 =	simm.s32 $0x4A00;
	v3 =	vadd.s32 v1, v3  }
0x1d5: {  	[tilespmem:s24], [sflag:$0x1] =	stream.indirect_vreg.gather [hbm4b:s9+s20], $0x80, v4, vm0, $0xb8;
	[tilespmem:$0x16200] =	vst v63  }
0x1d6: {  	s25 =	simm.s32 $0x5200  }
0x1d7: {  	[tilespmem:s25], [sflag:$0x1] =	stream.indirect_vreg.gather [hbm4b:s11+s20], $0x80, v4, vm0, $0xb8;
	[tilespmem:$0x16200] =	vst v63  }
0x1d8: {  	s26 =	simm.s32 $0x5A00  }
0x1d9: {  	[tilespmem:s26], [sflag:$0x1] =	stream.indirect_vreg.gather [hbm4b:s3+s20], $0x80, v3, vm0, $0xb8;
	[tilespmem:$0x16200] =	vst v63  }
0x1da: {  	s22 =	simm.s32 $0x6200  }
0x1db: {  	[tilespmem:s22], [sflag:$0x1] =	stream.indirect_vreg.gather [hbm4b:s9+s20], $0x80, v3, vm0, $0xb8;
	[tilespmem:$0x16200] =	vst v63  }
0x1dc: {  	s23 =	simm.s32 $0x6A00  }
0x1dd: {  	[tilespmem:s23], [sflag:$0x1] =	stream.indirect_vreg.gather [hbm4b:s11+s20], $0x80, v3, vm0, $0xb8;
	[tilespmem:$0x16200] =	vst v63  }
0x1de: {  	v3 =	vld [tilespmem:$0x110];
	_ =	sdelay $0x4  }
0x1df: {  	v4 =	vshrl.u32 v3, $0x3  }
0x1e0: {  	v4 =	vmul.u32 $0x30, v4  }
0x1e1: {  	v3 =	vand.u32 $0x7, v3  }
0x1e2: {  	v3 =	vor.u32 v3, v4  }
0x1e3: {  	v4 =	vperm.xlane v3, v0;
	_ =	sdelay $0x1  }
0x1e4: {  	v4 =	vadd.s32 v1, v4;
	_ =	sdelay $0x3  }
0x1e5: {  	s24 =	simm.s32 $0x7200;
	v3 =	vperm.xlane v3, v2  }
0x1e6: {  	[tilespmem:s24], [sflag:$0x1] =	stream.indirect_vreg.gather [hbm4b:s3+s20], $0x80, v4, vm0, $0xb8;
	[tilespmem:$0x16200] =	vst v63  }
0x1e7: {  	s25 =	simm.s32 $0x7A00;
	v3 =	vadd.s32 v1, v3  }
0x1e8: {  	[tilespmem:s25], [sflag:$0x1] =	stream.indirect_vreg.gather [hbm4b:s9+s20], $0x80, v4, vm0, $0xb8;
	[tilespmem:$0x16200] =	vst v63  }
0x1e9: {  	s26 =	simm.s32 $0x8200  }
0x1ea: {  	[tilespmem:s26], [sflag:$0x1] =	stream.indirect_vreg.gather [hbm4b:s11+s20], $0x80, v4, vm0, $0xb8;
	[tilespmem:$0x16200] =	vst v63  }
0x1eb: {  	s22 =	simm.s32 $0x8A00  }
0x1ec: {  	[tilespmem:s22], [sflag:$0x1] =	stream.indirect_vreg.gather [hbm4b:s3+s20], $0x80, v3, vm0, $0xb8;
	[tilespmem:$0x16200] =	vst v63  }
0x1ed: {  	s23 =	simm.s32 $0x9200  }
0x1ee: {  	[tilespmem:s23], [sflag:$0x1] =	stream.indirect_vreg.gather [hbm4b:s9+s20], $0x80, v3, vm0, $0xb8;
	[tilespmem:$0x16200] =	vst v63  }
0x1ef: {  	s24 =	simm.s32 $0x9A00  }
0x1f0: {  	[tilespmem:s24], [sflag:$0x1] =	stream.indirect_vreg.gather [hbm4b:s11+s20], $0x80, v3, vm0, $0xb8;
	[tilespmem:$0x16200] =	vst v63  }
0x1f1: {  	_ = 	snop  }
0x1f2: {  	[hbm4b:s10+s20] =	stream.linear.scatter [tilespmem:s31], [sflag:$0x3], $0x3000, $0x38;
	[tilespmem:$0x16200] =	vst v63  }
0x1f3: {  	_ =	swait.ge [sflag:s0], $0x6000  }
0x1f4: {  	[sflag:s0] =	ssyncset.done $0x0  }
0x1f5: {  	[sflag:s0] =	ssyncadd.s32 $0xFFFFA000  }
0x1f6: {  	s25 =	sand.u32 $0x70, s20;
	s20 =	sand.u32 $0x1C00, s20;
	v3 =	vld [tilespmem:$0x1200]  }
0x1f7: {  	s20 =	sor.u32 s25, s20;
	v4 =	vld [tilespmem:$0x1280]  }
0x1f8: {  	v5 =	vld [tilespmem:s20+$0xA200]  }
0x1f9: {  	v6 =	vld [tilespmem:s20+$0xA280];
	_ =	sdelay $0x1  }
0x1fa: {  	s26 =	simm.s32 $0x10;
	s22 =	simm.s32 $0x80  }
0x1fb: {  	s21 =	sand.u32 $0x70, s26;
	s22 =	sand.u32 $0x1C00, s22  }
0x1fc: {  	s21 =	sor.u32 s21, s22  }
0x1fd: {  	v7 =	vmul.f32 v5, v3;
	v8 =	vmul.f32 v6, v4;
	v5 =	vld [tilespmem:s21+$0xA200]  }
0x1fe: {  	v6 =	vld [tilespmem:s21+$0xA280]  }
0x1ff: {  	s22 =	simm.s32 $0x20;
	s23 =	simm.s32 $0x100;
	v7 =	vadd.f32 v8, v7  }
.LBB2_34:
0x200: {  	s24 =	sand.u32 $0x70, s22  }
0x201: {  	s25 =	sand.u32 $0x1C00, s23;
	[tilespmem:s20+$0x13200] =	vst v7;
	s20 =	smov.u32 s21;
	p0 =	sne.s32 s22, $0x2F0  }
.Ltmp16:
0x202: {  	s22 =	sadd.s32 $0x10, s22;
	s21 =	sor.u32 s24, s25;
	(pc) =	sbr.rel @p0 .LBB2_34-.Ltmp16, $4  }
0x203: {  	v7 =	vmul.f32 v5, v3;
	v5 =	vld [tilespmem:s21+$0xA200];
	v8 =	vmul.f32 v6, v4  }
0x204: {  	v6 =	vld [tilespmem:s21+$0xA280]  }
0x205: {  	v7 =	vadd.f32 v8, v7  }
0x206: {  	s23 =	sadd.s32 $0x80, s23  }
0x207: {  	_ =	sdelay $0x1  }
0x208: {  	v3 =	vmul.f32 v5, v3;
	v4 =	vmul.f32 v6, v4;
	_ =	sdelay $0x1  }
0x209: {  	v3 =	vadd.f32 v4, v3  }
0x20a: {  	[tilespmem:s20+$0x13200] =	vst v7  }
0x20b: {  	s24 =	simm.s32 $0x0;
	[tilespmem:s21+$0x13200] =	vst v3  }
0x20c: {  	s25 =	sand.u32 $0x70, s24;
	s20 =	sand.u32 $0x1C00, s24;
	v3 =	vld [tilespmem:$0x1300]  }
0x20d: {  	s20 =	sor.u32 s25, s20;
	v4 =	vld [tilespmem:$0x1380]  }
0x20e: {  	v5 =	vld [tilespmem:s20+$0xA300]  }
0x20f: {  	v6 =	vld [tilespmem:s20+$0xA380];
	_ =	sdelay $0x1  }
0x210: {  	s26 =	simm.s32 $0x10;
	s22 =	simm.s32 $0x80  }
0x211: {  	s22 =	sand.u32 $0x1C00, s22;
	s21 =	sand.u32 $0x70, s26  }
0x212: {  	s21 =	sor.u32 s21, s22  }
0x213: {  	v7 =	vmul.f32 v5, v3;
	v8 =	vmul.f32 v6, v4;
	v5 =	vld [tilespmem:s21+$0xA300]  }
0x214: {  	v6 =	vld [tilespmem:s21+$0xA380]  }
0x215: {  	s23 =	simm.s32 $0x100;
	s22 =	simm.s32 $0x20;
	v7 =	vadd.f32 v8, v7  }
.LBB2_36:
0x216: {  	s24 =	sand.u32 $0x70, s22  }
0x217: {  	s25 =	sand.u32 $0x1C00, s23;
	[tilespmem:s20+$0x13280] =	vst v7;
	s20 =	smov.u32 s21;
	p0 =	sne.s32 s22, $0x2F0  }
.Ltmp17:
0x218: {  	s22 =	sadd.s32 $0x10, s22;
	s21 =	sor.u32 s24, s25;
	(pc) =	sbr.rel @p0 .LBB2_36-.Ltmp17, $4  }
0x219: {  	v7 =	vmul.f32 v5, v3;
	v5 =	vld [tilespmem:s21+$0xA300];
	v8 =	vmul.f32 v6, v4  }
0x21a: {  	v6 =	vld [tilespmem:s21+$0xA380]  }
0x21b: {  	v7 =	vadd.f32 v8, v7  }
0x21c: {  	s23 =	sadd.s32 $0x80, s23  }
0x21d: {  	_ =	sdelay $0x1  }
0x21e: {  	v3 =	vmul.f32 v5, v3;
	v4 =	vmul.f32 v6, v4;
	_ =	sdelay $0x1  }
0x21f: {  	v3 =	vadd.f32 v4, v3  }
0x220: {  	[tilespmem:s20+$0x13280] =	vst v7  }
0x221: {  	s24 =	simm.s32 $0x0;
	[tilespmem:s21+$0x13280] =	vst v3  }
0x222: {  	s25 =	sand.u32 $0x70, s24;
	s20 =	sand.u32 $0x1C00, s24;
	v3 =	vld [tilespmem:$0x1400]  }
0x223: {  	s20 =	sor.u32 s25, s20;
	v4 =	vld [tilespmem:$0x1480]  }
0x224: {  	v5 =	vld [tilespmem:s20+$0xA400]  }
0x225: {  	v6 =	vld [tilespmem:s20+$0xA480];
	_ =	sdelay $0x1  }
0x226: {  	s26 =	simm.s32 $0x10;
	s22 =	simm.s32 $0x80  }
0x227: {  	s22 =	sand.u32 $0x1C00, s22;
	s21 =	sand.u32 $0x70, s26  }
0x228: {  	s21 =	sor.u32 s21, s22  }
0x229: {  	v7 =	vmul.f32 v5, v3;
	v8 =	vmul.f32 v6, v4;
	v5 =	vld [tilespmem:s21+$0xA400]  }
0x22a: {  	v6 =	vld [tilespmem:s21+$0xA480]  }
0x22b: {  	s23 =	simm.s32 $0x100;
	s22 =	simm.s32 $0x20;
	v7 =	vadd.f32 v8, v7  }
.LBB2_38:
0x22c: {  	s24 =	sand.u32 $0x70, s22  }
0x22d: {  	s25 =	sand.u32 $0x1C00, s23;
	[tilespmem:s20+$0x13300] =	vst v7;
	s20 =	smov.u32 s21;
	p0 =	sne.s32 s22, $0x2F0  }
.Ltmp18:
0x22e: {  	s22 =	sadd.s32 $0x10, s22;
	s21 =	sor.u32 s24, s25;
	(pc) =	sbr.rel @p0 .LBB2_38-.Ltmp18, $4  }
0x22f: {  	v7 =	vmul.f32 v5, v3;
	v5 =	vld [tilespmem:s21+$0xA400];
	v8 =	vmul.f32 v6, v4  }
0x230: {  	v6 =	vld [tilespmem:s21+$0xA480]  }
0x231: {  	v7 =	vadd.f32 v8, v7  }
0x232: {  	s23 =	sadd.s32 $0x80, s23  }
0x233: {  	_ =	sdelay $0x1  }
0x234: {  	v3 =	vmul.f32 v5, v3;
	v4 =	vmul.f32 v6, v4;
	_ =	sdelay $0x1  }
0x235: {  	v3 =	vadd.f32 v4, v3  }
0x236: {  	[tilespmem:s20+$0x13300] =	vst v7  }
0x237: {  	s24 =	simm.s32 $0x0;
	[tilespmem:s21+$0x13300] =	vst v3  }
0x238: {  	s25 =	sand.u32 $0x70, s24;
	s20 =	sand.u32 $0x1C00, s24;
	v3 =	vld [tilespmem:$0x1500]  }
0x239: {  	s20 =	sor.u32 s25, s20;
	v4 =	vld [tilespmem:$0x1580]  }
0x23a: {  	v5 =	vld [tilespmem:s20+$0xA500]  }
0x23b: {  	v6 =	vld [tilespmem:s20+$0xA580];
	_ =	sdelay $0x1  }
0x23c: {  	s26 =	simm.s32 $0x10;
	s22 =	simm.s32 $0x80  }
0x23d: {  	s22 =	sand.u32 $0x1C00, s22;
	s21 =	sand.u32 $0x70, s26  }
0x23e: {  	s21 =	sor.u32 s21, s22  }
0x23f: {  	v7 =	vmul.f32 v5, v3;
	v8 =	vmul.f32 v6, v4;
	v5 =	vld [tilespmem:s21+$0xA500]  }
0x240: {  	v6 =	vld [tilespmem:s21+$0xA580]  }
0x241: {  	s23 =	simm.s32 $0x100;
	s22 =	simm.s32 $0x20;
	v7 =	vadd.f32 v8, v7  }
.LBB2_40:
0x242: {  	s24 =	sand.u32 $0x70, s22  }
0x243: {  	s25 =	sand.u32 $0x1C00, s23;
	[tilespmem:s20+$0x13380] =	vst v7;
	s20 =	smov.u32 s21;
	p0 =	sne.s32 s22, $0x2F0  }
.Ltmp19:
0x244: {  	s22 =	sadd.s32 $0x10, s22;
	s21 =	sor.u32 s24, s25;
	(pc) =	sbr.rel @p0 .LBB2_40-.Ltmp19, $4  }
0x245: {  	v7 =	vmul.f32 v5, v3;
	v5 =	vld [tilespmem:s21+$0xA500];
	v8 =	vmul.f32 v6, v4  }
0x246: {  	v6 =	vld [tilespmem:s21+$0xA580]  }
0x247: {  	v7 =	vadd.f32 v8, v7  }
0x248: {  	s23 =	sadd.s32 $0x80, s23  }
0x249: {  	_ =	sdelay $0x1  }
0x24a: {  	v3 =	vmul.f32 v5, v3;
	v4 =	vmul.f32 v6, v4;
	_ =	sdelay $0x1  }
0x24b: {  	v3 =	vadd.f32 v4, v3  }
0x24c: {  	[tilespmem:s20+$0x13380] =	vst v7  }
0x24d: {  	s24 =	simm.s32 $0x0;
	[tilespmem:s21+$0x13380] =	vst v3  }
0x24e: {  	s25 =	sand.u32 $0x70, s24;
	s20 =	sand.u32 $0x1C00, s24;
	v3 =	vld [tilespmem:$0x1600]  }
0x24f: {  	s20 =	sor.u32 s25, s20;
	v4 =	vld [tilespmem:$0x1680]  }
0x250: {  	v5 =	vld [tilespmem:s20+$0xBA00]  }
0x251: {  	v6 =	vld [tilespmem:s20+$0xBA80];
	_ =	sdelay $0x1  }
0x252: {  	s26 =	simm.s32 $0x10;
	s22 =	simm.s32 $0x80  }
0x253: {  	s22 =	sand.u32 $0x1C00, s22;
	s21 =	sand.u32 $0x70, s26  }
0x254: {  	s21 =	sor.u32 s21, s22  }
0x255: {  	v7 =	vmul.f32 v5, v3;
	v8 =	vmul.f32 v6, v4;
	v5 =	vld [tilespmem:s21+$0xBA00]  }
0x256: {  	v6 =	vld [tilespmem:s21+$0xBA80]  }
0x257: {  	s23 =	simm.s32 $0x100;
	s22 =	simm.s32 $0x20;
	v7 =	vadd.f32 v8, v7  }
.LBB2_42:
0x258: {  	s24 =	sand.u32 $0x70, s22  }
0x259: {  	s25 =	sand.u32 $0x1C00, s23;
	[tilespmem:s20+$0x13400] =	vst v7;
	s20 =	smov.u32 s21;
	p0 =	sne.s32 s22, $0x2F0  }
.Ltmp20:
0x25a: {  	s22 =	sadd.s32 $0x10, s22;
	s21 =	sor.u32 s24, s25;
	(pc) =	sbr.rel @p0 .LBB2_42-.Ltmp20, $4  }
0x25b: {  	v7 =	vmul.f32 v5, v3;
	v5 =	vld [tilespmem:s21+$0xBA00];
	v8 =	vmul.f32 v6, v4  }
0x25c: {  	v6 =	vld [tilespmem:s21+$0xBA80]  }
0x25d: {  	v7 =	vadd.f32 v8, v7  }
0x25e: {  	s23 =	sadd.s32 $0x80, s23  }
0x25f: {  	_ =	sdelay $0x1  }
0x260: {  	v3 =	vmul.f32 v5, v3;
	v4 =	vmul.f32 v6, v4;
	_ =	sdelay $0x1  }
0x261: {  	v3 =	vadd.f32 v4, v3  }
0x262: {  	[tilespmem:s20+$0x13400] =	vst v7  }
0x263: {  	s24 =	simm.s32 $0x0;
	[tilespmem:s21+$0x13400] =	vst v3  }
0x264: {  	s25 =	sand.u32 $0x70, s24;
	s20 =	sand.u32 $0x1C00, s24;
	v3 =	vld [tilespmem:$0x1700]  }
0x265: {  	s20 =	sor.u32 s25, s20;
	v4 =	vld [tilespmem:$0x1780]  }
0x266: {  	v5 =	vld [tilespmem:s20+$0xBB00]  }
0x267: {  	v6 =	vld [tilespmem:s20+$0xBB80];
	_ =	sdelay $0x1  }
0x268: {  	s26 =	simm.s32 $0x10;
	s22 =	simm.s32 $0x80  }
0x269: {  	s22 =	sand.u32 $0x1C00, s22;
	s21 =	sand.u32 $0x70, s26  }
0x26a: {  	s21 =	sor.u32 s21, s22  }
0x26b: {  	v7 =	vmul.f32 v5, v3;
	v8 =	vmul.f32 v6, v4;
	v5 =	vld [tilespmem:s21+$0xBB00]  }
0x26c: {  	v6 =	vld [tilespmem:s21+$0xBB80]  }
0x26d: {  	s23 =	simm.s32 $0x100;
	s22 =	simm.s32 $0x20;
	v7 =	vadd.f32 v8, v7  }
.LBB2_44:
0x26e: {  	s24 =	sand.u32 $0x70, s22  }
0x26f: {  	s25 =	sand.u32 $0x1C00, s23;
	[tilespmem:s20+$0x13480] =	vst v7;
	s20 =	smov.u32 s21;
	p0 =	sne.s32 s22, $0x2F0  }
.Ltmp21:
0x270: {  	s22 =	sadd.s32 $0x10, s22;
	s21 =	sor.u32 s24, s25;
	(pc) =	sbr.rel @p0 .LBB2_44-.Ltmp21, $4  }
0x271: {  	v7 =	vmul.f32 v5, v3;
	v5 =	vld [tilespmem:s21+$0xBB00];
	v8 =	vmul.f32 v6, v4  }
0x272: {  	v6 =	vld [tilespmem:s21+$0xBB80]  }
0x273: {  	v7 =	vadd.f32 v8, v7  }
0x274: {  	s23 =	sadd.s32 $0x80, s23  }
0x275: {  	_ =	sdelay $0x1  }
0x276: {  	v3 =	vmul.f32 v5, v3;
	v4 =	vmul.f32 v6, v4;
	_ =	sdelay $0x1  }
0x277: {  	v3 =	vadd.f32 v4, v3  }
0x278: {  	[tilespmem:s20+$0x13480] =	vst v7  }
0x279: {  	s24 =	simm.s32 $0x0;
	[tilespmem:s21+$0x13480] =	vst v3  }
0x27a: {  	s25 =	sand.u32 $0x70, s24;
	s20 =	sand.u32 $0x1C00, s24;
	v3 =	vld [tilespmem:$0x1800]  }
0x27b: {  	s20 =	sor.u32 s25, s20;
	v4 =	vld [tilespmem:$0x1880]  }
0x27c: {  	v5 =	vld [tilespmem:s20+$0xBC00]  }
0x27d: {  	v6 =	vld [tilespmem:s20+$0xBC80];
	_ =	sdelay $0x1  }
0x27e: {  	s26 =	simm.s32 $0x10;
	s22 =	simm.s32 $0x80  }
0x27f: {  	s22 =	sand.u32 $0x1C00, s22;
	s21 =	sand.u32 $0x70, s26  }
0x280: {  	s21 =	sor.u32 s21, s22  }
0x281: {  	v7 =	vmul.f32 v5, v3;
	v8 =	vmul.f32 v6, v4;
	v5 =	vld [tilespmem:s21+$0xBC00]  }
0x282: {  	v6 =	vld [tilespmem:s21+$0xBC80]  }
0x283: {  	s23 =	simm.s32 $0x100;
	s22 =	simm.s32 $0x20;
	v7 =	vadd.f32 v8, v7  }
.LBB2_46:
0x284: {  	s24 =	sand.u32 $0x70, s22  }
0x285: {  	s25 =	sand.u32 $0x1C00, s23;
	[tilespmem:s20+$0x13500] =	vst v7;
	s20 =	smov.u32 s21;
	p0 =	sne.s32 s22, $0x2F0  }
.Ltmp22:
0x286: {  	s22 =	sadd.s32 $0x10, s22;
	s21 =	sor.u32 s24, s25;
	(pc) =	sbr.rel @p0 .LBB2_46-.Ltmp22, $4  }
0x287: {  	v7 =	vmul.f32 v5, v3;
	v5 =	vld [tilespmem:s21+$0xBC00];
	v8 =	vmul.f32 v6, v4  }
0x288: {  	v6 =	vld [tilespmem:s21+$0xBC80]  }
0x289: {  	v7 =	vadd.f32 v8, v7  }
0x28a: {  	s23 =	sadd.s32 $0x80, s23  }
0x28b: {  	_ =	sdelay $0x1  }
0x28c: {  	v3 =	vmul.f32 v5, v3;
	v4 =	vmul.f32 v6, v4;
	_ =	sdelay $0x1  }
0x28d: {  	v3 =	vadd.f32 v4, v3  }
0x28e: {  	[tilespmem:s20+$0x13500] =	vst v7  }
0x28f: {  	s24 =	simm.s32 $0x0;
	[tilespmem:s21+$0x13500] =	vst v3  }
0x290: {  	s25 =	sand.u32 $0x70, s24;
	s20 =	sand.u32 $0x1C00, s24;
	v3 =	vld [tilespmem:$0x1900]  }
0x291: {  	s20 =	sor.u32 s25, s20;
	v4 =	vld [tilespmem:$0x1980]  }
0x292: {  	v5 =	vld [tilespmem:s20+$0xBD00]  }
0x293: {  	v6 =	vld [tilespmem:s20+$0xBD80];
	_ =	sdelay $0x1  }
0x294: {  	s26 =	simm.s32 $0x10;
	s22 =	simm.s32 $0x80  }
0x295: {  	s22 =	sand.u32 $0x1C00, s22;
	s21 =	sand.u32 $0x70, s26  }
0x296: {  	s21 =	sor.u32 s21, s22  }
0x297: {  	v7 =	vmul.f32 v5, v3;
	v8 =	vmul.f32 v6, v4;
	v5 =	vld [tilespmem:s21+$0xBD00]  }
0x298: {  	v6 =	vld [tilespmem:s21+$0xBD80]  }
0x299: {  	s23 =	simm.s32 $0x100;
	s22 =	simm.s32 $0x20;
	v7 =	vadd.f32 v8, v7  }
.LBB2_48:
0x29a: {  	s24 =	sand.u32 $0x70, s22  }
0x29b: {  	s25 =	sand.u32 $0x1C00, s23;
	[tilespmem:s20+$0x13580] =	vst v7;
	s20 =	smov.u32 s21;
	p0 =	sne.s32 s22, $0x2F0  }
.Ltmp23:
0x29c: {  	s22 =	sadd.s32 $0x10, s22;
	s21 =	sor.u32 s24, s25;
	(pc) =	sbr.rel @p0 .LBB2_48-.Ltmp23, $4  }
0x29d: {  	v7 =	vmul.f32 v5, v3;
	v5 =	vld [tilespmem:s21+$0xBD00];
	v8 =	vmul.f32 v6, v4  }
0x29e: {  	v6 =	vld [tilespmem:s21+$0xBD80]  }
0x29f: {  	v7 =	vadd.f32 v8, v7  }
0x2a0: {  	s23 =	sadd.s32 $0x80, s23  }
0x2a1: {  	_ =	sdelay $0x1  }
0x2a2: {  	v3 =	vmul.f32 v5, v3;
	v4 =	vmul.f32 v6, v4;
	_ =	sdelay $0x1  }
0x2a3: {  	v3 =	vadd.f32 v4, v3  }
0x2a4: {  	[tilespmem:s20+$0x13580] =	vst v7  }
0x2a5: {  	s24 =	simm.s32 $0x0;
	[tilespmem:s21+$0x13580] =	vst v3  }
0x2a6: {  	s25 =	sand.u32 $0x70, s24;
	s20 =	sand.u32 $0x1C00, s24;
	v3 =	vld [tilespmem:$0x1A00]  }
0x2a7: {  	s20 =	sor.u32 s25, s20;
	v4 =	vld [tilespmem:$0x1A80]  }
0x2a8: {  	v5 =	vld [tilespmem:s20+$0xD200]  }
0x2a9: {  	v6 =	vld [tilespmem:s20+$0xD280];
	_ =	sdelay $0x1  }
0x2aa: {  	s26 =	simm.s32 $0x10;
	s22 =	simm.s32 $0x80  }
0x2ab: {  	s22 =	sand.u32 $0x1C00, s22;
	s21 =	sand.u32 $0x70, s26  }
0x2ac: {  	s21 =	sor.u32 s21, s22  }
0x2ad: {  	v7 =	vmul.f32 v5, v3;
	v8 =	vmul.f32 v6, v4;
	v5 =	vld [tilespmem:s21+$0xD200]  }
0x2ae: {  	v6 =	vld [tilespmem:s21+$0xD280]  }
0x2af: {  	s23 =	simm.s32 $0x100;
	s22 =	simm.s32 $0x20;
	v7 =	vadd.f32 v8, v7  }
.LBB2_50:
0x2b0: {  	s24 =	sand.u32 $0x70, s22  }
0x2b1: {  	s25 =	sand.u32 $0x1C00, s23;
	[tilespmem:s20+$0x14A00] =	vst v7;
	s20 =	smov.u32 s21;
	p0 =	sne.s32 s22, $0x2F0  }
.Ltmp24:
0x2b2: {  	s22 =	sadd.s32 $0x10, s22;
	s21 =	sor.u32 s24, s25;
	(pc) =	sbr.rel @p0 .LBB2_50-.Ltmp24, $4  }
0x2b3: {  	v7 =	vmul.f32 v5, v3;
	v5 =	vld [tilespmem:s21+$0xD200];
	v8 =	vmul.f32 v6, v4  }
0x2b4: {  	v6 =	vld [tilespmem:s21+$0xD280]  }
0x2b5: {  	v7 =	vadd.f32 v8, v7  }
0x2b6: {  	s23 =	sadd.s32 $0x80, s23  }
0x2b7: {  	_ =	sdelay $0x1  }
0x2b8: {  	v3 =	vmul.f32 v5, v3;
	v4 =	vmul.f32 v6, v4;
	_ =	sdelay $0x1  }
0x2b9: {  	v3 =	vadd.f32 v4, v3  }
0x2ba: {  	[tilespmem:s20+$0x14A00] =	vst v7  }
0x2bb: {  	s24 =	simm.s32 $0x0;
	[tilespmem:s21+$0x14A00] =	vst v3  }
0x2bc: {  	s25 =	sand.u32 $0x70, s24;
	s20 =	sand.u32 $0x1C00, s24;
	v3 =	vld [tilespmem:$0x1B00]  }
0x2bd: {  	s20 =	sor.u32 s25, s20;
	v4 =	vld [tilespmem:$0x1B80]  }
0x2be: {  	v5 =	vld [tilespmem:s20+$0xD300]  }
0x2bf: {  	v6 =	vld [tilespmem:s20+$0xD380];
	_ =	sdelay $0x1  }
0x2c0: {  	s26 =	simm.s32 $0x10;
	s22 =	simm.s32 $0x80  }
0x2c1: {  	s22 =	sand.u32 $0x1C00, s22;
	s21 =	sand.u32 $0x70, s26  }
0x2c2: {  	s21 =	sor.u32 s21, s22  }
0x2c3: {  	v7 =	vmul.f32 v5, v3;
	v8 =	vmul.f32 v6, v4;
	v5 =	vld [tilespmem:s21+$0xD300]  }
0x2c4: {  	v6 =	vld [tilespmem:s21+$0xD380]  }
0x2c5: {  	s23 =	simm.s32 $0x100;
	s22 =	simm.s32 $0x20;
	v7 =	vadd.f32 v8, v7  }
.LBB2_52:
0x2c6: {  	s24 =	sand.u32 $0x70, s22  }
0x2c7: {  	s25 =	sand.u32 $0x1C00, s23;
	[tilespmem:s20+$0x14A80] =	vst v7;
	s20 =	smov.u32 s21;
	p0 =	sne.s32 s22, $0x2F0  }
.Ltmp25:
0x2c8: {  	s22 =	sadd.s32 $0x10, s22;
	s21 =	sor.u32 s24, s25;
	(pc) =	sbr.rel @p0 .LBB2_52-.Ltmp25, $4  }
0x2c9: {  	v7 =	vmul.f32 v5, v3;
	v5 =	vld [tilespmem:s21+$0xD300];
	v8 =	vmul.f32 v6, v4  }
0x2ca: {  	v6 =	vld [tilespmem:s21+$0xD380]  }
0x2cb: {  	v7 =	vadd.f32 v8, v7  }
0x2cc: {  	s23 =	sadd.s32 $0x80, s23  }
0x2cd: {  	_ =	sdelay $0x1  }
0x2ce: {  	v3 =	vmul.f32 v5, v3;
	v4 =	vmul.f32 v6, v4;
	_ =	sdelay $0x1  }
0x2cf: {  	v3 =	vadd.f32 v4, v3  }
0x2d0: {  	[tilespmem:s20+$0x14A80] =	vst v7  }
0x2d1: {  	s24 =	simm.s32 $0x0;
	[tilespmem:s21+$0x14A80] =	vst v3  }
0x2d2: {  	s25 =	sand.u32 $0x70, s24;
	s20 =	sand.u32 $0x1C00, s24;
	v3 =	vld [tilespmem:$0x1C00]  }
0x2d3: {  	s20 =	sor.u32 s25, s20;
	v4 =	vld [tilespmem:$0x1C80]  }
0x2d4: {  	v5 =	vld [tilespmem:s20+$0xD400]  }
0x2d5: {  	v6 =	vld [tilespmem:s20+$0xD480];
	_ =	sdelay $0x1  }
0x2d6: {  	s26 =	simm.s32 $0x10;
	s22 =	simm.s32 $0x80  }
0x2d7: {  	s22 =	sand.u32 $0x1C00, s22;
	s21 =	sand.u32 $0x70, s26  }
0x2d8: {  	s21 =	sor.u32 s21, s22  }
0x2d9: {  	v7 =	vmul.f32 v5, v3;
	v8 =	vmul.f32 v6, v4;
	v5 =	vld [tilespmem:s21+$0xD400]  }
0x2da: {  	v6 =	vld [tilespmem:s21+$0xD480]  }
0x2db: {  	s23 =	simm.s32 $0x100;
	s22 =	simm.s32 $0x20;
	v7 =	vadd.f32 v8, v7  }
.LBB2_54:
0x2dc: {  	s24 =	sand.u32 $0x70, s22  }
0x2dd: {  	s25 =	sand.u32 $0x1C00, s23;
	[tilespmem:s20+$0x14B00] =	vst v7;
	s20 =	smov.u32 s21;
	p0 =	sne.s32 s22, $0x2F0  }
.Ltmp26:
0x2de: {  	s22 =	sadd.s32 $0x10, s22;
	s21 =	sor.u32 s24, s25;
	(pc) =	sbr.rel @p0 .LBB2_54-.Ltmp26, $4  }
0x2df: {  	v7 =	vmul.f32 v5, v3;
	v5 =	vld [tilespmem:s21+$0xD400];
	v8 =	vmul.f32 v6, v4  }
0x2e0: {  	v6 =	vld [tilespmem:s21+$0xD480]  }
0x2e1: {  	v7 =	vadd.f32 v8, v7  }
0x2e2: {  	s23 =	sadd.s32 $0x80, s23  }
0x2e3: {  	_ =	sdelay $0x1  }
0x2e4: {  	v3 =	vmul.f32 v5, v3;
	v4 =	vmul.f32 v6, v4;
	_ =	sdelay $0x1  }
0x2e5: {  	v3 =	vadd.f32 v4, v3  }
0x2e6: {  	[tilespmem:s20+$0x14B00] =	vst v7  }
0x2e7: {  	s24 =	simm.s32 $0x0;
	[tilespmem:s21+$0x14B00] =	vst v3  }
0x2e8: {  	s25 =	sand.u32 $0x70, s24;
	s20 =	sand.u32 $0x1C00, s24;
	v3 =	vld [tilespmem:$0x1D00]  }
0x2e9: {  	s20 =	sor.u32 s25, s20;
	v4 =	vld [tilespmem:$0x1D80]  }
0x2ea: {  	v5 =	vld [tilespmem:s20+$0xD500]  }
0x2eb: {  	v6 =	vld [tilespmem:s20+$0xD580];
	_ =	sdelay $0x1  }
0x2ec: {  	s26 =	simm.s32 $0x10;
	s22 =	simm.s32 $0x80  }
0x2ed: {  	s22 =	sand.u32 $0x1C00, s22;
	s21 =	sand.u32 $0x70, s26  }
0x2ee: {  	s21 =	sor.u32 s21, s22  }
0x2ef: {  	v7 =	vmul.f32 v5, v3;
	v8 =	vmul.f32 v6, v4;
	v5 =	vld [tilespmem:s21+$0xD500]  }
0x2f0: {  	v6 =	vld [tilespmem:s21+$0xD580]  }
0x2f1: {  	s23 =	simm.s32 $0x100;
	s22 =	simm.s32 $0x20;
	v7 =	vadd.f32 v8, v7  }
.LBB2_56:
0x2f2: {  	s24 =	sand.u32 $0x70, s22  }
0x2f3: {  	s25 =	sand.u32 $0x1C00, s23;
	[tilespmem:s20+$0x14B80] =	vst v7;
	s20 =	smov.u32 s21;
	p0 =	sne.s32 s22, $0x2F0  }
.Ltmp27:
0x2f4: {  	s22 =	sadd.s32 $0x10, s22;
	s21 =	sor.u32 s24, s25;
	(pc) =	sbr.rel @p0 .LBB2_56-.Ltmp27, $4  }
0x2f5: {  	v7 =	vmul.f32 v5, v3;
	v5 =	vld [tilespmem:s21+$0xD500];
	v8 =	vmul.f32 v6, v4  }
0x2f6: {  	v6 =	vld [tilespmem:s21+$0xD580]  }
0x2f7: {  	v7 =	vadd.f32 v8, v7  }
0x2f8: {  	s23 =	sadd.s32 $0x80, s23  }
0x2f9: {  	_ =	sdelay $0x1  }
0x2fa: {  	v3 =	vmul.f32 v5, v3;
	v4 =	vmul.f32 v6, v4;
	_ =	sdelay $0x1  }
0x2fb: {  	v3 =	vadd.f32 v4, v3  }
0x2fc: {  	[tilespmem:s20+$0x14B80] =	vst v7  }
0x2fd: {  	s24 =	simm.s32 $0x0;
	[tilespmem:s21+$0x14B80] =	vst v3  }
0x2fe: {  	s25 =	sand.u32 $0x70, s24;
	s20 =	sand.u32 $0x1C00, s24;
	v3 =	vld [tilespmem:$0x1E00]  }
0x2ff: {  	s20 =	sor.u32 s25, s20;
	v4 =	vld [tilespmem:$0x1E80]  }
0x300: {  	v5 =	vld [tilespmem:s20+$0xEA00]  }
0x301: {  	v6 =	vld [tilespmem:s20+$0xEA80];
	_ =	sdelay $0x1  }
0x302: {  	s26 =	simm.s32 $0x10;
	s22 =	simm.s32 $0x80  }
0x303: {  	s22 =	sand.u32 $0x1C00, s22;
	s21 =	sand.u32 $0x70, s26  }
0x304: {  	s21 =	sor.u32 s21, s22  }
0x305: {  	v7 =	vmul.f32 v5, v3;
	v8 =	vmul.f32 v6, v4;
	v5 =	vld [tilespmem:s21+$0xEA00]  }
0x306: {  	v6 =	vld [tilespmem:s21+$0xEA80]  }
0x307: {  	s23 =	simm.s32 $0x100;
	s22 =	simm.s32 $0x20;
	v7 =	vadd.f32 v8, v7  }
.LBB2_58:
0x308: {  	s24 =	sand.u32 $0x70, s22  }
0x309: {  	s25 =	sand.u32 $0x1C00, s23;
	[tilespmem:s20+$0x14C00] =	vst v7;
	s20 =	smov.u32 s21;
	p0 =	sne.s32 s22, $0x2F0  }
.Ltmp28:
0x30a: {  	s22 =	sadd.s32 $0x10, s22;
	s21 =	sor.u32 s24, s25;
	(pc) =	sbr.rel @p0 .LBB2_58-.Ltmp28, $4  }
0x30b: {  	v7 =	vmul.f32 v5, v3;
	v5 =	vld [tilespmem:s21+$0xEA00];
	v8 =	vmul.f32 v6, v4  }
0x30c: {  	v6 =	vld [tilespmem:s21+$0xEA80]  }
0x30d: {  	v7 =	vadd.f32 v8, v7  }
0x30e: {  	s23 =	sadd.s32 $0x80, s23  }
0x30f: {  	_ =	sdelay $0x1  }
0x310: {  	v3 =	vmul.f32 v5, v3;
	v4 =	vmul.f32 v6, v4;
	_ =	sdelay $0x1  }
0x311: {  	v3 =	vadd.f32 v4, v3  }
0x312: {  	[tilespmem:s20+$0x14C00] =	vst v7  }
0x313: {  	s24 =	simm.s32 $0x0;
	[tilespmem:s21+$0x14C00] =	vst v3  }
0x314: {  	s25 =	sand.u32 $0x70, s24;
	s20 =	sand.u32 $0x1C00, s24;
	v3 =	vld [tilespmem:$0x1F00]  }
0x315: {  	s20 =	sor.u32 s25, s20;
	v4 =	vld [tilespmem:$0x1F80]  }
0x316: {  	v5 =	vld [tilespmem:s20+$0xEB00]  }
0x317: {  	v6 =	vld [tilespmem:s20+$0xEB80];
	_ =	sdelay $0x1  }
0x318: {  	s26 =	simm.s32 $0x10;
	s22 =	simm.s32 $0x80  }
0x319: {  	s22 =	sand.u32 $0x1C00, s22;
	s21 =	sand.u32 $0x70, s26  }
0x31a: {  	s21 =	sor.u32 s21, s22  }
0x31b: {  	v7 =	vmul.f32 v5, v3;
	v8 =	vmul.f32 v6, v4;
	v5 =	vld [tilespmem:s21+$0xEB00]  }
0x31c: {  	v6 =	vld [tilespmem:s21+$0xEB80]  }
0x31d: {  	s23 =	simm.s32 $0x100;
	s22 =	simm.s32 $0x20;
	v7 =	vadd.f32 v8, v7  }
.LBB2_60:
0x31e: {  	s24 =	sand.u32 $0x70, s22  }
0x31f: {  	s25 =	sand.u32 $0x1C00, s23;
	[tilespmem:s20+$0x14C80] =	vst v7;
	s20 =	smov.u32 s21;
	p0 =	sne.s32 s22, $0x2F0  }
.Ltmp29:
0x320: {  	s22 =	sadd.s32 $0x10, s22;
	s21 =	sor.u32 s24, s25;
	(pc) =	sbr.rel @p0 .LBB2_60-.Ltmp29, $4  }
0x321: {  	v7 =	vmul.f32 v5, v3;
	v5 =	vld [tilespmem:s21+$0xEB00];
	v8 =	vmul.f32 v6, v4  }
0x322: {  	v6 =	vld [tilespmem:s21+$0xEB80]  }
0x323: {  	v7 =	vadd.f32 v8, v7  }
0x324: {  	s23 =	sadd.s32 $0x80, s23  }
0x325: {  	_ =	sdelay $0x1  }
0x326: {  	v3 =	vmul.f32 v5, v3;
	v4 =	vmul.f32 v6, v4;
	_ =	sdelay $0x1  }
0x327: {  	v3 =	vadd.f32 v4, v3  }
0x328: {  	[tilespmem:s20+$0x14C80] =	vst v7  }
0x329: {  	s24 =	simm.s32 $0x0;
	[tilespmem:s21+$0x14C80] =	vst v3  }
0x32a: {  	s25 =	sand.u32 $0x70, s24;
	s20 =	sand.u32 $0x1C00, s24;
	v3 =	vld [tilespmem:$0x2000]  }
0x32b: {  	s20 =	sor.u32 s25, s20;
	v4 =	vld [tilespmem:$0x2080]  }
0x32c: {  	v5 =	vld [tilespmem:s20+$0xEC00]  }
0x32d: {  	v6 =	vld [tilespmem:s20+$0xEC80];
	_ =	sdelay $0x1  }
0x32e: {  	s26 =	simm.s32 $0x10;
	s22 =	simm.s32 $0x80  }
0x32f: {  	s22 =	sand.u32 $0x1C00, s22;
	s21 =	sand.u32 $0x70, s26  }
0x330: {  	s21 =	sor.u32 s21, s22  }
0x331: {  	v7 =	vmul.f32 v5, v3;
	v8 =	vmul.f32 v6, v4;
	v5 =	vld [tilespmem:s21+$0xEC00]  }
0x332: {  	v6 =	vld [tilespmem:s21+$0xEC80]  }
0x333: {  	s23 =	simm.s32 $0x100;
	s22 =	simm.s32 $0x20;
	v7 =	vadd.f32 v8, v7  }
.LBB2_62:
0x334: {  	s24 =	sand.u32 $0x70, s22  }
0x335: {  	s25 =	sand.u32 $0x1C00, s23;
	[tilespmem:s20+$0x14D00] =	vst v7;
	s20 =	smov.u32 s21;
	p0 =	sne.s32 s22, $0x2F0  }
.Ltmp30:
0x336: {  	s22 =	sadd.s32 $0x10, s22;
	s21 =	sor.u32 s24, s25;
	(pc) =	sbr.rel @p0 .LBB2_62-.Ltmp30, $4  }
0x337: {  	v7 =	vmul.f32 v5, v3;
	v5 =	vld [tilespmem:s21+$0xEC00];
	v8 =	vmul.f32 v6, v4  }
0x338: {  	v6 =	vld [tilespmem:s21+$0xEC80]  }
0x339: {  	v7 =	vadd.f32 v8, v7  }
0x33a: {  	s23 =	sadd.s32 $0x80, s23  }
0x33b: {  	_ =	sdelay $0x1  }
0x33c: {  	v3 =	vmul.f32 v5, v3;
	v4 =	vmul.f32 v6, v4;
	_ =	sdelay $0x1  }
0x33d: {  	v3 =	vadd.f32 v4, v3  }
0x33e: {  	[tilespmem:s20+$0x14D00] =	vst v7  }
0x33f: {  	s24 =	simm.s32 $0x0;
	[tilespmem:s21+$0x14D00] =	vst v3  }
0x340: {  	s25 =	sand.u32 $0x70, s24;
	s20 =	sand.u32 $0x1C00, s24;
	v3 =	vld [tilespmem:$0x2100]  }
0x341: {  	s20 =	sor.u32 s25, s20;
	v4 =	vld [tilespmem:$0x2180]  }
0x342: {  	v5 =	vld [tilespmem:s20+$0xED00]  }
0x343: {  	v6 =	vld [tilespmem:s20+$0xED80];
	_ =	sdelay $0x1  }
0x344: {  	s26 =	simm.s32 $0x10;
	s22 =	simm.s32 $0x80  }
0x345: {  	s22 =	sand.u32 $0x1C00, s22;
	s21 =	sand.u32 $0x70, s26  }
0x346: {  	s21 =	sor.u32 s21, s22  }
0x347: {  	v7 =	vmul.f32 v5, v3;
	v8 =	vmul.f32 v6, v4;
	v5 =	vld [tilespmem:s21+$0xED00]  }
0x348: {  	v6 =	vld [tilespmem:s21+$0xED80]  }
0x349: {  	s23 =	simm.s32 $0x100;
	s22 =	simm.s32 $0x20;
	v7 =	vadd.f32 v8, v7  }
.LBB2_64:
0x34a: {  	s24 =	sand.u32 $0x70, s22  }
0x34b: {  	s25 =	sand.u32 $0x1C00, s23;
	[tilespmem:s20+$0x14D80] =	vst v7;
	s20 =	smov.u32 s21;
	p0 =	sne.s32 s22, $0x2F0  }
.Ltmp31:
0x34c: {  	s22 =	sadd.s32 $0x10, s22;
	s21 =	sor.u32 s24, s25;
	(pc) =	sbr.rel @p0 .LBB2_64-.Ltmp31, $4  }
0x34d: {  	v7 =	vmul.f32 v5, v3;
	v5 =	vld [tilespmem:s21+$0xED00];
	v8 =	vmul.f32 v6, v4  }
0x34e: {  	v6 =	vld [tilespmem:s21+$0xED80]  }
0x34f: {  	v7 =	vadd.f32 v8, v7  }
0x350: {  	s23 =	sadd.s32 $0x80, s23  }
0x351: {  	_ =	sdelay $0x1  }
0x352: {  	v3 =	vmul.f32 v5, v3;
	v4 =	vmul.f32 v6, v4;
	_ =	sdelay $0x1  }
0x353: {  	v3 =	vadd.f32 v4, v3  }
0x354: {  	[tilespmem:s20+$0x14D80] =	vst v7  }
0x355: {  	[tilespmem:s21+$0x14D80] =	vst v3  }
0x356: {  	v3 =	vld [tilespmem:$0x180];
	_ =	sdelay $0x4  }
0x357: {  	v4 =	vshrl.u32 v3, $0x3  }
0x358: {  	v4 =	vmul.u32 $0x30, v4  }
0x359: {  	v3 =	vand.u32 $0x7, v3  }
0x35a: {  	v3 =	vor.u32 v3, v4  }
0x35b: {  	v4 =	vperm.xlane v3, v0;
	_ =	sdelay $0x1  }
0x35c: {  	v4 =	vadd.s32 v1, v4;
	_ =	sdelay $0x3  }
0x35d: {  	s20 =	simm.s32 $0x0;
	s25 =	simm.s32 $0xA200;
	v3 =	vperm.xlane v3, v2  }
0x35e: {  	[tilespmem:s25], [sflag:$0x2] =	stream.indirect_vreg.gather [hbm4b:s3+s20], $0x80, v4, vm0, $0xb8;
	[tilespmem:$0x16200] =	vst v63  }
0x35f: {  	s26 =	simm.s32 $0xAA00;
	v3 =	vadd.s32 v1, v3  }
0x360: {  	[tilespmem:s26], [sflag:$0x2] =	stream.indirect_vreg.gather [hbm4b:s9+s20], $0x80, v4, vm0, $0xb8;
	[tilespmem:$0x16200] =	vst v63  }
0x361: {  	s22 =	simm.s32 $0xB200  }
0x362: {  	[tilespmem:s22], [sflag:$0x2] =	stream.indirect_vreg.gather [hbm4b:s11+s20], $0x80, v4, vm0, $0xb8;
	[tilespmem:$0x16200] =	vst v63  }
0x363: {  	s23 =	simm.s32 $0xBA00  }
0x364: {  	[tilespmem:s23], [sflag:$0x2] =	stream.indirect_vreg.gather [hbm4b:s3+s20], $0x80, v3, vm0, $0xb8;
	[tilespmem:$0x16200] =	vst v63  }
0x365: {  	s24 =	simm.s32 $0xC200  }
0x366: {  	[tilespmem:s24], [sflag:$0x2] =	stream.indirect_vreg.gather [hbm4b:s9+s20], $0x80, v3, vm0, $0xb8;
	[tilespmem:$0x16200] =	vst v63  }
0x367: {  	s25 =	simm.s32 $0xCA00  }
0x368: {  	[tilespmem:s25], [sflag:$0x2] =	stream.indirect_vreg.gather [hbm4b:s11+s20], $0x80, v3, vm0, $0xb8;
	[tilespmem:$0x16200] =	vst v63  }
0x369: {  	v3 =	vld [tilespmem:$0x190];
	_ =	sdelay $0x4  }
0x36a: {  	v4 =	vshrl.u32 v3, $0x3  }
0x36b: {  	v4 =	vmul.u32 $0x30, v4  }
0x36c: {  	v3 =	vand.u32 $0x7, v3  }
0x36d: {  	v3 =	vor.u32 v3, v4  }
0x36e: {  	v4 =	vperm.xlane v3, v0;
	_ =	sdelay $0x1  }
0x36f: {  	v4 =	vadd.s32 v1, v4;
	_ =	sdelay $0x3  }
0x370: {  	s26 =	simm.s32 $0xD200;
	v3 =	vperm.xlane v3, v2  }
0x371: {  	[tilespmem:s26], [sflag:$0x2] =	stream.indirect_vreg.gather [hbm4b:s3+s20], $0x80, v4, vm0, $0xb8;
	[tilespmem:$0x16200] =	vst v63  }
0x372: {  	s22 =	simm.s32 $0xDA00;
	v3 =	vadd.s32 v1, v3  }
0x373: {  	[tilespmem:s22], [sflag:$0x2] =	stream.indirect_vreg.gather [hbm4b:s9+s20], $0x80, v4, vm0, $0xb8;
	[tilespmem:$0x16200] =	vst v63  }
0x374: {  	s23 =	simm.s32 $0xE200  }
0x375: {  	[tilespmem:s23], [sflag:$0x2] =	stream.indirect_vreg.gather [hbm4b:s11+s20], $0x80, v4, vm0, $0xb8;
	[tilespmem:$0x16200] =	vst v63  }
0x376: {  	s24 =	simm.s32 $0xEA00  }
0x377: {  	[tilespmem:s24], [sflag:$0x2] =	stream.indirect_vreg.gather [hbm4b:s3+s20], $0x80, v3, vm0, $0xb8;
	[tilespmem:$0x16200] =	vst v63  }
0x378: {  	_ = 	snop  }
0x379: {  	[tilespmem:s28], [sflag:$0x2] =	stream.indirect_vreg.gather [hbm4b:s9+s20], $0x80, v3, vm0, $0xb8;
	[tilespmem:$0x16200] =	vst v63  }
0x37a: {  	_ = 	snop  }
0x37b: {  	[tilespmem:s29], [sflag:$0x2] =	stream.indirect_vreg.gather [hbm4b:s11+s20], $0x80, v3, vm0, $0xb8;
	[tilespmem:$0x16200] =	vst v63  }
0x37c: {  	_ = 	snop  }
0x37d: {  	[hbm4b:s12+s20] =	stream.linear.scatter [tilespmem:s1], [sflag:$0x4], $0x3000, $0x38;
	[tilespmem:$0x16200] =	vst v63  }
0x37e: {  	_ =	swait.ge [sflag:s17], $0x3000  }
0x37f: {  	[sflag:s17] =	ssyncset.done $0x0  }
0x380: {  	[sflag:s17] =	ssyncadd.s32 $0xFFFFD000  }
0x381: {  	_ =	swait.ge [sflag:s30], $0x6000  }
0x382: {  	[sflag:s30] =	ssyncset.done $0x0  }
0x383: {  	[sflag:s30] =	ssyncadd.s32 $0xFFFFA000  }
0x384: {  	s25 =	sand.u32 $0x70, s20;
	s20 =	sand.u32 $0x1C00, s20;
	v3 =	vld [tilespmem:$0x2200]  }
0x385: {  	s20 =	sor.u32 s25, s20;
	v4 =	vld [tilespmem:$0x2280]  }
0x386: {  	v5 =	vld [tilespmem:s20+$0x4200]  }
0x387: {  	v6 =	vld [tilespmem:s20+$0x4280];
	_ =	sdelay $0x1  }
0x388: {  	s26 =	simm.s32 $0x10;
	s22 =	simm.s32 $0x80  }
0x389: {  	s21 =	sand.u32 $0x70, s26;
	s22 =	sand.u32 $0x1C00, s22  }
0x38a: {  	s21 =	sor.u32 s21, s22  }
0x38b: {  	v7 =	vmul.f32 v5, v3;
	v8 =	vmul.f32 v6, v4;
	v5 =	vld [tilespmem:s21+$0x4200]  }
0x38c: {  	v6 =	vld [tilespmem:s21+$0x4280]  }
0x38d: {  	s22 =	simm.s32 $0x20;
	s23 =	simm.s32 $0x100;
	v7 =	vadd.f32 v8, v7  }
.LBB2_66:
0x38e: {  	s24 =	sand.u32 $0x70, s22  }
0x38f: {  	s25 =	sand.u32 $0x1C00, s23;
	[tilespmem:s20+$0x10200] =	vst v7;
	s20 =	smov.u32 s21;
	p0 =	sne.s32 s22, $0x2F0  }
.Ltmp32:
0x390: {  	s22 =	sadd.s32 $0x10, s22;
	s21 =	sor.u32 s24, s25;
	(pc) =	sbr.rel @p0 .LBB2_66-.Ltmp32, $4  }
0x391: {  	v7 =	vmul.f32 v5, v3;
	v5 =	vld [tilespmem:s21+$0x4200];
	v8 =	vmul.f32 v6, v4  }
0x392: {  	v6 =	vld [tilespmem:s21+$0x4280]  }
0x393: {  	v7 =	vadd.f32 v8, v7  }
0x394: {  	s23 =	sadd.s32 $0x80, s23  }
0x395: {  	_ =	sdelay $0x1  }
0x396: {  	v3 =	vmul.f32 v5, v3;
	v4 =	vmul.f32 v6, v4;
	_ =	sdelay $0x1  }
0x397: {  	v3 =	vadd.f32 v4, v3  }
0x398: {  	[tilespmem:s20+$0x10200] =	vst v7  }
0x399: {  	s24 =	simm.s32 $0x0;
	[tilespmem:s21+$0x10200] =	vst v3  }
0x39a: {  	s25 =	sand.u32 $0x70, s24;
	s20 =	sand.u32 $0x1C00, s24;
	v3 =	vld [tilespmem:$0x2300]  }
0x39b: {  	s20 =	sor.u32 s25, s20;
	v4 =	vld [tilespmem:$0x2380]  }
0x39c: {  	v5 =	vld [tilespmem:s20+$0x4300]  }
0x39d: {  	v6 =	vld [tilespmem:s20+$0x4380];
	_ =	sdelay $0x1  }
0x39e: {  	s26 =	simm.s32 $0x10;
	s22 =	simm.s32 $0x80  }
0x39f: {  	s22 =	sand.u32 $0x1C00, s22;
	s21 =	sand.u32 $0x70, s26  }
0x3a0: {  	s21 =	sor.u32 s21, s22  }
0x3a1: {  	v7 =	vmul.f32 v5, v3;
	v8 =	vmul.f32 v6, v4;
	v5 =	vld [tilespmem:s21+$0x4300]  }
0x3a2: {  	v6 =	vld [tilespmem:s21+$0x4380]  }
0x3a3: {  	s23 =	simm.s32 $0x100;
	s22 =	simm.s32 $0x20;
	v7 =	vadd.f32 v8, v7  }
.LBB2_68:
0x3a4: {  	s24 =	sand.u32 $0x70, s22  }
0x3a5: {  	s25 =	sand.u32 $0x1C00, s23;
	[tilespmem:s20+$0x10280] =	vst v7;
	s20 =	smov.u32 s21;
	p0 =	sne.s32 s22, $0x2F0  }
.Ltmp33:
0x3a6: {  	s22 =	sadd.s32 $0x10, s22;
	s21 =	sor.u32 s24, s25;
	(pc) =	sbr.rel @p0 .LBB2_68-.Ltmp33, $4  }
0x3a7: {  	v7 =	vmul.f32 v5, v3;
	v5 =	vld [tilespmem:s21+$0x4300];
	v8 =	vmul.f32 v6, v4  }
0x3a8: {  	v6 =	vld [tilespmem:s21+$0x4380]  }
0x3a9: {  	v7 =	vadd.f32 v8, v7  }
0x3aa: {  	s23 =	sadd.s32 $0x80, s23  }
0x3ab: {  	_ =	sdelay $0x1  }
0x3ac: {  	v3 =	vmul.f32 v5, v3;
	v4 =	vmul.f32 v6, v4;
	_ =	sdelay $0x1  }
0x3ad: {  	v3 =	vadd.f32 v4, v3  }
0x3ae: {  	[tilespmem:s20+$0x10280] =	vst v7  }
0x3af: {  	s24 =	simm.s32 $0x0;
	[tilespmem:s21+$0x10280] =	vst v3  }
0x3b0: {  	s25 =	sand.u32 $0x70, s24;
	s20 =	sand.u32 $0x1C00, s24;
	v3 =	vld [tilespmem:$0x2400]  }
0x3b1: {  	s20 =	sor.u32 s25, s20;
	v4 =	vld [tilespmem:$0x2480]  }
0x3b2: {  	v5 =	vld [tilespmem:s20+$0x4400]  }
0x3b3: {  	v6 =	vld [tilespmem:s20+$0x4480];
	_ =	sdelay $0x1  }
0x3b4: {  	s26 =	simm.s32 $0x10;
	s22 =	simm.s32 $0x80  }
0x3b5: {  	s22 =	sand.u32 $0x1C00, s22;
	s21 =	sand.u32 $0x70, s26  }
0x3b6: {  	s21 =	sor.u32 s21, s22  }
0x3b7: {  	v7 =	vmul.f32 v5, v3;
	v8 =	vmul.f32 v6, v4;
	v5 =	vld [tilespmem:s21+$0x4400]  }
0x3b8: {  	v6 =	vld [tilespmem:s21+$0x4480]  }
0x3b9: {  	s23 =	simm.s32 $0x100;
	s22 =	simm.s32 $0x20;
	v7 =	vadd.f32 v8, v7  }
.LBB2_70:
0x3ba: {  	s24 =	sand.u32 $0x70, s22  }
0x3bb: {  	s25 =	sand.u32 $0x1C00, s23;
	[tilespmem:s20+$0x10300] =	vst v7;
	s20 =	smov.u32 s21;
	p0 =	sne.s32 s22, $0x2F0  }
.Ltmp34:
0x3bc: {  	s22 =	sadd.s32 $0x10, s22;
	s21 =	sor.u32 s24, s25;
	(pc) =	sbr.rel @p0 .LBB2_70-.Ltmp34, $4  }
0x3bd: {  	v7 =	vmul.f32 v5, v3;
	v5 =	vld [tilespmem:s21+$0x4400];
	v8 =	vmul.f32 v6, v4  }
0x3be: {  	v6 =	vld [tilespmem:s21+$0x4480]  }
0x3bf: {  	v7 =	vadd.f32 v8, v7  }
0x3c0: {  	s23 =	sadd.s32 $0x80, s23  }
0x3c1: {  	_ =	sdelay $0x1  }
0x3c2: {  	v3 =	vmul.f32 v5, v3;
	v4 =	vmul.f32 v6, v4;
	_ =	sdelay $0x1  }
0x3c3: {  	v3 =	vadd.f32 v4, v3  }
0x3c4: {  	[tilespmem:s20+$0x10300] =	vst v7  }
0x3c5: {  	s24 =	simm.s32 $0x0;
	[tilespmem:s21+$0x10300] =	vst v3  }
0x3c6: {  	s25 =	sand.u32 $0x70, s24;
	s22 =	sand.u32 $0x1C00, s24;
	v3 =	vld [tilespmem:$0x2500]  }
0x3c7: {  	s20 =	sor.u32 s25, s22;
	s21 =	sor.u32 s24, s24;
	v4 =	vld [tilespmem:$0x2580]  }
0x3c8: {  	v5 =	vld [tilespmem:s20+$0x4500];
	s21 =	sor.u32 $0x380, s21  }
0x3c9: {  	v6 =	vld [tilespmem:s21+$0x4200];
	_ =	sdelay $0x4  }
0x3ca: {  	v5 =	vmul.f32 v5, v3;
	v6 =	vmul.f32 v6, v4  }
0x3cb: {  	s26 =	simm.s32 $0x10;
	s21 =	simm.s32 $0x80  }
0x3cc: {  	s23 =	sand.u32 $0x70, s26;
	s24 =	sand.u32 $0x1C00, s21;
	v5 =	vadd.f32 v6, v5  }
0x3cd: {  	s22 =	simm.s32 $0x20;
	s23 =	sor.u32 s23, s24;
	s24 =	sor.u32 s21, s26  }
.LBB2_72:
0x3ce: {  	p0 =	sne.s32 s22, $0x2F0;
	v6 =	vld [tilespmem:s23+$0x4500];
	s24 =	sor.u32 $0x380, s24;
	[tilespmem:s20+$0x10380] =	vst v5;
	s20 =	smov.u32 s23  }
0x3cf: {  	v5 =	vld [tilespmem:s24+$0x4200];
	_ =	sdelay $0x3  }
.Ltmp35:
0x3d0: {  	(pc) =	sbr.rel @p0 .LBB2_72-.Ltmp35, $4  }
0x3d1: {  	v6 =	vmul.f32 v6, v3;
	v5 =	vmul.f32 v5, v4  }
0x3d2: {  	s21 =	sadd.s32 $0x80, s21  }
0x3d3: {  	s23 =	sand.u32 $0x70, s22;
	s24 =	sand.u32 $0x1C00, s21;
	v5 =	vadd.f32 v5, v6  }
0x3d4: {  	s23 =	sor.u32 s23, s24;
	s24 =	sor.u32 s21, s22;
	s22 =	sadd.s32 $0x10, s22  }
0x3d5: {  	v6 =	vld [tilespmem:s23+$0x4500];
	s21 =	sor.u32 $0x380, s24;
	[tilespmem:s20+$0x10380] =	vst v5  }
0x3d6: {  	v5 =	vld [tilespmem:s21+$0x4200];
	_ =	sdelay $0x4  }
0x3d7: {  	v3 =	vmul.f32 v6, v3;
	v4 =	vmul.f32 v5, v4;
	_ =	sdelay $0x1  }
0x3d8: {  	v3 =	vadd.f32 v4, v3;
	_ =	sdelay $0x1  }
0x3d9: {  	s24 =	simm.s32 $0x0;
	[tilespmem:s23+$0x10380] =	vst v3  }
0x3da: {  	s25 =	sand.u32 $0x70, s24;
	s20 =	sand.u32 $0x1C00, s24;
	v3 =	vld [tilespmem:$0x2600]  }
0x3db: {  	s20 =	sor.u32 s25, s20;
	v4 =	vld [tilespmem:$0x2680]  }
0x3dc: {  	v5 =	vld [tilespmem:s20+$0x5A00]  }
0x3dd: {  	v6 =	vld [tilespmem:s20+$0x5A80];
	_ =	sdelay $0x1  }
0x3de: {  	s26 =	simm.s32 $0x10;
	s22 =	simm.s32 $0x80  }
0x3df: {  	s21 =	sand.u32 $0x70, s26;
	s22 =	sand.u32 $0x1C00, s22  }
0x3e0: {  	s21 =	sor.u32 s21, s22  }
0x3e1: {  	v7 =	vmul.f32 v5, v3;
	v8 =	vmul.f32 v6, v4;
	v5 =	vld [tilespmem:s21+$0x5A00]  }
0x3e2: {  	v6 =	vld [tilespmem:s21+$0x5A80]  }
0x3e3: {  	s22 =	simm.s32 $0x20;
	s23 =	simm.s32 $0x100;
	v7 =	vadd.f32 v8, v7  }
.LBB2_74:
0x3e4: {  	s24 =	sand.u32 $0x70, s22  }
0x3e5: {  	s25 =	sand.u32 $0x1C00, s23;
	[tilespmem:s20+$0x10400] =	vst v7;
	s20 =	smov.u32 s21;
	p0 =	sne.s32 s22, $0x2F0  }
.Ltmp36:
0x3e6: {  	s22 =	sadd.s32 $0x10, s22;
	s21 =	sor.u32 s24, s25;
	(pc) =	sbr.rel @p0 .LBB2_74-.Ltmp36, $4  }
0x3e7: {  	v7 =	vmul.f32 v5, v3;
	v5 =	vld [tilespmem:s21+$0x5A00];
	v8 =	vmul.f32 v6, v4  }
0x3e8: {  	v6 =	vld [tilespmem:s21+$0x5A80]  }
0x3e9: {  	v7 =	vadd.f32 v8, v7  }
0x3ea: {  	s23 =	sadd.s32 $0x80, s23  }
0x3eb: {  	_ =	sdelay $0x1  }
0x3ec: {  	v3 =	vmul.f32 v5, v3;
	v4 =	vmul.f32 v6, v4;
	_ =	sdelay $0x1  }
0x3ed: {  	v3 =	vadd.f32 v4, v3  }
0x3ee: {  	[tilespmem:s20+$0x10400] =	vst v7  }
0x3ef: {  	s24 =	simm.s32 $0x0;
	[tilespmem:s21+$0x10400] =	vst v3  }
0x3f0: {  	s25 =	sand.u32 $0x70, s24;
	s20 =	sand.u32 $0x1C00, s24;
	v3 =	vld [tilespmem:$0x2700]  }
0x3f1: {  	s20 =	sor.u32 s25, s20;
	v4 =	vld [tilespmem:$0x2780]  }
0x3f2: {  	v5 =	vld [tilespmem:s20+$0x5B00]  }
0x3f3: {  	v6 =	vld [tilespmem:s20+$0x5B80];
	_ =	sdelay $0x1  }
0x3f4: {  	s26 =	simm.s32 $0x10;
	s22 =	simm.s32 $0x80  }
0x3f5: {  	s22 =	sand.u32 $0x1C00, s22;
	s21 =	sand.u32 $0x70, s26  }
0x3f6: {  	s21 =	sor.u32 s21, s22  }
0x3f7: {  	v7 =	vmul.f32 v5, v3;
	v8 =	vmul.f32 v6, v4;
	v5 =	vld [tilespmem:s21+$0x5B00]  }
0x3f8: {  	v6 =	vld [tilespmem:s21+$0x5B80]  }
0x3f9: {  	s23 =	simm.s32 $0x100;
	s22 =	simm.s32 $0x20;
	v7 =	vadd.f32 v8, v7  }
.LBB2_76:
0x3fa: {  	s24 =	sand.u32 $0x70, s22  }
0x3fb: {  	s25 =	sand.u32 $0x1C00, s23;
	[tilespmem:s20+$0x10480] =	vst v7;
	s20 =	smov.u32 s21;
	p0 =	sne.s32 s22, $0x2F0  }
.Ltmp37:
0x3fc: {  	s22 =	sadd.s32 $0x10, s22;
	s21 =	sor.u32 s24, s25;
	(pc) =	sbr.rel @p0 .LBB2_76-.Ltmp37, $4  }
0x3fd: {  	v7 =	vmul.f32 v5, v3;
	v5 =	vld [tilespmem:s21+$0x5B00];
	v8 =	vmul.f32 v6, v4  }
0x3fe: {  	v6 =	vld [tilespmem:s21+$0x5B80]  }
0x3ff: {  	v7 =	vadd.f32 v8, v7  }
0x400: {  	s23 =	sadd.s32 $0x80, s23  }
0x401: {  	_ =	sdelay $0x1  }
0x402: {  	v3 =	vmul.f32 v5, v3;
	v4 =	vmul.f32 v6, v4;
	_ =	sdelay $0x1  }
0x403: {  	v3 =	vadd.f32 v4, v3  }
0x404: {  	[tilespmem:s20+$0x10480] =	vst v7  }
0x405: {  	s24 =	simm.s32 $0x0;
	[tilespmem:s21+$0x10480] =	vst v3  }
0x406: {  	s25 =	sand.u32 $0x70, s24;
	s20 =	sand.u32 $0x1C00, s24;
	v3 =	vld [tilespmem:$0x2800]  }
0x407: {  	s20 =	sor.u32 s25, s20;
	v4 =	vld [tilespmem:$0x2880]  }
0x408: {  	v5 =	vld [tilespmem:s20+$0x5C00]  }
0x409: {  	v6 =	vld [tilespmem:s20+$0x5C80];
	_ =	sdelay $0x1  }
0x40a: {  	s26 =	simm.s32 $0x10;
	s22 =	simm.s32 $0x80  }
0x40b: {  	s22 =	sand.u32 $0x1C00, s22;
	s21 =	sand.u32 $0x70, s26  }
0x40c: {  	s21 =	sor.u32 s21, s22  }
0x40d: {  	v7 =	vmul.f32 v5, v3;
	v8 =	vmul.f32 v6, v4;
	v5 =	vld [tilespmem:s21+$0x5C00]  }
0x40e: {  	v6 =	vld [tilespmem:s21+$0x5C80]  }
0x40f: {  	s23 =	simm.s32 $0x100;
	s22 =	simm.s32 $0x20;
	v7 =	vadd.f32 v8, v7  }
.LBB2_78:
0x410: {  	s24 =	sand.u32 $0x70, s22  }
0x411: {  	s25 =	sand.u32 $0x1C00, s23;
	[tilespmem:s20+$0x10500] =	vst v7;
	s20 =	smov.u32 s21;
	p0 =	sne.s32 s22, $0x2F0  }
.Ltmp38:
0x412: {  	s22 =	sadd.s32 $0x10, s22;
	s21 =	sor.u32 s24, s25;
	(pc) =	sbr.rel @p0 .LBB2_78-.Ltmp38, $4  }
0x413: {  	v7 =	vmul.f32 v5, v3;
	v5 =	vld [tilespmem:s21+$0x5C00];
	v8 =	vmul.f32 v6, v4  }
0x414: {  	v6 =	vld [tilespmem:s21+$0x5C80]  }
0x415: {  	v7 =	vadd.f32 v8, v7  }
0x416: {  	s23 =	sadd.s32 $0x80, s23  }
0x417: {  	_ =	sdelay $0x1  }
0x418: {  	v3 =	vmul.f32 v5, v3;
	v4 =	vmul.f32 v6, v4;
	_ =	sdelay $0x1  }
0x419: {  	v3 =	vadd.f32 v4, v3  }
0x41a: {  	[tilespmem:s20+$0x10500] =	vst v7  }
0x41b: {  	s20 =	simm.s32 $0x0;
	[tilespmem:s21+$0x10500] =	vst v3  }
0x41c: {  	s26 =	sand.u32 $0x70, s20;
	s22 =	sand.u32 $0x1C00, s20;
	v3 =	vld [tilespmem:$0x2900]  }
0x41d: {  	s23 =	sor.u32 s26, s22;
	s22 =	simm.s32 $0x10;
	s21 =	simm.s32 $0x0;
	v4 =	vld [tilespmem:$0x2980]  }
.LBB2_80:
0x41e: {  	p0 =	sne.s32 s22, $0x2F0;
	v5 =	vld [tilespmem:s23+$0x5D00]  }
0x41f: {  	v6 =	vld [tilespmem:s23+$0x5D80];
	_ =	sdelay $0x4  }
.Ltmp39:
0x420: {  	v5 =	vmul.f32 v5, v3;
	v6 =	vmul.f32 v6, v4;
	(pc) =	sbr.rel @p0 .LBB2_80-.Ltmp39, $4  }
0x421: {  	_ = 	snop  }
0x422: {  	s23 =	sor.u32 s21, s20;
	s21 =	sadd.s32 $0x80, s21;
	s20 =	smov.u32 s22;
	v5 =	vadd.f32 v6, v5  }
0x423: {  	s24 =	sand.u32 $0x70, s22;
	s25 =	sand.u32 $0x1C00, s21;
	s26 =	sor.u32 $0x380, s23  }
0x424: {  	s22 =	sadd.s32 $0x10, s22;
	s23 =	sor.u32 s24, s25;
	[tilespmem:s26+$0x10200] =	vst v5  }
0x425: {  	v5 =	vld [tilespmem:s23+$0x5D00]  }
0x426: {  	v6 =	vld [tilespmem:s23+$0x5D80];
	_ =	sdelay $0x4  }
0x427: {  	v3 =	vmul.f32 v5, v3;
	v4 =	vmul.f32 v6, v4;
	_ =	sdelay $0x1  }
0x428: {  	s20 =	sor.u32 s21, s20;
	v3 =	vadd.f32 v4, v3  }
0x429: {  	s20 =	sor.u32 $0x380, s20  }
0x42a: {  	s24 =	simm.s32 $0x0;
	[tilespmem:s20+$0x10200] =	vst v3  }
0x42b: {  	s25 =	sand.u32 $0x70, s24;
	s20 =	sand.u32 $0x1C00, s24;
	v3 =	vld [tilespmem:$0x2A00]  }
0x42c: {  	v4 =	vld [tilespmem:$0x2A80];
	s20 =	sor.u32 s25, s20  }
0x42d: {  	v5 =	vld [tilespmem:s20+$0x7200]  }
0x42e: {  	v6 =	vld [tilespmem:s20+$0x7280];
	_ =	sdelay $0x1  }
0x42f: {  	s26 =	simm.s32 $0x10;
	s22 =	simm.s32 $0x80  }
0x430: {  	s21 =	sand.u32 $0x70, s26;
	s22 =	sand.u32 $0x1C00, s22  }
0x431: {  	s21 =	sor.u32 s21, s22  }
0x432: {  	v7 =	vmul.f32 v5, v3;
	v8 =	vmul.f32 v6, v4;
	v5 =	vld [tilespmem:s21+$0x7200]  }
0x433: {  	v6 =	vld [tilespmem:s21+$0x7280]  }
0x434: {  	s23 =	simm.s32 $0x100;
	s22 =	simm.s32 $0x20;
	v7 =	vadd.f32 v8, v7  }
.LBB2_82:
0x435: {  	s24 =	sand.u32 $0x70, s22  }
0x436: {  	s25 =	sand.u32 $0x1C00, s23;
	[tilespmem:s20+$0x11A00] =	vst v7;
	s20 =	smov.u32 s21;
	p0 =	sne.s32 s22, $0x2F0  }
.Ltmp40:
0x437: {  	s22 =	sadd.s32 $0x10, s22;
	s21 =	sor.u32 s24, s25;
	(pc) =	sbr.rel @p0 .LBB2_82-.Ltmp40, $4  }
0x438: {  	v7 =	vmul.f32 v5, v3;
	v5 =	vld [tilespmem:s21+$0x7200];
	v8 =	vmul.f32 v6, v4  }
0x439: {  	v6 =	vld [tilespmem:s21+$0x7280]  }
0x43a: {  	v7 =	vadd.f32 v8, v7  }
0x43b: {  	s23 =	sadd.s32 $0x80, s23  }
0x43c: {  	_ =	sdelay $0x1  }
0x43d: {  	v3 =	vmul.f32 v5, v3;
	v4 =	vmul.f32 v6, v4;
	_ =	sdelay $0x1  }
0x43e: {  	v3 =	vadd.f32 v4, v3  }
0x43f: {  	[tilespmem:s20+$0x11A00] =	vst v7  }
0x440: {  	s24 =	simm.s32 $0x0;
	[tilespmem:s21+$0x11A00] =	vst v3  }
0x441: {  	s25 =	sand.u32 $0x70, s24;
	s20 =	sand.u32 $0x1C00, s24;
	v3 =	vld [tilespmem:$0x2B00]  }
0x442: {  	s20 =	sor.u32 s25, s20;
	v4 =	vld [tilespmem:$0x2B80]  }
0x443: {  	v5 =	vld [tilespmem:s20+$0x7300]  }
0x444: {  	v6 =	vld [tilespmem:s20+$0x7380];
	_ =	sdelay $0x1  }
0x445: {  	s26 =	simm.s32 $0x10;
	s22 =	simm.s32 $0x80  }
0x446: {  	s22 =	sand.u32 $0x1C00, s22;
	s21 =	sand.u32 $0x70, s26  }
0x447: {  	s21 =	sor.u32 s21, s22  }
0x448: {  	v7 =	vmul.f32 v5, v3;
	v8 =	vmul.f32 v6, v4;
	v5 =	vld [tilespmem:s21+$0x7300]  }
0x449: {  	v6 =	vld [tilespmem:s21+$0x7380]  }
0x44a: {  	s23 =	simm.s32 $0x100;
	s22 =	simm.s32 $0x20;
	v7 =	vadd.f32 v8, v7  }
.LBB2_84:
0x44b: {  	s24 =	sand.u32 $0x70, s22  }
0x44c: {  	s25 =	sand.u32 $0x1C00, s23;
	[tilespmem:s20+$0x11A80] =	vst v7;
	s20 =	smov.u32 s21;
	p0 =	sne.s32 s22, $0x2F0  }
.Ltmp41:
0x44d: {  	s22 =	sadd.s32 $0x10, s22;
	s21 =	sor.u32 s24, s25;
	(pc) =	sbr.rel @p0 .LBB2_84-.Ltmp41, $4  }
0x44e: {  	v7 =	vmul.f32 v5, v3;
	v5 =	vld [tilespmem:s21+$0x7300];
	v8 =	vmul.f32 v6, v4  }
0x44f: {  	v6 =	vld [tilespmem:s21+$0x7380]  }
0x450: {  	v7 =	vadd.f32 v8, v7  }
0x451: {  	s23 =	sadd.s32 $0x80, s23  }
0x452: {  	_ =	sdelay $0x1  }
0x453: {  	v3 =	vmul.f32 v5, v3;
	v4 =	vmul.f32 v6, v4;
	_ =	sdelay $0x1  }
0x454: {  	v3 =	vadd.f32 v4, v3  }
0x455: {  	[tilespmem:s20+$0x11A80] =	vst v7  }
0x456: {  	s24 =	simm.s32 $0x0;
	[tilespmem:s21+$0x11A80] =	vst v3  }
0x457: {  	s25 =	sand.u32 $0x70, s24;
	s20 =	sand.u32 $0x1C00, s24;
	v3 =	vld [tilespmem:$0x2C00]  }
0x458: {  	s20 =	sor.u32 s25, s20;
	v4 =	vld [tilespmem:$0x2C80]  }
0x459: {  	v5 =	vld [tilespmem:s20+$0x7400]  }
0x45a: {  	v6 =	vld [tilespmem:s20+$0x7480];
	_ =	sdelay $0x1  }
0x45b: {  	s26 =	simm.s32 $0x10;
	s22 =	simm.s32 $0x80  }
0x45c: {  	s22 =	sand.u32 $0x1C00, s22;
	s21 =	sand.u32 $0x70, s26  }
0x45d: {  	s21 =	sor.u32 s21, s22  }
0x45e: {  	v7 =	vmul.f32 v5, v3;
	v8 =	vmul.f32 v6, v4;
	v5 =	vld [tilespmem:s21+$0x7400]  }
0x45f: {  	v6 =	vld [tilespmem:s21+$0x7480]  }
0x460: {  	s23 =	simm.s32 $0x100;
	s22 =	simm.s32 $0x20;
	v7 =	vadd.f32 v8, v7  }
.LBB2_86:
0x461: {  	s24 =	sand.u32 $0x70, s22  }
0x462: {  	s25 =	sand.u32 $0x1C00, s23;
	[tilespmem:s20+$0x11B00] =	vst v7;
	s20 =	smov.u32 s21;
	p0 =	sne.s32 s22, $0x2F0  }
.Ltmp42:
0x463: {  	s22 =	sadd.s32 $0x10, s22;
	s21 =	sor.u32 s24, s25;
	(pc) =	sbr.rel @p0 .LBB2_86-.Ltmp42, $4  }
0x464: {  	v7 =	vmul.f32 v5, v3;
	v5 =	vld [tilespmem:s21+$0x7400];
	v8 =	vmul.f32 v6, v4  }
0x465: {  	v6 =	vld [tilespmem:s21+$0x7480]  }
0x466: {  	v7 =	vadd.f32 v8, v7  }
0x467: {  	s23 =	sadd.s32 $0x80, s23  }
0x468: {  	_ =	sdelay $0x1  }
0x469: {  	v3 =	vmul.f32 v5, v3;
	v4 =	vmul.f32 v6, v4;
	_ =	sdelay $0x1  }
0x46a: {  	v3 =	vadd.f32 v4, v3  }
0x46b: {  	[tilespmem:s20+$0x11B00] =	vst v7  }
0x46c: {  	s24 =	simm.s32 $0x0;
	[tilespmem:s21+$0x11B00] =	vst v3  }
0x46d: {  	s25 =	sand.u32 $0x70, s24;
	s20 =	sand.u32 $0x1C00, s24;
	v3 =	vld [tilespmem:$0x2D00]  }
0x46e: {  	s20 =	sor.u32 s25, s20;
	v4 =	vld [tilespmem:$0x2D80]  }
0x46f: {  	v5 =	vld [tilespmem:s20+$0x7500]  }
0x470: {  	v6 =	vld [tilespmem:s20+$0x7580];
	_ =	sdelay $0x1  }
0x471: {  	s26 =	simm.s32 $0x10;
	s22 =	simm.s32 $0x80  }
0x472: {  	s22 =	sand.u32 $0x1C00, s22;
	s21 =	sand.u32 $0x70, s26  }
0x473: {  	s21 =	sor.u32 s21, s22  }
0x474: {  	v7 =	vmul.f32 v5, v3;
	v8 =	vmul.f32 v6, v4;
	v5 =	vld [tilespmem:s21+$0x7500]  }
0x475: {  	v6 =	vld [tilespmem:s21+$0x7580]  }
0x476: {  	s23 =	simm.s32 $0x100;
	s22 =	simm.s32 $0x20;
	v7 =	vadd.f32 v8, v7  }
.LBB2_88:
0x477: {  	s24 =	sand.u32 $0x70, s22  }
0x478: {  	s25 =	sand.u32 $0x1C00, s23;
	[tilespmem:s20+$0x11B80] =	vst v7;
	s20 =	smov.u32 s21;
	p0 =	sne.s32 s22, $0x2F0  }
.Ltmp43:
0x479: {  	s22 =	sadd.s32 $0x10, s22;
	s21 =	sor.u32 s24, s25;
	(pc) =	sbr.rel @p0 .LBB2_88-.Ltmp43, $4  }
0x47a: {  	v7 =	vmul.f32 v5, v3;
	v5 =	vld [tilespmem:s21+$0x7500];
	v8 =	vmul.f32 v6, v4  }
0x47b: {  	v6 =	vld [tilespmem:s21+$0x7580]  }
0x47c: {  	v7 =	vadd.f32 v8, v7  }
0x47d: {  	s23 =	sadd.s32 $0x80, s23  }
0x47e: {  	_ =	sdelay $0x1  }
0x47f: {  	v3 =	vmul.f32 v5, v3;
	v4 =	vmul.f32 v6, v4;
	_ =	sdelay $0x1  }
0x480: {  	v3 =	vadd.f32 v4, v3  }
0x481: {  	[tilespmem:s20+$0x11B80] =	vst v7  }
0x482: {  	s24 =	simm.s32 $0x0;
	[tilespmem:s21+$0x11B80] =	vst v3  }
0x483: {  	s25 =	sand.u32 $0x70, s24;
	s20 =	sand.u32 $0x1C00, s24;
	v3 =	vld [tilespmem:$0x2E00]  }
0x484: {  	s20 =	sor.u32 s25, s20;
	v4 =	vld [tilespmem:$0x2E80]  }
0x485: {  	v5 =	vld [tilespmem:s20+$0x8A00]  }
0x486: {  	v6 =	vld [tilespmem:s20+$0x8A80];
	_ =	sdelay $0x1  }
0x487: {  	s26 =	simm.s32 $0x10;
	s22 =	simm.s32 $0x80  }
0x488: {  	s22 =	sand.u32 $0x1C00, s22;
	s21 =	sand.u32 $0x70, s26  }
0x489: {  	s21 =	sor.u32 s21, s22  }
0x48a: {  	v7 =	vmul.f32 v5, v3;
	v8 =	vmul.f32 v6, v4;
	v5 =	vld [tilespmem:s21+$0x8A00]  }
0x48b: {  	v6 =	vld [tilespmem:s21+$0x8A80]  }
0x48c: {  	s23 =	simm.s32 $0x100;
	s22 =	simm.s32 $0x20;
	v7 =	vadd.f32 v8, v7  }
.LBB2_90:
0x48d: {  	s24 =	sand.u32 $0x70, s22  }
0x48e: {  	s25 =	sand.u32 $0x1C00, s23;
	[tilespmem:s20+$0x11C00] =	vst v7;
	s20 =	smov.u32 s21;
	p0 =	sne.s32 s22, $0x2F0  }
.Ltmp44:
0x48f: {  	s22 =	sadd.s32 $0x10, s22;
	s21 =	sor.u32 s24, s25;
	(pc) =	sbr.rel @p0 .LBB2_90-.Ltmp44, $4  }
0x490: {  	v7 =	vmul.f32 v5, v3;
	v5 =	vld [tilespmem:s21+$0x8A00];
	v8 =	vmul.f32 v6, v4  }
0x491: {  	v6 =	vld [tilespmem:s21+$0x8A80]  }
0x492: {  	v7 =	vadd.f32 v8, v7  }
0x493: {  	s23 =	sadd.s32 $0x80, s23  }
0x494: {  	_ =	sdelay $0x1  }
0x495: {  	v3 =	vmul.f32 v5, v3;
	v4 =	vmul.f32 v6, v4;
	_ =	sdelay $0x1  }
0x496: {  	v3 =	vadd.f32 v4, v3  }
0x497: {  	[tilespmem:s20+$0x11C00] =	vst v7  }
0x498: {  	s24 =	simm.s32 $0x0;
	[tilespmem:s21+$0x11C00] =	vst v3  }
0x499: {  	s25 =	sand.u32 $0x70, s24;
	s20 =	sand.u32 $0x1C00, s24;
	v3 =	vld [tilespmem:$0x2F00]  }
0x49a: {  	s20 =	sor.u32 s25, s20;
	v4 =	vld [tilespmem:$0x2F80]  }
0x49b: {  	v5 =	vld [tilespmem:s20+$0x8B00]  }
0x49c: {  	v6 =	vld [tilespmem:s20+$0x8B80];
	_ =	sdelay $0x1  }
0x49d: {  	s26 =	simm.s32 $0x10;
	s22 =	simm.s32 $0x80  }
0x49e: {  	s22 =	sand.u32 $0x1C00, s22;
	s21 =	sand.u32 $0x70, s26  }
0x49f: {  	s21 =	sor.u32 s21, s22  }
0x4a0: {  	v7 =	vmul.f32 v5, v3;
	v8 =	vmul.f32 v6, v4;
	v5 =	vld [tilespmem:s21+$0x8B00]  }
0x4a1: {  	v6 =	vld [tilespmem:s21+$0x8B80]  }
0x4a2: {  	s23 =	simm.s32 $0x100;
	s22 =	simm.s32 $0x20;
	v7 =	vadd.f32 v8, v7  }
.LBB2_92:
0x4a3: {  	s24 =	sand.u32 $0x70, s22  }
0x4a4: {  	s25 =	sand.u32 $0x1C00, s23;
	[tilespmem:s20+$0x11C80] =	vst v7;
	s20 =	smov.u32 s21;
	p0 =	sne.s32 s22, $0x2F0  }
.Ltmp45:
0x4a5: {  	s22 =	sadd.s32 $0x10, s22;
	s21 =	sor.u32 s24, s25;
	(pc) =	sbr.rel @p0 .LBB2_92-.Ltmp45, $4  }
0x4a6: {  	v7 =	vmul.f32 v5, v3;
	v5 =	vld [tilespmem:s21+$0x8B00];
	v8 =	vmul.f32 v6, v4  }
0x4a7: {  	v6 =	vld [tilespmem:s21+$0x8B80]  }
0x4a8: {  	v7 =	vadd.f32 v8, v7  }
0x4a9: {  	s23 =	sadd.s32 $0x80, s23  }
0x4aa: {  	_ =	sdelay $0x1  }
0x4ab: {  	v3 =	vmul.f32 v5, v3;
	v4 =	vmul.f32 v6, v4;
	_ =	sdelay $0x1  }
0x4ac: {  	v3 =	vadd.f32 v4, v3  }
0x4ad: {  	[tilespmem:s20+$0x11C80] =	vst v7  }
0x4ae: {  	s24 =	simm.s32 $0x0;
	[tilespmem:s21+$0x11C80] =	vst v3  }
0x4af: {  	s25 =	sand.u32 $0x70, s24;
	s20 =	sand.u32 $0x1C00, s24;
	v3 =	vld [tilespmem:$0x3000]  }
0x4b0: {  	s20 =	sor.u32 s25, s20;
	v4 =	vld [tilespmem:$0x3080]  }
0x4b1: {  	v5 =	vld [tilespmem:s20+$0x8C00]  }
0x4b2: {  	v6 =	vld [tilespmem:s20+$0x8C80];
	_ =	sdelay $0x1  }
0x4b3: {  	s26 =	simm.s32 $0x10;
	s22 =	simm.s32 $0x80  }
0x4b4: {  	s22 =	sand.u32 $0x1C00, s22;
	s21 =	sand.u32 $0x70, s26  }
0x4b5: {  	s21 =	sor.u32 s21, s22  }
0x4b6: {  	v7 =	vmul.f32 v5, v3;
	v8 =	vmul.f32 v6, v4;
	v5 =	vld [tilespmem:s21+$0x8C00]  }
0x4b7: {  	v6 =	vld [tilespmem:s21+$0x8C80]  }
0x4b8: {  	s23 =	simm.s32 $0x100;
	s22 =	simm.s32 $0x20;
	v7 =	vadd.f32 v8, v7  }
.LBB2_94:
0x4b9: {  	s24 =	sand.u32 $0x70, s22  }
0x4ba: {  	s25 =	sand.u32 $0x1C00, s23;
	[tilespmem:s20+$0x11D00] =	vst v7;
	s20 =	smov.u32 s21;
	p0 =	sne.s32 s22, $0x2F0  }
.Ltmp46:
0x4bb: {  	s22 =	sadd.s32 $0x10, s22;
	s21 =	sor.u32 s24, s25;
	(pc) =	sbr.rel @p0 .LBB2_94-.Ltmp46, $4  }
0x4bc: {  	v7 =	vmul.f32 v5, v3;
	v5 =	vld [tilespmem:s21+$0x8C00];
	v8 =	vmul.f32 v6, v4  }
0x4bd: {  	v6 =	vld [tilespmem:s21+$0x8C80]  }
0x4be: {  	v7 =	vadd.f32 v8, v7  }
0x4bf: {  	s23 =	sadd.s32 $0x80, s23  }
0x4c0: {  	_ =	sdelay $0x1  }
0x4c1: {  	v3 =	vmul.f32 v5, v3;
	v4 =	vmul.f32 v6, v4;
	_ =	sdelay $0x1  }
0x4c2: {  	v3 =	vadd.f32 v4, v3  }
0x4c3: {  	[tilespmem:s20+$0x11D00] =	vst v7  }
0x4c4: {  	s24 =	simm.s32 $0x0;
	[tilespmem:s21+$0x11D00] =	vst v3  }
0x4c5: {  	s25 =	sand.u32 $0x70, s24;
	s20 =	sand.u32 $0x1C00, s24;
	v3 =	vld [tilespmem:$0x3100]  }
0x4c6: {  	s20 =	sor.u32 s25, s20;
	v4 =	vld [tilespmem:$0x3180]  }
0x4c7: {  	v5 =	vld [tilespmem:s20+$0x8D00]  }
0x4c8: {  	v6 =	vld [tilespmem:s20+$0x8D80];
	_ =	sdelay $0x1  }
0x4c9: {  	s26 =	simm.s32 $0x10;
	s22 =	simm.s32 $0x80  }
0x4ca: {  	s22 =	sand.u32 $0x1C00, s22;
	s21 =	sand.u32 $0x70, s26  }
0x4cb: {  	s21 =	sor.u32 s21, s22  }
0x4cc: {  	v7 =	vmul.f32 v5, v3;
	v8 =	vmul.f32 v6, v4;
	v5 =	vld [tilespmem:s21+$0x8D00]  }
0x4cd: {  	v6 =	vld [tilespmem:s21+$0x8D80]  }
0x4ce: {  	s23 =	simm.s32 $0x100;
	s22 =	simm.s32 $0x20;
	v7 =	vadd.f32 v8, v7  }
.LBB2_96:
0x4cf: {  	s24 =	sand.u32 $0x70, s22  }
0x4d0: {  	s25 =	sand.u32 $0x1C00, s23;
	[tilespmem:s20+$0x11D80] =	vst v7;
	s20 =	smov.u32 s21;
	p0 =	sne.s32 s22, $0x2F0  }
.Ltmp47:
0x4d1: {  	s22 =	sadd.s32 $0x10, s22;
	s21 =	sor.u32 s24, s25;
	(pc) =	sbr.rel @p0 .LBB2_96-.Ltmp47, $4  }
0x4d2: {  	v7 =	vmul.f32 v5, v3;
	v5 =	vld [tilespmem:s21+$0x8D00];
	v8 =	vmul.f32 v6, v4  }
0x4d3: {  	v6 =	vld [tilespmem:s21+$0x8D80]  }
0x4d4: {  	v7 =	vadd.f32 v8, v7  }
0x4d5: {  	s23 =	sadd.s32 $0x80, s23  }
0x4d6: {  	_ =	sdelay $0x1  }
0x4d7: {  	v3 =	vmul.f32 v5, v3;
	v4 =	vmul.f32 v6, v4;
	_ =	sdelay $0x1  }
0x4d8: {  	v3 =	vadd.f32 v4, v3  }
0x4d9: {  	[tilespmem:s20+$0x11D80] =	vst v7  }
0x4da: {  	s24 =	simm.s32 $0x0;
	[tilespmem:s21+$0x11D80] =	vst v3  }
0x4db: {  	[hbm4b:s13+s24] =	stream.linear.scatter [tilespmem:s31], [sflag:$0x3], $0x3000, $0x38;
	[tilespmem:$0x16200] =	vst v63  }
0x4dc: {  	_ =	swait.ge [sflag:s18], $0x3000  }
0x4dd: {  	[sflag:s18] =	ssyncset.done $0x0  }
0x4de: {  	[sflag:s18] =	ssyncadd.s32 $0xFFFFD000  }
0x4df: {  	_ =	swait.ge [sflag:s0], $0x6000  }
0x4e0: {  	[sflag:s0] =	ssyncset.done $0x0  }
0x4e1: {  	[sflag:s0] =	ssyncadd.s32 $0xFFFFA000  }
0x4e2: {  	s25 =	sand.u32 $0x70, s24;
	s20 =	sand.u32 $0x1C00, s24;
	v3 =	vld [tilespmem:$0x3200]  }
0x4e3: {  	s20 =	sor.u32 s25, s20;
	v4 =	vld [tilespmem:$0x3280]  }
0x4e4: {  	v5 =	vld [tilespmem:s20+$0xA200]  }
0x4e5: {  	v6 =	vld [tilespmem:s20+$0xA280];
	_ =	sdelay $0x1  }
0x4e6: {  	s26 =	simm.s32 $0x10;
	s22 =	simm.s32 $0x80  }
0x4e7: {  	s22 =	sand.u32 $0x1C00, s22;
	s21 =	sand.u32 $0x70, s26  }
0x4e8: {  	s21 =	sor.u32 s21, s22  }
0x4e9: {  	v7 =	vmul.f32 v5, v3;
	v8 =	vmul.f32 v6, v4;
	v5 =	vld [tilespmem:s21+$0xA200]  }
0x4ea: {  	v6 =	vld [tilespmem:s21+$0xA280]  }
0x4eb: {  	s23 =	simm.s32 $0x100;
	s22 =	simm.s32 $0x20;
	v7 =	vadd.f32 v8, v7  }
.LBB2_98:
0x4ec: {  	s24 =	sand.u32 $0x70, s22  }
0x4ed: {  	s25 =	sand.u32 $0x1C00, s23;
	[tilespmem:s20+$0x13200] =	vst v7;
	s20 =	smov.u32 s21;
	p0 =	sne.s32 s22, $0x2F0  }
.Ltmp48:
0x4ee: {  	s22 =	sadd.s32 $0x10, s22;
	s21 =	sor.u32 s24, s25;
	(pc) =	sbr.rel @p0 .LBB2_98-.Ltmp48, $4  }
0x4ef: {  	v7 =	vmul.f32 v5, v3;
	v5 =	vld [tilespmem:s21+$0xA200];
	v8 =	vmul.f32 v6, v4  }
0x4f0: {  	v6 =	vld [tilespmem:s21+$0xA280]  }
0x4f1: {  	v7 =	vadd.f32 v8, v7  }
0x4f2: {  	s23 =	sadd.s32 $0x80, s23  }
0x4f3: {  	_ =	sdelay $0x1  }
0x4f4: {  	v3 =	vmul.f32 v5, v3;
	v4 =	vmul.f32 v6, v4;
	_ =	sdelay $0x1  }
0x4f5: {  	v3 =	vadd.f32 v4, v3  }
0x4f6: {  	[tilespmem:s20+$0x13200] =	vst v7  }
0x4f7: {  	s24 =	simm.s32 $0x0;
	[tilespmem:s21+$0x13200] =	vst v3  }
0x4f8: {  	s25 =	sand.u32 $0x70, s24;
	s20 =	sand.u32 $0x1C00, s24;
	v3 =	vld [tilespmem:$0x3300]  }
0x4f9: {  	s20 =	sor.u32 s25, s20;
	v4 =	vld [tilespmem:$0x3380]  }
0x4fa: {  	v5 =	vld [tilespmem:s20+$0xA300]  }
0x4fb: {  	v6 =	vld [tilespmem:s20+$0xA380];
	_ =	sdelay $0x1  }
0x4fc: {  	s26 =	simm.s32 $0x10;
	s22 =	simm.s32 $0x80  }
0x4fd: {  	s22 =	sand.u32 $0x1C00, s22;
	s21 =	sand.u32 $0x70, s26  }
0x4fe: {  	s21 =	sor.u32 s21, s22  }
0x4ff: {  	v7 =	vmul.f32 v5, v3;
	v8 =	vmul.f32 v6, v4;
	v5 =	vld [tilespmem:s21+$0xA300]  }
0x500: {  	v6 =	vld [tilespmem:s21+$0xA380]  }
0x501: {  	s23 =	simm.s32 $0x100;
	s22 =	simm.s32 $0x20;
	v7 =	vadd.f32 v8, v7  }
.LBB2_100:
0x502: {  	s24 =	sand.u32 $0x70, s22  }
0x503: {  	s25 =	sand.u32 $0x1C00, s23;
	[tilespmem:s20+$0x13280] =	vst v7;
	s20 =	smov.u32 s21;
	p0 =	sne.s32 s22, $0x2F0  }
.Ltmp49:
0x504: {  	s22 =	sadd.s32 $0x10, s22;
	s21 =	sor.u32 s24, s25;
	(pc) =	sbr.rel @p0 .LBB2_100-.Ltmp49, $4  }
0x505: {  	v7 =	vmul.f32 v5, v3;
	v5 =	vld [tilespmem:s21+$0xA300];
	v8 =	vmul.f32 v6, v4  }
0x506: {  	v6 =	vld [tilespmem:s21+$0xA380]  }
0x507: {  	v7 =	vadd.f32 v8, v7  }
0x508: {  	s23 =	sadd.s32 $0x80, s23  }
0x509: {  	_ =	sdelay $0x1  }
0x50a: {  	v3 =	vmul.f32 v5, v3;
	v4 =	vmul.f32 v6, v4;
	_ =	sdelay $0x1  }
0x50b: {  	v3 =	vadd.f32 v4, v3  }
0x50c: {  	[tilespmem:s20+$0x13280] =	vst v7  }
0x50d: {  	s24 =	simm.s32 $0x0;
	[tilespmem:s21+$0x13280] =	vst v3  }
0x50e: {  	s25 =	sand.u32 $0x70, s24;
	s20 =	sand.u32 $0x1C00, s24;
	v3 =	vld [tilespmem:$0x3400]  }
0x50f: {  	s20 =	sor.u32 s25, s20;
	v4 =	vld [tilespmem:$0x3480]  }
0x510: {  	v5 =	vld [tilespmem:s20+$0xA400]  }
0x511: {  	v6 =	vld [tilespmem:s20+$0xA480];
	_ =	sdelay $0x1  }
0x512: {  	s26 =	simm.s32 $0x10;
	s22 =	simm.s32 $0x80  }
0x513: {  	s22 =	sand.u32 $0x1C00, s22;
	s21 =	sand.u32 $0x70, s26  }
0x514: {  	s21 =	sor.u32 s21, s22  }
0x515: {  	v7 =	vmul.f32 v5, v3;
	v8 =	vmul.f32 v6, v4;
	v5 =	vld [tilespmem:s21+$0xA400]  }
0x516: {  	v6 =	vld [tilespmem:s21+$0xA480]  }
0x517: {  	s23 =	simm.s32 $0x100;
	s22 =	simm.s32 $0x20;
	v7 =	vadd.f32 v8, v7  }
.LBB2_102:
0x518: {  	s24 =	sand.u32 $0x70, s22  }
0x519: {  	s25 =	sand.u32 $0x1C00, s23;
	[tilespmem:s20+$0x13300] =	vst v7;
	s20 =	smov.u32 s21;
	p0 =	sne.s32 s22, $0x2F0  }
.Ltmp50:
0x51a: {  	s22 =	sadd.s32 $0x10, s22;
	s21 =	sor.u32 s24, s25;
	(pc) =	sbr.rel @p0 .LBB2_102-.Ltmp50, $4  }
0x51b: {  	v7 =	vmul.f32 v5, v3;
	v5 =	vld [tilespmem:s21+$0xA400];
	v8 =	vmul.f32 v6, v4  }
0x51c: {  	v6 =	vld [tilespmem:s21+$0xA480]  }
0x51d: {  	v7 =	vadd.f32 v8, v7  }
0x51e: {  	s23 =	sadd.s32 $0x80, s23  }
0x51f: {  	_ =	sdelay $0x1  }
0x520: {  	v3 =	vmul.f32 v5, v3;
	v4 =	vmul.f32 v6, v4;
	_ =	sdelay $0x1  }
0x521: {  	v3 =	vadd.f32 v4, v3  }
0x522: {  	[tilespmem:s20+$0x13300] =	vst v7  }
0x523: {  	s24 =	simm.s32 $0x0;
	[tilespmem:s21+$0x13300] =	vst v3  }
0x524: {  	s25 =	sand.u32 $0x70, s24;
	s20 =	sand.u32 $0x1C00, s24;
	v3 =	vld [tilespmem:$0x3500]  }
0x525: {  	s20 =	sor.u32 s25, s20;
	v4 =	vld [tilespmem:$0x3580]  }
0x526: {  	v5 =	vld [tilespmem:s20+$0xA500]  }
0x527: {  	v6 =	vld [tilespmem:s20+$0xA580];
	_ =	sdelay $0x1  }
0x528: {  	s26 =	simm.s32 $0x10;
	s22 =	simm.s32 $0x80  }
0x529: {  	s22 =	sand.u32 $0x1C00, s22;
	s21 =	sand.u32 $0x70, s26  }
0x52a: {  	s21 =	sor.u32 s21, s22  }
0x52b: {  	v7 =	vmul.f32 v5, v3;
	v8 =	vmul.f32 v6, v4;
	v5 =	vld [tilespmem:s21+$0xA500]  }
0x52c: {  	v6 =	vld [tilespmem:s21+$0xA580]  }
0x52d: {  	s23 =	simm.s32 $0x100;
	s22 =	simm.s32 $0x20;
	v7 =	vadd.f32 v8, v7  }
.LBB2_104:
0x52e: {  	s24 =	sand.u32 $0x70, s22  }
0x52f: {  	s25 =	sand.u32 $0x1C00, s23;
	[tilespmem:s20+$0x13380] =	vst v7;
	s20 =	smov.u32 s21;
	p0 =	sne.s32 s22, $0x2F0  }
.Ltmp51:
0x530: {  	s22 =	sadd.s32 $0x10, s22;
	s21 =	sor.u32 s24, s25;
	(pc) =	sbr.rel @p0 .LBB2_104-.Ltmp51, $4  }
0x531: {  	v7 =	vmul.f32 v5, v3;
	v5 =	vld [tilespmem:s21+$0xA500];
	v8 =	vmul.f32 v6, v4  }
0x532: {  	v6 =	vld [tilespmem:s21+$0xA580]  }
0x533: {  	v7 =	vadd.f32 v8, v7  }
0x534: {  	s23 =	sadd.s32 $0x80, s23  }
0x535: {  	_ =	sdelay $0x1  }
0x536: {  	v3 =	vmul.f32 v5, v3;
	v4 =	vmul.f32 v6, v4;
	_ =	sdelay $0x1  }
0x537: {  	v3 =	vadd.f32 v4, v3  }
0x538: {  	[tilespmem:s20+$0x13380] =	vst v7  }
0x539: {  	s24 =	simm.s32 $0x0;
	[tilespmem:s21+$0x13380] =	vst v3  }
0x53a: {  	s25 =	sand.u32 $0x70, s24;
	s20 =	sand.u32 $0x1C00, s24;
	v3 =	vld [tilespmem:$0x3600]  }
0x53b: {  	s20 =	sor.u32 s25, s20;
	v4 =	vld [tilespmem:$0x3680]  }
0x53c: {  	v5 =	vld [tilespmem:s20+$0xBA00]  }
0x53d: {  	v6 =	vld [tilespmem:s20+$0xBA80];
	_ =	sdelay $0x1  }
0x53e: {  	s26 =	simm.s32 $0x10;
	s22 =	simm.s32 $0x80  }
0x53f: {  	s22 =	sand.u32 $0x1C00, s22;
	s21 =	sand.u32 $0x70, s26  }
0x540: {  	s21 =	sor.u32 s21, s22  }
0x541: {  	v7 =	vmul.f32 v5, v3;
	v8 =	vmul.f32 v6, v4;
	v5 =	vld [tilespmem:s21+$0xBA00]  }
0x542: {  	v6 =	vld [tilespmem:s21+$0xBA80]  }
0x543: {  	s23 =	simm.s32 $0x100;
	s22 =	simm.s32 $0x20;
	v7 =	vadd.f32 v8, v7  }
.LBB2_106:
0x544: {  	s24 =	sand.u32 $0x70, s22  }
0x545: {  	s25 =	sand.u32 $0x1C00, s23;
	[tilespmem:s20+$0x13400] =	vst v7;
	s20 =	smov.u32 s21;
	p0 =	sne.s32 s22, $0x2F0  }
.Ltmp52:
0x546: {  	s22 =	sadd.s32 $0x10, s22;
	s21 =	sor.u32 s24, s25;
	(pc) =	sbr.rel @p0 .LBB2_106-.Ltmp52, $4  }
0x547: {  	v7 =	vmul.f32 v5, v3;
	v5 =	vld [tilespmem:s21+$0xBA00];
	v8 =	vmul.f32 v6, v4  }
0x548: {  	v6 =	vld [tilespmem:s21+$0xBA80]  }
0x549: {  	v7 =	vadd.f32 v8, v7  }
0x54a: {  	s23 =	sadd.s32 $0x80, s23  }
0x54b: {  	_ =	sdelay $0x1  }
0x54c: {  	v3 =	vmul.f32 v5, v3;
	v4 =	vmul.f32 v6, v4;
	_ =	sdelay $0x1  }
0x54d: {  	v3 =	vadd.f32 v4, v3  }
0x54e: {  	[tilespmem:s20+$0x13400] =	vst v7  }
0x54f: {  	s24 =	simm.s32 $0x0;
	[tilespmem:s21+$0x13400] =	vst v3  }
0x550: {  	s25 =	sand.u32 $0x70, s24;
	s20 =	sand.u32 $0x1C00, s24;
	v3 =	vld [tilespmem:$0x3700]  }
0x551: {  	s20 =	sor.u32 s25, s20;
	v4 =	vld [tilespmem:$0x3780]  }
0x552: {  	v5 =	vld [tilespmem:s20+$0xBB00]  }
0x553: {  	v6 =	vld [tilespmem:s20+$0xBB80];
	_ =	sdelay $0x1  }
0x554: {  	s26 =	simm.s32 $0x10;
	s22 =	simm.s32 $0x80  }
0x555: {  	s22 =	sand.u32 $0x1C00, s22;
	s21 =	sand.u32 $0x70, s26  }
0x556: {  	s21 =	sor.u32 s21, s22  }
0x557: {  	v7 =	vmul.f32 v5, v3;
	v8 =	vmul.f32 v6, v4;
	v5 =	vld [tilespmem:s21+$0xBB00]  }
0x558: {  	v6 =	vld [tilespmem:s21+$0xBB80]  }
0x559: {  	s23 =	simm.s32 $0x100;
	s22 =	simm.s32 $0x20;
	v7 =	vadd.f32 v8, v7  }
.LBB2_108:
0x55a: {  	s24 =	sand.u32 $0x70, s22  }
0x55b: {  	s25 =	sand.u32 $0x1C00, s23;
	[tilespmem:s20+$0x13480] =	vst v7;
	s20 =	smov.u32 s21;
	p0 =	sne.s32 s22, $0x2F0  }
.Ltmp53:
0x55c: {  	s22 =	sadd.s32 $0x10, s22;
	s21 =	sor.u32 s24, s25;
	(pc) =	sbr.rel @p0 .LBB2_108-.Ltmp53, $4  }
0x55d: {  	v7 =	vmul.f32 v5, v3;
	v5 =	vld [tilespmem:s21+$0xBB00];
	v8 =	vmul.f32 v6, v4  }
0x55e: {  	v6 =	vld [tilespmem:s21+$0xBB80]  }
0x55f: {  	v7 =	vadd.f32 v8, v7  }
0x560: {  	s23 =	sadd.s32 $0x80, s23  }
0x561: {  	_ =	sdelay $0x1  }
0x562: {  	v3 =	vmul.f32 v5, v3;
	v4 =	vmul.f32 v6, v4;
	_ =	sdelay $0x1  }
0x563: {  	v3 =	vadd.f32 v4, v3  }
0x564: {  	[tilespmem:s20+$0x13480] =	vst v7  }
0x565: {  	s24 =	simm.s32 $0x0;
	[tilespmem:s21+$0x13480] =	vst v3  }
0x566: {  	s25 =	sand.u32 $0x70, s24;
	s20 =	sand.u32 $0x1C00, s24;
	v3 =	vld [tilespmem:$0x3800]  }
0x567: {  	s20 =	sor.u32 s25, s20;
	v4 =	vld [tilespmem:$0x3880]  }
0x568: {  	v5 =	vld [tilespmem:s20+$0xBC00]  }
0x569: {  	v6 =	vld [tilespmem:s20+$0xBC80];
	_ =	sdelay $0x1  }
0x56a: {  	s26 =	simm.s32 $0x10;
	s22 =	simm.s32 $0x80  }
0x56b: {  	s22 =	sand.u32 $0x1C00, s22;
	s21 =	sand.u32 $0x70, s26  }
0x56c: {  	s21 =	sor.u32 s21, s22  }
0x56d: {  	v7 =	vmul.f32 v5, v3;
	v8 =	vmul.f32 v6, v4;
	v5 =	vld [tilespmem:s21+$0xBC00]  }
0x56e: {  	v6 =	vld [tilespmem:s21+$0xBC80]  }
0x56f: {  	s23 =	simm.s32 $0x100;
	s22 =	simm.s32 $0x20;
	v7 =	vadd.f32 v8, v7  }
.LBB2_110:
0x570: {  	s24 =	sand.u32 $0x70, s22  }
0x571: {  	s25 =	sand.u32 $0x1C00, s23;
	[tilespmem:s20+$0x13500] =	vst v7;
	s20 =	smov.u32 s21;
	p0 =	sne.s32 s22, $0x2F0  }
.Ltmp54:
0x572: {  	s22 =	sadd.s32 $0x10, s22;
	s21 =	sor.u32 s24, s25;
	(pc) =	sbr.rel @p0 .LBB2_110-.Ltmp54, $4  }
0x573: {  	v7 =	vmul.f32 v5, v3;
	v5 =	vld [tilespmem:s21+$0xBC00];
	v8 =	vmul.f32 v6, v4  }
0x574: {  	v6 =	vld [tilespmem:s21+$0xBC80]  }
0x575: {  	v7 =	vadd.f32 v8, v7  }
0x576: {  	s23 =	sadd.s32 $0x80, s23  }
0x577: {  	_ =	sdelay $0x1  }
0x578: {  	v3 =	vmul.f32 v5, v3;
	v4 =	vmul.f32 v6, v4;
	_ =	sdelay $0x1  }
0x579: {  	v3 =	vadd.f32 v4, v3  }
0x57a: {  	[tilespmem:s20+$0x13500] =	vst v7  }
0x57b: {  	s24 =	simm.s32 $0x0;
	[tilespmem:s21+$0x13500] =	vst v3  }
0x57c: {  	s25 =	sand.u32 $0x70, s24;
	s20 =	sand.u32 $0x1C00, s24;
	v3 =	vld [tilespmem:$0x3900]  }
0x57d: {  	s20 =	sor.u32 s25, s20;
	v4 =	vld [tilespmem:$0x3980]  }
0x57e: {  	v5 =	vld [tilespmem:s20+$0xBD00]  }
0x57f: {  	v6 =	vld [tilespmem:s20+$0xBD80];
	_ =	sdelay $0x1  }
0x580: {  	s26 =	simm.s32 $0x10;
	s22 =	simm.s32 $0x80  }
0x581: {  	s22 =	sand.u32 $0x1C00, s22;
	s21 =	sand.u32 $0x70, s26  }
0x582: {  	s21 =	sor.u32 s21, s22  }
0x583: {  	v7 =	vmul.f32 v5, v3;
	v8 =	vmul.f32 v6, v4;
	v5 =	vld [tilespmem:s21+$0xBD00]  }
0x584: {  	v6 =	vld [tilespmem:s21+$0xBD80]  }
0x585: {  	s23 =	simm.s32 $0x100;
	s22 =	simm.s32 $0x20;
	v7 =	vadd.f32 v8, v7  }
.LBB2_112:
0x586: {  	s24 =	sand.u32 $0x70, s22  }
0x587: {  	s25 =	sand.u32 $0x1C00, s23;
	[tilespmem:s20+$0x13580] =	vst v7;
	s20 =	smov.u32 s21;
	p0 =	sne.s32 s22, $0x2F0  }
.Ltmp55:
0x588: {  	s22 =	sadd.s32 $0x10, s22;
	s21 =	sor.u32 s24, s25;
	(pc) =	sbr.rel @p0 .LBB2_112-.Ltmp55, $4  }
0x589: {  	v7 =	vmul.f32 v5, v3;
	v5 =	vld [tilespmem:s21+$0xBD00];
	v8 =	vmul.f32 v6, v4  }
0x58a: {  	v6 =	vld [tilespmem:s21+$0xBD80]  }
0x58b: {  	v7 =	vadd.f32 v8, v7  }
0x58c: {  	s23 =	sadd.s32 $0x80, s23  }
0x58d: {  	_ =	sdelay $0x1  }
0x58e: {  	v3 =	vmul.f32 v5, v3;
	v4 =	vmul.f32 v6, v4;
	_ =	sdelay $0x1  }
0x58f: {  	v3 =	vadd.f32 v4, v3  }
0x590: {  	[tilespmem:s20+$0x13580] =	vst v7  }
0x591: {  	s24 =	simm.s32 $0x0;
	[tilespmem:s21+$0x13580] =	vst v3  }
0x592: {  	s25 =	sand.u32 $0x70, s24;
	s20 =	sand.u32 $0x1C00, s24;
	v3 =	vld [tilespmem:$0x3A00]  }
0x593: {  	s20 =	sor.u32 s25, s20;
	v4 =	vld [tilespmem:$0x3A80]  }
0x594: {  	v5 =	vld [tilespmem:s20+$0xD200]  }
0x595: {  	v6 =	vld [tilespmem:s20+$0xD280];
	_ =	sdelay $0x1  }
0x596: {  	s26 =	simm.s32 $0x10;
	s22 =	simm.s32 $0x80  }
0x597: {  	s22 =	sand.u32 $0x1C00, s22;
	s21 =	sand.u32 $0x70, s26  }
0x598: {  	s21 =	sor.u32 s21, s22  }
0x599: {  	v7 =	vmul.f32 v5, v3;
	v8 =	vmul.f32 v6, v4;
	v5 =	vld [tilespmem:s21+$0xD200]  }
0x59a: {  	v6 =	vld [tilespmem:s21+$0xD280]  }
0x59b: {  	s23 =	simm.s32 $0x100;
	s22 =	simm.s32 $0x20;
	v7 =	vadd.f32 v8, v7  }
.LBB2_114:
0x59c: {  	s24 =	sand.u32 $0x70, s22  }
0x59d: {  	s25 =	sand.u32 $0x1C00, s23;
	[tilespmem:s20+$0x14A00] =	vst v7;
	s20 =	smov.u32 s21;
	p0 =	sne.s32 s22, $0x2F0  }
.Ltmp56:
0x59e: {  	s22 =	sadd.s32 $0x10, s22;
	s21 =	sor.u32 s24, s25;
	(pc) =	sbr.rel @p0 .LBB2_114-.Ltmp56, $4  }
0x59f: {  	v7 =	vmul.f32 v5, v3;
	v5 =	vld [tilespmem:s21+$0xD200];
	v8 =	vmul.f32 v6, v4  }
0x5a0: {  	v6 =	vld [tilespmem:s21+$0xD280]  }
0x5a1: {  	v7 =	vadd.f32 v8, v7  }
0x5a2: {  	s23 =	sadd.s32 $0x80, s23  }
0x5a3: {  	_ =	sdelay $0x1  }
0x5a4: {  	v3 =	vmul.f32 v5, v3;
	v4 =	vmul.f32 v6, v4;
	_ =	sdelay $0x1  }
0x5a5: {  	v3 =	vadd.f32 v4, v3  }
0x5a6: {  	[tilespmem:s20+$0x14A00] =	vst v7  }
0x5a7: {  	s24 =	simm.s32 $0x0;
	[tilespmem:s21+$0x14A00] =	vst v3  }
0x5a8: {  	s25 =	sand.u32 $0x70, s24;
	s20 =	sand.u32 $0x1C00, s24;
	v3 =	vld [tilespmem:$0x3B00]  }
0x5a9: {  	s20 =	sor.u32 s25, s20;
	v4 =	vld [tilespmem:$0x3B80]  }
0x5aa: {  	v5 =	vld [tilespmem:s20+$0xD300]  }
0x5ab: {  	v6 =	vld [tilespmem:s20+$0xD380];
	_ =	sdelay $0x1  }
0x5ac: {  	s26 =	simm.s32 $0x10;
	s22 =	simm.s32 $0x80  }
0x5ad: {  	s22 =	sand.u32 $0x1C00, s22;
	s21 =	sand.u32 $0x70, s26  }
0x5ae: {  	s21 =	sor.u32 s21, s22  }
0x5af: {  	v7 =	vmul.f32 v5, v3;
	v8 =	vmul.f32 v6, v4;
	v5 =	vld [tilespmem:s21+$0xD300]  }
0x5b0: {  	v6 =	vld [tilespmem:s21+$0xD380]  }
0x5b1: {  	s23 =	simm.s32 $0x100;
	s22 =	simm.s32 $0x20;
	v7 =	vadd.f32 v8, v7  }
.LBB2_116:
0x5b2: {  	s24 =	sand.u32 $0x70, s22  }
0x5b3: {  	s25 =	sand.u32 $0x1C00, s23;
	[tilespmem:s20+$0x14A80] =	vst v7;
	s20 =	smov.u32 s21;
	p0 =	sne.s32 s22, $0x2F0  }
.Ltmp57:
0x5b4: {  	s22 =	sadd.s32 $0x10, s22;
	s21 =	sor.u32 s24, s25;
	(pc) =	sbr.rel @p0 .LBB2_116-.Ltmp57, $4  }
0x5b5: {  	v7 =	vmul.f32 v5, v3;
	v5 =	vld [tilespmem:s21+$0xD300];
	v8 =	vmul.f32 v6, v4  }
0x5b6: {  	v6 =	vld [tilespmem:s21+$0xD380]  }
0x5b7: {  	v7 =	vadd.f32 v8, v7  }
0x5b8: {  	s23 =	sadd.s32 $0x80, s23  }
0x5b9: {  	_ =	sdelay $0x1  }
0x5ba: {  	v3 =	vmul.f32 v5, v3;
	v4 =	vmul.f32 v6, v4;
	_ =	sdelay $0x1  }
0x5bb: {  	v3 =	vadd.f32 v4, v3  }
0x5bc: {  	[tilespmem:s20+$0x14A80] =	vst v7  }
0x5bd: {  	s24 =	simm.s32 $0x0;
	[tilespmem:s21+$0x14A80] =	vst v3  }
0x5be: {  	s25 =	sand.u32 $0x70, s24;
	s20 =	sand.u32 $0x1C00, s24;
	v3 =	vld [tilespmem:$0x3C00]  }
0x5bf: {  	s20 =	sor.u32 s25, s20;
	v4 =	vld [tilespmem:$0x3C80]  }
0x5c0: {  	v5 =	vld [tilespmem:s20+$0xD400]  }
0x5c1: {  	v6 =	vld [tilespmem:s20+$0xD480];
	_ =	sdelay $0x1  }
0x5c2: {  	s26 =	simm.s32 $0x10;
	s22 =	simm.s32 $0x80  }
0x5c3: {  	s22 =	sand.u32 $0x1C00, s22;
	s21 =	sand.u32 $0x70, s26  }
0x5c4: {  	s21 =	sor.u32 s21, s22  }
0x5c5: {  	v7 =	vmul.f32 v5, v3;
	v8 =	vmul.f32 v6, v4;
	v5 =	vld [tilespmem:s21+$0xD400]  }
0x5c6: {  	v6 =	vld [tilespmem:s21+$0xD480]  }
0x5c7: {  	s23 =	simm.s32 $0x100;
	s22 =	simm.s32 $0x20;
	v7 =	vadd.f32 v8, v7  }
.LBB2_118:
0x5c8: {  	s24 =	sand.u32 $0x70, s22  }
0x5c9: {  	s25 =	sand.u32 $0x1C00, s23;
	[tilespmem:s20+$0x14B00] =	vst v7;
	s20 =	smov.u32 s21;
	p0 =	sne.s32 s22, $0x2F0  }
.Ltmp58:
0x5ca: {  	s22 =	sadd.s32 $0x10, s22;
	s21 =	sor.u32 s24, s25;
	(pc) =	sbr.rel @p0 .LBB2_118-.Ltmp58, $4  }
0x5cb: {  	v7 =	vmul.f32 v5, v3;
	v5 =	vld [tilespmem:s21+$0xD400];
	v8 =	vmul.f32 v6, v4  }
0x5cc: {  	v6 =	vld [tilespmem:s21+$0xD480]  }
0x5cd: {  	v7 =	vadd.f32 v8, v7  }
0x5ce: {  	s23 =	sadd.s32 $0x80, s23  }
0x5cf: {  	_ =	sdelay $0x1  }
0x5d0: {  	v3 =	vmul.f32 v5, v3;
	v4 =	vmul.f32 v6, v4;
	_ =	sdelay $0x1  }
0x5d1: {  	v3 =	vadd.f32 v4, v3  }
0x5d2: {  	[tilespmem:s20+$0x14B00] =	vst v7  }
0x5d3: {  	s24 =	simm.s32 $0x0;
	[tilespmem:s21+$0x14B00] =	vst v3  }
0x5d4: {  	s25 =	sand.u32 $0x70, s24;
	s20 =	sand.u32 $0x1C00, s24;
	v3 =	vld [tilespmem:$0x3D00]  }
0x5d5: {  	s20 =	sor.u32 s25, s20;
	v4 =	vld [tilespmem:$0x3D80]  }
0x5d6: {  	v5 =	vld [tilespmem:s20+$0xD500]  }
0x5d7: {  	v6 =	vld [tilespmem:s20+$0xD580];
	_ =	sdelay $0x1  }
0x5d8: {  	s26 =	simm.s32 $0x10;
	s22 =	simm.s32 $0x80  }
0x5d9: {  	s22 =	sand.u32 $0x1C00, s22;
	s21 =	sand.u32 $0x70, s26  }
0x5da: {  	s21 =	sor.u32 s21, s22  }
0x5db: {  	v7 =	vmul.f32 v5, v3;
	v8 =	vmul.f32 v6, v4;
	v5 =	vld [tilespmem:s21+$0xD500]  }
0x5dc: {  	v6 =	vld [tilespmem:s21+$0xD580]  }
0x5dd: {  	s23 =	simm.s32 $0x100;
	s22 =	simm.s32 $0x20;
	v7 =	vadd.f32 v8, v7  }
.LBB2_120:
0x5de: {  	s24 =	sand.u32 $0x70, s22  }
0x5df: {  	s25 =	sand.u32 $0x1C00, s23;
	[tilespmem:s20+$0x14B80] =	vst v7;
	s20 =	smov.u32 s21;
	p0 =	sne.s32 s22, $0x2F0  }
.Ltmp59:
0x5e0: {  	s22 =	sadd.s32 $0x10, s22;
	s21 =	sor.u32 s24, s25;
	(pc) =	sbr.rel @p0 .LBB2_120-.Ltmp59, $4  }
0x5e1: {  	v7 =	vmul.f32 v5, v3;
	v5 =	vld [tilespmem:s21+$0xD500];
	v8 =	vmul.f32 v6, v4  }
0x5e2: {  	v6 =	vld [tilespmem:s21+$0xD580]  }
0x5e3: {  	v7 =	vadd.f32 v8, v7  }
0x5e4: {  	s23 =	sadd.s32 $0x80, s23  }
0x5e5: {  	_ =	sdelay $0x1  }
0x5e6: {  	v3 =	vmul.f32 v5, v3;
	v4 =	vmul.f32 v6, v4;
	_ =	sdelay $0x1  }
0x5e7: {  	v3 =	vadd.f32 v4, v3  }
0x5e8: {  	[tilespmem:s20+$0x14B80] =	vst v7  }
0x5e9: {  	s24 =	simm.s32 $0x0;
	[tilespmem:s21+$0x14B80] =	vst v3  }
0x5ea: {  	s25 =	sand.u32 $0x70, s24;
	s20 =	sand.u32 $0x1C00, s24;
	v3 =	vld [tilespmem:$0x3E00]  }
0x5eb: {  	s20 =	sor.u32 s25, s20;
	v4 =	vld [tilespmem:$0x3E80]  }
0x5ec: {  	v5 =	vld [tilespmem:s20+$0xEA00]  }
0x5ed: {  	v6 =	vld [tilespmem:s20+$0xEA80];
	_ =	sdelay $0x1  }
0x5ee: {  	s26 =	simm.s32 $0x10;
	s22 =	simm.s32 $0x80  }
0x5ef: {  	s22 =	sand.u32 $0x1C00, s22;
	s21 =	sand.u32 $0x70, s26  }
0x5f0: {  	s21 =	sor.u32 s21, s22  }
0x5f1: {  	v7 =	vmul.f32 v5, v3;
	v8 =	vmul.f32 v6, v4;
	v5 =	vld [tilespmem:s21+$0xEA00]  }
0x5f2: {  	v6 =	vld [tilespmem:s21+$0xEA80]  }
0x5f3: {  	s23 =	simm.s32 $0x100;
	s22 =	simm.s32 $0x20;
	v7 =	vadd.f32 v8, v7  }
.LBB2_122:
0x5f4: {  	s24 =	sand.u32 $0x70, s22  }
0x5f5: {  	s25 =	sand.u32 $0x1C00, s23;
	[tilespmem:s20+$0x14C00] =	vst v7;
	s20 =	smov.u32 s21;
	p0 =	sne.s32 s22, $0x2F0  }
.Ltmp60:
0x5f6: {  	s22 =	sadd.s32 $0x10, s22;
	s21 =	sor.u32 s24, s25;
	(pc) =	sbr.rel @p0 .LBB2_122-.Ltmp60, $4  }
0x5f7: {  	v7 =	vmul.f32 v5, v3;
	v5 =	vld [tilespmem:s21+$0xEA00];
	v8 =	vmul.f32 v6, v4  }
0x5f8: {  	v6 =	vld [tilespmem:s21+$0xEA80]  }
0x5f9: {  	v7 =	vadd.f32 v8, v7  }
0x5fa: {  	s23 =	sadd.s32 $0x80, s23  }
0x5fb: {  	_ =	sdelay $0x1  }
0x5fc: {  	v3 =	vmul.f32 v5, v3;
	v4 =	vmul.f32 v6, v4;
	_ =	sdelay $0x1  }
0x5fd: {  	v3 =	vadd.f32 v4, v3  }
0x5fe: {  	[tilespmem:s20+$0x14C00] =	vst v7  }
0x5ff: {  	s24 =	simm.s32 $0x0;
	[tilespmem:s21+$0x14C00] =	vst v3  }
0x600: {  	s25 =	sand.u32 $0x70, s24;
	s20 =	sand.u32 $0x1C00, s24;
	v3 =	vld [tilespmem:$0x3F00]  }
0x601: {  	s20 =	sor.u32 s25, s20;
	v4 =	vld [tilespmem:$0x3F80]  }
0x602: {  	v5 =	vld [tilespmem:s20+$0xEB00]  }
0x603: {  	v6 =	vld [tilespmem:s20+$0xEB80];
	_ =	sdelay $0x1  }
0x604: {  	s26 =	simm.s32 $0x10;
	s22 =	simm.s32 $0x80  }
0x605: {  	s22 =	sand.u32 $0x1C00, s22;
	s21 =	sand.u32 $0x70, s26  }
0x606: {  	s21 =	sor.u32 s21, s22  }
0x607: {  	v7 =	vmul.f32 v5, v3;
	v8 =	vmul.f32 v6, v4;
	v5 =	vld [tilespmem:s21+$0xEB00]  }
0x608: {  	v6 =	vld [tilespmem:s21+$0xEB80]  }
0x609: {  	s23 =	simm.s32 $0x100;
	s22 =	simm.s32 $0x20;
	v7 =	vadd.f32 v8, v7  }
.LBB2_124:
0x60a: {  	s24 =	sand.u32 $0x70, s22  }
0x60b: {  	s25 =	sand.u32 $0x1C00, s23;
	[tilespmem:s20+$0x14C80] =	vst v7;
	s20 =	smov.u32 s21;
	p0 =	sne.s32 s22, $0x2F0  }
.Ltmp61:
0x60c: {  	s22 =	sadd.s32 $0x10, s22;
	s21 =	sor.u32 s24, s25;
	(pc) =	sbr.rel @p0 .LBB2_124-.Ltmp61, $4  }
0x60d: {  	v7 =	vmul.f32 v5, v3;
	v5 =	vld [tilespmem:s21+$0xEB00];
	v8 =	vmul.f32 v6, v4  }
0x60e: {  	v6 =	vld [tilespmem:s21+$0xEB80]  }
0x60f: {  	v7 =	vadd.f32 v8, v7  }
0x610: {  	s23 =	sadd.s32 $0x80, s23  }
0x611: {  	_ =	sdelay $0x1  }
0x612: {  	v3 =	vmul.f32 v5, v3;
	v4 =	vmul.f32 v6, v4;
	_ =	sdelay $0x1  }
0x613: {  	v3 =	vadd.f32 v4, v3  }
0x614: {  	[tilespmem:s20+$0x14C80] =	vst v7  }
0x615: {  	s24 =	simm.s32 $0x0;
	[tilespmem:s21+$0x14C80] =	vst v3  }
0x616: {  	s25 =	sand.u32 $0x70, s24;
	s20 =	sand.u32 $0x1C00, s24;
	v3 =	vld [tilespmem:$0x4000]  }
0x617: {  	s20 =	sor.u32 s25, s20;
	v4 =	vld [tilespmem:$0x4080]  }
0x618: {  	v5 =	vld [tilespmem:s20+$0xEC00]  }
0x619: {  	v6 =	vld [tilespmem:s20+$0xEC80];
	_ =	sdelay $0x1  }
0x61a: {  	s26 =	simm.s32 $0x10;
	s22 =	simm.s32 $0x80  }
0x61b: {  	s22 =	sand.u32 $0x1C00, s22;
	s21 =	sand.u32 $0x70, s26  }
0x61c: {  	s21 =	sor.u32 s21, s22  }
0x61d: {  	v7 =	vmul.f32 v5, v3;
	v8 =	vmul.f32 v6, v4;
	v5 =	vld [tilespmem:s21+$0xEC00]  }
0x61e: {  	v6 =	vld [tilespmem:s21+$0xEC80]  }
0x61f: {  	s23 =	simm.s32 $0x100;
	s22 =	simm.s32 $0x20;
	v7 =	vadd.f32 v8, v7  }
.LBB2_126:
0x620: {  	s24 =	sand.u32 $0x70, s22  }
0x621: {  	s25 =	sand.u32 $0x1C00, s23;
	[tilespmem:s20+$0x14D00] =	vst v7;
	s20 =	smov.u32 s21;
	p0 =	sne.s32 s22, $0x2F0  }
.Ltmp62:
0x622: {  	s22 =	sadd.s32 $0x10, s22;
	s21 =	sor.u32 s24, s25;
	(pc) =	sbr.rel @p0 .LBB2_126-.Ltmp62, $4  }
0x623: {  	v7 =	vmul.f32 v5, v3;
	v5 =	vld [tilespmem:s21+$0xEC00];
	v8 =	vmul.f32 v6, v4  }
0x624: {  	v6 =	vld [tilespmem:s21+$0xEC80]  }
0x625: {  	v7 =	vadd.f32 v8, v7  }
0x626: {  	s23 =	sadd.s32 $0x80, s23  }
0x627: {  	_ =	sdelay $0x1  }
0x628: {  	v3 =	vmul.f32 v5, v3;
	v4 =	vmul.f32 v6, v4;
	_ =	sdelay $0x1  }
0x629: {  	v3 =	vadd.f32 v4, v3  }
0x62a: {  	[tilespmem:s20+$0x14D00] =	vst v7  }
0x62b: {  	s24 =	simm.s32 $0x0;
	[tilespmem:s21+$0x14D00] =	vst v3  }
0x62c: {  	s25 =	sand.u32 $0x70, s24;
	s20 =	sand.u32 $0x1C00, s24;
	v3 =	vld [tilespmem:$0x4100]  }
0x62d: {  	s20 =	sor.u32 s25, s20;
	v4 =	vld [tilespmem:$0x4180]  }
0x62e: {  	v5 =	vld [tilespmem:s20+$0xED00]  }
0x62f: {  	v6 =	vld [tilespmem:s20+$0xED80];
	_ =	sdelay $0x1  }
0x630: {  	s26 =	simm.s32 $0x10;
	s22 =	simm.s32 $0x80  }
0x631: {  	s22 =	sand.u32 $0x1C00, s22;
	s21 =	sand.u32 $0x70, s26  }
0x632: {  	s21 =	sor.u32 s21, s22  }
0x633: {  	v7 =	vmul.f32 v5, v3;
	v8 =	vmul.f32 v6, v4;
	v5 =	vld [tilespmem:s21+$0xED00]  }
0x634: {  	v6 =	vld [tilespmem:s21+$0xED80]  }
0x635: {  	s23 =	simm.s32 $0x100;
	s22 =	simm.s32 $0x20;
	v7 =	vadd.f32 v8, v7  }
.LBB2_128:
0x636: {  	s24 =	sand.u32 $0x70, s22  }
0x637: {  	s25 =	sand.u32 $0x1C00, s23;
	[tilespmem:s20+$0x14D80] =	vst v7;
	s20 =	smov.u32 s21;
	p0 =	sne.s32 s22, $0x2F0  }
.Ltmp63:
0x638: {  	s22 =	sadd.s32 $0x10, s22;
	s21 =	sor.u32 s24, s25;
	(pc) =	sbr.rel @p0 .LBB2_128-.Ltmp63, $4  }
0x639: {  	v7 =	vmul.f32 v5, v3;
	v5 =	vld [tilespmem:s21+$0xED00];
	v8 =	vmul.f32 v6, v4  }
0x63a: {  	v6 =	vld [tilespmem:s21+$0xED80]  }
0x63b: {  	v7 =	vadd.f32 v8, v7  }
0x63c: {  	s23 =	sadd.s32 $0x80, s23  }
0x63d: {  	_ =	sdelay $0x1  }
0x63e: {  	v3 =	vmul.f32 v5, v3;
	v4 =	vmul.f32 v6, v4;
	_ =	sdelay $0x1  }
0x63f: {  	v3 =	vadd.f32 v4, v3  }
0x640: {  	[tilespmem:s20+$0x14D80] =	vst v7  }
0x641: {  	s19 =	sadd.s32 $0x1, s19;
	[tilespmem:s21+$0x14D80] =	vst v3  }
0x642: {  	[hbm4b:s14+s2] =	stream.linear.scatter [tilespmem:s1], [sflag:$0x4], $0x3000, $0x38;
	[tilespmem:$0x16200] =	vst v63  }
0x643: {  	p0 =	sne.s32 s19, s15;
	_ =	swait.ge [sflag:s17], $0x3000  }
.Ltmp64:
0x644: {  	[sflag:s17] =	ssyncset.done $0x0;
	(pc) =	sbr.rel @p0 .LBB2_1-.Ltmp64, $4  }
0x645: {  	[sflag:s17] =	ssyncadd.s32 $0xFFFFD000  }
0x646: {  	_ =	swait.ge [sflag:s18], $0x3000  }
0x647: {  	[sflag:s18] =	ssyncset.done $0x0  }
0x648: {  	[sflag:s18] =	ssyncadd.s32 $0xFFFFD000  }
0x649: {  	_ =	sfence.sel $0x180000  }
0x64a: {  	[bflag:$0x0] =	sbarrier.arrive $0xFFFF  }
0x64b: {  	_ =	strace $0x9000004A  }
0x64c: {  	s0 =	stileid.u32;
	[bflag:$0x2] =	sbarrier.arrive $0xFFFF  }
0x64d: {  	p0 =	sne.s32 s0, $0x0;
	s0 =	rddreg [dreg:$0x2]  }
0x64e: {  	s0 =	sadd.s32 @!p0 $0x100000, s0  }
0x64f: {  	[sflag:s0] =	ssyncadd.tile.s32 @!p0 $0x1;
	_ =	shalt  }
.Lfunc_end2:
_tile_overlayer_lowered:
.L_overlay_start_2:
0x650: {  	(tag) =	ssettag $0x2  }
0x651: {  	s0 =	rddreg [dreg:$0x0];
	s2 =	stileid.u32  }
0x652: {  	s1 =	rddreg [dreg:$0x1];
	p0 =	sne.s32 s2, $0x0  }
0x653: {  	s3 =	rddreg [dreg:$0x2];
	[bflag:$0x3] =	sbarrier.arrive $0xFFFF;
	s2 =	simm.s32 @!p0 $0x1C05  }
0x654: {  	[timem:s3], [sflag:s2] =	dma.local @!p0 [hbm:s0], s1  }
0x655: {  	s0 =	simm.s32 @!p0 $0x5  }
0x656: {  	_ =	swait.ge @!p0 [sflag:s0], s1  }
0x657: {  	s1 =	ssub.s32 @!p0 $0x0, s1;
	[sflag:s0] =	ssyncset.done @!p0 $0x0  }
0x658: {  	[sflag:s0] =	ssyncadd.s32 @!p0 s1  }
0x659: {  	[bflag:$0x3] =	sbarrier.arrive $0xFFFF  }
0x65a: {  	_ =	shalt  }

</sc_bundles>
